<compile_context>
chip_gen: v7x
topology: tpu7x:2x2x1
jax: 0.10.2.dev20260603
libtpu: 0.0.44.dev20260713+nightly
codegen_flags: <defaults>
</compile_context>

<pallas_src>
import functools

import jax
import jax.numpy as jnp
from jax import lax
from jax.experimental import pallas as pl
from jax.experimental.pallas import tpu as pltpu
from jax.experimental.pallas import tpu_sc as plsc

D_MODEL = 768
D_FF = 3072
NUM_EXPERTS = 8
T_TOK = 2048
TB = 256
NJ = T_TOK // TB
NC, NS, NL = 2, 16, 16
NW = NC * NS
PCH = (2 * T_TOK) // NW
TCH = T_TOK // NW
CC = TCH // 2


def _gating_body(x_ref, gw_ref, gb_ref, probs_ref, auxi_ref, auxf_ref, cnt_ref):
    E = NUM_EXPERTS
    logits = jnp.dot(x_ref[...], gw_ref[...], preferred_element_type=jnp.float32)
    logits = logits + gb_ref[...]
    m = jnp.max(logits, axis=1, keepdims=True)
    ex = jnp.exp(logits - m)
    p = ex / jnp.sum(ex, axis=1, keepdims=True)
    T = p.shape[0]
    lane = lax.broadcasted_iota(jnp.int32, (T, E), 1)
    m1 = jnp.max(p, axis=1, keepdims=True)
    i1 = jnp.min(jnp.where(p == m1, lane, E), axis=1, keepdims=True)
    sel1 = lane == i1
    pm = jnp.where(sel1, -1.0, p)
    m2 = jnp.max(pm, axis=1, keepdims=True)
    i2 = jnp.min(jnp.where(pm == m2, lane, E), axis=1, keepdims=True)
    sel2 = lane == i2
    msel = jnp.where(sel1 | sel2, 1.0, 0.0)
    s = msel
    sh = 1
    while sh < T:
        s = s + jnp.concatenate([jnp.zeros((sh, E), jnp.float32), s[:-sh]], axis=0)
        sh *= 2
    a = s - msel
    rank1 = jnp.sum(jnp.where(sel1, a, 0.0), axis=1, keepdims=True)
    rank2 = jnp.sum(jnp.where(sel2, a, 0.0), axis=1, keepdims=True)
    slot0 = i1 * T_TOK + rank1.astype(jnp.int32)
    slot1 = i2 * T_TOK + rank2.astype(jnp.int32)
    probs_ref[...] = p
    auxi_ref[...] = jnp.where(lane == 0, slot0, jnp.where(lane == 1, slot1, 0))
    auxf_ref[...] = jnp.where(lane == 0, m1, jnp.where(lane == 1, m2, 0.0))
    cnt_ref[...] = jnp.broadcast_to(s[T - 1 :, :].astype(jnp.int32), (8, E))


def _ffn_body(
    cnt_ref, xs_ref, w1_ref, b1_ref, w2_ref, b2_ref, ys_ref,
    wb1, wb2, bb1, bb2, xbuf, ybuf, wsem, xsem, ysem, bsem,
):
    e = pl.program_id(0)
    slot = lax.rem(e, 2)
    nxt = lax.rem(e + 1, 2)

    def nb_of(ei):
        return (cnt_ref[ei] + TB - 1) // TB

    def w_copies(ei, s):
        h1 = D_MODEL // 2
        h2 = D_FF // 2
        return (
            pltpu.make_async_copy(
                w1_ref.at[ei, pl.ds(0, h1)], wb1.at[s, pl.ds(0, h1)], wsem.at[s]
            ),
            pltpu.make_async_copy(
                w1_ref.at[ei, pl.ds(h1, h1)], wb1.at[s, pl.ds(h1, h1)], wsem.at[s]
            ),
            pltpu.make_async_copy(
                w2_ref.at[ei, pl.ds(0, h2)], wb2.at[s, pl.ds(0, h2)], wsem.at[s]
            ),
            pltpu.make_async_copy(
                w2_ref.at[ei, pl.ds(h2, h2)], wb2.at[s, pl.ds(h2, h2)], wsem.at[s]
            ),
        )

    def x_copy(ei, s, j):
        return pltpu.make_async_copy(
            xs_ref.at[pl.ds((ei * NJ + j) * TB, TB)],
            xbuf.at[s, pl.ds(j * TB, TB)],
            xsem.at[s],
        )

    def start_exp(ei, s):
        for c in w_copies(ei, s):
            c.start()

        def xb(j, carry):
            x_copy(ei, s, j).start()
            return carry

        lax.fori_loop(0, nb_of(ei), xb, 0)

    @pl.when(e == 0)
    def _():
        pltpu.make_async_copy(b1_ref, bb1, bsem).start()
        pltpu.make_async_copy(b2_ref, bb2, bsem).start()
        start_exp(0, 0)

    @pl.when(e + 1 < NUM_EXPERTS)
    def _():
        start_exp(e + 1, nxt)

    @pl.when(e == 0)
    def _():
        pltpu.make_async_copy(b1_ref, bb1, bsem).wait()
        pltpu.make_async_copy(b2_ref, bb2, bsem).wait()

    for c in w_copies(e, slot):
        c.wait()

    def xw(j, carry):
        x_copy(e, slot, j).wait()
        return carry

    lax.fori_loop(0, nb_of(e), xw, 0)

    def y_copy(j):
        return pltpu.make_async_copy(
            ybuf.at[pl.ds(j * TB, TB)],
            ys_ref.at[pl.ds((e * NJ + j) * TB, TB)],
            ysem,
        )

    def cbody(j, carry):
        xb = xbuf[slot, pl.ds(j * TB, TB), :]
        h = jnp.dot(xb, wb1[slot], preferred_element_type=jnp.float32)
        h = jnp.maximum(h + bb1[e], 0.0)
        yb = jnp.dot(h, wb2[slot], preferred_element_type=jnp.float32) + bb2[e]
        ybuf[pl.ds(j * TB, TB), :] = yb
        y_copy(j).start()
        return carry

    lax.fori_loop(0, nb_of(e), cbody, 0)

    def yw(j, carry):
        y_copy(j).wait()
        return carry

    lax.fori_loop(0, nb_of(e), yw, 0)


@functools.cache
def _sc_kernels():
    mesh = plsc.VectorSubcoreMesh(core_axis_name="c", subcore_axis_name="s")

    @functools.partial(
        pl.kernel,
        mesh=mesh,
        out_type=jax.ShapeDtypeStruct((NUM_EXPERTS * T_TOK, D_MODEL), jnp.float32),
        scratch_types=[
            pltpu.VMEM((PCH // 2,), jnp.int32),
            pltpu.VMEM((PCH // 2,), jnp.int32),
            pltpu.VMEM((PCH // 2,), jnp.int32),
            pltpu.VMEM((PCH // 2,), jnp.int32),
            pltpu.VMEM((PCH // 2, D_MODEL), jnp.float32),
            pltpu.VMEM((PCH // 2, D_MODEL), jnp.float32),
            pltpu.SemaphoreType.DMA,
            pltpu.SemaphoreType.DMA,
            pltpu.SemaphoreType.DMA,
        ],
    )
    def _dispatch(x_hbm, tsrc_hbm, slots_hbm, xs_hbm,
                  ta, tb, sa, sb, ra, rb, sema, semb, ssem):
        wid = lax.axis_index("c") * NS + lax.axis_index("s")
        base = wid * PCH
        half = PCH // 2
        pltpu.sync_copy(tsrc_hbm.at[pl.ds(base, half)], ta)
        pltpu.sync_copy(tsrc_hbm.at[pl.ds(base + half, half)], tb)
        pltpu.sync_copy(slots_hbm.at[pl.ds(base, half)], sa)
        pltpu.sync_copy(slots_hbm.at[pl.ds(base + half, half)], sb)
        ga = pltpu.make_async_copy(x_hbm.at[ta], ra, sema)
        gb = pltpu.make_async_copy(x_hbm.at[tb], rb, semb)
        ga.start()
        gb.start()
        ga.wait()
        wa = pltpu.make_async_copy(ra, xs_hbm.at[sa], ssem)
        wa.start()
        gb.wait()
        wb = pltpu.make_async_copy(rb, xs_hbm.at[sb], ssem)
        wb.start()
        wa.wait()
        wb.wait()

    @functools.partial(
        pl.kernel,
        mesh=mesh,
        out_type=jax.ShapeDtypeStruct((T_TOK, D_MODEL), jnp.float32),
        scratch_types=[
            pltpu.VMEM((CC,), jnp.int32),
            pltpu.VMEM((CC,), jnp.int32),
            pltpu.VMEM((CC,), jnp.int32),
            pltpu.VMEM((CC,), jnp.int32),
            pltpu.VMEM((TCH,), jnp.float32),
            pltpu.VMEM((TCH,), jnp.float32),
            pltpu.VMEM((CC, D_MODEL), jnp.float32),
            pltpu.VMEM((CC, D_MODEL), jnp.float32),
            pltpu.VMEM((CC, D_MODEL), jnp.float32),
            pltpu.VMEM((CC, D_MODEL), jnp.float32),
            pltpu.SemaphoreType.DMA,
            pltpu.SemaphoreType.DMA,
            pltpu.SemaphoreType.DMA,
        ],
        compiler_params=pltpu.CompilerParams(needs_layout_passes=False),
    )
    def _combine(
        ys_hbm, s0_hbm, s1_hbm, p0_hbm, p1_hbm, out_hbm,
        s0a, s0b, s1a, s1b, p0_v, p1_v, r0a, r1a, r0b, r1b, sema, semb, osem,
    ):
        wid = lax.axis_index("c") * NS + lax.axis_index("s")
        base = wid * TCH
        pltpu.sync_copy(s0_hbm.at[pl.ds(base, CC)], s0a)
        pltpu.sync_copy(s0_hbm.at[pl.ds(base + CC, CC)], s0b)
        pltpu.sync_copy(s1_hbm.at[pl.ds(base, CC)], s1a)
        pltpu.sync_copy(s1_hbm.at[pl.ds(base + CC, CC)], s1b)
        pltpu.sync_copy(p0_hbm.at[pl.ds(base, TCH)], p0_v)
        pltpu.sync_copy(p1_hbm.at[pl.ds(base, TCH)], p1_v)
        ga0 = pltpu.make_async_copy(ys_hbm.at[s0a], r0a, sema)
        ga1 = pltpu.make_async_copy(ys_hbm.at[s1a], r1a, sema)
        gb0 = pltpu.make_async_copy(ys_hbm.at[s0b], r0b, semb)
        gb1 = pltpu.make_async_copy(ys_hbm.at[s1b], r1b, semb)
        ga0.start()
        ga1.start()
        gb0.start()
        gb1.start()
        lane = lax.iota(jnp.int32, NL)

        def chunk(goff, r0_v, r1_v):
            def body(i, carry):
                tsplat = jnp.full((NL,), i, jnp.int32)
                w0 = plsc.load_gather(p0_v, [goff + tsplat])
                w1v = plsc.load_gather(p1_v, [goff + tsplat])
                for j in range(D_MODEL // NL):
                    c0 = r0_v[i, pl.ds(j * NL, NL)]
                    c1 = r1_v[i, pl.ds(j * NL, NL)]
                    r0_v[i, pl.ds(j * NL, NL)] = w0 * c0 + w1v * c1
                return carry

            lax.fori_loop(0, CC, body, 0)

        ga0.wait()
        ga1.wait()
        chunk(0, r0a, r1a)
        oa = pltpu.make_async_copy(r0a, out_hbm.at[pl.ds(base, CC)], osem)
        oa.start()
        gb0.wait()
        gb1.wait()
        chunk(CC, r0b, r1b)
        ob = pltpu.make_async_copy(r0b, out_hbm.at[pl.ds(base + CC, CC)], osem)
        ob.start()
        oa.wait()
        ob.wait()

    return _dispatch, _combine


def kernel(x, gate_w, gate_b, w1, b1, w2, b2):
    B, S, D = x.shape
    T = B * S
    x2 = x.reshape(T, D)
    gb2 = gate_b.reshape(1, NUM_EXPERTS)

    probs, auxi, auxf, cnt = pl.pallas_call(
        _gating_body,
        out_shape=(
            jax.ShapeDtypeStruct((T, NUM_EXPERTS), jnp.float32),
            jax.ShapeDtypeStruct((T, NUM_EXPERTS), jnp.int32),
            jax.ShapeDtypeStruct((T, NUM_EXPERTS), jnp.float32),
            jax.ShapeDtypeStruct((8, NUM_EXPERTS), jnp.int32),
        ),
        compiler_params=pltpu.CompilerParams(
            vmem_limit_bytes=100 * 1024 * 1024,
        ),
    )(x2, gate_w, gb2)

    counts8 = cnt[0]
    s0 = auxi[:, 0]
    s1 = auxi[:, 1]
    p0 = auxf[:, 0]
    p1 = auxf[:, 1]
    tok = jnp.arange(T, dtype=jnp.int32)
    tsrc = jnp.concatenate([tok, tok])
    s_all = jnp.concatenate([s0, s1])

    _dispatch, _combine = _sc_kernels()
    xs = _dispatch(x2, tsrc, s_all)

    grid_spec = pltpu.PrefetchScalarGridSpec(
        num_scalar_prefetch=1,
        grid=(NUM_EXPERTS,),
        in_specs=[pl.BlockSpec(memory_space=pl.ANY)] * 5,
        out_specs=pl.BlockSpec(memory_space=pl.ANY),
        scratch_shapes=[
            pltpu.VMEM((2, D_MODEL, D_FF), jnp.float32),
            pltpu.VMEM((2, D_FF, D_MODEL), jnp.float32),
            pltpu.VMEM((NUM_EXPERTS, 1, D_FF), jnp.float32),
            pltpu.VMEM((NUM_EXPERTS, 1, D_MODEL), jnp.float32),
            pltpu.VMEM((2, T_TOK, D_MODEL), jnp.float32),
            pltpu.VMEM((T_TOK, D_MODEL), jnp.float32),
            pltpu.SemaphoreType.DMA((2,)),
            pltpu.SemaphoreType.DMA((2,)),
            pltpu.SemaphoreType.DMA,
            pltpu.SemaphoreType.DMA,
        ],
    )
    ys = pl.pallas_call(
        _ffn_body,
        grid_spec=grid_spec,
        out_shape=jax.ShapeDtypeStruct((NUM_EXPERTS * T_TOK, D_MODEL), jnp.float32),
        compiler_params=pltpu.CompilerParams(
            dimension_semantics=("arbitrary",),
            vmem_limit_bytes=100 * 1024 * 1024,
        ),
    )(counts8, xs, w1, b1[:, None, :], w2, b2[:, None, :])

    out2 = _combine(ys, s0, s1, p0, p1)

    return out2.reshape(B, S, D), probs.reshape(B, S, NUM_EXPERTS)

# --- scband reference (transcript-rebuilt; emitter-appended) ---
"""Pipeline reference for scband-mo-elayer-27960237097214 (READ-ONLY COPY).

The authoritative reference and input builder live on the scoring server;
editing this copy changes nothing except your own understanding.
"""

import jax, jax.numpy as jnp
import numpy as np

D_MODEL = 768
D_FF = 3072
NUM_EXPERTS = 8
TOP_K = 2


def setup_inputs(seed: int = 0) -> dict:
    key = jax.random.key(seed)
    ks = jax.random.split(key, 8)
    x = jax.random.normal(ks[0], (1, 2048, D_MODEL), dtype=jnp.float32)
    gate_w = jax.random.normal(ks[1], (D_MODEL, NUM_EXPERTS), dtype=jnp.float32) * 0.02
    gate_b = jnp.zeros((NUM_EXPERTS,), dtype=jnp.float32)
    w1 = jax.random.normal(ks[2], (NUM_EXPERTS, D_MODEL, D_FF), dtype=jnp.float32) * 0.02
    b1 = jnp.zeros((NUM_EXPERTS, D_FF), dtype=jnp.float32)
    w2 = jax.random.normal(ks[3], (NUM_EXPERTS, D_FF, D_MODEL), dtype=jnp.float32) * 0.02
    b2 = jnp.zeros((NUM_EXPERTS, D_MODEL), dtype=jnp.float32)
    return {"x": x, "gate_w": gate_w, "gate_b": gate_b, "w1": w1, "b1": b1, "w2": w2, "b2": b2}


def reference(x, gate_w, gate_b, w1, b1, w2, b2):
    B, S, D = x.shape
    # Gating network
    gate_logits = jnp.einsum('bsd,de->bse', x, gate_w) + gate_b
    gate_probs = jax.nn.softmax(gate_logits, axis=-1)
    # top_k_routing: topk over softmax(logits)
    top_k_probs, top_k_indices = jax.lax.top_k(gate_probs, TOP_K)  # (B,S,k)
    x_flat = x.reshape(-1, D)  # (T, D)
    T = x_flat.shape[0]
    ti = top_k_indices.reshape(-1, TOP_K)  # (T, k)
    tp = top_k_probs.reshape(-1, TOP_K)    # (T, k)
    # Compute every expert on every token (mathematically identical to the
    # per-token loop: Expert_e(x_t) = W2_e(relu(W1_e x_t + b1_e)) + b2_e)
    h = jnp.einsum('td,edf->etf', x_flat, w1) + b1[:, None, :]
    h = jax.nn.relu(h)
    y = jnp.einsum('etf,efd->etd', h, w2) + b2[:, None, :]  # (E, T, D)
    # Gather the k selected expert outputs per token and weight-sum
    sel = y[ti, jnp.arange(T)[:, None], :]  # (T, k, D)
    out = (sel * tp[..., None]).sum(axis=1)  # (T, D)
    out = out.reshape(B, S, D)
    return out, gate_probs

if __name__ == "__main__":
    import jax
    _d = setup_inputs()
    print(jax.jit(kernel)(*tuple(_d.values())))

</pallas_src>

<mosaic_0001>
#map = affine_map<(d0, d1) -> (0, 0)>
#map1 = affine_map<(d0, d1) -> (0)>
module attributes {stable_mosaic.version = 14 : i64} {
  func.func @_combine(%arg0: i32, %arg1: i32, %arg2: memref<16384x768xf32, #tpu.memory_space<hbm>>, %arg3: memref<2048xi32, #tpu.memory_space<hbm>>, %arg4: memref<2048xi32, #tpu.memory_space<hbm>>, %arg5: memref<2048xf32, #tpu.memory_space<hbm>>, %arg6: memref<2048xf32, #tpu.memory_space<hbm>>, %arg7: memref<2048x768xf32, #tpu.memory_space<hbm>>, %arg8: memref<32xi32, #tpu.memory_space<vmem>>, %arg9: memref<32xi32, #tpu.memory_space<vmem>>, %arg10: memref<32xi32, #tpu.memory_space<vmem>>, %arg11: memref<32xi32, #tpu.memory_space<vmem>>, %arg12: memref<64xf32, #tpu.memory_space<vmem>>, %arg13: memref<64xf32, #tpu.memory_space<vmem>>, %arg14: memref<32x768xf32, #tpu.memory_space<vmem>>, %arg15: memref<32x768xf32, #tpu.memory_space<vmem>>, %arg16: memref<32x768xf32, #tpu.memory_space<vmem>>, %arg17: memref<32x768xf32, #tpu.memory_space<vmem>>, %arg18: memref<!tpu.dma_semaphore, #tpu.memory_space<semaphore_mem>>, %arg19: memref<!tpu.dma_semaphore, #tpu.memory_space<semaphore_mem>>, %arg20: memref<!tpu.dma_semaphore, #tpu.memory_space<semaphore_mem>>) attributes {dimension_semantics = [#tpu.dimension_semantics<core_parallel>, #tpu.dimension_semantics<subcore_parallel>], iteration_bounds = array<i64: 2, 16>, scalar_prefetch = 0 : i64, scratch_operands = 13 : i64, tpu.core_type = #tpu.core_type<sc_vector_subcore>, window_params = [{transform_indices = #map}, {transform_indices = #map1}, {transform_indices = #map1}, {transform_indices = #map1}, {transform_indices = #map1}, {transform_indices = #map}]} {
    %mul3A = arith.constant 16 : i32
    %mul3A_0 = arith.muli %arg0, %mul3A : i32
    %add3A = arith.addi %mul3A_0, %arg1 : i32
    %mul3A_1 = arith.constant 64 : i32
    %mul3A_2 = arith.muli %add3A, %mul3A_1 : i32
    "tpu.region"() ({
      %run_scoped3A = tpu.sem_alloc : memref<!tpu.dma_semaphore, #tpu.memory_space<semaphore_mem>>
      %dma_start3A_58 = tpu.memref_slice %arg3[%mul3A_2] : memref<2048xi32, #tpu.memory_space<hbm>> -> memref<32xi32, #tpu.memory_space<hbm>>
      %dma_start3A_59 = tpu.memref_slice %arg3[%mul3A_2] : memref<2048xi32, #tpu.memory_space<hbm>> -> memref<32xi32, #tpu.memory_space<hbm>>
      tpu.enqueue_dma source(%dma_start3A_59 : memref<32xi32, #tpu.memory_space<hbm>>) target(%arg8 : memref<32xi32, #tpu.memory_space<vmem>>) target_semaphore(%run_scoped3A : memref<!tpu.dma_semaphore, #tpu.memory_space<semaphore_mem>>)
      %dma_wait3A_60 = tpu.memref_slice %arg3[%mul3A_2] : memref<2048xi32, #tpu.memory_space<hbm>> -> memref<32xi32, #tpu.memory_space<hbm>>
      %dma_wait3A_61 = tpu.memref_slice %arg3[%mul3A_2] : memref<2048xi32, #tpu.memory_space<hbm>> -> memref<32xi32, #tpu.memory_space<hbm>>
      tpu.wait_dma2 semaphore(%run_scoped3A : memref<!tpu.dma_semaphore, #tpu.memory_space<semaphore_mem>>) src(%dma_wait3A_61 : memref<32xi32, #tpu.memory_space<hbm>>) dst(%arg8 : memref<32xi32, #tpu.memory_space<vmem>>)
      tpu.yield
    }) : () -> ()
    %add3A_3 = arith.constant 32 : i32
    %add3A_4 = arith.addi %mul3A_2, %add3A_3 : i32
    "tpu.region"() ({
      %run_scoped3A = tpu.sem_alloc : memref<!tpu.dma_semaphore, #tpu.memory_space<semaphore_mem>>
      %dma_start3A_58 = tpu.memref_slice %arg3[%add3A_4] : memref<2048xi32, #tpu.memory_space<hbm>> -> memref<32xi32, #tpu.memory_space<hbm>>
      %dma_start3A_59 = tpu.memref_slice %arg3[%add3A_4] : memref<2048xi32, #tpu.memory_space<hbm>> -> memref<32xi32, #tpu.memory_space<hbm>>
      tpu.enqueue_dma source(%dma_start3A_59 : memref<32xi32, #tpu.memory_space<hbm>>) target(%arg9 : memref<32xi32, #tpu.memory_space<vmem>>) target_semaphore(%run_scoped3A : memref<!tpu.dma_semaphore, #tpu.memory_space<semaphore_mem>>)
      %dma_wait3A_60 = tpu.memref_slice %arg3[%add3A_4] : memref<2048xi32, #tpu.memory_space<hbm>> -> memref<32xi32, #tpu.memory_space<hbm>>
      %dma_wait3A_61 = tpu.memref_slice %arg3[%add3A_4] : memref<2048xi32, #tpu.memory_space<hbm>> -> memref<32xi32, #tpu.memory_space<hbm>>
      tpu.wait_dma2 semaphore(%run_scoped3A : memref<!tpu.dma_semaphore, #tpu.memory_space<semaphore_mem>>) src(%dma_wait3A_61 : memref<32xi32, #tpu.memory_space<hbm>>) dst(%arg9 : memref<32xi32, #tpu.memory_space<vmem>>)
      tpu.yield
    }) : () -> ()
    "tpu.region"() ({
      %run_scoped3A = tpu.sem_alloc : memref<!tpu.dma_semaphore, #tpu.memory_space<semaphore_mem>>
      %dma_start3A_58 = tpu.memref_slice %arg4[%mul3A_2] : memref<2048xi32, #tpu.memory_space<hbm>> -> memref<32xi32, #tpu.memory_space<hbm>>
      %dma_start3A_59 = tpu.memref_slice %arg4[%mul3A_2] : memref<2048xi32, #tpu.memory_space<hbm>> -> memref<32xi32, #tpu.memory_space<hbm>>
      tpu.enqueue_dma source(%dma_start3A_59 : memref<32xi32, #tpu.memory_space<hbm>>) target(%arg10 : memref<32xi32, #tpu.memory_space<vmem>>) target_semaphore(%run_scoped3A : memref<!tpu.dma_semaphore, #tpu.memory_space<semaphore_mem>>)
      %dma_wait3A_60 = tpu.memref_slice %arg4[%mul3A_2] : memref<2048xi32, #tpu.memory_space<hbm>> -> memref<32xi32, #tpu.memory_space<hbm>>
      %dma_wait3A_61 = tpu.memref_slice %arg4[%mul3A_2] : memref<2048xi32, #tpu.memory_space<hbm>> -> memref<32xi32, #tpu.memory_space<hbm>>
      tpu.wait_dma2 semaphore(%run_scoped3A : memref<!tpu.dma_semaphore, #tpu.memory_space<semaphore_mem>>) src(%dma_wait3A_61 : memref<32xi32, #tpu.memory_space<hbm>>) dst(%arg10 : memref<32xi32, #tpu.memory_space<vmem>>)
      tpu.yield
    }) : () -> ()
    %add3A_5 = arith.constant 32 : i32
    %add3A_6 = arith.addi %mul3A_2, %add3A_5 : i32
    "tpu.region"() ({
      %run_scoped3A = tpu.sem_alloc : memref<!tpu.dma_semaphore, #tpu.memory_space<semaphore_mem>>
      %dma_start3A_58 = tpu.memref_slice %arg4[%add3A_6] : memref<2048xi32, #tpu.memory_space<hbm>> -> memref<32xi32, #tpu.memory_space<hbm>>
      %dma_start3A_59 = tpu.memref_slice %arg4[%add3A_6] : memref<2048xi32, #tpu.memory_space<hbm>> -> memref<32xi32, #tpu.memory_space<hbm>>
      tpu.enqueue_dma source(%dma_start3A_59 : memref<32xi32, #tpu.memory_space<hbm>>) target(%arg11 : memref<32xi32, #tpu.memory_space<vmem>>) target_semaphore(%run_scoped3A : memref<!tpu.dma_semaphore, #tpu.memory_space<semaphore_mem>>)
      %dma_wait3A_60 = tpu.memref_slice %arg4[%add3A_6] : memref<2048xi32, #tpu.memory_space<hbm>> -> memref<32xi32, #tpu.memory_space<hbm>>
      %dma_wait3A_61 = tpu.memref_slice %arg4[%add3A_6] : memref<2048xi32, #tpu.memory_space<hbm>> -> memref<32xi32, #tpu.memory_space<hbm>>
      tpu.wait_dma2 semaphore(%run_scoped3A : memref<!tpu.dma_semaphore, #tpu.memory_space<semaphore_mem>>) src(%dma_wait3A_61 : memref<32xi32, #tpu.memory_space<hbm>>) dst(%arg11 : memref<32xi32, #tpu.memory_space<vmem>>)
      tpu.yield
    }) : () -> ()
    "tpu.region"() ({
      %run_scoped3A = tpu.sem_alloc : memref<!tpu.dma_semaphore, #tpu.memory_space<semaphore_mem>>
      %dma_start3A_58 = tpu.memref_slice %arg5[%mul3A_2] : memref<2048xf32, #tpu.memory_space<hbm>> -> memref<64xf32, #tpu.memory_space<hbm>>
      %dma_start3A_59 = tpu.memref_slice %arg5[%mul3A_2] : memref<2048xf32, #tpu.memory_space<hbm>> -> memref<64xf32, #tpu.memory_space<hbm>>
      tpu.enqueue_dma source(%dma_start3A_59 : memref<64xf32, #tpu.memory_space<hbm>>) target(%arg12 : memref<64xf32, #tpu.memory_space<vmem>>) target_semaphore(%run_scoped3A : memref<!tpu.dma_semaphore, #tpu.memory_space<semaphore_mem>>)
      %dma_wait3A_60 = tpu.memref_slice %arg5[%mul3A_2] : memref<2048xf32, #tpu.memory_space<hbm>> -> memref<64xf32, #tpu.memory_space<hbm>>
      %dma_wait3A_61 = tpu.memref_slice %arg5[%mul3A_2] : memref<2048xf32, #tpu.memory_space<hbm>> -> memref<64xf32, #tpu.memory_space<hbm>>
      tpu.wait_dma2 semaphore(%run_scoped3A : memref<!tpu.dma_semaphore, #tpu.memory_space<semaphore_mem>>) src(%dma_wait3A_61 : memref<64xf32, #tpu.memory_space<hbm>>) dst(%arg12 : memref<64xf32, #tpu.memory_space<vmem>>)
      tpu.yield
    }) : () -> ()
    "tpu.region"() ({
      %run_scoped3A = tpu.sem_alloc : memref<!tpu.dma_semaphore, #tpu.memory_space<semaphore_mem>>
      %dma_start3A_58 = tpu.memref_slice %arg6[%mul3A_2] : memref<2048xf32, #tpu.memory_space<hbm>> -> memref<64xf32, #tpu.memory_space<hbm>>
      %dma_start3A_59 = tpu.memref_slice %arg6[%mul3A_2] : memref<2048xf32, #tpu.memory_space<hbm>> -> memref<64xf32, #tpu.memory_space<hbm>>
      tpu.enqueue_dma source(%dma_start3A_59 : memref<64xf32, #tpu.memory_space<hbm>>) target(%arg13 : memref<64xf32, #tpu.memory_space<vmem>>) target_semaphore(%run_scoped3A : memref<!tpu.dma_semaphore, #tpu.memory_space<semaphore_mem>>)
      %dma_wait3A_60 = tpu.memref_slice %arg6[%mul3A_2] : memref<2048xf32, #tpu.memory_space<hbm>> -> memref<64xf32, #tpu.memory_space<hbm>>
      %dma_wait3A_61 = tpu.memref_slice %arg6[%mul3A_2] : memref<2048xf32, #tpu.memory_space<hbm>> -> memref<64xf32, #tpu.memory_space<hbm>>
      tpu.wait_dma2 semaphore(%run_scoped3A : memref<!tpu.dma_semaphore, #tpu.memory_space<semaphore_mem>>) src(%dma_wait3A_61 : memref<64xf32, #tpu.memory_space<hbm>>) dst(%arg13 : memref<64xf32, #tpu.memory_space<vmem>>)
      tpu.yield
    }) : () -> ()
    %dma_start3A = arith.constant 0 : i32
    %dma_start3A_7 = arith.constant 0 : i32
    %dma_start3A_8 = tpu.memref_slice %arg2[%dma_start3A, %dma_start3A_7] : memref<16384x768xf32, #tpu.memory_space<hbm>> -> memref<16384x768xf32, #tpu.memory_space<hbm>>
    tpu.enqueue_indirect_dma source(%dma_start3A_8 : memref<16384x768xf32, #tpu.memory_space<hbm>>) target(%arg14 : memref<32x768xf32, #tpu.memory_space<vmem>>) offsets(%arg8 : memref<32xi32, #tpu.memory_space<vmem>>) semaphore(%arg18 : memref<!tpu.dma_semaphore, #tpu.memory_space<semaphore_mem>>)
    %dma_start3A_9 = arith.constant 0 : i32
    %dma_start3A_10 = arith.constant 0 : i32
    %dma_start3A_11 = tpu.memref_slice %arg2[%dma_start3A_9, %dma_start3A_10] : memref<16384x768xf32, #tpu.memory_space<hbm>> -> memref<16384x768xf32, #tpu.memory_space<hbm>>
    tpu.enqueue_indirect_dma source(%dma_start3A_11 : memref<16384x768xf32, #tpu.memory_space<hbm>>) target(%arg15 : memref<32x768xf32, #tpu.memory_space<vmem>>) offsets(%arg10 : memref<32xi32, #tpu.memory_space<vmem>>) semaphore(%arg18 : memref<!tpu.dma_semaphore, #tpu.memory_space<semaphore_mem>>)
    %dma_start3A_12 = arith.constant 0 : i32
    %dma_start3A_13 = arith.constant 0 : i32
    %dma_start3A_14 = tpu.memref_slice %arg2[%dma_start3A_12, %dma_start3A_13] : memref<16384x768xf32, #tpu.memory_space<hbm>> -> memref<16384x768xf32, #tpu.memory_space<hbm>>
    tpu.enqueue_indirect_dma source(%dma_start3A_14 : memref<16384x768xf32, #tpu.memory_space<hbm>>) target(%arg16 : memref<32x768xf32, #tpu.memory_space<vmem>>) offsets(%arg9 : memref<32xi32, #tpu.memory_space<vmem>>) semaphore(%arg19 : memref<!tpu.dma_semaphore, #tpu.memory_space<semaphore_mem>>)
    %dma_start3A_15 = arith.constant 0 : i32
    %dma_start3A_16 = arith.constant 0 : i32
    %dma_start3A_17 = tpu.memref_slice %arg2[%dma_start3A_15, %dma_start3A_16] : memref<16384x768xf32, #tpu.memory_space<hbm>> -> memref<16384x768xf32, #tpu.memory_space<hbm>>
    tpu.enqueue_indirect_dma source(%dma_start3A_17 : memref<16384x768xf32, #tpu.memory_space<hbm>>) target(%arg17 : memref<32x768xf32, #tpu.memory_space<vmem>>) offsets(%arg11 : memref<32xi32, #tpu.memory_space<vmem>>) semaphore(%arg19 : memref<!tpu.dma_semaphore, #tpu.memory_space<semaphore_mem>>)
    %iota3A = tpu.iota {dimensions = array<i32: 0>} : vector<16xi32>
    %dma_wait3A = arith.constant 0 : i32
    %dma_wait3A_18 = arith.constant 0 : i32
    %dma_wait3A_19 = tpu.memref_slice %arg2[%dma_wait3A, %dma_wait3A_18] : memref<16384x768xf32, #tpu.memory_space<hbm>> -> memref<16384x768xf32, #tpu.memory_space<hbm>>
    tpu.wait_indirect_dma semaphore(%arg18 : memref<!tpu.dma_semaphore, #tpu.memory_space<semaphore_mem>>) src(%dma_wait3A_19 : memref<16384x768xf32, #tpu.memory_space<hbm>>) dst(%arg14 : memref<32x768xf32, #tpu.memory_space<vmem>>)
    %dma_wait3A_20 = arith.constant 0 : i32
    %dma_wait3A_21 = arith.constant 0 : i32
    %dma_wait3A_22 = tpu.memref_slice %arg2[%dma_wait3A_20, %dma_wait3A_21] : memref<16384x768xf32, #tpu.memory_space<hbm>> -> memref<16384x768xf32, #tpu.memory_space<hbm>>
    tpu.wait_indirect_dma semaphore(%arg18 : memref<!tpu.dma_semaphore, #tpu.memory_space<semaphore_mem>>) src(%dma_wait3A_22 : memref<16384x768xf32, #tpu.memory_space<hbm>>) dst(%arg15 : memref<32x768xf32, #tpu.memory_space<vmem>>)
    %scan3A = arith.constant 0 : i32
    %scan3A_23 = arith.constant 0 : i32
    %scan3A_24 = arith.constant 32 : i32
    %scan3A_25 = arith.addi %scan3A_23, %scan3A_24 : i32
    %scan3A_26 = arith.constant 1 : i32
    scf.for %scan3A_58 = %scan3A_23 to %scan3A_25 step %scan3A_26  : i32 {
      %broadcast_in_dim3A = vector.broadcast %scan3A_58 : i32 to vector<16xi32>
      %add3A_59 = arith.constant 0 : i32
      %add3A_60 = vector.broadcast %add3A_59 : i32 to vector<16xi32>
      %add3A_61 = arith.addi %add3A_60, %broadcast_in_dim3A : vector<16xi32>
      %gather3A = tpu.vector_load_idx %arg12[%add3A_61] : memref<64xf32, #tpu.memory_space<vmem>>[vector<16xi32>], vector<16xf32>,
      %add3A_62 = arith.constant 0 : i32
      %add3A_63 = vector.broadcast %add3A_62 : i32 to vector<16xi32>
      %add3A_64 = arith.addi %add3A_63, %broadcast_in_dim3A : vector<16xi32>
      %gather3A_65 = tpu.vector_load_idx %arg13[%add3A_64] : memref<64xf32, #tpu.memory_space<vmem>>[vector<16xi32>], vector<16xf32>,
      %get3A = arith.index_cast %scan3A_58 : i32 to index
      %get3A_66 = arith.constant 0 : index
      %get3A_67 = tpu.vector_load %arg14[%get3A, %get3A_66] {strides = array<i32>} : memref<32x768xf32, #tpu.memory_space<vmem>>, vector<16xf32>,
      %get3A_68 = arith.index_cast %scan3A_58 : i32 to index
      %get3A_69 = arith.constant 0 : index
      %get3A_70 = tpu.vector_load %arg15[%get3A_68, %get3A_69] {strides = array<i32>} : memref<32x768xf32, #tpu.memory_space<vmem>>, vector<16xf32>,
      %mul3A_71 = arith.mulf %gather3A, %get3A_67 : vector<16xf32>
      %mul3A_72 = arith.mulf %gather3A_65, %get3A_70 : vector<16xf32>
      %add3A_73 = arith.addf %mul3A_71, %mul3A_72 : vector<16xf32>
      %swap3A = arith.index_cast %scan3A_58 : i32 to index
      %swap3A_74 = arith.constant 0 : index
      %swap3A_75 = tpu.vector_load %arg14[%swap3A, %swap3A_74] {strides = array<i32>} : memref<32x768xf32, #tpu.memory_space<vmem>>, vector<16xf32>,
      tpu.vector_store %arg14[%swap3A, %swap3A_74], %add3A_73 {strides = array<i32>} : memref<32x768xf32, #tpu.memory_space<vmem>>, vector<16xf32>,
      %get3A_76 = arith.index_cast %scan3A_58 : i32 to index
      %get3A_77 = arith.constant 16 : index
      %get3A_78 = tpu.vector_load %arg14[%get3A_76, %get3A_77] {strides = array<i32>} : memref<32x768xf32, #tpu.memory_space<vmem>>, vector<16xf32>,
      %get3A_79 = arith.index_cast %scan3A_58 : i32 to index
      %get3A_80 = arith.constant 16 : index
      %get3A_81 = tpu.vector_load %arg15[%get3A_79, %get3A_80] {strides = array<i32>} : memref<32x768xf32, #tpu.memory_space<vmem>>, vector<16xf32>,
      %mul3A_82 = arith.mulf %gather3A, %get3A_78 : vector<16xf32>
      %mul3A_83 = arith.mulf %gather3A_65, %get3A_81 : vector<16xf32>
      %add3A_84 = arith.addf %mul3A_82, %mul3A_83 : vector<16xf32>
      %swap3A_85 = arith.index_cast %scan3A_58 : i32 to index
      %swap3A_86 = arith.constant 16 : index
      %swap3A_87 = tpu.vector_load %arg14[%swap3A_85, %swap3A_86] {strides = array<i32>} : memref<32x768xf32, #tpu.memory_space<vmem>>, vector<16xf32>,
      tpu.vector_store %arg14[%swap3A_85, %swap3A_86], %add3A_84 {strides = array<i32>} : memref<32x768xf32, #tpu.memory_space<vmem>>, vector<16xf32>,
      %get3A_88 = arith.index_cast %scan3A_58 : i32 to index
      %get3A_89 = arith.constant 32 : index
      %get3A_90 = tpu.vector_load %arg14[%get3A_88, %get3A_89] {strides = array<i32>} : memref<32x768xf32, #tpu.memory_space<vmem>>, vector<16xf32>,
      %get3A_91 = arith.index_cast %scan3A_58 : i32 to index
      %get3A_92 = arith.constant 32 : index
      %get3A_93 = tpu.vector_load %arg15[%get3A_91, %get3A_92] {strides = array<i32>} : memref<32x768xf32, #tpu.memory_space<vmem>>, vector<16xf32>,
      %mul3A_94 = arith.mulf %gather3A, %get3A_90 : vector<16xf32>
      %mul3A_95 = arith.mulf %gather3A_65, %get3A_93 : vector<16xf32>
      %add3A_96 = arith.addf %mul3A_94, %mul3A_95 : vector<16xf32>
      %swap3A_97 = arith.index_cast %scan3A_58 : i32 to index
      %swap3A_98 = arith.constant 32 : index
      %swap3A_99 = tpu.vector_load %arg14[%swap3A_97, %swap3A_98] {strides = array<i32>} : memref<32x768xf32, #tpu.memory_space<vmem>>, vector<16xf32>,
      tpu.vector_store %arg14[%swap3A_97, %swap3A_98], %add3A_96 {strides = array<i32>} : memref<32x768xf32, #tpu.memory_space<vmem>>, vector<16xf32>,
      %get3A_100 = arith.index_cast %scan3A_58 : i32 to index
      %get3A_101 = arith.constant 48 : index
      %get3A_102 = tpu.vector_load %arg14[%get3A_100, %get3A_101] {strides = array<i32>} : memref<32x768xf32, #tpu.memory_space<vmem>>, vector<16xf32>,
      %get3A_103 = arith.index_cast %scan3A_58 : i32 to index
      %get3A_104 = arith.constant 48 : index
      %get3A_105 = tpu.vector_load %arg15[%get3A_103, %get3A_104] {strides = array<i32>} : memref<32x768xf32, #tpu.memory_space<vmem>>, vector<16xf32>,
      %mul3A_106 = arith.mulf %gather3A, %get3A_102 : vector<16xf32>
      %mul3A_107 = arith.mulf %gather3A_65, %get3A_105 : vector<16xf32>
      %add3A_108 = arith.addf %mul3A_106, %mul3A_107 : vector<16xf32>
      %swap3A_109 = arith.index_cast %scan3A_58 : i32 to index
      %swap3A_110 = arith.constant 48 : index
      %swap3A_111 = tpu.vector_load %arg14[%swap3A_109, %swap3A_110] {strides = array<i32>} : memref<32x768xf32, #tpu.memory_space<vmem>>, vector<16xf32>,
      tpu.vector_store %arg14[%swap3A_109, %swap3A_110], %add3A_108 {strides = array<i32>} : memref<32x768xf32, #tpu.memory_space<vmem>>, vector<16xf32>,
      %get3A_112 = arith.index_cast %scan3A_58 : i32 to index
      %get3A_113 = arith.constant 64 : index
      %get3A_114 = tpu.vector_load %arg14[%get3A_112, %get3A_113] {strides = array<i32>} : memref<32x768xf32, #tpu.memory_space<vmem>>, vector<16xf32>,
      %get3A_115 = arith.index_cast %scan3A_58 : i32 to index
      %get3A_116 = arith.constant 64 : index
      %get3A_117 = tpu.vector_load %arg15[%get3A_115, %get3A_116] {strides = array<i32>} : memref<32x768xf32, #tpu.memory_space<vmem>>, vector<16xf32>,
      %mul3A_118 = arith.mulf %gather3A, %get3A_114 : vector<16xf32>
      %mul3A_119 = arith.mulf %gather3A_65, %get3A_117 : vector<16xf32>
      %add3A_120 = arith.addf %mul3A_118, %mul3A_119 : vector<16xf32>
      %swap3A_121 = arith.index_cast %scan3A_58 : i32 to index
      %swap3A_122 = arith.constant 64 : index
      %swap3A_123 = tpu.vector_load %arg14[%swap3A_121, %swap3A_122] {strides = array<i32>} : memref<32x768xf32, #tpu.memory_space<vmem>>, vector<16xf32>,
      tpu.vector_store %arg14[%swap3A_121, %swap3A_122], %add3A_120 {strides = array<i32>} : memref<32x768xf32, #tpu.memory_space<vmem>>, vector<16xf32>,
      %get3A_124 = arith.index_cast %scan3A_58 : i32 to index
      %get3A_125 = arith.constant 80 : index
      %get3A_126 = tpu.vector_load %arg14[%get3A_124, %get3A_125] {strides = array<i32>} : memref<32x768xf32, #tpu.memory_space<vmem>>, vector<16xf32>,
      %get3A_127 = arith.index_cast %scan3A_58 : i32 to index
      %get3A_128 = arith.constant 80 : index
      %get3A_129 = tpu.vector_load %arg15[%get3A_127, %get3A_128] {strides = array<i32>} : memref<32x768xf32, #tpu.memory_space<vmem>>, vector<16xf32>,
      %mul3A_130 = arith.mulf %gather3A, %get3A_126 : vector<16xf32>
      %mul3A_131 = arith.mulf %gather3A_65, %get3A_129 : vector<16xf32>
      %add3A_132 = arith.addf %mul3A_130, %mul3A_131 : vector<16xf32>
      %swap3A_133 = arith.index_cast %scan3A_58 : i32 to index
      %swap3A_134 = arith.constant 80 : index
      %swap3A_135 = tpu.vector_load %arg14[%swap3A_133, %swap3A_134] {strides = array<i32>} : memref<32x768xf32, #tpu.memory_space<vmem>>, vector<16xf32>,
      tpu.vector_store %arg14[%swap3A_133, %swap3A_134], %add3A_132 {strides = array<i32>} : memref<32x768xf32, #tpu.memory_space<vmem>>, vector<16xf32>,
      %get3A_136 = arith.index_cast %scan3A_58 : i32 to index
      %get3A_137 = arith.constant 96 : index
      %get3A_138 = tpu.vector_load %arg14[%get3A_136, %get3A_137] {strides = array<i32>} : memref<32x768xf32, #tpu.memory_space<vmem>>, vector<16xf32>,
      %get3A_139 = arith.index_cast %scan3A_58 : i32 to index
      %get3A_140 = arith.constant 96 : index
      %get3A_141 = tpu.vector_load %arg15[%get3A_139, %get3A_140] {strides = array<i32>} : memref<32x768xf32, #tpu.memory_space<vmem>>, vector<16xf32>,
      %mul3A_142 = arith.mulf %gather3A, %get3A_138 : vector<16xf32>
      %mul3A_143 = arith.mulf %gather3A_65, %get3A_141 : vector<16xf32>
      %add3A_144 = arith.addf %mul3A_142, %mul3A_143 : vector<16xf32>
      %swap3A_145 = arith.index_cast %scan3A_58 : i32 to index
      %swap3A_146 = arith.constant 96 : index
      %swap3A_147 = tpu.vector_load %arg14[%swap3A_145, %swap3A_146] {strides = array<i32>} : memref<32x768xf32, #tpu.memory_space<vmem>>, vector<16xf32>,
      tpu.vector_store %arg14[%swap3A_145, %swap3A_146], %add3A_144 {strides = array<i32>} : memref<32x768xf32, #tpu.memory_space<vmem>>, vector<16xf32>,
      %get3A_148 = arith.index_cast %scan3A_58 : i32 to index
      %get3A_149 = arith.constant 112 : index
      %get3A_150 = tpu.vector_load %arg14[%get3A_148, %get3A_149] {strides = array<i32>} : memref<32x768xf32, #tpu.memory_space<vmem>>, vector<16xf32>,
      %get3A_151 = arith.index_cast %scan3A_58 : i32 to index
      %get3A_152 = arith.constant 112 : index
      %get3A_153 = tpu.vector_load %arg15[%get3A_151, %get3A_152] {strides = array<i32>} : memref<32x768xf32, #tpu.memory_space<vmem>>, vector<16xf32>,
      %mul3A_154 = arith.mulf %gather3A, %get3A_150 : vector<16xf32>
      %mul3A_155 = arith.mulf %gather3A_65, %get3A_153 : vector<16xf32>
      %add3A_156 = arith.addf %mul3A_154, %mul3A_155 : vector<16xf32>
      %swap3A_157 = arith.index_cast %scan3A_58 : i32 to index
      %swap3A_158 = arith.constant 112 : index
      %swap3A_159 = tpu.vector_load %arg14[%swap3A_157, %swap3A_158] {strides = array<i32>} : memref<32x768xf32, #tpu.memory_space<vmem>>, vector<16xf32>,
      tpu.vector_store %arg14[%swap3A_157, %swap3A_158], %add3A_156 {strides = array<i32>} : memref<32x768xf32, #tpu.memory_space<vmem>>, vector<16xf32>,
      %get3A_160 = arith.index_cast %scan3A_58 : i32 to index
      %get3A_161 = arith.constant 128 : index
      %get3A_162 = tpu.vector_load %arg14[%get3A_160, %get3A_161] {strides = array<i32>} : memref<32x768xf32, #tpu.memory_space<vmem>>, vector<16xf32>,
      %get3A_163 = arith.index_cast %scan3A_58 : i32 to index
      %get3A_164 = arith.constant 128 : index
      %get3A_165 = tpu.vector_load %arg15[%get3A_163, %get3A_164] {strides = array<i32>} : memref<32x768xf32, #tpu.memory_space<vmem>>, vector<16xf32>,
      %mul3A_166 = arith.mulf %gather3A, %get3A_162 : vector<16xf32>
      %mul3A_167 = arith.mulf %gather3A_65, %get3A_165 : vector<16xf32>
      %add3A_168 = arith.addf %mul3A_166, %mul3A_167 : vector<16xf32>
      %swap3A_169 = arith.index_cast %scan3A_58 : i32 to index
      %swap3A_170 = arith.constant 128 : index
      %swap3A_171 = tpu.vector_load %arg14[%swap3A_169, %swap3A_170] {strides = array<i32>} : memref<32x768xf32, #tpu.memory_space<vmem>>, vector<16xf32>,
      tpu.vector_store %arg14[%swap3A_169, %swap3A_170], %add3A_168 {strides = array<i32>} : memref<32x768xf32, #tpu.memory_space<vmem>>, vector<16xf32>,
      %get3A_172 = arith.index_cast %scan3A_58 : i32 to index
      %get3A_173 = arith.constant 144 : index
      %get3A_174 = tpu.vector_load %arg14[%get3A_172, %get3A_173] {strides = array<i32>} : memref<32x768xf32, #tpu.memory_space<vmem>>, vector<16xf32>,
      %get3A_175 = arith.index_cast %scan3A_58 : i32 to index
      %get3A_176 = arith.constant 144 : index
      %get3A_177 = tpu.vector_load %arg15[%get3A_175, %get3A_176] {strides = array<i32>} : memref<32x768xf32, #tpu.memory_space<vmem>>, vector<16xf32>,
      %mul3A_178 = arith.mulf %gather3A, %get3A_174 : vector<16xf32>
      %mul3A_179 = arith.mulf %gather3A_65, %get3A_177 : vector<16xf32>
      %add3A_180 = arith.addf %mul3A_178, %mul3A_179 : vector<16xf32>
      %swap3A_181 = arith.index_cast %scan3A_58 : i32 to index
      %swap3A_182 = arith.constant 144 : index
      %swap3A_183 = tpu.vector_load %arg14[%swap3A_181, %swap3A_182] {strides = array<i32>} : memref<32x768xf32, #tpu.memory_space<vmem>>, vector<16xf32>,
      tpu.vector_store %arg14[%swap3A_181, %swap3A_182], %add3A_180 {strides = array<i32>} : memref<32x768xf32, #tpu.memory_space<vmem>>, vector<16xf32>,
      %get3A_184 = arith.index_cast %scan3A_58 : i32 to index
      %get3A_185 = arith.constant 160 : index
      %get3A_186 = tpu.vector_load %arg14[%get3A_184, %get3A_185] {strides = array<i32>} : memref<32x768xf32, #tpu.memory_space<vmem>>, vector<16xf32>,
      %get3A_187 = arith.index_cast %scan3A_58 : i32 to index
      %get3A_188 = arith.constant 160 : index
      %get3A_189 = tpu.vector_load %arg15[%get3A_187, %get3A_188] {strides = array<i32>} : memref<32x768xf32, #tpu.memory_space<vmem>>, vector<16xf32>,
      %mul3A_190 = arith.mulf %gather3A, %get3A_186 : vector<16xf32>
      %mul3A_191 = arith.mulf %gather3A_65, %get3A_189 : vector<16xf32>
      %add3A_192 = arith.addf %mul3A_190, %mul3A_191 : vector<16xf32>
      %swap3A_193 = arith.index_cast %scan3A_58 : i32 to index
      %swap3A_194 = arith.constant 160 : index
      %swap3A_195 = tpu.vector_load %arg14[%swap3A_193, %swap3A_194] {strides = array<i32>} : memref<32x768xf32, #tpu.memory_space<vmem>>, vector<16xf32>,
      tpu.vector_store %arg14[%swap3A_193, %swap3A_194], %add3A_192 {strides = array<i32>} : memref<32x768xf32, #tpu.memory_space<vmem>>, vector<16xf32>,
      %get3A_196 = arith.index_cast %scan3A_58 : i32 to index
      %get3A_197 = arith.constant 176 : index
      %get3A_198 = tpu.vector_load %arg14[%get3A_196, %get3A_197] {strides = array<i32>} : memref<32x768xf32, #tpu.memory_space<vmem>>, vector<16xf32>,
      %get3A_199 = arith.index_cast %scan3A_58 : i32 to index
      %get3A_200 = arith.constant 176 : index
      %get3A_201 = tpu.vector_load %arg15[%get3A_199, %get3A_200] {strides = array<i32>} : memref<32x768xf32, #tpu.memory_space<vmem>>, vector<16xf32>,
      %mul3A_202 = arith.mulf %gather3A, %get3A_198 : vector<16xf32>
      %mul3A_203 = arith.mulf %gather3A_65, %get3A_201 : vector<16xf32>
      %add3A_204 = arith.addf %mul3A_202, %mul3A_203 : vector<16xf32>
      %swap3A_205 = arith.index_cast %scan3A_58 : i32 to index
      %swap3A_206 = arith.constant 176 : index
      %swap3A_207 = tpu.vector_load %arg14[%swap3A_205, %swap3A_206] {strides = array<i32>} : memref<32x768xf32, #tpu.memory_space<vmem>>, vector<16xf32>,
      tpu.vector_store %arg14[%swap3A_205, %swap3A_206], %add3A_204 {strides = array<i32>} : memref<32x768xf32, #tpu.memory_space<vmem>>, vector<16xf32>,
      %get3A_208 = arith.index_cast %scan3A_58 : i32 to index
      %get3A_209 = arith.constant 192 : index
      %get3A_210 = tpu.vector_load %arg14[%get3A_208, %get3A_209] {strides = array<i32>} : memref<32x768xf32, #tpu.memory_space<vmem>>, vector<16xf32>,
      %get3A_211 = arith.index_cast %scan3A_58 : i32 to index
      %get3A_212 = arith.constant 192 : index
      %get3A_213 = tpu.vector_load %arg15[%get3A_211, %get3A_212] {strides = array<i32>} : memref<32x768xf32, #tpu.memory_space<vmem>>, vector<16xf32>,
      %mul3A_214 = arith.mulf %gather3A, %get3A_210 : vector<16xf32>
      %mul3A_215 = arith.mulf %gather3A_65, %get3A_213 : vector<16xf32>
      %add3A_216 = arith.addf %mul3A_214, %mul3A_215 : vector<16xf32>
      %swap3A_217 = arith.index_cast %scan3A_58 : i32 to index
      %swap3A_218 = arith.constant 192 : index
      %swap3A_219 = tpu.vector_load %arg14[%swap3A_217, %swap3A_218] {strides = array<i32>} : memref<32x768xf32, #tpu.memory_space<vmem>>, vector<16xf32>,
      tpu.vector_store %arg14[%swap3A_217, %swap3A_218], %add3A_216 {strides = array<i32>} : memref<32x768xf32, #tpu.memory_space<vmem>>, vector<16xf32>,
      %get3A_220 = arith.index_cast %scan3A_58 : i32 to index
      %get3A_221 = arith.constant 208 : index
      %get3A_222 = tpu.vector_load %arg14[%get3A_220, %get3A_221] {strides = array<i32>} : memref<32x768xf32, #tpu.memory_space<vmem>>, vector<16xf32>,
      %get3A_223 = arith.index_cast %scan3A_58 : i32 to index
      %get3A_224 = arith.constant 208 : index
      %get3A_225 = tpu.vector_load %arg15[%get3A_223, %get3A_224] {strides = array<i32>} : memref<32x768xf32, #tpu.memory_space<vmem>>, vector<16xf32>,
      %mul3A_226 = arith.mulf %gather3A, %get3A_222 : vector<16xf32>
      %mul3A_227 = arith.mulf %gather3A_65, %get3A_225 : vector<16xf32>
      %add3A_228 = arith.addf %mul3A_226, %mul3A_227 : vector<16xf32>
      %swap3A_229 = arith.index_cast %scan3A_58 : i32 to index
      %swap3A_230 = arith.constant 208 : index
      %swap3A_231 = tpu.vector_load %arg14[%swap3A_229, %swap3A_230] {strides = array<i32>} : memref<32x768xf32, #tpu.memory_space<vmem>>, vector<16xf32>,
      tpu.vector_store %arg14[%swap3A_229, %swap3A_230], %add3A_228 {strides = array<i32>} : memref<32x768xf32, #tpu.memory_space<vmem>>, vector<16xf32>,
      %get3A_232 = arith.index_cast %scan3A_58 : i32 to index
      %get3A_233 = arith.constant 224 : index
      %get3A_234 = tpu.vector_load %arg14[%get3A_232, %get3A_233] {strides = array<i32>} : memref<32x768xf32, #tpu.memory_space<vmem>>, vector<16xf32>,
      %get3A_235 = arith.index_cast %scan3A_58 : i32 to index
      %get3A_236 = arith.constant 224 : index
      %get3A_237 = tpu.vector_load %arg15[%get3A_235, %get3A_236] {strides = array<i32>} : memref<32x768xf32, #tpu.memory_space<vmem>>, vector<16xf32>,
      %mul3A_238 = arith.mulf %gather3A, %get3A_234 : vector<16xf32>
      %mul3A_239 = arith.mulf %gather3A_65, %get3A_237 : vector<16xf32>
      %add3A_240 = arith.addf %mul3A_238, %mul3A_239 : vector<16xf32>
      %swap3A_241 = arith.index_cast %scan3A_58 : i32 to index
      %swap3A_242 = arith.constant 224 : index
      %swap3A_243 = tpu.vector_load %arg14[%swap3A_241, %swap3A_242] {strides = array<i32>} : memref<32x768xf32, #tpu.memory_space<vmem>>, vector<16xf32>,
      tpu.vector_store %arg14[%swap3A_241, %swap3A_242], %add3A_240 {strides = array<i32>} : memref<32x768xf32, #tpu.memory_space<vmem>>, vector<16xf32>,
      %get3A_244 = arith.index_cast %scan3A_58 : i32 to index
      %get3A_245 = arith.constant 240 : index
      %get3A_246 = tpu.vector_load %arg14[%get3A_244, %get3A_245] {strides = array<i32>} : memref<32x768xf32, #tpu.memory_space<vmem>>, vector<16xf32>,
      %get3A_247 = arith.index_cast %scan3A_58 : i32 to index
      %get3A_248 = arith.constant 240 : index
      %get3A_249 = tpu.vector_load %arg15[%get3A_247, %get3A_248] {strides = array<i32>} : memref<32x768xf32, #tpu.memory_space<vmem>>, vector<16xf32>,
      %mul3A_250 = arith.mulf %gather3A, %get3A_246 : vector<16xf32>
      %mul3A_251 = arith.mulf %gather3A_65, %get3A_249 : vector<16xf32>
      %add3A_252 = arith.addf %mul3A_250, %mul3A_251 : vector<16xf32>
      %swap3A_253 = arith.index_cast %scan3A_58 : i32 to index
      %swap3A_254 = arith.constant 240 : index
      %swap3A_255 = tpu.vector_load %arg14[%swap3A_253, %swap3A_254] {strides = array<i32>} : memref<32x768xf32, #tpu.memory_space<vmem>>, vector<16xf32>,
      tpu.vector_store %arg14[%swap3A_253, %swap3A_254], %add3A_252 {strides = array<i32>} : memref<32x768xf32, #tpu.memory_space<vmem>>, vector<16xf32>,
      %get3A_256 = arith.index_cast %scan3A_58 : i32 to index
      %get3A_257 = arith.constant 256 : index
      %get3A_258 = tpu.vector_load %arg14[%get3A_256, %get3A_257] {strides = array<i32>} : memref<32x768xf32, #tpu.memory_space<vmem>>, vector<16xf32>,
      %get3A_259 = arith.index_cast %scan3A_58 : i32 to index
      %get3A_260 = arith.constant 256 : index
      %get3A_261 = tpu.vector_load %arg15[%get3A_259, %get3A_260] {strides = array<i32>} : memref<32x768xf32, #tpu.memory_space<vmem>>, vector<16xf32>,
      %mul3A_262 = arith.mulf %gather3A, %get3A_258 : vector<16xf32>
      %mul3A_263 = arith.mulf %gather3A_65, %get3A_261 : vector<16xf32>
      %add3A_264 = arith.addf %mul3A_262, %mul3A_263 : vector<16xf32>
      %swap3A_265 = arith.index_cast %scan3A_58 : i32 to index
      %swap3A_266 = arith.constant 256 : index
      %swap3A_267 = tpu.vector_load %arg14[%swap3A_265, %swap3A_266] {strides = array<i32>} : memref<32x768xf32, #tpu.memory_space<vmem>>, vector<16xf32>,
      tpu.vector_store %arg14[%swap3A_265, %swap3A_266], %add3A_264 {strides = array<i32>} : memref<32x768xf32, #tpu.memory_space<vmem>>, vector<16xf32>,
      %get3A_268 = arith.index_cast %scan3A_58 : i32 to index
      %get3A_269 = arith.constant 272 : index
      %get3A_270 = tpu.vector_load %arg14[%get3A_268, %get3A_269] {strides = array<i32>} : memref<32x768xf32, #tpu.memory_space<vmem>>, vector<16xf32>,
      %get3A_271 = arith.index_cast %scan3A_58 : i32 to index
      %get3A_272 = arith.constant 272 : index
      %get3A_273 = tpu.vector_load %arg15[%get3A_271, %get3A_272] {strides = array<i32>} : memref<32x768xf32, #tpu.memory_space<vmem>>, vector<16xf32>,
      %mul3A_274 = arith.mulf %gather3A, %get3A_270 : vector<16xf32>
      %mul3A_275 = arith.mulf %gather3A_65, %get3A_273 : vector<16xf32>
      %add3A_276 = arith.addf %mul3A_274, %mul3A_275 : vector<16xf32>
      %swap3A_277 = arith.index_cast %scan3A_58 : i32 to index
      %swap3A_278 = arith.constant 272 : index
      %swap3A_279 = tpu.vector_load %arg14[%swap3A_277, %swap3A_278] {strides = array<i32>} : memref<32x768xf32, #tpu.memory_space<vmem>>, vector<16xf32>,
      tpu.vector_store %arg14[%swap3A_277, %swap3A_278], %add3A_276 {strides = array<i32>} : memref<32x768xf32, #tpu.memory_space<vmem>>, vector<16xf32>,
      %get3A_280 = arith.index_cast %scan3A_58 : i32 to index
      %get3A_281 = arith.constant 288 : index
      %get3A_282 = tpu.vector_load %arg14[%get3A_280, %get3A_281] {strides = array<i32>} : memref<32x768xf32, #tpu.memory_space<vmem>>, vector<16xf32>,
      %get3A_283 = arith.index_cast %scan3A_58 : i32 to index
      %get3A_284 = arith.constant 288 : index
      %get3A_285 = tpu.vector_load %arg15[%get3A_283, %get3A_284] {strides = array<i32>} : memref<32x768xf32, #tpu.memory_space<vmem>>, vector<16xf32>,
      %mul3A_286 = arith.mulf %gather3A, %get3A_282 : vector<16xf32>
      %mul3A_287 = arith.mulf %gather3A_65, %get3A_285 : vector<16xf32>
      %add3A_288 = arith.addf %mul3A_286, %mul3A_287 : vector<16xf32>
      %swap3A_289 = arith.index_cast %scan3A_58 : i32 to index
      %swap3A_290 = arith.constant 288 : index
      %swap3A_291 = tpu.vector_load %arg14[%swap3A_289, %swap3A_290] {strides = array<i32>} : memref<32x768xf32, #tpu.memory_space<vmem>>, vector<16xf32>,
      tpu.vector_store %arg14[%swap3A_289, %swap3A_290], %add3A_288 {strides = array<i32>} : memref<32x768xf32, #tpu.memory_space<vmem>>, vector<16xf32>,
      %get3A_292 = arith.index_cast %scan3A_58 : i32 to index
      %get3A_293 = arith.constant 304 : index
      %get3A_294 = tpu.vector_load %arg14[%get3A_292, %get3A_293] {strides = array<i32>} : memref<32x768xf32, #tpu.memory_space<vmem>>, vector<16xf32>,
      %get3A_295 = arith.index_cast %scan3A_58 : i32 to index
      %get3A_296 = arith.constant 304 : index
      %get3A_297 = tpu.vector_load %arg15[%get3A_295, %get3A_296] {strides = array<i32>} : memref<32x768xf32, #tpu.memory_space<vmem>>, vector<16xf32>,
      %mul3A_298 = arith.mulf %gather3A, %get3A_294 : vector<16xf32>
      %mul3A_299 = arith.mulf %gather3A_65, %get3A_297 : vector<16xf32>
      %add3A_300 = arith.addf %mul3A_298, %mul3A_299 : vector<16xf32>
      %swap3A_301 = arith.index_cast %scan3A_58 : i32 to index
      %swap3A_302 = arith.constant 304 : index
      %swap3A_303 = tpu.vector_load %arg14[%swap3A_301, %swap3A_302] {strides = array<i32>} : memref<32x768xf32, #tpu.memory_space<vmem>>, vector<16xf32>,
      tpu.vector_store %arg14[%swap3A_301, %swap3A_302], %add3A_300 {strides = array<i32>} : memref<32x768xf32, #tpu.memory_space<vmem>>, vector<16xf32>,
      %get3A_304 = arith.index_cast %scan3A_58 : i32 to index
      %get3A_305 = arith.constant 320 : index
      %get3A_306 = tpu.vector_load %arg14[%get3A_304, %get3A_305] {strides = array<i32>} : memref<32x768xf32, #tpu.memory_space<vmem>>, vector<16xf32>,
      %get3A_307 = arith.index_cast %scan3A_58 : i32 to index
      %get3A_308 = arith.constant 320 : index
      %get3A_309 = tpu.vector_load %arg15[%get3A_307, %get3A_308] {strides = array<i32>} : memref<32x768xf32, #tpu.memory_space<vmem>>, vector<16xf32>,
      %mul3A_310 = arith.mulf %gather3A, %get3A_306 : vector<16xf32>
      %mul3A_311 = arith.mulf %gather3A_65, %get3A_309 : vector<16xf32>
      %add3A_312 = arith.addf %mul3A_310, %mul3A_311 : vector<16xf32>
      %swap3A_313 = arith.index_cast %scan3A_58 : i32 to index
      %swap3A_314 = arith.constant 320 : index
      %swap3A_315 = tpu.vector_load %arg14[%swap3A_313, %swap3A_314] {strides = array<i32>} : memref<32x768xf32, #tpu.memory_space<vmem>>, vector<16xf32>,
      tpu.vector_store %arg14[%swap3A_313, %swap3A_314], %add3A_312 {strides = array<i32>} : memref<32x768xf32, #tpu.memory_space<vmem>>, vector<16xf32>,
      %get3A_316 = arith.index_cast %scan3A_58 : i32 to index
      %get3A_317 = arith.constant 336 : index
      %get3A_318 = tpu.vector_load %arg14[%get3A_316, %get3A_317] {strides = array<i32>} : memref<32x768xf32, #tpu.memory_space<vmem>>, vector<16xf32>,
      %get3A_319 = arith.index_cast %scan3A_58 : i32 to index
      %get3A_320 = arith.constant 336 : index
      %get3A_321 = tpu.vector_load %arg15[%get3A_319, %get3A_320] {strides = array<i32>} : memref<32x768xf32, #tpu.memory_space<vmem>>, vector<16xf32>,
      %mul3A_322 = arith.mulf %gather3A, %get3A_318 : vector<16xf32>
      %mul3A_323 = arith.mulf %gather3A_65, %get3A_321 : vector<16xf32>
      %add3A_324 = arith.addf %mul3A_322, %mul3A_323 : vector<16xf32>
      %swap3A_325 = arith.index_cast %scan3A_58 : i32 to index
      %swap3A_326 = arith.constant 336 : index
      %swap3A_327 = tpu.vector_load %arg14[%swap3A_325, %swap3A_326] {strides = array<i32>} : memref<32x768xf32, #tpu.memory_space<vmem>>, vector<16xf32>,
      tpu.vector_store %arg14[%swap3A_325, %swap3A_326], %add3A_324 {strides = array<i32>} : memref<32x768xf32, #tpu.memory_space<vmem>>, vector<16xf32>,
      %get3A_328 = arith.index_cast %scan3A_58 : i32 to index
      %get3A_329 = arith.constant 352 : index
      %get3A_330 = tpu.vector_load %arg14[%get3A_328, %get3A_329] {strides = array<i32>} : memref<32x768xf32, #tpu.memory_space<vmem>>, vector<16xf32>,
      %get3A_331 = arith.index_cast %scan3A_58 : i32 to index
      %get3A_332 = arith.constant 352 : index
      %get3A_333 = tpu.vector_load %arg15[%get3A_331, %get3A_332] {strides = array<i32>} : memref<32x768xf32, #tpu.memory_space<vmem>>, vector<16xf32>,
      %mul3A_334 = arith.mulf %gather3A, %get3A_330 : vector<16xf32>
      %mul3A_335 = arith.mulf %gather3A_65, %get3A_333 : vector<16xf32>
      %add3A_336 = arith.addf %mul3A_334, %mul3A_335 : vector<16xf32>
      %swap3A_337 = arith.index_cast %scan3A_58 : i32 to index
      %swap3A_338 = arith.constant 352 : index
      %swap3A_339 = tpu.vector_load %arg14[%swap3A_337, %swap3A_338] {strides = array<i32>} : memref<32x768xf32, #tpu.memory_space<vmem>>, vector<16xf32>,
      tpu.vector_store %arg14[%swap3A_337, %swap3A_338], %add3A_336 {strides = array<i32>} : memref<32x768xf32, #tpu.memory_space<vmem>>, vector<16xf32>,
      %get3A_340 = arith.index_cast %scan3A_58 : i32 to index
      %get3A_341 = arith.constant 368 : index
      %get3A_342 = tpu.vector_load %arg14[%get3A_340, %get3A_341] {strides = array<i32>} : memref<32x768xf32, #tpu.memory_space<vmem>>, vector<16xf32>,
      %get3A_343 = arith.index_cast %scan3A_58 : i32 to index
      %get3A_344 = arith.constant 368 : index
      %get3A_345 = tpu.vector_load %arg15[%get3A_343, %get3A_344] {strides = array<i32>} : memref<32x768xf32, #tpu.memory_space<vmem>>, vector<16xf32>,
      %mul3A_346 = arith.mulf %gather3A, %get3A_342 : vector<16xf32>
      %mul3A_347 = arith.mulf %gather3A_65, %get3A_345 : vector<16xf32>
      %add3A_348 = arith.addf %mul3A_346, %mul3A_347 : vector<16xf32>
      %swap3A_349 = arith.index_cast %scan3A_58 : i32 to index
      %swap3A_350 = arith.constant 368 : index
      %swap3A_351 = tpu.vector_load %arg14[%swap3A_349, %swap3A_350] {strides = array<i32>} : memref<32x768xf32, #tpu.memory_space<vmem>>, vector<16xf32>,
      tpu.vector_store %arg14[%swap3A_349, %swap3A_350], %add3A_348 {strides = array<i32>} : memref<32x768xf32, #tpu.memory_space<vmem>>, vector<16xf32>,
      %get3A_352 = arith.index_cast %scan3A_58 : i32 to index
      %get3A_353 = arith.constant 384 : index
      %get3A_354 = tpu.vector_load %arg14[%get3A_352, %get3A_353] {strides = array<i32>} : memref<32x768xf32, #tpu.memory_space<vmem>>, vector<16xf32>,
      %get3A_355 = arith.index_cast %scan3A_58 : i32 to index
      %get3A_356 = arith.constant 384 : index
      %get3A_357 = tpu.vector_load %arg15[%get3A_355, %get3A_356] {strides = array<i32>} : memref<32x768xf32, #tpu.memory_space<vmem>>, vector<16xf32>,
      %mul3A_358 = arith.mulf %gather3A, %get3A_354 : vector<16xf32>
      %mul3A_359 = arith.mulf %gather3A_65, %get3A_357 : vector<16xf32>
      %add3A_360 = arith.addf %mul3A_358, %mul3A_359 : vector<16xf32>
      %swap3A_361 = arith.index_cast %scan3A_58 : i32 to index
      %swap3A_362 = arith.constant 384 : index
      %swap3A_363 = tpu.vector_load %arg14[%swap3A_361, %swap3A_362] {strides = array<i32>} : memref<32x768xf32, #tpu.memory_space<vmem>>, vector<16xf32>,
      tpu.vector_store %arg14[%swap3A_361, %swap3A_362], %add3A_360 {strides = array<i32>} : memref<32x768xf32, #tpu.memory_space<vmem>>, vector<16xf32>,
      %get3A_364 = arith.index_cast %scan3A_58 : i32 to index
      %get3A_365 = arith.constant 400 : index
      %get3A_366 = tpu.vector_load %arg14[%get3A_364, %get3A_365] {strides = array<i32>} : memref<32x768xf32, #tpu.memory_space<vmem>>, vector<16xf32>,
      %get3A_367 = arith.index_cast %scan3A_58 : i32 to index
      %get3A_368 = arith.constant 400 : index
      %get3A_369 = tpu.vector_load %arg15[%get3A_367, %get3A_368] {strides = array<i32>} : memref<32x768xf32, #tpu.memory_space<vmem>>, vector<16xf32>,
      %mul3A_370 = arith.mulf %gather3A, %get3A_366 : vector<16xf32>
      %mul3A_371 = arith.mulf %gather3A_65, %get3A_369 : vector<16xf32>
      %add3A_372 = arith.addf %mul3A_370, %mul3A_371 : vector<16xf32>
      %swap3A_373 = arith.index_cast %scan3A_58 : i32 to index
      %swap3A_374 = arith.constant 400 : index
      %swap3A_375 = tpu.vector_load %arg14[%swap3A_373, %swap3A_374] {strides = array<i32>} : memref<32x768xf32, #tpu.memory_space<vmem>>, vector<16xf32>,
      tpu.vector_store %arg14[%swap3A_373, %swap3A_374], %add3A_372 {strides = array<i32>} : memref<32x768xf32, #tpu.memory_space<vmem>>, vector<16xf32>,
      %get3A_376 = arith.index_cast %scan3A_58 : i32 to index
      %get3A_377 = arith.constant 416 : index
      %get3A_378 = tpu.vector_load %arg14[%get3A_376, %get3A_377] {strides = array<i32>} : memref<32x768xf32, #tpu.memory_space<vmem>>, vector<16xf32>,
      %get3A_379 = arith.index_cast %scan3A_58 : i32 to index
      %get3A_380 = arith.constant 416 : index
      %get3A_381 = tpu.vector_load %arg15[%get3A_379, %get3A_380] {strides = array<i32>} : memref<32x768xf32, #tpu.memory_space<vmem>>, vector<16xf32>,
      %mul3A_382 = arith.mulf %gather3A, %get3A_378 : vector<16xf32>
      %mul3A_383 = arith.mulf %gather3A_65, %get3A_381 : vector<16xf32>
      %add3A_384 = arith.addf %mul3A_382, %mul3A_383 : vector<16xf32>
      %swap3A_385 = arith.index_cast %scan3A_58 : i32 to index
      %swap3A_386 = arith.constant 416 : index
      %swap3A_387 = tpu.vector_load %arg14[%swap3A_385, %swap3A_386] {strides = array<i32>} : memref<32x768xf32, #tpu.memory_space<vmem>>, vector<16xf32>,
      tpu.vector_store %arg14[%swap3A_385, %swap3A_386], %add3A_384 {strides = array<i32>} : memref<32x768xf32, #tpu.memory_space<vmem>>, vector<16xf32>,
      %get3A_388 = arith.index_cast %scan3A_58 : i32 to index
      %get3A_389 = arith.constant 432 : index
      %get3A_390 = tpu.vector_load %arg14[%get3A_388, %get3A_389] {strides = array<i32>} : memref<32x768xf32, #tpu.memory_space<vmem>>, vector<16xf32>,
      %get3A_391 = arith.index_cast %scan3A_58 : i32 to index
      %get3A_392 = arith.constant 432 : index
      %get3A_393 = tpu.vector_load %arg15[%get3A_391, %get3A_392] {strides = array<i32>} : memref<32x768xf32, #tpu.memory_space<vmem>>, vector<16xf32>,
      %mul3A_394 = arith.mulf %gather3A, %get3A_390 : vector<16xf32>
      %mul3A_395 = arith.mulf %gather3A_65, %get3A_393 : vector<16xf32>
      %add3A_396 = arith.addf %mul3A_394, %mul3A_395 : vector<16xf32>
      %swap3A_397 = arith.index_cast %scan3A_58 : i32 to index
      %swap3A_398 = arith.constant 432 : index
      %swap3A_399 = tpu.vector_load %arg14[%swap3A_397, %swap3A_398] {strides = array<i32>} : memref<32x768xf32, #tpu.memory_space<vmem>>, vector<16xf32>,
      tpu.vector_store %arg14[%swap3A_397, %swap3A_398], %add3A_396 {strides = array<i32>} : memref<32x768xf32, #tpu.memory_space<vmem>>, vector<16xf32>,
      %get3A_400 = arith.index_cast %scan3A_58 : i32 to index
      %get3A_401 = arith.constant 448 : index
      %get3A_402 = tpu.vector_load %arg14[%get3A_400, %get3A_401] {strides = array<i32>} : memref<32x768xf32, #tpu.memory_space<vmem>>, vector<16xf32>,
      %get3A_403 = arith.index_cast %scan3A_58 : i32 to index
      %get3A_404 = arith.constant 448 : index
      %get3A_405 = tpu.vector_load %arg15[%get3A_403, %get3A_404] {strides = array<i32>} : memref<32x768xf32, #tpu.memory_space<vmem>>, vector<16xf32>,
      %mul3A_406 = arith.mulf %gather3A, %get3A_402 : vector<16xf32>
      %mul3A_407 = arith.mulf %gather3A_65, %get3A_405 : vector<16xf32>
      %add3A_408 = arith.addf %mul3A_406, %mul3A_407 : vector<16xf32>
      %swap3A_409 = arith.index_cast %scan3A_58 : i32 to index
      %swap3A_410 = arith.constant 448 : index
      %swap3A_411 = tpu.vector_load %arg14[%swap3A_409, %swap3A_410] {strides = array<i32>} : memref<32x768xf32, #tpu.memory_space<vmem>>, vector<16xf32>,
      tpu.vector_store %arg14[%swap3A_409, %swap3A_410], %add3A_408 {strides = array<i32>} : memref<32x768xf32, #tpu.memory_space<vmem>>, vector<16xf32>,
      %get3A_412 = arith.index_cast %scan3A_58 : i32 to index
      %get3A_413 = arith.constant 464 : index
      %get3A_414 = tpu.vector_load %arg14[%get3A_412, %get3A_413] {strides = array<i32>} : memref<32x768xf32, #tpu.memory_space<vmem>>, vector<16xf32>,
      %get3A_415 = arith.index_cast %scan3A_58 : i32 to index
      %get3A_416 = arith.constant 464 : index
      %get3A_417 = tpu.vector_load %arg15[%get3A_415, %get3A_416] {strides = array<i32>} : memref<32x768xf32, #tpu.memory_space<vmem>>, vector<16xf32>,
      %mul3A_418 = arith.mulf %gather3A, %get3A_414 : vector<16xf32>
      %mul3A_419 = arith.mulf %gather3A_65, %get3A_417 : vector<16xf32>
      %add3A_420 = arith.addf %mul3A_418, %mul3A_419 : vector<16xf32>
      %swap3A_421 = arith.index_cast %scan3A_58 : i32 to index
      %swap3A_422 = arith.constant 464 : index
      %swap3A_423 = tpu.vector_load %arg14[%swap3A_421, %swap3A_422] {strides = array<i32>} : memref<32x768xf32, #tpu.memory_space<vmem>>, vector<16xf32>,
      tpu.vector_store %arg14[%swap3A_421, %swap3A_422], %add3A_420 {strides = array<i32>} : memref<32x768xf32, #tpu.memory_space<vmem>>, vector<16xf32>,
      %get3A_424 = arith.index_cast %scan3A_58 : i32 to index
      %get3A_425 = arith.constant 480 : index
      %get3A_426 = tpu.vector_load %arg14[%get3A_424, %get3A_425] {strides = array<i32>} : memref<32x768xf32, #tpu.memory_space<vmem>>, vector<16xf32>,
      %get3A_427 = arith.index_cast %scan3A_58 : i32 to index
      %get3A_428 = arith.constant 480 : index
      %get3A_429 = tpu.vector_load %arg15[%get3A_427, %get3A_428] {strides = array<i32>} : memref<32x768xf32, #tpu.memory_space<vmem>>, vector<16xf32>,
      %mul3A_430 = arith.mulf %gather3A, %get3A_426 : vector<16xf32>
      %mul3A_431 = arith.mulf %gather3A_65, %get3A_429 : vector<16xf32>
      %add3A_432 = arith.addf %mul3A_430, %mul3A_431 : vector<16xf32>
      %swap3A_433 = arith.index_cast %scan3A_58 : i32 to index
      %swap3A_434 = arith.constant 480 : index
      %swap3A_435 = tpu.vector_load %arg14[%swap3A_433, %swap3A_434] {strides = array<i32>} : memref<32x768xf32, #tpu.memory_space<vmem>>, vector<16xf32>,
      tpu.vector_store %arg14[%swap3A_433, %swap3A_434], %add3A_432 {strides = array<i32>} : memref<32x768xf32, #tpu.memory_space<vmem>>, vector<16xf32>,
      %get3A_436 = arith.index_cast %scan3A_58 : i32 to index
      %get3A_437 = arith.constant 496 : index
      %get3A_438 = tpu.vector_load %arg14[%get3A_436, %get3A_437] {strides = array<i32>} : memref<32x768xf32, #tpu.memory_space<vmem>>, vector<16xf32>,
      %get3A_439 = arith.index_cast %scan3A_58 : i32 to index
      %get3A_440 = arith.constant 496 : index
      %get3A_441 = tpu.vector_load %arg15[%get3A_439, %get3A_440] {strides = array<i32>} : memref<32x768xf32, #tpu.memory_space<vmem>>, vector<16xf32>,
      %mul3A_442 = arith.mulf %gather3A, %get3A_438 : vector<16xf32>
      %mul3A_443 = arith.mulf %gather3A_65, %get3A_441 : vector<16xf32>
      %add3A_444 = arith.addf %mul3A_442, %mul3A_443 : vector<16xf32>
      %swap3A_445 = arith.index_cast %scan3A_58 : i32 to index
      %swap3A_446 = arith.constant 496 : index
      %swap3A_447 = tpu.vector_load %arg14[%swap3A_445, %swap3A_446] {strides = array<i32>} : memref<32x768xf32, #tpu.memory_space<vmem>>, vector<16xf32>,
      tpu.vector_store %arg14[%swap3A_445, %swap3A_446], %add3A_444 {strides = array<i32>} : memref<32x768xf32, #tpu.memory_space<vmem>>, vector<16xf32>,
      %get3A_448 = arith.index_cast %scan3A_58 : i32 to index
      %get3A_449 = arith.constant 512 : index
      %get3A_450 = tpu.vector_load %arg14[%get3A_448, %get3A_449] {strides = array<i32>} : memref<32x768xf32, #tpu.memory_space<vmem>>, vector<16xf32>,
      %get3A_451 = arith.index_cast %scan3A_58 : i32 to index
      %get3A_452 = arith.constant 512 : index
      %get3A_453 = tpu.vector_load %arg15[%get3A_451, %get3A_452] {strides = array<i32>} : memref<32x768xf32, #tpu.memory_space<vmem>>, vector<16xf32>,
      %mul3A_454 = arith.mulf %gather3A, %get3A_450 : vector<16xf32>
      %mul3A_455 = arith.mulf %gather3A_65, %get3A_453 : vector<16xf32>
      %add3A_456 = arith.addf %mul3A_454, %mul3A_455 : vector<16xf32>
      %swap3A_457 = arith.index_cast %scan3A_58 : i32 to index
      %swap3A_458 = arith.constant 512 : index
      %swap3A_459 = tpu.vector_load %arg14[%swap3A_457, %swap3A_458] {strides = array<i32>} : memref<32x768xf32, #tpu.memory_space<vmem>>, vector<16xf32>,
      tpu.vector_store %arg14[%swap3A_457, %swap3A_458], %add3A_456 {strides = array<i32>} : memref<32x768xf32, #tpu.memory_space<vmem>>, vector<16xf32>,
      %get3A_460 = arith.index_cast %scan3A_58 : i32 to index
      %get3A_461 = arith.constant 528 : index
      %get3A_462 = tpu.vector_load %arg14[%get3A_460, %get3A_461] {strides = array<i32>} : memref<32x768xf32, #tpu.memory_space<vmem>>, vector<16xf32>,
      %get3A_463 = arith.index_cast %scan3A_58 : i32 to index
      %get3A_464 = arith.constant 528 : index
      %get3A_465 = tpu.vector_load %arg15[%get3A_463, %get3A_464] {strides = array<i32>} : memref<32x768xf32, #tpu.memory_space<vmem>>, vector<16xf32>,
      %mul3A_466 = arith.mulf %gather3A, %get3A_462 : vector<16xf32>
      %mul3A_467 = arith.mulf %gather3A_65, %get3A_465 : vector<16xf32>
      %add3A_468 = arith.addf %mul3A_466, %mul3A_467 : vector<16xf32>
      %swap3A_469 = arith.index_cast %scan3A_58 : i32 to index
      %swap3A_470 = arith.constant 528 : index
      %swap3A_471 = tpu.vector_load %arg14[%swap3A_469, %swap3A_470] {strides = array<i32>} : memref<32x768xf32, #tpu.memory_space<vmem>>, vector<16xf32>,
      tpu.vector_store %arg14[%swap3A_469, %swap3A_470], %add3A_468 {strides = array<i32>} : memref<32x768xf32, #tpu.memory_space<vmem>>, vector<16xf32>,
      %get3A_472 = arith.index_cast %scan3A_58 : i32 to index
      %get3A_473 = arith.constant 544 : index
      %get3A_474 = tpu.vector_load %arg14[%get3A_472, %get3A_473] {strides = array<i32>} : memref<32x768xf32, #tpu.memory_space<vmem>>, vector<16xf32>,
      %get3A_475 = arith.index_cast %scan3A_58 : i32 to index
      %get3A_476 = arith.constant 544 : index
      %get3A_477 = tpu.vector_load %arg15[%get3A_475, %get3A_476] {strides = array<i32>} : memref<32x768xf32, #tpu.memory_space<vmem>>, vector<16xf32>,
      %mul3A_478 = arith.mulf %gather3A, %get3A_474 : vector<16xf32>
      %mul3A_479 = arith.mulf %gather3A_65, %get3A_477 : vector<16xf32>
      %add3A_480 = arith.addf %mul3A_478, %mul3A_479 : vector<16xf32>
      %swap3A_481 = arith.index_cast %scan3A_58 : i32 to index
      %swap3A_482 = arith.constant 544 : index
      %swap3A_483 = tpu.vector_load %arg14[%swap3A_481, %swap3A_482] {strides = array<i32>} : memref<32x768xf32, #tpu.memory_space<vmem>>, vector<16xf32>,
      tpu.vector_store %arg14[%swap3A_481, %swap3A_482], %add3A_480 {strides = array<i32>} : memref<32x768xf32, #tpu.memory_space<vmem>>, vector<16xf32>,
      %get3A_484 = arith.index_cast %scan3A_58 : i32 to index
      %get3A_485 = arith.constant 560 : index
      %get3A_486 = tpu.vector_load %arg14[%get3A_484, %get3A_485] {strides = array<i32>} : memref<32x768xf32, #tpu.memory_space<vmem>>, vector<16xf32>,
      %get3A_487 = arith.index_cast %scan3A_58 : i32 to index
      %get3A_488 = arith.constant 560 : index
      %get3A_489 = tpu.vector_load %arg15[%get3A_487, %get3A_488] {strides = array<i32>} : memref<32x768xf32, #tpu.memory_space<vmem>>, vector<16xf32>,
      %mul3A_490 = arith.mulf %gather3A, %get3A_486 : vector<16xf32>
      %mul3A_491 = arith.mulf %gather3A_65, %get3A_489 : vector<16xf32>
      %add3A_492 = arith.addf %mul3A_490, %mul3A_491 : vector<16xf32>
      %swap3A_493 = arith.index_cast %scan3A_58 : i32 to index
      %swap3A_494 = arith.constant 560 : index
      %swap3A_495 = tpu.vector_load %arg14[%swap3A_493, %swap3A_494] {strides = array<i32>} : memref<32x768xf32, #tpu.memory_space<vmem>>, vector<16xf32>,
      tpu.vector_store %arg14[%swap3A_493, %swap3A_494], %add3A_492 {strides = array<i32>} : memref<32x768xf32, #tpu.memory_space<vmem>>, vector<16xf32>,
      %get3A_496 = arith.index_cast %scan3A_58 : i32 to index
      %get3A_497 = arith.constant 576 : index
      %get3A_498 = tpu.vector_load %arg14[%get3A_496, %get3A_497] {strides = array<i32>} : memref<32x768xf32, #tpu.memory_space<vmem>>, vector<16xf32>,
      %get3A_499 = arith.index_cast %scan3A_58 : i32 to index
      %get3A_500 = arith.constant 576 : index
      %get3A_501 = tpu.vector_load %arg15[%get3A_499, %get3A_500] {strides = array<i32>} : memref<32x768xf32, #tpu.memory_space<vmem>>, vector<16xf32>,
      %mul3A_502 = arith.mulf %gather3A, %get3A_498 : vector<16xf32>
      %mul3A_503 = arith.mulf %gather3A_65, %get3A_501 : vector<16xf32>
      %add3A_504 = arith.addf %mul3A_502, %mul3A_503 : vector<16xf32>
      %swap3A_505 = arith.index_cast %scan3A_58 : i32 to index
      %swap3A_506 = arith.constant 576 : index
      %swap3A_507 = tpu.vector_load %arg14[%swap3A_505, %swap3A_506] {strides = array<i32>} : memref<32x768xf32, #tpu.memory_space<vmem>>, vector<16xf32>,
      tpu.vector_store %arg14[%swap3A_505, %swap3A_506], %add3A_504 {strides = array<i32>} : memref<32x768xf32, #tpu.memory_space<vmem>>, vector<16xf32>,
      %get3A_508 = arith.index_cast %scan3A_58 : i32 to index
      %get3A_509 = arith.constant 592 : index
      %get3A_510 = tpu.vector_load %arg14[%get3A_508, %get3A_509] {strides = array<i32>} : memref<32x768xf32, #tpu.memory_space<vmem>>, vector<16xf32>,
      %get3A_511 = arith.index_cast %scan3A_58 : i32 to index
      %get3A_512 = arith.constant 592 : index
      %get3A_513 = tpu.vector_load %arg15[%get3A_511, %get3A_512] {strides = array<i32>} : memref<32x768xf32, #tpu.memory_space<vmem>>, vector<16xf32>,
      %mul3A_514 = arith.mulf %gather3A, %get3A_510 : vector<16xf32>
      %mul3A_515 = arith.mulf %gather3A_65, %get3A_513 : vector<16xf32>
      %add3A_516 = arith.addf %mul3A_514, %mul3A_515 : vector<16xf32>
      %swap3A_517 = arith.index_cast %scan3A_58 : i32 to index
      %swap3A_518 = arith.constant 592 : index
      %swap3A_519 = tpu.vector_load %arg14[%swap3A_517, %swap3A_518] {strides = array<i32>} : memref<32x768xf32, #tpu.memory_space<vmem>>, vector<16xf32>,
      tpu.vector_store %arg14[%swap3A_517, %swap3A_518], %add3A_516 {strides = array<i32>} : memref<32x768xf32, #tpu.memory_space<vmem>>, vector<16xf32>,
      %get3A_520 = arith.index_cast %scan3A_58 : i32 to index
      %get3A_521 = arith.constant 608 : index
      %get3A_522 = tpu.vector_load %arg14[%get3A_520, %get3A_521] {strides = array<i32>} : memref<32x768xf32, #tpu.memory_space<vmem>>, vector<16xf32>,
      %get3A_523 = arith.index_cast %scan3A_58 : i32 to index
      %get3A_524 = arith.constant 608 : index
      %get3A_525 = tpu.vector_load %arg15[%get3A_523, %get3A_524] {strides = array<i32>} : memref<32x768xf32, #tpu.memory_space<vmem>>, vector<16xf32>,
      %mul3A_526 = arith.mulf %gather3A, %get3A_522 : vector<16xf32>
      %mul3A_527 = arith.mulf %gather3A_65, %get3A_525 : vector<16xf32>
      %add3A_528 = arith.addf %mul3A_526, %mul3A_527 : vector<16xf32>
      %swap3A_529 = arith.index_cast %scan3A_58 : i32 to index
      %swap3A_530 = arith.constant 608 : index
      %swap3A_531 = tpu.vector_load %arg14[%swap3A_529, %swap3A_530] {strides = array<i32>} : memref<32x768xf32, #tpu.memory_space<vmem>>, vector<16xf32>,
      tpu.vector_store %arg14[%swap3A_529, %swap3A_530], %add3A_528 {strides = array<i32>} : memref<32x768xf32, #tpu.memory_space<vmem>>, vector<16xf32>,
      %get3A_532 = arith.index_cast %scan3A_58 : i32 to index
      %get3A_533 = arith.constant 624 : index
      %get3A_534 = tpu.vector_load %arg14[%get3A_532, %get3A_533] {strides = array<i32>} : memref<32x768xf32, #tpu.memory_space<vmem>>, vector<16xf32>,
      %get3A_535 = arith.index_cast %scan3A_58 : i32 to index
      %get3A_536 = arith.constant 624 : index
      %get3A_537 = tpu.vector_load %arg15[%get3A_535, %get3A_536] {strides = array<i32>} : memref<32x768xf32, #tpu.memory_space<vmem>>, vector<16xf32>,
      %mul3A_538 = arith.mulf %gather3A, %get3A_534 : vector<16xf32>
      %mul3A_539 = arith.mulf %gather3A_65, %get3A_537 : vector<16xf32>
      %add3A_540 = arith.addf %mul3A_538, %mul3A_539 : vector<16xf32>
      %swap3A_541 = arith.index_cast %scan3A_58 : i32 to index
      %swap3A_542 = arith.constant 624 : index
      %swap3A_543 = tpu.vector_load %arg14[%swap3A_541, %swap3A_542] {strides = array<i32>} : memref<32x768xf32, #tpu.memory_space<vmem>>, vector<16xf32>,
      tpu.vector_store %arg14[%swap3A_541, %swap3A_542], %add3A_540 {strides = array<i32>} : memref<32x768xf32, #tpu.memory_space<vmem>>, vector<16xf32>,
      %get3A_544 = arith.index_cast %scan3A_58 : i32 to index
      %get3A_545 = arith.constant 640 : index
      %get3A_546 = tpu.vector_load %arg14[%get3A_544, %get3A_545] {strides = array<i32>} : memref<32x768xf32, #tpu.memory_space<vmem>>, vector<16xf32>,
      %get3A_547 = arith.index_cast %scan3A_58 : i32 to index
      %get3A_548 = arith.constant 640 : index
      %get3A_549 = tpu.vector_load %arg15[%get3A_547, %get3A_548] {strides = array<i32>} : memref<32x768xf32, #tpu.memory_space<vmem>>, vector<16xf32>,
      %mul3A_550 = arith.mulf %gather3A, %get3A_546 : vector<16xf32>
      %mul3A_551 = arith.mulf %gather3A_65, %get3A_549 : vector<16xf32>
      %add3A_552 = arith.addf %mul3A_550, %mul3A_551 : vector<16xf32>
      %swap3A_553 = arith.index_cast %scan3A_58 : i32 to index
      %swap3A_554 = arith.constant 640 : index
      %swap3A_555 = tpu.vector_load %arg14[%swap3A_553, %swap3A_554] {strides = array<i32>} : memref<32x768xf32, #tpu.memory_space<vmem>>, vector<16xf32>,
      tpu.vector_store %arg14[%swap3A_553, %swap3A_554], %add3A_552 {strides = array<i32>} : memref<32x768xf32, #tpu.memory_space<vmem>>, vector<16xf32>,
      %get3A_556 = arith.index_cast %scan3A_58 : i32 to index
      %get3A_557 = arith.constant 656 : index
      %get3A_558 = tpu.vector_load %arg14[%get3A_556, %get3A_557] {strides = array<i32>} : memref<32x768xf32, #tpu.memory_space<vmem>>, vector<16xf32>,
      %get3A_559 = arith.index_cast %scan3A_58 : i32 to index
      %get3A_560 = arith.constant 656 : index
      %get3A_561 = tpu.vector_load %arg15[%get3A_559, %get3A_560] {strides = array<i32>} : memref<32x768xf32, #tpu.memory_space<vmem>>, vector<16xf32>,
      %mul3A_562 = arith.mulf %gather3A, %get3A_558 : vector<16xf32>
      %mul3A_563 = arith.mulf %gather3A_65, %get3A_561 : vector<16xf32>
      %add3A_564 = arith.addf %mul3A_562, %mul3A_563 : vector<16xf32>
      %swap3A_565 = arith.index_cast %scan3A_58 : i32 to index
      %swap3A_566 = arith.constant 656 : index
      %swap3A_567 = tpu.vector_load %arg14[%swap3A_565, %swap3A_566] {strides = array<i32>} : memref<32x768xf32, #tpu.memory_space<vmem>>, vector<16xf32>,
      tpu.vector_store %arg14[%swap3A_565, %swap3A_566], %add3A_564 {strides = array<i32>} : memref<32x768xf32, #tpu.memory_space<vmem>>, vector<16xf32>,
      %get3A_568 = arith.index_cast %scan3A_58 : i32 to index
      %get3A_569 = arith.constant 672 : index
      %get3A_570 = tpu.vector_load %arg14[%get3A_568, %get3A_569] {strides = array<i32>} : memref<32x768xf32, #tpu.memory_space<vmem>>, vector<16xf32>,
      %get3A_571 = arith.index_cast %scan3A_58 : i32 to index
      %get3A_572 = arith.constant 672 : index
      %get3A_573 = tpu.vector_load %arg15[%get3A_571, %get3A_572] {strides = array<i32>} : memref<32x768xf32, #tpu.memory_space<vmem>>, vector<16xf32>,
      %mul3A_574 = arith.mulf %gather3A, %get3A_570 : vector<16xf32>
      %mul3A_575 = arith.mulf %gather3A_65, %get3A_573 : vector<16xf32>
      %add3A_576 = arith.addf %mul3A_574, %mul3A_575 : vector<16xf32>
      %swap3A_577 = arith.index_cast %scan3A_58 : i32 to index
      %swap3A_578 = arith.constant 672 : index
      %swap3A_579 = tpu.vector_load %arg14[%swap3A_577, %swap3A_578] {strides = array<i32>} : memref<32x768xf32, #tpu.memory_space<vmem>>, vector<16xf32>,
      tpu.vector_store %arg14[%swap3A_577, %swap3A_578], %add3A_576 {strides = array<i32>} : memref<32x768xf32, #tpu.memory_space<vmem>>, vector<16xf32>,
      %get3A_580 = arith.index_cast %scan3A_58 : i32 to index
      %get3A_581 = arith.constant 688 : index
      %get3A_582 = tpu.vector_load %arg14[%get3A_580, %get3A_581] {strides = array<i32>} : memref<32x768xf32, #tpu.memory_space<vmem>>, vector<16xf32>,
      %get3A_583 = arith.index_cast %scan3A_58 : i32 to index
      %get3A_584 = arith.constant 688 : index
      %get3A_585 = tpu.vector_load %arg15[%get3A_583, %get3A_584] {strides = array<i32>} : memref<32x768xf32, #tpu.memory_space<vmem>>, vector<16xf32>,
      %mul3A_586 = arith.mulf %gather3A, %get3A_582 : vector<16xf32>
      %mul3A_587 = arith.mulf %gather3A_65, %get3A_585 : vector<16xf32>
      %add3A_588 = arith.addf %mul3A_586, %mul3A_587 : vector<16xf32>
      %swap3A_589 = arith.index_cast %scan3A_58 : i32 to index
      %swap3A_590 = arith.constant 688 : index
      %swap3A_591 = tpu.vector_load %arg14[%swap3A_589, %swap3A_590] {strides = array<i32>} : memref<32x768xf32, #tpu.memory_space<vmem>>, vector<16xf32>,
      tpu.vector_store %arg14[%swap3A_589, %swap3A_590], %add3A_588 {strides = array<i32>} : memref<32x768xf32, #tpu.memory_space<vmem>>, vector<16xf32>,
      %get3A_592 = arith.index_cast %scan3A_58 : i32 to index
      %get3A_593 = arith.constant 704 : index
      %get3A_594 = tpu.vector_load %arg14[%get3A_592, %get3A_593] {strides = array<i32>} : memref<32x768xf32, #tpu.memory_space<vmem>>, vector<16xf32>,
      %get3A_595 = arith.index_cast %scan3A_58 : i32 to index
      %get3A_596 = arith.constant 704 : index
      %get3A_597 = tpu.vector_load %arg15[%get3A_595, %get3A_596] {strides = array<i32>} : memref<32x768xf32, #tpu.memory_space<vmem>>, vector<16xf32>,
      %mul3A_598 = arith.mulf %gather3A, %get3A_594 : vector<16xf32>
      %mul3A_599 = arith.mulf %gather3A_65, %get3A_597 : vector<16xf32>
      %add3A_600 = arith.addf %mul3A_598, %mul3A_599 : vector<16xf32>
      %swap3A_601 = arith.index_cast %scan3A_58 : i32 to index
      %swap3A_602 = arith.constant 704 : index
      %swap3A_603 = tpu.vector_load %arg14[%swap3A_601, %swap3A_602] {strides = array<i32>} : memref<32x768xf32, #tpu.memory_space<vmem>>, vector<16xf32>,
      tpu.vector_store %arg14[%swap3A_601, %swap3A_602], %add3A_600 {strides = array<i32>} : memref<32x768xf32, #tpu.memory_space<vmem>>, vector<16xf32>,
      %get3A_604 = arith.index_cast %scan3A_58 : i32 to index
      %get3A_605 = arith.constant 720 : index
      %get3A_606 = tpu.vector_load %arg14[%get3A_604, %get3A_605] {strides = array<i32>} : memref<32x768xf32, #tpu.memory_space<vmem>>, vector<16xf32>,
      %get3A_607 = arith.index_cast %scan3A_58 : i32 to index
      %get3A_608 = arith.constant 720 : index
      %get3A_609 = tpu.vector_load %arg15[%get3A_607, %get3A_608] {strides = array<i32>} : memref<32x768xf32, #tpu.memory_space<vmem>>, vector<16xf32>,
      %mul3A_610 = arith.mulf %gather3A, %get3A_606 : vector<16xf32>
      %mul3A_611 = arith.mulf %gather3A_65, %get3A_609 : vector<16xf32>
      %add3A_612 = arith.addf %mul3A_610, %mul3A_611 : vector<16xf32>
      %swap3A_613 = arith.index_cast %scan3A_58 : i32 to index
      %swap3A_614 = arith.constant 720 : index
      %swap3A_615 = tpu.vector_load %arg14[%swap3A_613, %swap3A_614] {strides = array<i32>} : memref<32x768xf32, #tpu.memory_space<vmem>>, vector<16xf32>,
      tpu.vector_store %arg14[%swap3A_613, %swap3A_614], %add3A_612 {strides = array<i32>} : memref<32x768xf32, #tpu.memory_space<vmem>>, vector<16xf32>,
      %get3A_616 = arith.index_cast %scan3A_58 : i32 to index
      %get3A_617 = arith.constant 736 : index
      %get3A_618 = tpu.vector_load %arg14[%get3A_616, %get3A_617] {strides = array<i32>} : memref<32x768xf32, #tpu.memory_space<vmem>>, vector<16xf32>,
      %get3A_619 = arith.index_cast %scan3A_58 : i32 to index
      %get3A_620 = arith.constant 736 : index
      %get3A_621 = tpu.vector_load %arg15[%get3A_619, %get3A_620] {strides = array<i32>} : memref<32x768xf32, #tpu.memory_space<vmem>>, vector<16xf32>,
      %mul3A_622 = arith.mulf %gather3A, %get3A_618 : vector<16xf32>
      %mul3A_623 = arith.mulf %gather3A_65, %get3A_621 : vector<16xf32>
      %add3A_624 = arith.addf %mul3A_622, %mul3A_623 : vector<16xf32>
      %swap3A_625 = arith.index_cast %scan3A_58 : i32 to index
      %swap3A_626 = arith.constant 736 : index
      %swap3A_627 = tpu.vector_load %arg14[%swap3A_625, %swap3A_626] {strides = array<i32>} : memref<32x768xf32, #tpu.memory_space<vmem>>, vector<16xf32>,
      tpu.vector_store %arg14[%swap3A_625, %swap3A_626], %add3A_624 {strides = array<i32>} : memref<32x768xf32, #tpu.memory_space<vmem>>, vector<16xf32>,
      %get3A_628 = arith.index_cast %scan3A_58 : i32 to index
      %get3A_629 = arith.constant 752 : index
      %get3A_630 = tpu.vector_load %arg14[%get3A_628, %get3A_629] {strides = array<i32>} : memref<32x768xf32, #tpu.memory_space<vmem>>, vector<16xf32>,
      %get3A_631 = arith.index_cast %scan3A_58 : i32 to index
      %get3A_632 = arith.constant 752 : index
      %get3A_633 = tpu.vector_load %arg15[%get3A_631, %get3A_632] {strides = array<i32>} : memref<32x768xf32, #tpu.memory_space<vmem>>, vector<16xf32>,
      %mul3A_634 = arith.mulf %gather3A, %get3A_630 : vector<16xf32>
      %mul3A_635 = arith.mulf %gather3A_65, %get3A_633 : vector<16xf32>
      %add3A_636 = arith.addf %mul3A_634, %mul3A_635 : vector<16xf32>
      %swap3A_637 = arith.index_cast %scan3A_58 : i32 to index
      %swap3A_638 = arith.constant 752 : index
      %swap3A_639 = tpu.vector_load %arg14[%swap3A_637, %swap3A_638] {strides = array<i32>} : memref<32x768xf32, #tpu.memory_space<vmem>>, vector<16xf32>,
      tpu.vector_store %arg14[%swap3A_637, %swap3A_638], %add3A_636 {strides = array<i32>} : memref<32x768xf32, #tpu.memory_space<vmem>>, vector<16xf32>,
    }
    %scan3A_27 = arith.constant 32 : i32
    %dma_start3A_28 = arith.constant 0 : i32
    %dma_start3A_29 = tpu.memref_slice %arg7[%mul3A_2, %dma_start3A_28] : memref<2048x768xf32, #tpu.memory_space<hbm>> -> memref<32x768xf32, #tpu.memory_space<hbm>>
    %dma_start3A_30 = arith.constant 0 : i32
    %dma_start3A_31 = tpu.memref_slice %arg7[%mul3A_2, %dma_start3A_30] : memref<2048x768xf32, #tpu.memory_space<hbm>> -> memref<32x768xf32, #tpu.memory_space<hbm>>
    tpu.enqueue_dma source(%arg14 : memref<32x768xf32, #tpu.memory_space<vmem>>) target(%dma_start3A_31 : memref<32x768xf32, #tpu.memory_space<hbm>>) target_semaphore(%arg20 : memref<!tpu.dma_semaphore, #tpu.memory_space<semaphore_mem>>)
    %dma_wait3A_32 = arith.constant 0 : i32
    %dma_wait3A_33 = arith.constant 0 : i32
    %dma_wait3A_34 = tpu.memref_slice %arg2[%dma_wait3A_32, %dma_wait3A_33] : memref<16384x768xf32, #tpu.memory_space<hbm>> -> memref<16384x768xf32, #tpu.memory_space<hbm>>
    tpu.wait_indirect_dma semaphore(%arg19 : memref<!tpu.dma_semaphore, #tpu.memory_space<semaphore_mem>>) src(%dma_wait3A_34 : memref<16384x768xf32, #tpu.memory_space<hbm>>) dst(%arg16 : memref<32x768xf32, #tpu.memory_space<vmem>>)
    %dma_wait3A_35 = arith.constant 0 : i32
    %dma_wait3A_36 = arith.constant 0 : i32
    %dma_wait3A_37 = tpu.memref_slice %arg2[%dma_wait3A_35, %dma_wait3A_36] : memref<16384x768xf32, #tpu.memory_space<hbm>> -> memref<16384x768xf32, #tpu.memory_space<hbm>>
    tpu.wait_indirect_dma semaphore(%arg19 : memref<!tpu.dma_semaphore, #tpu.memory_space<semaphore_mem>>) src(%dma_wait3A_37 : memref<16384x768xf32, #tpu.memory_space<hbm>>) dst(%arg17 : memref<32x768xf32, #tpu.memory_space<vmem>>)
    %scan3A_38 = arith.constant 0 : i32
    %scan3A_39 = arith.constant 0 : i32
    %scan3A_40 = arith.constant 32 : i32
    %scan3A_41 = arith.addi %scan3A_39, %scan3A_40 : i32
    %scan3A_42 = arith.constant 1 : i32
    scf.for %scan3A_58 = %scan3A_39 to %scan3A_41 step %scan3A_42  : i32 {
      %broadcast_in_dim3A = vector.broadcast %scan3A_58 : i32 to vector<16xi32>
      %add3A_59 = arith.constant 32 : i32
      %add3A_60 = vector.broadcast %add3A_59 : i32 to vector<16xi32>
      %add3A_61 = arith.addi %add3A_60, %broadcast_in_dim3A : vector<16xi32>
      %gather3A = tpu.vector_load_idx %arg12[%add3A_61] : memref<64xf32, #tpu.memory_space<vmem>>[vector<16xi32>], vector<16xf32>,
      %add3A_62 = arith.constant 32 : i32
      %add3A_63 = vector.broadcast %add3A_62 : i32 to vector<16xi32>
      %add3A_64 = arith.addi %add3A_63, %broadcast_in_dim3A : vector<16xi32>
      %gather3A_65 = tpu.vector_load_idx %arg13[%add3A_64] : memref<64xf32, #tpu.memory_space<vmem>>[vector<16xi32>], vector<16xf32>,
      %get3A = arith.index_cast %scan3A_58 : i32 to index
      %get3A_66 = arith.constant 0 : index
      %get3A_67 = tpu.vector_load %arg16[%get3A, %get3A_66] {strides = array<i32>} : memref<32x768xf32, #tpu.memory_space<vmem>>, vector<16xf32>,
      %get3A_68 = arith.index_cast %scan3A_58 : i32 to index
      %get3A_69 = arith.constant 0 : index
      %get3A_70 = tpu.vector_load %arg17[%get3A_68, %get3A_69] {strides = array<i32>} : memref<32x768xf32, #tpu.memory_space<vmem>>, vector<16xf32>,
      %mul3A_71 = arith.mulf %gather3A, %get3A_67 : vector<16xf32>
      %mul3A_72 = arith.mulf %gather3A_65, %get3A_70 : vector<16xf32>
      %add3A_73 = arith.addf %mul3A_71, %mul3A_72 : vector<16xf32>
      %swap3A = arith.index_cast %scan3A_58 : i32 to index
      %swap3A_74 = arith.constant 0 : index
      %swap3A_75 = tpu.vector_load %arg16[%swap3A, %swap3A_74] {strides = array<i32>} : memref<32x768xf32, #tpu.memory_space<vmem>>, vector<16xf32>,
      tpu.vector_store %arg16[%swap3A, %swap3A_74], %add3A_73 {strides = array<i32>} : memref<32x768xf32, #tpu.memory_space<vmem>>, vector<16xf32>,
      %get3A_76 = arith.index_cast %scan3A_58 : i32 to index
      %get3A_77 = arith.constant 16 : index
      %get3A_78 = tpu.vector_load %arg16[%get3A_76, %get3A_77] {strides = array<i32>} : memref<32x768xf32, #tpu.memory_space<vmem>>, vector<16xf32>,
      %get3A_79 = arith.index_cast %scan3A_58 : i32 to index
      %get3A_80 = arith.constant 16 : index
      %get3A_81 = tpu.vector_load %arg17[%get3A_79, %get3A_80] {strides = array<i32>} : memref<32x768xf32, #tpu.memory_space<vmem>>, vector<16xf32>,
      %mul3A_82 = arith.mulf %gather3A, %get3A_78 : vector<16xf32>
      %mul3A_83 = arith.mulf %gather3A_65, %get3A_81 : vector<16xf32>
      %add3A_84 = arith.addf %mul3A_82, %mul3A_83 : vector<16xf32>
      %swap3A_85 = arith.index_cast %scan3A_58 : i32 to index
      %swap3A_86 = arith.constant 16 : index
      %swap3A_87 = tpu.vector_load %arg16[%swap3A_85, %swap3A_86] {strides = array<i32>} : memref<32x768xf32, #tpu.memory_space<vmem>>, vector<16xf32>,
      tpu.vector_store %arg16[%swap3A_85, %swap3A_86], %add3A_84 {strides = array<i32>} : memref<32x768xf32, #tpu.memory_space<vmem>>, vector<16xf32>,
      %get3A_88 = arith.index_cast %scan3A_58 : i32 to index
      %get3A_89 = arith.constant 32 : index
      %get3A_90 = tpu.vector_load %arg16[%get3A_88, %get3A_89] {strides = array<i32>} : memref<32x768xf32, #tpu.memory_space<vmem>>, vector<16xf32>,
      %get3A_91 = arith.index_cast %scan3A_58 : i32 to index
      %get3A_92 = arith.constant 32 : index
      %get3A_93 = tpu.vector_load %arg17[%get3A_91, %get3A_92] {strides = array<i32>} : memref<32x768xf32, #tpu.memory_space<vmem>>, vector<16xf32>,
      %mul3A_94 = arith.mulf %gather3A, %get3A_90 : vector<16xf32>
      %mul3A_95 = arith.mulf %gather3A_65, %get3A_93 : vector<16xf32>
      %add3A_96 = arith.addf %mul3A_94, %mul3A_95 : vector<16xf32>
      %swap3A_97 = arith.index_cast %scan3A_58 : i32 to index
      %swap3A_98 = arith.constant 32 : index
      %swap3A_99 = tpu.vector_load %arg16[%swap3A_97, %swap3A_98] {strides = array<i32>} : memref<32x768xf32, #tpu.memory_space<vmem>>, vector<16xf32>,
      tpu.vector_store %arg16[%swap3A_97, %swap3A_98], %add3A_96 {strides = array<i32>} : memref<32x768xf32, #tpu.memory_space<vmem>>, vector<16xf32>,
      %get3A_100 = arith.index_cast %scan3A_58 : i32 to index
      %get3A_101 = arith.constant 48 : index
      %get3A_102 = tpu.vector_load %arg16[%get3A_100, %get3A_101] {strides = array<i32>} : memref<32x768xf32, #tpu.memory_space<vmem>>, vector<16xf32>,
      %get3A_103 = arith.index_cast %scan3A_58 : i32 to index
      %get3A_104 = arith.constant 48 : index
      %get3A_105 = tpu.vector_load %arg17[%get3A_103, %get3A_104] {strides = array<i32>} : memref<32x768xf32, #tpu.memory_space<vmem>>, vector<16xf32>,
      %mul3A_106 = arith.mulf %gather3A, %get3A_102 : vector<16xf32>
      %mul3A_107 = arith.mulf %gather3A_65, %get3A_105 : vector<16xf32>
      %add3A_108 = arith.addf %mul3A_106, %mul3A_107 : vector<16xf32>
      %swap3A_109 = arith.index_cast %scan3A_58 : i32 to index
      %swap3A_110 = arith.constant 48 : index
      %swap3A_111 = tpu.vector_load %arg16[%swap3A_109, %swap3A_110] {strides = array<i32>} : memref<32x768xf32, #tpu.memory_space<vmem>>, vector<16xf32>,
      tpu.vector_store %arg16[%swap3A_109, %swap3A_110], %add3A_108 {strides = array<i32>} : memref<32x768xf32, #tpu.memory_space<vmem>>, vector<16xf32>,
      %get3A_112 = arith.index_cast %scan3A_58 : i32 to index
      %get3A_113 = arith.constant 64 : index
      %get3A_114 = tpu.vector_load %arg16[%get3A_112, %get3A_113] {strides = array<i32>} : memref<32x768xf32, #tpu.memory_space<vmem>>, vector<16xf32>,
      %get3A_115 = arith.index_cast %scan3A_58 : i32 to index
      %get3A_116 = arith.constant 64 : index
      %get3A_117 = tpu.vector_load %arg17[%get3A_115, %get3A_116] {strides = array<i32>} : memref<32x768xf32, #tpu.memory_space<vmem>>, vector<16xf32>,
      %mul3A_118 = arith.mulf %gather3A, %get3A_114 : vector<16xf32>
      %mul3A_119 = arith.mulf %gather3A_65, %get3A_117 : vector<16xf32>
      %add3A_120 = arith.addf %mul3A_118, %mul3A_119 : vector<16xf32>
      %swap3A_121 = arith.index_cast %scan3A_58 : i32 to index
      %swap3A_122 = arith.constant 64 : index
      %swap3A_123 = tpu.vector_load %arg16[%swap3A_121, %swap3A_122] {strides = array<i32>} : memref<32x768xf32, #tpu.memory_space<vmem>>, vector<16xf32>,
      tpu.vector_store %arg16[%swap3A_121, %swap3A_122], %add3A_120 {strides = array<i32>} : memref<32x768xf32, #tpu.memory_space<vmem>>, vector<16xf32>,
      %get3A_124 = arith.index_cast %scan3A_58 : i32 to index
      %get3A_125 = arith.constant 80 : index
      %get3A_126 = tpu.vector_load %arg16[%get3A_124, %get3A_125] {strides = array<i32>} : memref<32x768xf32, #tpu.memory_space<vmem>>, vector<16xf32>,
      %get3A_127 = arith.index_cast %scan3A_58 : i32 to index
      %get3A_128 = arith.constant 80 : index
      %get3A_129 = tpu.vector_load %arg17[%get3A_127, %get3A_128] {strides = array<i32>} : memref<32x768xf32, #tpu.memory_space<vmem>>, vector<16xf32>,
      %mul3A_130 = arith.mulf %gather3A, %get3A_126 : vector<16xf32>
      %mul3A_131 = arith.mulf %gather3A_65, %get3A_129 : vector<16xf32>
      %add3A_132 = arith.addf %mul3A_130, %mul3A_131 : vector<16xf32>
      %swap3A_133 = arith.index_cast %scan3A_58 : i32 to index
      %swap3A_134 = arith.constant 80 : index
      %swap3A_135 = tpu.vector_load %arg16[%swap3A_133, %swap3A_134] {strides = array<i32>} : memref<32x768xf32, #tpu.memory_space<vmem>>, vector<16xf32>,
      tpu.vector_store %arg16[%swap3A_133, %swap3A_134], %add3A_132 {strides = array<i32>} : memref<32x768xf32, #tpu.memory_space<vmem>>, vector<16xf32>,
      %get3A_136 = arith.index_cast %scan3A_58 : i32 to index
      %get3A_137 = arith.constant 96 : index
      %get3A_138 = tpu.vector_load %arg16[%get3A_136, %get3A_137] {strides = array<i32>} : memref<32x768xf32, #tpu.memory_space<vmem>>, vector<16xf32>,
      %get3A_139 = arith.index_cast %scan3A_58 : i32 to index
      %get3A_140 = arith.constant 96 : index
      %get3A_141 = tpu.vector_load %arg17[%get3A_139, %get3A_140] {strides = array<i32>} : memref<32x768xf32, #tpu.memory_space<vmem>>, vector<16xf32>,
      %mul3A_142 = arith.mulf %gather3A, %get3A_138 : vector<16xf32>
      %mul3A_143 = arith.mulf %gather3A_65, %get3A_141 : vector<16xf32>
      %add3A_144 = arith.addf %mul3A_142, %mul3A_143 : vector<16xf32>
      %swap3A_145 = arith.index_cast %scan3A_58 : i32 to index
      %swap3A_146 = arith.constant 96 : index
      %swap3A_147 = tpu.vector_load %arg16[%swap3A_145, %swap3A_146] {strides = array<i32>} : memref<32x768xf32, #tpu.memory_space<vmem>>, vector<16xf32>,
      tpu.vector_store %arg16[%swap3A_145, %swap3A_146], %add3A_144 {strides = array<i32>} : memref<32x768xf32, #tpu.memory_space<vmem>>, vector<16xf32>,
      %get3A_148 = arith.index_cast %scan3A_58 : i32 to index
      %get3A_149 = arith.constant 112 : index
      %get3A_150 = tpu.vector_load %arg16[%get3A_148, %get3A_149] {strides = array<i32>} : memref<32x768xf32, #tpu.memory_space<vmem>>, vector<16xf32>,
      %get3A_151 = arith.index_cast %scan3A_58 : i32 to index
      %get3A_152 = arith.constant 112 : index
      %get3A_153 = tpu.vector_load %arg17[%get3A_151, %get3A_152] {strides = array<i32>} : memref<32x768xf32, #tpu.memory_space<vmem>>, vector<16xf32>,
      %mul3A_154 = arith.mulf %gather3A, %get3A_150 : vector<16xf32>
      %mul3A_155 = arith.mulf %gather3A_65, %get3A_153 : vector<16xf32>
      %add3A_156 = arith.addf %mul3A_154, %mul3A_155 : vector<16xf32>
      %swap3A_157 = arith.index_cast %scan3A_58 : i32 to index
      %swap3A_158 = arith.constant 112 : index
      %swap3A_159 = tpu.vector_load %arg16[%swap3A_157, %swap3A_158] {strides = array<i32>} : memref<32x768xf32, #tpu.memory_space<vmem>>, vector<16xf32>,
      tpu.vector_store %arg16[%swap3A_157, %swap3A_158], %add3A_156 {strides = array<i32>} : memref<32x768xf32, #tpu.memory_space<vmem>>, vector<16xf32>,
      %get3A_160 = arith.index_cast %scan3A_58 : i32 to index
      %get3A_161 = arith.constant 128 : index
      %get3A_162 = tpu.vector_load %arg16[%get3A_160, %get3A_161] {strides = array<i32>} : memref<32x768xf32, #tpu.memory_space<vmem>>, vector<16xf32>,
      %get3A_163 = arith.index_cast %scan3A_58 : i32 to index
      %get3A_164 = arith.constant 128 : index
      %get3A_165 = tpu.vector_load %arg17[%get3A_163, %get3A_164] {strides = array<i32>} : memref<32x768xf32, #tpu.memory_space<vmem>>, vector<16xf32>,
      %mul3A_166 = arith.mulf %gather3A, %get3A_162 : vector<16xf32>
      %mul3A_167 = arith.mulf %gather3A_65, %get3A_165 : vector<16xf32>
      %add3A_168 = arith.addf %mul3A_166, %mul3A_167 : vector<16xf32>
      %swap3A_169 = arith.index_cast %scan3A_58 : i32 to index
      %swap3A_170 = arith.constant 128 : index
      %swap3A_171 = tpu.vector_load %arg16[%swap3A_169, %swap3A_170] {strides = array<i32>} : memref<32x768xf32, #tpu.memory_space<vmem>>, vector<16xf32>,
      tpu.vector_store %arg16[%swap3A_169, %swap3A_170], %add3A_168 {strides = array<i32>} : memref<32x768xf32, #tpu.memory_space<vmem>>, vector<16xf32>,
      %get3A_172 = arith.index_cast %scan3A_58 : i32 to index
      %get3A_173 = arith.constant 144 : index
      %get3A_174 = tpu.vector_load %arg16[%get3A_172, %get3A_173] {strides = array<i32>} : memref<32x768xf32, #tpu.memory_space<vmem>>, vector<16xf32>,
      %get3A_175 = arith.index_cast %scan3A_58 : i32 to index
      %get3A_176 = arith.constant 144 : index
      %get3A_177 = tpu.vector_load %arg17[%get3A_175, %get3A_176] {strides = array<i32>} : memref<32x768xf32, #tpu.memory_space<vmem>>, vector<16xf32>,
      %mul3A_178 = arith.mulf %gather3A, %get3A_174 : vector<16xf32>
      %mul3A_179 = arith.mulf %gather3A_65, %get3A_177 : vector<16xf32>
      %add3A_180 = arith.addf %mul3A_178, %mul3A_179 : vector<16xf32>
      %swap3A_181 = arith.index_cast %scan3A_58 : i32 to index
      %swap3A_182 = arith.constant 144 : index
      %swap3A_183 = tpu.vector_load %arg16[%swap3A_181, %swap3A_182] {strides = array<i32>} : memref<32x768xf32, #tpu.memory_space<vmem>>, vector<16xf32>,
      tpu.vector_store %arg16[%swap3A_181, %swap3A_182], %add3A_180 {strides = array<i32>} : memref<32x768xf32, #tpu.memory_space<vmem>>, vector<16xf32>,
      %get3A_184 = arith.index_cast %scan3A_58 : i32 to index
      %get3A_185 = arith.constant 160 : index
      %get3A_186 = tpu.vector_load %arg16[%get3A_184, %get3A_185] {strides = array<i32>} : memref<32x768xf32, #tpu.memory_space<vmem>>, vector<16xf32>,
      %get3A_187 = arith.index_cast %scan3A_58 : i32 to index
      %get3A_188 = arith.constant 160 : index
      %get3A_189 = tpu.vector_load %arg17[%get3A_187, %get3A_188] {strides = array<i32>} : memref<32x768xf32, #tpu.memory_space<vmem>>, vector<16xf32>,
      %mul3A_190 = arith.mulf %gather3A, %get3A_186 : vector<16xf32>
      %mul3A_191 = arith.mulf %gather3A_65, %get3A_189 : vector<16xf32>
      %add3A_192 = arith.addf %mul3A_190, %mul3A_191 : vector<16xf32>
      %swap3A_193 = arith.index_cast %scan3A_58 : i32 to index
      %swap3A_194 = arith.constant 160 : index
      %swap3A_195 = tpu.vector_load %arg16[%swap3A_193, %swap3A_194] {strides = array<i32>} : memref<32x768xf32, #tpu.memory_space<vmem>>, vector<16xf32>,
      tpu.vector_store %arg16[%swap3A_193, %swap3A_194], %add3A_192 {strides = array<i32>} : memref<32x768xf32, #tpu.memory_space<vmem>>, vector<16xf32>,
      %get3A_196 = arith.index_cast %scan3A_58 : i32 to index
      %get3A_197 = arith.constant 176 : index
      %get3A_198 = tpu.vector_load %arg16[%get3A_196, %get3A_197] {strides = array<i32>} : memref<32x768xf32, #tpu.memory_space<vmem>>, vector<16xf32>,
      %get3A_199 = arith.index_cast %scan3A_58 : i32 to index
      %get3A_200 = arith.constant 176 : index
      %get3A_201 = tpu.vector_load %arg17[%get3A_199, %get3A_200] {strides = array<i32>} : memref<32x768xf32, #tpu.memory_space<vmem>>, vector<16xf32>,
      %mul3A_202 = arith.mulf %gather3A, %get3A_198 : vector<16xf32>
      %mul3A_203 = arith.mulf %gather3A_65, %get3A_201 : vector<16xf32>
      %add3A_204 = arith.addf %mul3A_202, %mul3A_203 : vector<16xf32>
      %swap3A_205 = arith.index_cast %scan3A_58 : i32 to index
      %swap3A_206 = arith.constant 176 : index
      %swap3A_207 = tpu.vector_load %arg16[%swap3A_205, %swap3A_206] {strides = array<i32>} : memref<32x768xf32, #tpu.memory_space<vmem>>, vector<16xf32>,
      tpu.vector_store %arg16[%swap3A_205, %swap3A_206], %add3A_204 {strides = array<i32>} : memref<32x768xf32, #tpu.memory_space<vmem>>, vector<16xf32>,
      %get3A_208 = arith.index_cast %scan3A_58 : i32 to index
      %get3A_209 = arith.constant 192 : index
      %get3A_210 = tpu.vector_load %arg16[%get3A_208, %get3A_209] {strides = array<i32>} : memref<32x768xf32, #tpu.memory_space<vmem>>, vector<16xf32>,
      %get3A_211 = arith.index_cast %scan3A_58 : i32 to index
      %get3A_212 = arith.constant 192 : index
      %get3A_213 = tpu.vector_load %arg17[%get3A_211, %get3A_212] {strides = array<i32>} : memref<32x768xf32, #tpu.memory_space<vmem>>, vector<16xf32>,
      %mul3A_214 = arith.mulf %gather3A, %get3A_210 : vector<16xf32>
      %mul3A_215 = arith.mulf %gather3A_65, %get3A_213 : vector<16xf32>
      %add3A_216 = arith.addf %mul3A_214, %mul3A_215 : vector<16xf32>
      %swap3A_217 = arith.index_cast %scan3A_58 : i32 to index
      %swap3A_218 = arith.constant 192 : index
      %swap3A_219 = tpu.vector_load %arg16[%swap3A_217, %swap3A_218] {strides = array<i32>} : memref<32x768xf32, #tpu.memory_space<vmem>>, vector<16xf32>,
      tpu.vector_store %arg16[%swap3A_217, %swap3A_218], %add3A_216 {strides = array<i32>} : memref<32x768xf32, #tpu.memory_space<vmem>>, vector<16xf32>,
      %get3A_220 = arith.index_cast %scan3A_58 : i32 to index
      %get3A_221 = arith.constant 208 : index
      %get3A_222 = tpu.vector_load %arg16[%get3A_220, %get3A_221] {strides = array<i32>} : memref<32x768xf32, #tpu.memory_space<vmem>>, vector<16xf32>,
      %get3A_223 = arith.index_cast %scan3A_58 : i32 to index
      %get3A_224 = arith.constant 208 : index
      %get3A_225 = tpu.vector_load %arg17[%get3A_223, %get3A_224] {strides = array<i32>} : memref<32x768xf32, #tpu.memory_space<vmem>>, vector<16xf32>,
      %mul3A_226 = arith.mulf %gather3A, %get3A_222 : vector<16xf32>
      %mul3A_227 = arith.mulf %gather3A_65, %get3A_225 : vector<16xf32>
      %add3A_228 = arith.addf %mul3A_226, %mul3A_227 : vector<16xf32>
      %swap3A_229 = arith.index_cast %scan3A_58 : i32 to index
      %swap3A_230 = arith.constant 208 : index
      %swap3A_231 = tpu.vector_load %arg16[%swap3A_229, %swap3A_230] {strides = array<i32>} : memref<32x768xf32, #tpu.memory_space<vmem>>, vector<16xf32>,
      tpu.vector_store %arg16[%swap3A_229, %swap3A_230], %add3A_228 {strides = array<i32>} : memref<32x768xf32, #tpu.memory_space<vmem>>, vector<16xf32>,
      %get3A_232 = arith.index_cast %scan3A_58 : i32 to index
      %get3A_233 = arith.constant 224 : index
      %get3A_234 = tpu.vector_load %arg16[%get3A_232, %get3A_233] {strides = array<i32>} : memref<32x768xf32, #tpu.memory_space<vmem>>, vector<16xf32>,
      %get3A_235 = arith.index_cast %scan3A_58 : i32 to index
      %get3A_236 = arith.constant 224 : index
      %get3A_237 = tpu.vector_load %arg17[%get3A_235, %get3A_236] {strides = array<i32>} : memref<32x768xf32, #tpu.memory_space<vmem>>, vector<16xf32>,
      %mul3A_238 = arith.mulf %gather3A, %get3A_234 : vector<16xf32>
      %mul3A_239 = arith.mulf %gather3A_65, %get3A_237 : vector<16xf32>
      %add3A_240 = arith.addf %mul3A_238, %mul3A_239 : vector<16xf32>
      %swap3A_241 = arith.index_cast %scan3A_58 : i32 to index
      %swap3A_242 = arith.constant 224 : index
      %swap3A_243 = tpu.vector_load %arg16[%swap3A_241, %swap3A_242] {strides = array<i32>} : memref<32x768xf32, #tpu.memory_space<vmem>>, vector<16xf32>,
      tpu.vector_store %arg16[%swap3A_241, %swap3A_242], %add3A_240 {strides = array<i32>} : memref<32x768xf32, #tpu.memory_space<vmem>>, vector<16xf32>,
      %get3A_244 = arith.index_cast %scan3A_58 : i32 to index
      %get3A_245 = arith.constant 240 : index
      %get3A_246 = tpu.vector_load %arg16[%get3A_244, %get3A_245] {strides = array<i32>} : memref<32x768xf32, #tpu.memory_space<vmem>>, vector<16xf32>,
      %get3A_247 = arith.index_cast %scan3A_58 : i32 to index
      %get3A_248 = arith.constant 240 : index
      %get3A_249 = tpu.vector_load %arg17[%get3A_247, %get3A_248] {strides = array<i32>} : memref<32x768xf32, #tpu.memory_space<vmem>>, vector<16xf32>,
      %mul3A_250 = arith.mulf %gather3A, %get3A_246 : vector<16xf32>
      %mul3A_251 = arith.mulf %gather3A_65, %get3A_249 : vector<16xf32>
      %add3A_252 = arith.addf %mul3A_250, %mul3A_251 : vector<16xf32>
      %swap3A_253 = arith.index_cast %scan3A_58 : i32 to index
      %swap3A_254 = arith.constant 240 : index
      %swap3A_255 = tpu.vector_load %arg16[%swap3A_253, %swap3A_254] {strides = array<i32>} : memref<32x768xf32, #tpu.memory_space<vmem>>, vector<16xf32>,
      tpu.vector_store %arg16[%swap3A_253, %swap3A_254], %add3A_252 {strides = array<i32>} : memref<32x768xf32, #tpu.memory_space<vmem>>, vector<16xf32>,
      %get3A_256 = arith.index_cast %scan3A_58 : i32 to index
      %get3A_257 = arith.constant 256 : index
      %get3A_258 = tpu.vector_load %arg16[%get3A_256, %get3A_257] {strides = array<i32>} : memref<32x768xf32, #tpu.memory_space<vmem>>, vector<16xf32>,
      %get3A_259 = arith.index_cast %scan3A_58 : i32 to index
      %get3A_260 = arith.constant 256 : index
      %get3A_261 = tpu.vector_load %arg17[%get3A_259, %get3A_260] {strides = array<i32>} : memref<32x768xf32, #tpu.memory_space<vmem>>, vector<16xf32>,
      %mul3A_262 = arith.mulf %gather3A, %get3A_258 : vector<16xf32>
      %mul3A_263 = arith.mulf %gather3A_65, %get3A_261 : vector<16xf32>
      %add3A_264 = arith.addf %mul3A_262, %mul3A_263 : vector<16xf32>
      %swap3A_265 = arith.index_cast %scan3A_58 : i32 to index
      %swap3A_266 = arith.constant 256 : index
      %swap3A_267 = tpu.vector_load %arg16[%swap3A_265, %swap3A_266] {strides = array<i32>} : memref<32x768xf32, #tpu.memory_space<vmem>>, vector<16xf32>,
      tpu.vector_store %arg16[%swap3A_265, %swap3A_266], %add3A_264 {strides = array<i32>} : memref<32x768xf32, #tpu.memory_space<vmem>>, vector<16xf32>,
      %get3A_268 = arith.index_cast %scan3A_58 : i32 to index
      %get3A_269 = arith.constant 272 : index
      %get3A_270 = tpu.vector_load %arg16[%get3A_268, %get3A_269] {strides = array<i32>} : memref<32x768xf32, #tpu.memory_space<vmem>>, vector<16xf32>,
      %get3A_271 = arith.index_cast %scan3A_58 : i32 to index
      %get3A_272 = arith.constant 272 : index
      %get3A_273 = tpu.vector_load %arg17[%get3A_271, %get3A_272] {strides = array<i32>} : memref<32x768xf32, #tpu.memory_space<vmem>>, vector<16xf32>,
      %mul3A_274 = arith.mulf %gather3A, %get3A_270 : vector<16xf32>
      %mul3A_275 = arith.mulf %gather3A_65, %get3A_273 : vector<16xf32>
      %add3A_276 = arith.addf %mul3A_274, %mul3A_275 : vector<16xf32>
      %swap3A_277 = arith.index_cast %scan3A_58 : i32 to index
      %swap3A_278 = arith.constant 272 : index
      %swap3A_279 = tpu.vector_load %arg16[%swap3A_277, %swap3A_278] {strides = array<i32>} : memref<32x768xf32, #tpu.memory_space<vmem>>, vector<16xf32>,
      tpu.vector_store %arg16[%swap3A_277, %swap3A_278], %add3A_276 {strides = array<i32>} : memref<32x768xf32, #tpu.memory_space<vmem>>, vector<16xf32>,
      %get3A_280 = arith.index_cast %scan3A_58 : i32 to index
      %get3A_281 = arith.constant 288 : index
      %get3A_282 = tpu.vector_load %arg16[%get3A_280, %get3A_281] {strides = array<i32>} : memref<32x768xf32, #tpu.memory_space<vmem>>, vector<16xf32>,
      %get3A_283 = arith.index_cast %scan3A_58 : i32 to index
      %get3A_284 = arith.constant 288 : index
      %get3A_285 = tpu.vector_load %arg17[%get3A_283, %get3A_284] {strides = array<i32>} : memref<32x768xf32, #tpu.memory_space<vmem>>, vector<16xf32>,
      %mul3A_286 = arith.mulf %gather3A, %get3A_282 : vector<16xf32>
      %mul3A_287 = arith.mulf %gather3A_65, %get3A_285 : vector<16xf32>
      %add3A_288 = arith.addf %mul3A_286, %mul3A_287 : vector<16xf32>
      %swap3A_289 = arith.index_cast %scan3A_58 : i32 to index
      %swap3A_290 = arith.constant 288 : index
      %swap3A_291 = tpu.vector_load %arg16[%swap3A_289, %swap3A_290] {strides = array<i32>} : memref<32x768xf32, #tpu.memory_space<vmem>>, vector<16xf32>,
      tpu.vector_store %arg16[%swap3A_289, %swap3A_290], %add3A_288 {strides = array<i32>} : memref<32x768xf32, #tpu.memory_space<vmem>>, vector<16xf32>,
      %get3A_292 = arith.index_cast %scan3A_58 : i32 to index
      %get3A_293 = arith.constant 304 : index
      %get3A_294 = tpu.vector_load %arg16[%get3A_292, %get3A_293] {strides = array<i32>} : memref<32x768xf32, #tpu.memory_space<vmem>>, vector<16xf32>,
      %get3A_295 = arith.index_cast %scan3A_58 : i32 to index
      %get3A_296 = arith.constant 304 : index
      %get3A_297 = tpu.vector_load %arg17[%get3A_295, %get3A_296] {strides = array<i32>} : memref<32x768xf32, #tpu.memory_space<vmem>>, vector<16xf32>,
      %mul3A_298 = arith.mulf %gather3A, %get3A_294 : vector<16xf32>
      %mul3A_299 = arith.mulf %gather3A_65, %get3A_297 : vector<16xf32>
      %add3A_300 = arith.addf %mul3A_298, %mul3A_299 : vector<16xf32>
      %swap3A_301 = arith.index_cast %scan3A_58 : i32 to index
      %swap3A_302 = arith.constant 304 : index
      %swap3A_303 = tpu.vector_load %arg16[%swap3A_301, %swap3A_302] {strides = array<i32>} : memref<32x768xf32, #tpu.memory_space<vmem>>, vector<16xf32>,
      tpu.vector_store %arg16[%swap3A_301, %swap3A_302], %add3A_300 {strides = array<i32>} : memref<32x768xf32, #tpu.memory_space<vmem>>, vector<16xf32>,
      %get3A_304 = arith.index_cast %scan3A_58 : i32 to index
      %get3A_305 = arith.constant 320 : index
      %get3A_306 = tpu.vector_load %arg16[%get3A_304, %get3A_305] {strides = array<i32>} : memref<32x768xf32, #tpu.memory_space<vmem>>, vector<16xf32>,
      %get3A_307 = arith.index_cast %scan3A_58 : i32 to index
      %get3A_308 = arith.constant 320 : index
      %get3A_309 = tpu.vector_load %arg17[%get3A_307, %get3A_308] {strides = array<i32>} : memref<32x768xf32, #tpu.memory_space<vmem>>, vector<16xf32>,
      %mul3A_310 = arith.mulf %gather3A, %get3A_306 : vector<16xf32>
      %mul3A_311 = arith.mulf %gather3A_65, %get3A_309 : vector<16xf32>
      %add3A_312 = arith.addf %mul3A_310, %mul3A_311 : vector<16xf32>
      %swap3A_313 = arith.index_cast %scan3A_58 : i32 to index
      %swap3A_314 = arith.constant 320 : index
      %swap3A_315 = tpu.vector_load %arg16[%swap3A_313, %swap3A_314] {strides = array<i32>} : memref<32x768xf32, #tpu.memory_space<vmem>>, vector<16xf32>,
      tpu.vector_store %arg16[%swap3A_313, %swap3A_314], %add3A_312 {strides = array<i32>} : memref<32x768xf32, #tpu.memory_space<vmem>>, vector<16xf32>,
      %get3A_316 = arith.index_cast %scan3A_58 : i32 to index
      %get3A_317 = arith.constant 336 : index
      %get3A_318 = tpu.vector_load %arg16[%get3A_316, %get3A_317] {strides = array<i32>} : memref<32x768xf32, #tpu.memory_space<vmem>>, vector<16xf32>,
      %get3A_319 = arith.index_cast %scan3A_58 : i32 to index
      %get3A_320 = arith.constant 336 : index
      %get3A_321 = tpu.vector_load %arg17[%get3A_319, %get3A_320] {strides = array<i32>} : memref<32x768xf32, #tpu.memory_space<vmem>>, vector<16xf32>,
      %mul3A_322 = arith.mulf %gather3A, %get3A_318 : vector<16xf32>
      %mul3A_323 = arith.mulf %gather3A_65, %get3A_321 : vector<16xf32>
      %add3A_324 = arith.addf %mul3A_322, %mul3A_323 : vector<16xf32>
      %swap3A_325 = arith.index_cast %scan3A_58 : i32 to index
      %swap3A_326 = arith.constant 336 : index
      %swap3A_327 = tpu.vector_load %arg16[%swap3A_325, %swap3A_326] {strides = array<i32>} : memref<32x768xf32, #tpu.memory_space<vmem>>, vector<16xf32>,
      tpu.vector_store %arg16[%swap3A_325, %swap3A_326], %add3A_324 {strides = array<i32>} : memref<32x768xf32, #tpu.memory_space<vmem>>, vector<16xf32>,
      %get3A_328 = arith.index_cast %scan3A_58 : i32 to index
      %get3A_329 = arith.constant 352 : index
      %get3A_330 = tpu.vector_load %arg16[%get3A_328, %get3A_329] {strides = array<i32>} : memref<32x768xf32, #tpu.memory_space<vmem>>, vector<16xf32>,
      %get3A_331 = arith.index_cast %scan3A_58 : i32 to index
      %get3A_332 = arith.constant 352 : index
      %get3A_333 = tpu.vector_load %arg17[%get3A_331, %get3A_332] {strides = array<i32>} : memref<32x768xf32, #tpu.memory_space<vmem>>, vector<16xf32>,
      %mul3A_334 = arith.mulf %gather3A, %get3A_330 : vector<16xf32>
      %mul3A_335 = arith.mulf %gather3A_65, %get3A_333 : vector<16xf32>
      %add3A_336 = arith.addf %mul3A_334, %mul3A_335 : vector<16xf32>
      %swap3A_337 = arith.index_cast %scan3A_58 : i32 to index
      %swap3A_338 = arith.constant 352 : index
      %swap3A_339 = tpu.vector_load %arg16[%swap3A_337, %swap3A_338] {strides = array<i32>} : memref<32x768xf32, #tpu.memory_space<vmem>>, vector<16xf32>,
      tpu.vector_store %arg16[%swap3A_337, %swap3A_338], %add3A_336 {strides = array<i32>} : memref<32x768xf32, #tpu.memory_space<vmem>>, vector<16xf32>,
      %get3A_340 = arith.index_cast %scan3A_58 : i32 to index
      %get3A_341 = arith.constant 368 : index
      %get3A_342 = tpu.vector_load %arg16[%get3A_340, %get3A_341] {strides = array<i32>} : memref<32x768xf32, #tpu.memory_space<vmem>>, vector<16xf32>,
      %get3A_343 = arith.index_cast %scan3A_58 : i32 to index
      %get3A_344 = arith.constant 368 : index
      %get3A_345 = tpu.vector_load %arg17[%get3A_343, %get3A_344] {strides = array<i32>} : memref<32x768xf32, #tpu.memory_space<vmem>>, vector<16xf32>,
      %mul3A_346 = arith.mulf %gather3A, %get3A_342 : vector<16xf32>
      %mul3A_347 = arith.mulf %gather3A_65, %get3A_345 : vector<16xf32>
      %add3A_348 = arith.addf %mul3A_346, %mul3A_347 : vector<16xf32>
      %swap3A_349 = arith.index_cast %scan3A_58 : i32 to index
      %swap3A_350 = arith.constant 368 : index
      %swap3A_351 = tpu.vector_load %arg16[%swap3A_349, %swap3A_350] {strides = array<i32>} : memref<32x768xf32, #tpu.memory_space<vmem>>, vector<16xf32>,
      tpu.vector_store %arg16[%swap3A_349, %swap3A_350], %add3A_348 {strides = array<i32>} : memref<32x768xf32, #tpu.memory_space<vmem>>, vector<16xf32>,
      %get3A_352 = arith.index_cast %scan3A_58 : i32 to index
      %get3A_353 = arith.constant 384 : index
      %get3A_354 = tpu.vector_load %arg16[%get3A_352, %get3A_353] {strides = array<i32>} : memref<32x768xf32, #tpu.memory_space<vmem>>, vector<16xf32>,
      %get3A_355 = arith.index_cast %scan3A_58 : i32 to index
      %get3A_356 = arith.constant 384 : index
      %get3A_357 = tpu.vector_load %arg17[%get3A_355, %get3A_356] {strides = array<i32>} : memref<32x768xf32, #tpu.memory_space<vmem>>, vector<16xf32>,
      %mul3A_358 = arith.mulf %gather3A, %get3A_354 : vector<16xf32>
      %mul3A_359 = arith.mulf %gather3A_65, %get3A_357 : vector<16xf32>
      %add3A_360 = arith.addf %mul3A_358, %mul3A_359 : vector<16xf32>
      %swap3A_361 = arith.index_cast %scan3A_58 : i32 to index
      %swap3A_362 = arith.constant 384 : index
      %swap3A_363 = tpu.vector_load %arg16[%swap3A_361, %swap3A_362] {strides = array<i32>} : memref<32x768xf32, #tpu.memory_space<vmem>>, vector<16xf32>,
      tpu.vector_store %arg16[%swap3A_361, %swap3A_362], %add3A_360 {strides = array<i32>} : memref<32x768xf32, #tpu.memory_space<vmem>>, vector<16xf32>,
      %get3A_364 = arith.index_cast %scan3A_58 : i32 to index
      %get3A_365 = arith.constant 400 : index
      %get3A_366 = tpu.vector_load %arg16[%get3A_364, %get3A_365] {strides = array<i32>} : memref<32x768xf32, #tpu.memory_space<vmem>>, vector<16xf32>,
      %get3A_367 = arith.index_cast %scan3A_58 : i32 to index
      %get3A_368 = arith.constant 400 : index
      %get3A_369 = tpu.vector_load %arg17[%get3A_367, %get3A_368] {strides = array<i32>} : memref<32x768xf32, #tpu.memory_space<vmem>>, vector<16xf32>,
      %mul3A_370 = arith.mulf %gather3A, %get3A_366 : vector<16xf32>
      %mul3A_371 = arith.mulf %gather3A_65, %get3A_369 : vector<16xf32>
      %add3A_372 = arith.addf %mul3A_370, %mul3A_371 : vector<16xf32>
      %swap3A_373 = arith.index_cast %scan3A_58 : i32 to index
      %swap3A_374 = arith.constant 400 : index
      %swap3A_375 = tpu.vector_load %arg16[%swap3A_373, %swap3A_374] {strides = array<i32>} : memref<32x768xf32, #tpu.memory_space<vmem>>, vector<16xf32>,
      tpu.vector_store %arg16[%swap3A_373, %swap3A_374], %add3A_372 {strides = array<i32>} : memref<32x768xf32, #tpu.memory_space<vmem>>, vector<16xf32>,
      %get3A_376 = arith.index_cast %scan3A_58 : i32 to index
      %get3A_377 = arith.constant 416 : index
      %get3A_378 = tpu.vector_load %arg16[%get3A_376, %get3A_377] {strides = array<i32>} : memref<32x768xf32, #tpu.memory_space<vmem>>, vector<16xf32>,
      %get3A_379 = arith.index_cast %scan3A_58 : i32 to index
      %get3A_380 = arith.constant 416 : index
      %get3A_381 = tpu.vector_load %arg17[%get3A_379, %get3A_380] {strides = array<i32>} : memref<32x768xf32, #tpu.memory_space<vmem>>, vector<16xf32>,
      %mul3A_382 = arith.mulf %gather3A, %get3A_378 : vector<16xf32>
      %mul3A_383 = arith.mulf %gather3A_65, %get3A_381 : vector<16xf32>
      %add3A_384 = arith.addf %mul3A_382, %mul3A_383 : vector<16xf32>
      %swap3A_385 = arith.index_cast %scan3A_58 : i32 to index
      %swap3A_386 = arith.constant 416 : index
      %swap3A_387 = tpu.vector_load %arg16[%swap3A_385, %swap3A_386] {strides = array<i32>} : memref<32x768xf32, #tpu.memory_space<vmem>>, vector<16xf32>,
      tpu.vector_store %arg16[%swap3A_385, %swap3A_386], %add3A_384 {strides = array<i32>} : memref<32x768xf32, #tpu.memory_space<vmem>>, vector<16xf32>,
      %get3A_388 = arith.index_cast %scan3A_58 : i32 to index
      %get3A_389 = arith.constant 432 : index
      %get3A_390 = tpu.vector_load %arg16[%get3A_388, %get3A_389] {strides = array<i32>} : memref<32x768xf32, #tpu.memory_space<vmem>>, vector<16xf32>,
      %get3A_391 = arith.index_cast %scan3A_58 : i32 to index
      %get3A_392 = arith.constant 432 : index
      %get3A_393 = tpu.vector_load %arg17[%get3A_391, %get3A_392] {strides = array<i32>} : memref<32x768xf32, #tpu.memory_space<vmem>>, vector<16xf32>,
      %mul3A_394 = arith.mulf %gather3A, %get3A_390 : vector<16xf32>
      %mul3A_395 = arith.mulf %gather3A_65, %get3A_393 : vector<16xf32>
      %add3A_396 = arith.addf %mul3A_394, %mul3A_395 : vector<16xf32>
      %swap3A_397 = arith.index_cast %scan3A_58 : i32 to index
      %swap3A_398 = arith.constant 432 : index
      %swap3A_399 = tpu.vector_load %arg16[%swap3A_397, %swap3A_398] {strides = array<i32>} : memref<32x768xf32, #tpu.memory_space<vmem>>, vector<16xf32>,
      tpu.vector_store %arg16[%swap3A_397, %swap3A_398], %add3A_396 {strides = array<i32>} : memref<32x768xf32, #tpu.memory_space<vmem>>, vector<16xf32>,
      %get3A_400 = arith.index_cast %scan3A_58 : i32 to index
      %get3A_401 = arith.constant 448 : index
      %get3A_402 = tpu.vector_load %arg16[%get3A_400, %get3A_401] {strides = array<i32>} : memref<32x768xf32, #tpu.memory_space<vmem>>, vector<16xf32>,
      %get3A_403 = arith.index_cast %scan3A_58 : i32 to index
      %get3A_404 = arith.constant 448 : index
      %get3A_405 = tpu.vector_load %arg17[%get3A_403, %get3A_404] {strides = array<i32>} : memref<32x768xf32, #tpu.memory_space<vmem>>, vector<16xf32>,
      %mul3A_406 = arith.mulf %gather3A, %get3A_402 : vector<16xf32>
      %mul3A_407 = arith.mulf %gather3A_65, %get3A_405 : vector<16xf32>
      %add3A_408 = arith.addf %mul3A_406, %mul3A_407 : vector<16xf32>
      %swap3A_409 = arith.index_cast %scan3A_58 : i32 to index
      %swap3A_410 = arith.constant 448 : index
      %swap3A_411 = tpu.vector_load %arg16[%swap3A_409, %swap3A_410] {strides = array<i32>} : memref<32x768xf32, #tpu.memory_space<vmem>>, vector<16xf32>,
      tpu.vector_store %arg16[%swap3A_409, %swap3A_410], %add3A_408 {strides = array<i32>} : memref<32x768xf32, #tpu.memory_space<vmem>>, vector<16xf32>,
      %get3A_412 = arith.index_cast %scan3A_58 : i32 to index
      %get3A_413 = arith.constant 464 : index
      %get3A_414 = tpu.vector_load %arg16[%get3A_412, %get3A_413] {strides = array<i32>} : memref<32x768xf32, #tpu.memory_space<vmem>>, vector<16xf32>,
      %get3A_415 = arith.index_cast %scan3A_58 : i32 to index
      %get3A_416 = arith.constant 464 : index
      %get3A_417 = tpu.vector_load %arg17[%get3A_415, %get3A_416] {strides = array<i32>} : memref<32x768xf32, #tpu.memory_space<vmem>>, vector<16xf32>,
      %mul3A_418 = arith.mulf %gather3A, %get3A_414 : vector<16xf32>
      %mul3A_419 = arith.mulf %gather3A_65, %get3A_417 : vector<16xf32>
      %add3A_420 = arith.addf %mul3A_418, %mul3A_419 : vector<16xf32>
      %swap3A_421 = arith.index_cast %scan3A_58 : i32 to index
      %swap3A_422 = arith.constant 464 : index
      %swap3A_423 = tpu.vector_load %arg16[%swap3A_421, %swap3A_422] {strides = array<i32>} : memref<32x768xf32, #tpu.memory_space<vmem>>, vector<16xf32>,
      tpu.vector_store %arg16[%swap3A_421, %swap3A_422], %add3A_420 {strides = array<i32>} : memref<32x768xf32, #tpu.memory_space<vmem>>, vector<16xf32>,
      %get3A_424 = arith.index_cast %scan3A_58 : i32 to index
      %get3A_425 = arith.constant 480 : index
      %get3A_426 = tpu.vector_load %arg16[%get3A_424, %get3A_425] {strides = array<i32>} : memref<32x768xf32, #tpu.memory_space<vmem>>, vector<16xf32>,
      %get3A_427 = arith.index_cast %scan3A_58 : i32 to index
      %get3A_428 = arith.constant 480 : index
      %get3A_429 = tpu.vector_load %arg17[%get3A_427, %get3A_428] {strides = array<i32>} : memref<32x768xf32, #tpu.memory_space<vmem>>, vector<16xf32>,
      %mul3A_430 = arith.mulf %gather3A, %get3A_426 : vector<16xf32>
      %mul3A_431 = arith.mulf %gather3A_65, %get3A_429 : vector<16xf32>
      %add3A_432 = arith.addf %mul3A_430, %mul3A_431 : vector<16xf32>
      %swap3A_433 = arith.index_cast %scan3A_58 : i32 to index
      %swap3A_434 = arith.constant 480 : index
      %swap3A_435 = tpu.vector_load %arg16[%swap3A_433, %swap3A_434] {strides = array<i32>} : memref<32x768xf32, #tpu.memory_space<vmem>>, vector<16xf32>,
      tpu.vector_store %arg16[%swap3A_433, %swap3A_434], %add3A_432 {strides = array<i32>} : memref<32x768xf32, #tpu.memory_space<vmem>>, vector<16xf32>,
      %get3A_436 = arith.index_cast %scan3A_58 : i32 to index
      %get3A_437 = arith.constant 496 : index
      %get3A_438 = tpu.vector_load %arg16[%get3A_436, %get3A_437] {strides = array<i32>} : memref<32x768xf32, #tpu.memory_space<vmem>>, vector<16xf32>,
      %get3A_439 = arith.index_cast %scan3A_58 : i32 to index
      %get3A_440 = arith.constant 496 : index
      %get3A_441 = tpu.vector_load %arg17[%get3A_439, %get3A_440] {strides = array<i32>} : memref<32x768xf32, #tpu.memory_space<vmem>>, vector<16xf32>,
      %mul3A_442 = arith.mulf %gather3A, %get3A_438 : vector<16xf32>
      %mul3A_443 = arith.mulf %gather3A_65, %get3A_441 : vector<16xf32>
      %add3A_444 = arith.addf %mul3A_442, %mul3A_443 : vector<16xf32>
      %swap3A_445 = arith.index_cast %scan3A_58 : i32 to index
      %swap3A_446 = arith.constant 496 : index
      %swap3A_447 = tpu.vector_load %arg16[%swap3A_445, %swap3A_446] {strides = array<i32>} : memref<32x768xf32, #tpu.memory_space<vmem>>, vector<16xf32>,
      tpu.vector_store %arg16[%swap3A_445, %swap3A_446], %add3A_444 {strides = array<i32>} : memref<32x768xf32, #tpu.memory_space<vmem>>, vector<16xf32>,
      %get3A_448 = arith.index_cast %scan3A_58 : i32 to index
      %get3A_449 = arith.constant 512 : index
      %get3A_450 = tpu.vector_load %arg16[%get3A_448, %get3A_449] {strides = array<i32>} : memref<32x768xf32, #tpu.memory_space<vmem>>, vector<16xf32>,
      %get3A_451 = arith.index_cast %scan3A_58 : i32 to index
      %get3A_452 = arith.constant 512 : index
      %get3A_453 = tpu.vector_load %arg17[%get3A_451, %get3A_452] {strides = array<i32>} : memref<32x768xf32, #tpu.memory_space<vmem>>, vector<16xf32>,
      %mul3A_454 = arith.mulf %gather3A, %get3A_450 : vector<16xf32>
      %mul3A_455 = arith.mulf %gather3A_65, %get3A_453 : vector<16xf32>
      %add3A_456 = arith.addf %mul3A_454, %mul3A_455 : vector<16xf32>
      %swap3A_457 = arith.index_cast %scan3A_58 : i32 to index
      %swap3A_458 = arith.constant 512 : index
      %swap3A_459 = tpu.vector_load %arg16[%swap3A_457, %swap3A_458] {strides = array<i32>} : memref<32x768xf32, #tpu.memory_space<vmem>>, vector<16xf32>,
      tpu.vector_store %arg16[%swap3A_457, %swap3A_458], %add3A_456 {strides = array<i32>} : memref<32x768xf32, #tpu.memory_space<vmem>>, vector<16xf32>,
      %get3A_460 = arith.index_cast %scan3A_58 : i32 to index
      %get3A_461 = arith.constant 528 : index
      %get3A_462 = tpu.vector_load %arg16[%get3A_460, %get3A_461] {strides = array<i32>} : memref<32x768xf32, #tpu.memory_space<vmem>>, vector<16xf32>,
      %get3A_463 = arith.index_cast %scan3A_58 : i32 to index
      %get3A_464 = arith.constant 528 : index
      %get3A_465 = tpu.vector_load %arg17[%get3A_463, %get3A_464] {strides = array<i32>} : memref<32x768xf32, #tpu.memory_space<vmem>>, vector<16xf32>,
      %mul3A_466 = arith.mulf %gather3A, %get3A_462 : vector<16xf32>
      %mul3A_467 = arith.mulf %gather3A_65, %get3A_465 : vector<16xf32>
      %add3A_468 = arith.addf %mul3A_466, %mul3A_467 : vector<16xf32>
      %swap3A_469 = arith.index_cast %scan3A_58 : i32 to index
      %swap3A_470 = arith.constant 528 : index
      %swap3A_471 = tpu.vector_load %arg16[%swap3A_469, %swap3A_470] {strides = array<i32>} : memref<32x768xf32, #tpu.memory_space<vmem>>, vector<16xf32>,
      tpu.vector_store %arg16[%swap3A_469, %swap3A_470], %add3A_468 {strides = array<i32>} : memref<32x768xf32, #tpu.memory_space<vmem>>, vector<16xf32>,
      %get3A_472 = arith.index_cast %scan3A_58 : i32 to index
      %get3A_473 = arith.constant 544 : index
      %get3A_474 = tpu.vector_load %arg16[%get3A_472, %get3A_473] {strides = array<i32>} : memref<32x768xf32, #tpu.memory_space<vmem>>, vector<16xf32>,
      %get3A_475 = arith.index_cast %scan3A_58 : i32 to index
      %get3A_476 = arith.constant 544 : index
      %get3A_477 = tpu.vector_load %arg17[%get3A_475, %get3A_476] {strides = array<i32>} : memref<32x768xf32, #tpu.memory_space<vmem>>, vector<16xf32>,
      %mul3A_478 = arith.mulf %gather3A, %get3A_474 : vector<16xf32>
      %mul3A_479 = arith.mulf %gather3A_65, %get3A_477 : vector<16xf32>
      %add3A_480 = arith.addf %mul3A_478, %mul3A_479 : vector<16xf32>
      %swap3A_481 = arith.index_cast %scan3A_58 : i32 to index
      %swap3A_482 = arith.constant 544 : index
      %swap3A_483 = tpu.vector_load %arg16[%swap3A_481, %swap3A_482] {strides = array<i32>} : memref<32x768xf32, #tpu.memory_space<vmem>>, vector<16xf32>,
      tpu.vector_store %arg16[%swap3A_481, %swap3A_482], %add3A_480 {strides = array<i32>} : memref<32x768xf32, #tpu.memory_space<vmem>>, vector<16xf32>,
      %get3A_484 = arith.index_cast %scan3A_58 : i32 to index
      %get3A_485 = arith.constant 560 : index
      %get3A_486 = tpu.vector_load %arg16[%get3A_484, %get3A_485] {strides = array<i32>} : memref<32x768xf32, #tpu.memory_space<vmem>>, vector<16xf32>,
      %get3A_487 = arith.index_cast %scan3A_58 : i32 to index
      %get3A_488 = arith.constant 560 : index
      %get3A_489 = tpu.vector_load %arg17[%get3A_487, %get3A_488] {strides = array<i32>} : memref<32x768xf32, #tpu.memory_space<vmem>>, vector<16xf32>,
      %mul3A_490 = arith.mulf %gather3A, %get3A_486 : vector<16xf32>
      %mul3A_491 = arith.mulf %gather3A_65, %get3A_489 : vector<16xf32>
      %add3A_492 = arith.addf %mul3A_490, %mul3A_491 : vector<16xf32>
      %swap3A_493 = arith.index_cast %scan3A_58 : i32 to index
      %swap3A_494 = arith.constant 560 : index
      %swap3A_495 = tpu.vector_load %arg16[%swap3A_493, %swap3A_494] {strides = array<i32>} : memref<32x768xf32, #tpu.memory_space<vmem>>, vector<16xf32>,
      tpu.vector_store %arg16[%swap3A_493, %swap3A_494], %add3A_492 {strides = array<i32>} : memref<32x768xf32, #tpu.memory_space<vmem>>, vector<16xf32>,
      %get3A_496 = arith.index_cast %scan3A_58 : i32 to index
      %get3A_497 = arith.constant 576 : index
      %get3A_498 = tpu.vector_load %arg16[%get3A_496, %get3A_497] {strides = array<i32>} : memref<32x768xf32, #tpu.memory_space<vmem>>, vector<16xf32>,
      %get3A_499 = arith.index_cast %scan3A_58 : i32 to index
      %get3A_500 = arith.constant 576 : index
      %get3A_501 = tpu.vector_load %arg17[%get3A_499, %get3A_500] {strides = array<i32>} : memref<32x768xf32, #tpu.memory_space<vmem>>, vector<16xf32>,
      %mul3A_502 = arith.mulf %gather3A, %get3A_498 : vector<16xf32>
      %mul3A_503 = arith.mulf %gather3A_65, %get3A_501 : vector<16xf32>
      %add3A_504 = arith.addf %mul3A_502, %mul3A_503 : vector<16xf32>
      %swap3A_505 = arith.index_cast %scan3A_58 : i32 to index
      %swap3A_506 = arith.constant 576 : index
      %swap3A_507 = tpu.vector_load %arg16[%swap3A_505, %swap3A_506] {strides = array<i32>} : memref<32x768xf32, #tpu.memory_space<vmem>>, vector<16xf32>,
      tpu.vector_store %arg16[%swap3A_505, %swap3A_506], %add3A_504 {strides = array<i32>} : memref<32x768xf32, #tpu.memory_space<vmem>>, vector<16xf32>,
      %get3A_508 = arith.index_cast %scan3A_58 : i32 to index
      %get3A_509 = arith.constant 592 : index
      %get3A_510 = tpu.vector_load %arg16[%get3A_508, %get3A_509] {strides = array<i32>} : memref<32x768xf32, #tpu.memory_space<vmem>>, vector<16xf32>,
      %get3A_511 = arith.index_cast %scan3A_58 : i32 to index
      %get3A_512 = arith.constant 592 : index
      %get3A_513 = tpu.vector_load %arg17[%get3A_511, %get3A_512] {strides = array<i32>} : memref<32x768xf32, #tpu.memory_space<vmem>>, vector<16xf32>,
      %mul3A_514 = arith.mulf %gather3A, %get3A_510 : vector<16xf32>
      %mul3A_515 = arith.mulf %gather3A_65, %get3A_513 : vector<16xf32>
      %add3A_516 = arith.addf %mul3A_514, %mul3A_515 : vector<16xf32>
      %swap3A_517 = arith.index_cast %scan3A_58 : i32 to index
      %swap3A_518 = arith.constant 592 : index
      %swap3A_519 = tpu.vector_load %arg16[%swap3A_517, %swap3A_518] {strides = array<i32>} : memref<32x768xf32, #tpu.memory_space<vmem>>, vector<16xf32>,
      tpu.vector_store %arg16[%swap3A_517, %swap3A_518], %add3A_516 {strides = array<i32>} : memref<32x768xf32, #tpu.memory_space<vmem>>, vector<16xf32>,
      %get3A_520 = arith.index_cast %scan3A_58 : i32 to index
      %get3A_521 = arith.constant 608 : index
      %get3A_522 = tpu.vector_load %arg16[%get3A_520, %get3A_521] {strides = array<i32>} : memref<32x768xf32, #tpu.memory_space<vmem>>, vector<16xf32>,
      %get3A_523 = arith.index_cast %scan3A_58 : i32 to index
      %get3A_524 = arith.constant 608 : index
      %get3A_525 = tpu.vector_load %arg17[%get3A_523, %get3A_524] {strides = array<i32>} : memref<32x768xf32, #tpu.memory_space<vmem>>, vector<16xf32>,
      %mul3A_526 = arith.mulf %gather3A, %get3A_522 : vector<16xf32>
      %mul3A_527 = arith.mulf %gather3A_65, %get3A_525 : vector<16xf32>
      %add3A_528 = arith.addf %mul3A_526, %mul3A_527 : vector<16xf32>
      %swap3A_529 = arith.index_cast %scan3A_58 : i32 to index
      %swap3A_530 = arith.constant 608 : index
      %swap3A_531 = tpu.vector_load %arg16[%swap3A_529, %swap3A_530] {strides = array<i32>} : memref<32x768xf32, #tpu.memory_space<vmem>>, vector<16xf32>,
      tpu.vector_store %arg16[%swap3A_529, %swap3A_530], %add3A_528 {strides = array<i32>} : memref<32x768xf32, #tpu.memory_space<vmem>>, vector<16xf32>,
      %get3A_532 = arith.index_cast %scan3A_58 : i32 to index
      %get3A_533 = arith.constant 624 : index
      %get3A_534 = tpu.vector_load %arg16[%get3A_532, %get3A_533] {strides = array<i32>} : memref<32x768xf32, #tpu.memory_space<vmem>>, vector<16xf32>,
      %get3A_535 = arith.index_cast %scan3A_58 : i32 to index
      %get3A_536 = arith.constant 624 : index
      %get3A_537 = tpu.vector_load %arg17[%get3A_535, %get3A_536] {strides = array<i32>} : memref<32x768xf32, #tpu.memory_space<vmem>>, vector<16xf32>,
      %mul3A_538 = arith.mulf %gather3A, %get3A_534 : vector<16xf32>
      %mul3A_539 = arith.mulf %gather3A_65, %get3A_537 : vector<16xf32>
      %add3A_540 = arith.addf %mul3A_538, %mul3A_539 : vector<16xf32>
      %swap3A_541 = arith.index_cast %scan3A_58 : i32 to index
      %swap3A_542 = arith.constant 624 : index
      %swap3A_543 = tpu.vector_load %arg16[%swap3A_541, %swap3A_542] {strides = array<i32>} : memref<32x768xf32, #tpu.memory_space<vmem>>, vector<16xf32>,
      tpu.vector_store %arg16[%swap3A_541, %swap3A_542], %add3A_540 {strides = array<i32>} : memref<32x768xf32, #tpu.memory_space<vmem>>, vector<16xf32>,
      %get3A_544 = arith.index_cast %scan3A_58 : i32 to index
      %get3A_545 = arith.constant 640 : index
      %get3A_546 = tpu.vector_load %arg16[%get3A_544, %get3A_545] {strides = array<i32>} : memref<32x768xf32, #tpu.memory_space<vmem>>, vector<16xf32>,
      %get3A_547 = arith.index_cast %scan3A_58 : i32 to index
      %get3A_548 = arith.constant 640 : index
      %get3A_549 = tpu.vector_load %arg17[%get3A_547, %get3A_548] {strides = array<i32>} : memref<32x768xf32, #tpu.memory_space<vmem>>, vector<16xf32>,
      %mul3A_550 = arith.mulf %gather3A, %get3A_546 : vector<16xf32>
      %mul3A_551 = arith.mulf %gather3A_65, %get3A_549 : vector<16xf32>
      %add3A_552 = arith.addf %mul3A_550, %mul3A_551 : vector<16xf32>
      %swap3A_553 = arith.index_cast %scan3A_58 : i32 to index
      %swap3A_554 = arith.constant 640 : index
      %swap3A_555 = tpu.vector_load %arg16[%swap3A_553, %swap3A_554] {strides = array<i32>} : memref<32x768xf32, #tpu.memory_space<vmem>>, vector<16xf32>,
      tpu.vector_store %arg16[%swap3A_553, %swap3A_554], %add3A_552 {strides = array<i32>} : memref<32x768xf32, #tpu.memory_space<vmem>>, vector<16xf32>,
      %get3A_556 = arith.index_cast %scan3A_58 : i32 to index
      %get3A_557 = arith.constant 656 : index
      %get3A_558 = tpu.vector_load %arg16[%get3A_556, %get3A_557] {strides = array<i32>} : memref<32x768xf32, #tpu.memory_space<vmem>>, vector<16xf32>,
      %get3A_559 = arith.index_cast %scan3A_58 : i32 to index
      %get3A_560 = arith.constant 656 : index
      %get3A_561 = tpu.vector_load %arg17[%get3A_559, %get3A_560] {strides = array<i32>} : memref<32x768xf32, #tpu.memory_space<vmem>>, vector<16xf32>,
      %mul3A_562 = arith.mulf %gather3A, %get3A_558 : vector<16xf32>
      %mul3A_563 = arith.mulf %gather3A_65, %get3A_561 : vector<16xf32>
      %add3A_564 = arith.addf %mul3A_562, %mul3A_563 : vector<16xf32>
      %swap3A_565 = arith.index_cast %scan3A_58 : i32 to index
      %swap3A_566 = arith.constant 656 : index
      %swap3A_567 = tpu.vector_load %arg16[%swap3A_565, %swap3A_566] {strides = array<i32>} : memref<32x768xf32, #tpu.memory_space<vmem>>, vector<16xf32>,
      tpu.vector_store %arg16[%swap3A_565, %swap3A_566], %add3A_564 {strides = array<i32>} : memref<32x768xf32, #tpu.memory_space<vmem>>, vector<16xf32>,
      %get3A_568 = arith.index_cast %scan3A_58 : i32 to index
      %get3A_569 = arith.constant 672 : index
      %get3A_570 = tpu.vector_load %arg16[%get3A_568, %get3A_569] {strides = array<i32>} : memref<32x768xf32, #tpu.memory_space<vmem>>, vector<16xf32>,
      %get3A_571 = arith.index_cast %scan3A_58 : i32 to index
      %get3A_572 = arith.constant 672 : index
      %get3A_573 = tpu.vector_load %arg17[%get3A_571, %get3A_572] {strides = array<i32>} : memref<32x768xf32, #tpu.memory_space<vmem>>, vector<16xf32>,
      %mul3A_574 = arith.mulf %gather3A, %get3A_570 : vector<16xf32>
      %mul3A_575 = arith.mulf %gather3A_65, %get3A_573 : vector<16xf32>
      %add3A_576 = arith.addf %mul3A_574, %mul3A_575 : vector<16xf32>
      %swap3A_577 = arith.index_cast %scan3A_58 : i32 to index
      %swap3A_578 = arith.constant 672 : index
      %swap3A_579 = tpu.vector_load %arg16[%swap3A_577, %swap3A_578] {strides = array<i32>} : memref<32x768xf32, #tpu.memory_space<vmem>>, vector<16xf32>,
      tpu.vector_store %arg16[%swap3A_577, %swap3A_578], %add3A_576 {strides = array<i32>} : memref<32x768xf32, #tpu.memory_space<vmem>>, vector<16xf32>,
      %get3A_580 = arith.index_cast %scan3A_58 : i32 to index
      %get3A_581 = arith.constant 688 : index
      %get3A_582 = tpu.vector_load %arg16[%get3A_580, %get3A_581] {strides = array<i32>} : memref<32x768xf32, #tpu.memory_space<vmem>>, vector<16xf32>,
      %get3A_583 = arith.index_cast %scan3A_58 : i32 to index
      %get3A_584 = arith.constant 688 : index
      %get3A_585 = tpu.vector_load %arg17[%get3A_583, %get3A_584] {strides = array<i32>} : memref<32x768xf32, #tpu.memory_space<vmem>>, vector<16xf32>,
      %mul3A_586 = arith.mulf %gather3A, %get3A_582 : vector<16xf32>
      %mul3A_587 = arith.mulf %gather3A_65, %get3A_585 : vector<16xf32>
      %add3A_588 = arith.addf %mul3A_586, %mul3A_587 : vector<16xf32>
      %swap3A_589 = arith.index_cast %scan3A_58 : i32 to index
      %swap3A_590 = arith.constant 688 : index
      %swap3A_591 = tpu.vector_load %arg16[%swap3A_589, %swap3A_590] {strides = array<i32>} : memref<32x768xf32, #tpu.memory_space<vmem>>, vector<16xf32>,
      tpu.vector_store %arg16[%swap3A_589, %swap3A_590], %add3A_588 {strides = array<i32>} : memref<32x768xf32, #tpu.memory_space<vmem>>, vector<16xf32>,
      %get3A_592 = arith.index_cast %scan3A_58 : i32 to index
      %get3A_593 = arith.constant 704 : index
      %get3A_594 = tpu.vector_load %arg16[%get3A_592, %get3A_593] {strides = array<i32>} : memref<32x768xf32, #tpu.memory_space<vmem>>, vector<16xf32>,
      %get3A_595 = arith.index_cast %scan3A_58 : i32 to index
      %get3A_596 = arith.constant 704 : index
      %get3A_597 = tpu.vector_load %arg17[%get3A_595, %get3A_596] {strides = array<i32>} : memref<32x768xf32, #tpu.memory_space<vmem>>, vector<16xf32>,
      %mul3A_598 = arith.mulf %gather3A, %get3A_594 : vector<16xf32>
      %mul3A_599 = arith.mulf %gather3A_65, %get3A_597 : vector<16xf32>
      %add3A_600 = arith.addf %mul3A_598, %mul3A_599 : vector<16xf32>
      %swap3A_601 = arith.index_cast %scan3A_58 : i32 to index
      %swap3A_602 = arith.constant 704 : index
      %swap3A_603 = tpu.vector_load %arg16[%swap3A_601, %swap3A_602] {strides = array<i32>} : memref<32x768xf32, #tpu.memory_space<vmem>>, vector<16xf32>,
      tpu.vector_store %arg16[%swap3A_601, %swap3A_602], %add3A_600 {strides = array<i32>} : memref<32x768xf32, #tpu.memory_space<vmem>>, vector<16xf32>,
      %get3A_604 = arith.index_cast %scan3A_58 : i32 to index
      %get3A_605 = arith.constant 720 : index
      %get3A_606 = tpu.vector_load %arg16[%get3A_604, %get3A_605] {strides = array<i32>} : memref<32x768xf32, #tpu.memory_space<vmem>>, vector<16xf32>,
      %get3A_607 = arith.index_cast %scan3A_58 : i32 to index
      %get3A_608 = arith.constant 720 : index
      %get3A_609 = tpu.vector_load %arg17[%get3A_607, %get3A_608] {strides = array<i32>} : memref<32x768xf32, #tpu.memory_space<vmem>>, vector<16xf32>,
      %mul3A_610 = arith.mulf %gather3A, %get3A_606 : vector<16xf32>
      %mul3A_611 = arith.mulf %gather3A_65, %get3A_609 : vector<16xf32>
      %add3A_612 = arith.addf %mul3A_610, %mul3A_611 : vector<16xf32>
      %swap3A_613 = arith.index_cast %scan3A_58 : i32 to index
      %swap3A_614 = arith.constant 720 : index
      %swap3A_615 = tpu.vector_load %arg16[%swap3A_613, %swap3A_614] {strides = array<i32>} : memref<32x768xf32, #tpu.memory_space<vmem>>, vector<16xf32>,
      tpu.vector_store %arg16[%swap3A_613, %swap3A_614], %add3A_612 {strides = array<i32>} : memref<32x768xf32, #tpu.memory_space<vmem>>, vector<16xf32>,
      %get3A_616 = arith.index_cast %scan3A_58 : i32 to index
      %get3A_617 = arith.constant 736 : index
      %get3A_618 = tpu.vector_load %arg16[%get3A_616, %get3A_617] {strides = array<i32>} : memref<32x768xf32, #tpu.memory_space<vmem>>, vector<16xf32>,
      %get3A_619 = arith.index_cast %scan3A_58 : i32 to index
      %get3A_620 = arith.constant 736 : index
      %get3A_621 = tpu.vector_load %arg17[%get3A_619, %get3A_620] {strides = array<i32>} : memref<32x768xf32, #tpu.memory_space<vmem>>, vector<16xf32>,
      %mul3A_622 = arith.mulf %gather3A, %get3A_618 : vector<16xf32>
      %mul3A_623 = arith.mulf %gather3A_65, %get3A_621 : vector<16xf32>
      %add3A_624 = arith.addf %mul3A_622, %mul3A_623 : vector<16xf32>
      %swap3A_625 = arith.index_cast %scan3A_58 : i32 to index
      %swap3A_626 = arith.constant 736 : index
      %swap3A_627 = tpu.vector_load %arg16[%swap3A_625, %swap3A_626] {strides = array<i32>} : memref<32x768xf32, #tpu.memory_space<vmem>>, vector<16xf32>,
      tpu.vector_store %arg16[%swap3A_625, %swap3A_626], %add3A_624 {strides = array<i32>} : memref<32x768xf32, #tpu.memory_space<vmem>>, vector<16xf32>,
      %get3A_628 = arith.index_cast %scan3A_58 : i32 to index
      %get3A_629 = arith.constant 752 : index
      %get3A_630 = tpu.vector_load %arg16[%get3A_628, %get3A_629] {strides = array<i32>} : memref<32x768xf32, #tpu.memory_space<vmem>>, vector<16xf32>,
      %get3A_631 = arith.index_cast %scan3A_58 : i32 to index
      %get3A_632 = arith.constant 752 : index
      %get3A_633 = tpu.vector_load %arg17[%get3A_631, %get3A_632] {strides = array<i32>} : memref<32x768xf32, #tpu.memory_space<vmem>>, vector<16xf32>,
      %mul3A_634 = arith.mulf %gather3A, %get3A_630 : vector<16xf32>
      %mul3A_635 = arith.mulf %gather3A_65, %get3A_633 : vector<16xf32>
      %add3A_636 = arith.addf %mul3A_634, %mul3A_635 : vector<16xf32>
      %swap3A_637 = arith.index_cast %scan3A_58 : i32 to index
      %swap3A_638 = arith.constant 752 : index
      %swap3A_639 = tpu.vector_load %arg16[%swap3A_637, %swap3A_638] {strides = array<i32>} : memref<32x768xf32, #tpu.memory_space<vmem>>, vector<16xf32>,
      tpu.vector_store %arg16[%swap3A_637, %swap3A_638], %add3A_636 {strides = array<i32>} : memref<32x768xf32, #tpu.memory_space<vmem>>, vector<16xf32>,
    }
    %scan3A_43 = arith.constant 32 : i32
    %add3A_44 = arith.constant 32 : i32
    %add3A_45 = arith.addi %mul3A_2, %add3A_44 : i32
    %dma_start3A_46 = arith.constant 0 : i32
    %dma_start3A_47 = tpu.memref_slice %arg7[%add3A_45, %dma_start3A_46] : memref<2048x768xf32, #tpu.memory_space<hbm>> -> memref<32x768xf32, #tpu.memory_space<hbm>>
    %dma_start3A_48 = arith.constant 0 : i32
    %dma_start3A_49 = tpu.memref_slice %arg7[%add3A_45, %dma_start3A_48] : memref<2048x768xf32, #tpu.memory_space<hbm>> -> memref<32x768xf32, #tpu.memory_space<hbm>>
    tpu.enqueue_dma source(%arg16 : memref<32x768xf32, #tpu.memory_space<vmem>>) target(%dma_start3A_49 : memref<32x768xf32, #tpu.memory_space<hbm>>) target_semaphore(%arg20 : memref<!tpu.dma_semaphore, #tpu.memory_space<semaphore_mem>>)
    %dma_wait3A_50 = arith.constant 0 : i32
    %dma_wait3A_51 = tpu.memref_slice %arg7[%mul3A_2, %dma_wait3A_50] : memref<2048x768xf32, #tpu.memory_space<hbm>> -> memref<32x768xf32, #tpu.memory_space<hbm>>
    %dma_wait3A_52 = arith.constant 0 : i32
    %dma_wait3A_53 = tpu.memref_slice %arg7[%mul3A_2, %dma_wait3A_52] : memref<2048x768xf32, #tpu.memory_space<hbm>> -> memref<32x768xf32, #tpu.memory_space<hbm>>
    tpu.wait_dma2 semaphore(%arg20 : memref<!tpu.dma_semaphore, #tpu.memory_space<semaphore_mem>>) src(%arg14 : memref<32x768xf32, #tpu.memory_space<vmem>>) dst(%dma_wait3A_53 : memref<32x768xf32, #tpu.memory_space<hbm>>)
    %dma_wait3A_54 = arith.constant 0 : i32
    %dma_wait3A_55 = tpu.memref_slice %arg7[%add3A_45, %dma_wait3A_54] : memref<2048x768xf32, #tpu.memory_space<hbm>> -> memref<32x768xf32, #tpu.memory_space<hbm>>
    %dma_wait3A_56 = arith.constant 0 : i32
    %dma_wait3A_57 = tpu.memref_slice %arg7[%add3A_45, %dma_wait3A_56] : memref<2048x768xf32, #tpu.memory_space<hbm>> -> memref<32x768xf32, #tpu.memory_space<hbm>>
    tpu.wait_dma2 semaphore(%arg20 : memref<!tpu.dma_semaphore, #tpu.memory_space<semaphore_mem>>) src(%arg16 : memref<32x768xf32, #tpu.memory_space<vmem>>) dst(%dma_wait3A_57 : memref<32x768xf32, #tpu.memory_space<hbm>>)
    return
  }
}

#map = affine_map<(d0, d1) -> (0, 0)>
#map1 = affine_map<(d0, d1) -> (0)>
module attributes {stable_mosaic.version = 14 : i64} {
  func.func @_dispatch(%arg0: i32, %arg1: i32, %arg2: memref<2048x768xf32, #tpu.memory_space<hbm>>, %arg3: memref<4096xi32, #tpu.memory_space<hbm>>, %arg4: memref<4096xi32, #tpu.memory_space<hbm>>, %arg5: memref<16384x768xf32, #tpu.memory_space<hbm>>, %arg6: memref<64xi32, #tpu.memory_space<vmem>>, %arg7: memref<64xi32, #tpu.memory_space<vmem>>, %arg8: memref<64xi32, #tpu.memory_space<vmem>>, %arg9: memref<64xi32, #tpu.memory_space<vmem>>, %arg10: memref<64x768xf32, #tpu.memory_space<vmem>>, %arg11: memref<64x768xf32, #tpu.memory_space<vmem>>, %arg12: memref<!tpu.dma_semaphore, #tpu.memory_space<semaphore_mem>>, %arg13: memref<!tpu.dma_semaphore, #tpu.memory_space<semaphore_mem>>, %arg14: memref<!tpu.dma_semaphore, #tpu.memory_space<semaphore_mem>>) attributes {dimension_semantics = [#tpu.dimension_semantics<core_parallel>, #tpu.dimension_semantics<subcore_parallel>], iteration_bounds = array<i64: 2, 16>, scalar_prefetch = 0 : i64, scratch_operands = 9 : i64, tpu.core_type = #tpu.core_type<sc_vector_subcore>, window_params = [{transform_indices = #map}, {transform_indices = #map1}, {transform_indices = #map1}, {transform_indices = #map}]} {
    %mul3A = arith.constant 16 : i32
    %mul3A_0 = arith.muli %arg0, %mul3A : i32
    %add3A = arith.addi %mul3A_0, %arg1 : i32
    %mul3A_1 = arith.constant 128 : i32
    %mul3A_2 = arith.muli %add3A, %mul3A_1 : i32
    "tpu.region"() ({
      %run_scoped3A = tpu.sem_alloc : memref<!tpu.dma_semaphore, #tpu.memory_space<semaphore_mem>>
      %dma_start3A_29 = tpu.memref_slice %arg3[%mul3A_2] : memref<4096xi32, #tpu.memory_space<hbm>> -> memref<64xi32, #tpu.memory_space<hbm>>
      %dma_start3A_30 = tpu.memref_slice %arg3[%mul3A_2] : memref<4096xi32, #tpu.memory_space<hbm>> -> memref<64xi32, #tpu.memory_space<hbm>>
      tpu.enqueue_dma source(%dma_start3A_30 : memref<64xi32, #tpu.memory_space<hbm>>) target(%arg6 : memref<64xi32, #tpu.memory_space<vmem>>) target_semaphore(%run_scoped3A : memref<!tpu.dma_semaphore, #tpu.memory_space<semaphore_mem>>)
      %dma_wait3A_31 = tpu.memref_slice %arg3[%mul3A_2] : memref<4096xi32, #tpu.memory_space<hbm>> -> memref<64xi32, #tpu.memory_space<hbm>>
      %dma_wait3A_32 = tpu.memref_slice %arg3[%mul3A_2] : memref<4096xi32, #tpu.memory_space<hbm>> -> memref<64xi32, #tpu.memory_space<hbm>>
      tpu.wait_dma2 semaphore(%run_scoped3A : memref<!tpu.dma_semaphore, #tpu.memory_space<semaphore_mem>>) src(%dma_wait3A_32 : memref<64xi32, #tpu.memory_space<hbm>>) dst(%arg6 : memref<64xi32, #tpu.memory_space<vmem>>)
      tpu.yield
    }) : () -> ()
    %add3A_3 = arith.constant 64 : i32
    %add3A_4 = arith.addi %mul3A_2, %add3A_3 : i32
    "tpu.region"() ({
      %run_scoped3A = tpu.sem_alloc : memref<!tpu.dma_semaphore, #tpu.memory_space<semaphore_mem>>
      %dma_start3A_29 = tpu.memref_slice %arg3[%add3A_4] : memref<4096xi32, #tpu.memory_space<hbm>> -> memref<64xi32, #tpu.memory_space<hbm>>
      %dma_start3A_30 = tpu.memref_slice %arg3[%add3A_4] : memref<4096xi32, #tpu.memory_space<hbm>> -> memref<64xi32, #tpu.memory_space<hbm>>
      tpu.enqueue_dma source(%dma_start3A_30 : memref<64xi32, #tpu.memory_space<hbm>>) target(%arg7 : memref<64xi32, #tpu.memory_space<vmem>>) target_semaphore(%run_scoped3A : memref<!tpu.dma_semaphore, #tpu.memory_space<semaphore_mem>>)
      %dma_wait3A_31 = tpu.memref_slice %arg3[%add3A_4] : memref<4096xi32, #tpu.memory_space<hbm>> -> memref<64xi32, #tpu.memory_space<hbm>>
      %dma_wait3A_32 = tpu.memref_slice %arg3[%add3A_4] : memref<4096xi32, #tpu.memory_space<hbm>> -> memref<64xi32, #tpu.memory_space<hbm>>
      tpu.wait_dma2 semaphore(%run_scoped3A : memref<!tpu.dma_semaphore, #tpu.memory_space<semaphore_mem>>) src(%dma_wait3A_32 : memref<64xi32, #tpu.memory_space<hbm>>) dst(%arg7 : memref<64xi32, #tpu.memory_space<vmem>>)
      tpu.yield
    }) : () -> ()
    "tpu.region"() ({
      %run_scoped3A = tpu.sem_alloc : memref<!tpu.dma_semaphore, #tpu.memory_space<semaphore_mem>>
      %dma_start3A_29 = tpu.memref_slice %arg4[%mul3A_2] : memref<4096xi32, #tpu.memory_space<hbm>> -> memref<64xi32, #tpu.memory_space<hbm>>
      %dma_start3A_30 = tpu.memref_slice %arg4[%mul3A_2] : memref<4096xi32, #tpu.memory_space<hbm>> -> memref<64xi32, #tpu.memory_space<hbm>>
      tpu.enqueue_dma source(%dma_start3A_30 : memref<64xi32, #tpu.memory_space<hbm>>) target(%arg8 : memref<64xi32, #tpu.memory_space<vmem>>) target_semaphore(%run_scoped3A : memref<!tpu.dma_semaphore, #tpu.memory_space<semaphore_mem>>)
      %dma_wait3A_31 = tpu.memref_slice %arg4[%mul3A_2] : memref<4096xi32, #tpu.memory_space<hbm>> -> memref<64xi32, #tpu.memory_space<hbm>>
      %dma_wait3A_32 = tpu.memref_slice %arg4[%mul3A_2] : memref<4096xi32, #tpu.memory_space<hbm>> -> memref<64xi32, #tpu.memory_space<hbm>>
      tpu.wait_dma2 semaphore(%run_scoped3A : memref<!tpu.dma_semaphore, #tpu.memory_space<semaphore_mem>>) src(%dma_wait3A_32 : memref<64xi32, #tpu.memory_space<hbm>>) dst(%arg8 : memref<64xi32, #tpu.memory_space<vmem>>)
      tpu.yield
    }) : () -> ()
    %add3A_5 = arith.constant 64 : i32
    %add3A_6 = arith.addi %mul3A_2, %add3A_5 : i32
    "tpu.region"() ({
      %run_scoped3A = tpu.sem_alloc : memref<!tpu.dma_semaphore, #tpu.memory_space<semaphore_mem>>
      %dma_start3A_29 = tpu.memref_slice %arg4[%add3A_6] : memref<4096xi32, #tpu.memory_space<hbm>> -> memref<64xi32, #tpu.memory_space<hbm>>
      %dma_start3A_30 = tpu.memref_slice %arg4[%add3A_6] : memref<4096xi32, #tpu.memory_space<hbm>> -> memref<64xi32, #tpu.memory_space<hbm>>
      tpu.enqueue_dma source(%dma_start3A_30 : memref<64xi32, #tpu.memory_space<hbm>>) target(%arg9 : memref<64xi32, #tpu.memory_space<vmem>>) target_semaphore(%run_scoped3A : memref<!tpu.dma_semaphore, #tpu.memory_space<semaphore_mem>>)
      %dma_wait3A_31 = tpu.memref_slice %arg4[%add3A_6] : memref<4096xi32, #tpu.memory_space<hbm>> -> memref<64xi32, #tpu.memory_space<hbm>>
      %dma_wait3A_32 = tpu.memref_slice %arg4[%add3A_6] : memref<4096xi32, #tpu.memory_space<hbm>> -> memref<64xi32, #tpu.memory_space<hbm>>
      tpu.wait_dma2 semaphore(%run_scoped3A : memref<!tpu.dma_semaphore, #tpu.memory_space<semaphore_mem>>) src(%dma_wait3A_32 : memref<64xi32, #tpu.memory_space<hbm>>) dst(%arg9 : memref<64xi32, #tpu.memory_space<vmem>>)
      tpu.yield
    }) : () -> ()
    %dma_start3A = arith.constant 0 : i32
    %dma_start3A_7 = arith.constant 0 : i32
    %dma_start3A_8 = tpu.memref_slice %arg2[%dma_start3A, %dma_start3A_7] : memref<2048x768xf32, #tpu.memory_space<hbm>> -> memref<2048x768xf32, #tpu.memory_space<hbm>>
    tpu.enqueue_indirect_dma source(%dma_start3A_8 : memref<2048x768xf32, #tpu.memory_space<hbm>>) target(%arg10 : memref<64x768xf32, #tpu.memory_space<vmem>>) offsets(%arg6 : memref<64xi32, #tpu.memory_space<vmem>>) semaphore(%arg12 : memref<!tpu.dma_semaphore, #tpu.memory_space<semaphore_mem>>)
    %dma_start3A_9 = arith.constant 0 : i32
    %dma_start3A_10 = arith.constant 0 : i32
    %dma_start3A_11 = tpu.memref_slice %arg2[%dma_start3A_9, %dma_start3A_10] : memref<2048x768xf32, #tpu.memory_space<hbm>> -> memref<2048x768xf32, #tpu.memory_space<hbm>>
    tpu.enqueue_indirect_dma source(%dma_start3A_11 : memref<2048x768xf32, #tpu.memory_space<hbm>>) target(%arg11 : memref<64x768xf32, #tpu.memory_space<vmem>>) offsets(%arg7 : memref<64xi32, #tpu.memory_space<vmem>>) semaphore(%arg13 : memref<!tpu.dma_semaphore, #tpu.memory_space<semaphore_mem>>)
    %dma_wait3A = arith.constant 0 : i32
    %dma_wait3A_12 = arith.constant 0 : i32
    %dma_wait3A_13 = tpu.memref_slice %arg2[%dma_wait3A, %dma_wait3A_12] : memref<2048x768xf32, #tpu.memory_space<hbm>> -> memref<2048x768xf32, #tpu.memory_space<hbm>>
    tpu.wait_indirect_dma semaphore(%arg12 : memref<!tpu.dma_semaphore, #tpu.memory_space<semaphore_mem>>) src(%dma_wait3A_13 : memref<2048x768xf32, #tpu.memory_space<hbm>>) dst(%arg10 : memref<64x768xf32, #tpu.memory_space<vmem>>)
    %dma_start3A_14 = arith.constant 0 : i32
    %dma_start3A_15 = arith.constant 0 : i32
    %dma_start3A_16 = tpu.memref_slice %arg5[%dma_start3A_14, %dma_start3A_15] : memref<16384x768xf32, #tpu.memory_space<hbm>> -> memref<16384x768xf32, #tpu.memory_space<hbm>>
    tpu.enqueue_indirect_dma source(%arg10 : memref<64x768xf32, #tpu.memory_space<vmem>>) target(%dma_start3A_16 : memref<16384x768xf32, #tpu.memory_space<hbm>>) offsets(%arg8 : memref<64xi32, #tpu.memory_space<vmem>>) semaphore(%arg14 : memref<!tpu.dma_semaphore, #tpu.memory_space<semaphore_mem>>)
    %dma_wait3A_17 = arith.constant 0 : i32
    %dma_wait3A_18 = arith.constant 0 : i32
    %dma_wait3A_19 = tpu.memref_slice %arg2[%dma_wait3A_17, %dma_wait3A_18] : memref<2048x768xf32, #tpu.memory_space<hbm>> -> memref<2048x768xf32, #tpu.memory_space<hbm>>
    tpu.wait_indirect_dma semaphore(%arg13 : memref<!tpu.dma_semaphore, #tpu.memory_space<semaphore_mem>>) src(%dma_wait3A_19 : memref<2048x768xf32, #tpu.memory_space<hbm>>) dst(%arg11 : memref<64x768xf32, #tpu.memory_space<vmem>>)
    %dma_start3A_20 = arith.constant 0 : i32
    %dma_start3A_21 = arith.constant 0 : i32
    %dma_start3A_22 = tpu.memref_slice %arg5[%dma_start3A_20, %dma_start3A_21] : memref<16384x768xf32, #tpu.memory_space<hbm>> -> memref<16384x768xf32, #tpu.memory_space<hbm>>
    tpu.enqueue_indirect_dma source(%arg11 : memref<64x768xf32, #tpu.memory_space<vmem>>) target(%dma_start3A_22 : memref<16384x768xf32, #tpu.memory_space<hbm>>) offsets(%arg9 : memref<64xi32, #tpu.memory_space<vmem>>) semaphore(%arg14 : memref<!tpu.dma_semaphore, #tpu.memory_space<semaphore_mem>>)
    %dma_wait3A_23 = arith.constant 0 : i32
    %dma_wait3A_24 = arith.constant 0 : i32
    %dma_wait3A_25 = tpu.memref_slice %arg5[%dma_wait3A_23, %dma_wait3A_24] : memref<16384x768xf32, #tpu.memory_space<hbm>> -> memref<16384x768xf32, #tpu.memory_space<hbm>>
    tpu.wait_indirect_dma semaphore(%arg14 : memref<!tpu.dma_semaphore, #tpu.memory_space<semaphore_mem>>) src(%arg10 : memref<64x768xf32, #tpu.memory_space<vmem>>) dst(%dma_wait3A_25 : memref<16384x768xf32, #tpu.memory_space<hbm>>)
    %dma_wait3A_26 = arith.constant 0 : i32
    %dma_wait3A_27 = arith.constant 0 : i32
    %dma_wait3A_28 = tpu.memref_slice %arg5[%dma_wait3A_26, %dma_wait3A_27] : memref<16384x768xf32, #tpu.memory_space<hbm>> -> memref<16384x768xf32, #tpu.memory_space<hbm>>
    tpu.wait_indirect_dma semaphore(%arg14 : memref<!tpu.dma_semaphore, #tpu.memory_space<semaphore_mem>>) src(%arg11 : memref<64x768xf32, #tpu.memory_space<vmem>>) dst(%dma_wait3A_28 : memref<16384x768xf32, #tpu.memory_space<hbm>>)
    return
  }
}

module attributes {stable_mosaic.version = 14 : i64} {
  func.func @_gating_body(%arg0: memref<2048x768xf32, #tpu.memory_space<vmem>>, %arg1: memref<768x8xf32, #tpu.memory_space<vmem>>, %arg2: memref<1x8xf32, #tpu.memory_space<vmem>>, %arg3: memref<2048x8xf32, #tpu.memory_space<vmem>>, %arg4: memref<2048x8xi32, #tpu.memory_space<vmem>>, %arg5: memref<2048x8xf32, #tpu.memory_space<vmem>>, %arg6: memref<8x8xi32, #tpu.memory_space<vmem>>) attributes {dimension_semantics = [], scalar_prefetch = 0 : i64, scratch_operands = 0 : i64, tpu.core_type = #tpu.core_type<tc>} {
    %get3A = arith.constant 0 : index
    %get3A_0 = arith.constant 0 : index
    %get3A_1 = vector.load %arg0[%get3A, %get3A_0] : memref<2048x768xf32, #tpu.memory_space<vmem>>, vector<2048x768xf32>
    %get3A_2 = arith.constant 0 : index
    %get3A_3 = arith.constant 0 : index
    %get3A_4 = vector.load %arg1[%get3A_2, %get3A_3] : memref<768x8xf32, #tpu.memory_space<vmem>>, vector<768x8xf32>
    %dot_general3A = arith.constant dense<0.000000e+00> : vector<2048x8xf32>
    %dot_general3A_5 = tpu.matmul %get3A_1, %get3A_4, %dot_general3A {dimension_numbers = #tpu.dot_dimension_numbers<[1], [0], [0], [1], [0, 0, 1, 1], [], []>, transpose_lhs_hint = false} : vector<2048x768xf32>, vector<768x8xf32>, vector<2048x8xf32> -> vector<2048x8xf32>
    %get3A_6 = arith.constant 0 : index
    %get3A_7 = arith.constant 0 : index
    %get3A_8 = vector.load %arg2[%get3A_6, %get3A_7] : memref<1x8xf32, #tpu.memory_space<vmem>>, vector<1x8xf32>
    %add3A = vector.broadcast %get3A_8 : vector<1x8xf32> to vector<2048x8xf32>
    %add3A_9 = arith.addf %dot_general3A_5, %add3A : vector<2048x8xf32>
    %reduce_max3A = arith.constant dense<0xFF800000> : vector<2048xf32>
    %reduce_max3A_10 = vector.multi_reduction <maximumf>, %add3A_9, %reduce_max3A [1] : vector<2048x8xf32> to vector<2048xf32>
    %broadcast_in_dim3A = vector.shape_cast %reduce_max3A_10 : vector<2048xf32> to vector<2048x1xf32>
    %sub3A = vector.broadcast %broadcast_in_dim3A : vector<2048x1xf32> to vector<2048x8xf32>
    %sub3A_11 = arith.subf %add3A_9, %sub3A : vector<2048x8xf32>
    %exp3A = math.exp %sub3A_11 : vector<2048x8xf32>
    %reduce_sum3A = arith.constant dense<0.000000e+00> : vector<2048xf32>
    %reduce_sum3A_12 = vector.multi_reduction <add>, %exp3A, %reduce_sum3A [1] : vector<2048x8xf32> to vector<2048xf32>
    %broadcast_in_dim3A_13 = vector.shape_cast %reduce_sum3A_12 : vector<2048xf32> to vector<2048x1xf32>
    %div3A = vector.broadcast %broadcast_in_dim3A_13 : vector<2048x1xf32> to vector<2048x8xf32>
    %div3A_14 = arith.divf %exp3A, %div3A : vector<2048x8xf32>
    %iota3A = tpu.iota {dimensions = array<i32: 1>} : vector<2048x8xi32>
    %reduce_max3A_15 = arith.constant dense<0xFF800000> : vector<2048xf32>
    %reduce_max3A_16 = vector.multi_reduction <maximumf>, %div3A_14, %reduce_max3A_15 [1] : vector<2048x8xf32> to vector<2048xf32>
    %broadcast_in_dim3A_17 = vector.shape_cast %reduce_max3A_16 : vector<2048xf32> to vector<2048x1xf32>
    %eq3A = vector.broadcast %broadcast_in_dim3A_17 : vector<2048x1xf32> to vector<2048x8xf32>
    %eq3A_18 = arith.cmpf oeq, %div3A_14, %eq3A : vector<2048x8xf32>
    %jit3A = arith.constant 8 : i32
    %broadcast_in_dim3A_19 = vector.broadcast %jit3A : i32 to vector<2048x8xi32>
    %select_n3A = arith.select %eq3A_18, %iota3A, %broadcast_in_dim3A_19 : vector<2048x8xi1>, vector<2048x8xi32>
    %reduce_min3A = arith.constant dense<2147483647> : vector<2048xi32>
    %reduce_min3A_20 = vector.multi_reduction <minsi>, %select_n3A, %reduce_min3A [1] : vector<2048x8xi32> to vector<2048xi32>
    %broadcast_in_dim3A_21 = vector.shape_cast %reduce_min3A_20 : vector<2048xi32> to vector<2048x1xi32>
    %eq3A_22 = vector.broadcast %broadcast_in_dim3A_21 : vector<2048x1xi32> to vector<2048x8xi32>
    %eq3A_23 = arith.cmpi eq, %iota3A, %eq3A_22 : vector<2048x8xi32>
    %jit3A_24 = arith.constant -1.000000e+00 : f32
    %broadcast_in_dim3A_25 = vector.broadcast %jit3A_24 : f32 to vector<2048x8xf32>
    %select_n3A_26 = arith.select %eq3A_23, %broadcast_in_dim3A_25, %div3A_14 : vector<2048x8xi1>, vector<2048x8xf32>
    %reduce_max3A_27 = arith.constant dense<0xFF800000> : vector<2048xf32>
    %reduce_max3A_28 = vector.multi_reduction <maximumf>, %select_n3A_26, %reduce_max3A_27 [1] : vector<2048x8xf32> to vector<2048xf32>
    %broadcast_in_dim3A_29 = vector.shape_cast %reduce_max3A_28 : vector<2048xf32> to vector<2048x1xf32>
    %eq3A_30 = vector.broadcast %broadcast_in_dim3A_29 : vector<2048x1xf32> to vector<2048x8xf32>
    %eq3A_31 = arith.cmpf oeq, %select_n3A_26, %eq3A_30 : vector<2048x8xf32>
    %jit3A_32 = arith.constant 8 : i32
    %broadcast_in_dim3A_33 = vector.broadcast %jit3A_32 : i32 to vector<2048x8xi32>
    %select_n3A_34 = arith.select %eq3A_31, %iota3A, %broadcast_in_dim3A_33 : vector<2048x8xi1>, vector<2048x8xi32>
    %reduce_min3A_35 = arith.constant dense<2147483647> : vector<2048xi32>
    %reduce_min3A_36 = vector.multi_reduction <minsi>, %select_n3A_34, %reduce_min3A_35 [1] : vector<2048x8xi32> to vector<2048xi32>
    %broadcast_in_dim3A_37 = vector.shape_cast %reduce_min3A_36 : vector<2048xi32> to vector<2048x1xi32>
    %eq3A_38 = vector.broadcast %broadcast_in_dim3A_37 : vector<2048x1xi32> to vector<2048x8xi32>
    %eq3A_39 = arith.cmpi eq, %iota3A, %eq3A_38 : vector<2048x8xi32>
    %or3A = arith.ori %eq3A_23, %eq3A_39 : vector<2048x8xi1>
    %jit3A_40 = arith.constant 1.000000e+00 : f32
    %jit3A_41 = arith.constant 0.000000e+00 : f32
    %broadcast_in_dim3A_42 = vector.broadcast %jit3A_40 : f32 to vector<2048x8xf32>
    %broadcast_in_dim3A_43 = vector.broadcast %jit3A_41 : f32 to vector<2048x8xf32>
    %select_n3A_44 = arith.select %or3A, %broadcast_in_dim3A_42, %broadcast_in_dim3A_43 : vector<2048x8xi1>, vector<2048x8xf32>
    %broadcast_in_dim3A_45 = arith.constant 0.000000e+00 : f32
    %broadcast_in_dim3A_46 = vector.broadcast %broadcast_in_dim3A_45 : f32 to vector<1x8xf32>
    %slice3A = vector.extract_strided_slice %select_n3A_44 {offsets = [0, 0], sizes = [2047, 8], strides = [1, 1]} : vector<2048x8xf32> to vector<2047x8xf32>
    %concatenate3A = tpu.concatenate %broadcast_in_dim3A_46, %slice3A in 0 : vector<1x8xf32>, vector<2047x8xf32> -> vector<2048x8xf32>
    %add3A_47 = arith.addf %select_n3A_44, %concatenate3A : vector<2048x8xf32>
    %broadcast_in_dim3A_48 = arith.constant 0.000000e+00 : f32
    %broadcast_in_dim3A_49 = vector.broadcast %broadcast_in_dim3A_48 : f32 to vector<2x8xf32>
    %slice3A_50 = vector.extract_strided_slice %add3A_47 {offsets = [0, 0], sizes = [2046, 8], strides = [1, 1]} : vector<2048x8xf32> to vector<2046x8xf32>
    %concatenate3A_51 = tpu.concatenate %broadcast_in_dim3A_49, %slice3A_50 in 0 : vector<2x8xf32>, vector<2046x8xf32> -> vector<2048x8xf32>
    %add3A_52 = arith.addf %add3A_47, %concatenate3A_51 : vector<2048x8xf32>
    %broadcast_in_dim3A_53 = arith.constant 0.000000e+00 : f32
    %broadcast_in_dim3A_54 = vector.broadcast %broadcast_in_dim3A_53 : f32 to vector<4x8xf32>
    %slice3A_55 = vector.extract_strided_slice %add3A_52 {offsets = [0, 0], sizes = [2044, 8], strides = [1, 1]} : vector<2048x8xf32> to vector<2044x8xf32>
    %concatenate3A_56 = tpu.concatenate %broadcast_in_dim3A_54, %slice3A_55 in 0 : vector<4x8xf32>, vector<2044x8xf32> -> vector<2048x8xf32>
    %add3A_57 = arith.addf %add3A_52, %concatenate3A_56 : vector<2048x8xf32>
    %broadcast_in_dim3A_58 = arith.constant 0.000000e+00 : f32
    %broadcast_in_dim3A_59 = vector.broadcast %broadcast_in_dim3A_58 : f32 to vector<8x8xf32>
    %slice3A_60 = vector.extract_strided_slice %add3A_57 {offsets = [0, 0], sizes = [2040, 8], strides = [1, 1]} : vector<2048x8xf32> to vector<2040x8xf32>
    %concatenate3A_61 = tpu.concatenate %broadcast_in_dim3A_59, %slice3A_60 in 0 : vector<8x8xf32>, vector<2040x8xf32> -> vector<2048x8xf32>
    %add3A_62 = arith.addf %add3A_57, %concatenate3A_61 : vector<2048x8xf32>
    %broadcast_in_dim3A_63 = arith.constant 0.000000e+00 : f32
    %broadcast_in_dim3A_64 = vector.broadcast %broadcast_in_dim3A_63 : f32 to vector<16x8xf32>
    %slice3A_65 = vector.extract_strided_slice %add3A_62 {offsets = [0, 0], sizes = [2032, 8], strides = [1, 1]} : vector<2048x8xf32> to vector<2032x8xf32>
    %concatenate3A_66 = tpu.concatenate %broadcast_in_dim3A_64, %slice3A_65 in 0 : vector<16x8xf32>, vector<2032x8xf32> -> vector<2048x8xf32>
    %add3A_67 = arith.addf %add3A_62, %concatenate3A_66 : vector<2048x8xf32>
    %broadcast_in_dim3A_68 = arith.constant 0.000000e+00 : f32
    %broadcast_in_dim3A_69 = vector.broadcast %broadcast_in_dim3A_68 : f32 to vector<32x8xf32>
    %slice3A_70 = vector.extract_strided_slice %add3A_67 {offsets = [0, 0], sizes = [2016, 8], strides = [1, 1]} : vector<2048x8xf32> to vector<2016x8xf32>
    %concatenate3A_71 = tpu.concatenate %broadcast_in_dim3A_69, %slice3A_70 in 0 : vector<32x8xf32>, vector<2016x8xf32> -> vector<2048x8xf32>
    %add3A_72 = arith.addf %add3A_67, %concatenate3A_71 : vector<2048x8xf32>
    %broadcast_in_dim3A_73 = arith.constant 0.000000e+00 : f32
    %broadcast_in_dim3A_74 = vector.broadcast %broadcast_in_dim3A_73 : f32 to vector<64x8xf32>
    %slice3A_75 = vector.extract_strided_slice %add3A_72 {offsets = [0, 0], sizes = [1984, 8], strides = [1, 1]} : vector<2048x8xf32> to vector<1984x8xf32>
    %concatenate3A_76 = tpu.concatenate %broadcast_in_dim3A_74, %slice3A_75 in 0 : vector<64x8xf32>, vector<1984x8xf32> -> vector<2048x8xf32>
    %add3A_77 = arith.addf %add3A_72, %concatenate3A_76 : vector<2048x8xf32>
    %broadcast_in_dim3A_78 = arith.constant 0.000000e+00 : f32
    %broadcast_in_dim3A_79 = vector.broadcast %broadcast_in_dim3A_78 : f32 to vector<128x8xf32>
    %slice3A_80 = vector.extract_strided_slice %add3A_77 {offsets = [0, 0], sizes = [1920, 8], strides = [1, 1]} : vector<2048x8xf32> to vector<1920x8xf32>
    %concatenate3A_81 = tpu.concatenate %broadcast_in_dim3A_79, %slice3A_80 in 0 : vector<128x8xf32>, vector<1920x8xf32> -> vector<2048x8xf32>
    %add3A_82 = arith.addf %add3A_77, %concatenate3A_81 : vector<2048x8xf32>
    %broadcast_in_dim3A_83 = arith.constant 0.000000e+00 : f32
    %broadcast_in_dim3A_84 = vector.broadcast %broadcast_in_dim3A_83 : f32 to vector<256x8xf32>
    %slice3A_85 = vector.extract_strided_slice %add3A_82 {offsets = [0, 0], sizes = [1792, 8], strides = [1, 1]} : vector<2048x8xf32> to vector<1792x8xf32>
    %concatenate3A_86 = tpu.concatenate %broadcast_in_dim3A_84, %slice3A_85 in 0 : vector<256x8xf32>, vector<1792x8xf32> -> vector<2048x8xf32>
    %add3A_87 = arith.addf %add3A_82, %concatenate3A_86 : vector<2048x8xf32>
    %broadcast_in_dim3A_88 = arith.constant 0.000000e+00 : f32
    %broadcast_in_dim3A_89 = vector.broadcast %broadcast_in_dim3A_88 : f32 to vector<512x8xf32>
    %slice3A_90 = vector.extract_strided_slice %add3A_87 {offsets = [0, 0], sizes = [1536, 8], strides = [1, 1]} : vector<2048x8xf32> to vector<1536x8xf32>
    %concatenate3A_91 = tpu.concatenate %broadcast_in_dim3A_89, %slice3A_90 in 0 : vector<512x8xf32>, vector<1536x8xf32> -> vector<2048x8xf32>
    %add3A_92 = arith.addf %add3A_87, %concatenate3A_91 : vector<2048x8xf32>
    %broadcast_in_dim3A_93 = arith.constant 0.000000e+00 : f32
    %broadcast_in_dim3A_94 = vector.broadcast %broadcast_in_dim3A_93 : f32 to vector<1024x8xf32>
    %slice3A_95 = vector.extract_strided_slice %add3A_92 {offsets = [0, 0], sizes = [1024, 8], strides = [1, 1]} : vector<2048x8xf32> to vector<1024x8xf32>
    %concatenate3A_96 = tpu.concatenate %broadcast_in_dim3A_94, %slice3A_95 in 0 : vector<1024x8xf32>, vector<1024x8xf32> -> vector<2048x8xf32>
    %add3A_97 = arith.addf %add3A_92, %concatenate3A_96 : vector<2048x8xf32>
    %sub3A_98 = arith.subf %add3A_97, %select_n3A_44 : vector<2048x8xf32>
    %jit3A_99 = arith.constant 0.000000e+00 : f32
    %broadcast_in_dim3A_100 = vector.broadcast %jit3A_99 : f32 to vector<2048x8xf32>
    %select_n3A_101 = arith.select %eq3A_23, %sub3A_98, %broadcast_in_dim3A_100 : vector<2048x8xi1>, vector<2048x8xf32>
    %reduce_sum3A_102 = arith.constant dense<0.000000e+00> : vector<2048xf32>
    %reduce_sum3A_103 = vector.multi_reduction <add>, %select_n3A_101, %reduce_sum3A_102 [1] : vector<2048x8xf32> to vector<2048xf32>
    %broadcast_in_dim3A_104 = vector.shape_cast %reduce_sum3A_103 : vector<2048xf32> to vector<2048x1xf32>
    %jit3A_105 = arith.constant 0.000000e+00 : f32
    %broadcast_in_dim3A_106 = vector.broadcast %jit3A_105 : f32 to vector<2048x8xf32>
    %select_n3A_107 = arith.select %eq3A_39, %sub3A_98, %broadcast_in_dim3A_106 : vector<2048x8xi1>, vector<2048x8xf32>
    %reduce_sum3A_108 = arith.constant dense<0.000000e+00> : vector<2048xf32>
    %reduce_sum3A_109 = vector.multi_reduction <add>, %select_n3A_107, %reduce_sum3A_108 [1] : vector<2048x8xf32> to vector<2048xf32>
    %broadcast_in_dim3A_110 = vector.shape_cast %reduce_sum3A_109 : vector<2048xf32> to vector<2048x1xf32>
    %mul3A = arith.constant 2048 : i32
    %mul3A_111 = vector.broadcast %mul3A : i32 to vector<2048x1xi32>
    %mul3A_112 = arith.muli %broadcast_in_dim3A_21, %mul3A_111 : vector<2048x1xi32>
    %convert_element_type3A = arith.fptosi %broadcast_in_dim3A_104 : vector<2048x1xf32> to vector<2048x1xi32>
    %add3A_113 = arith.addi %mul3A_112, %convert_element_type3A : vector<2048x1xi32>
    %mul3A_114 = arith.constant 2048 : i32
    %mul3A_115 = vector.broadcast %mul3A_114 : i32 to vector<2048x1xi32>
    %mul3A_116 = arith.muli %broadcast_in_dim3A_37, %mul3A_115 : vector<2048x1xi32>
    %convert_element_type3A_117 = arith.fptosi %broadcast_in_dim3A_110 : vector<2048x1xf32> to vector<2048x1xi32>
    %add3A_118 = arith.addi %mul3A_116, %convert_element_type3A_117 : vector<2048x1xi32>
    %swap3A = arith.constant 0 : index
    %swap3A_119 = arith.constant 0 : index
    %swap3A_120 = vector.load %arg3[%swap3A, %swap3A_119] : memref<2048x8xf32, #tpu.memory_space<vmem>>, vector<2048x8xf32>
    tpu.vector_store %arg3[%swap3A, %swap3A_119], %div3A_14 {strides = array<i32>} : memref<2048x8xf32, #tpu.memory_space<vmem>>, vector<2048x8xf32>,
    %eq3A_121 = arith.constant 0 : i32
    %eq3A_122 = vector.broadcast %eq3A_121 : i32 to vector<2048x8xi32>
    %eq3A_123 = arith.cmpi eq, %iota3A, %eq3A_122 : vector<2048x8xi32>
    %eq3A_124 = arith.constant 1 : i32
    %eq3A_125 = vector.broadcast %eq3A_124 : i32 to vector<2048x8xi32>
    %eq3A_126 = arith.cmpi eq, %iota3A, %eq3A_125 : vector<2048x8xi32>
    %jit3A_127 = arith.constant 0 : i32
    %broadcast_in_dim3A_128 = vector.shape_cast %add3A_118 : vector<2048x1xi32> to vector<2048x1xi32>
    %broadcast_in_dim3A_129 = vector.broadcast %broadcast_in_dim3A_128 : vector<2048x1xi32> to vector<2048x8xi32>
    %broadcast_in_dim3A_130 = vector.broadcast %jit3A_127 : i32 to vector<2048x8xi32>
    %select_n3A_131 = arith.select %eq3A_126, %broadcast_in_dim3A_129, %broadcast_in_dim3A_130 : vector<2048x8xi1>, vector<2048x8xi32>
    %broadcast_in_dim3A_132 = vector.shape_cast %add3A_113 : vector<2048x1xi32> to vector<2048x1xi32>
    %broadcast_in_dim3A_133 = vector.broadcast %broadcast_in_dim3A_132 : vector<2048x1xi32> to vector<2048x8xi32>
    %select_n3A_134 = arith.select %eq3A_123, %broadcast_in_dim3A_133, %select_n3A_131 : vector<2048x8xi1>, vector<2048x8xi32>
    %swap3A_135 = arith.constant 0 : index
    %swap3A_136 = arith.constant 0 : index
    %swap3A_137 = vector.load %arg4[%swap3A_135, %swap3A_136] : memref<2048x8xi32, #tpu.memory_space<vmem>>, vector<2048x8xi32>
    tpu.vector_store %arg4[%swap3A_135, %swap3A_136], %select_n3A_134 {strides = array<i32>} : memref<2048x8xi32, #tpu.memory_space<vmem>>, vector<2048x8xi32>,
    %eq3A_138 = arith.constant 0 : i32
    %eq3A_139 = vector.broadcast %eq3A_138 : i32 to vector<2048x8xi32>
    %eq3A_140 = arith.cmpi eq, %iota3A, %eq3A_139 : vector<2048x8xi32>
    %eq3A_141 = arith.constant 1 : i32
    %eq3A_142 = vector.broadcast %eq3A_141 : i32 to vector<2048x8xi32>
    %eq3A_143 = arith.cmpi eq, %iota3A, %eq3A_142 : vector<2048x8xi32>
    %jit3A_144 = arith.constant 0.000000e+00 : f32
    %broadcast_in_dim3A_145 = vector.shape_cast %broadcast_in_dim3A_29 : vector<2048x1xf32> to vector<2048x1xf32>
    %broadcast_in_dim3A_146 = vector.broadcast %broadcast_in_dim3A_145 : vector<2048x1xf32> to vector<2048x8xf32>
    %broadcast_in_dim3A_147 = vector.broadcast %jit3A_144 : f32 to vector<2048x8xf32>
    %select_n3A_148 = arith.select %eq3A_143, %broadcast_in_dim3A_146, %broadcast_in_dim3A_147 : vector<2048x8xi1>, vector<2048x8xf32>
    %broadcast_in_dim3A_149 = vector.shape_cast %broadcast_in_dim3A_17 : vector<2048x1xf32> to vector<2048x1xf32>
    %broadcast_in_dim3A_150 = vector.broadcast %broadcast_in_dim3A_149 : vector<2048x1xf32> to vector<2048x8xf32>
    %select_n3A_151 = arith.select %eq3A_140, %broadcast_in_dim3A_150, %select_n3A_148 : vector<2048x8xi1>, vector<2048x8xf32>
    %swap3A_152 = arith.constant 0 : index
    %swap3A_153 = arith.constant 0 : index
    %swap3A_154 = vector.load %arg5[%swap3A_152, %swap3A_153] : memref<2048x8xf32, #tpu.memory_space<vmem>>, vector<2048x8xf32>
    tpu.vector_store %arg5[%swap3A_152, %swap3A_153], %select_n3A_151 {strides = array<i32>} : memref<2048x8xf32, #tpu.memory_space<vmem>>, vector<2048x8xf32>,
    %slice3A_155 = vector.extract_strided_slice %add3A_97 {offsets = [2047, 0], sizes = [1, 8], strides = [1, 1]} : vector<2048x8xf32> to vector<1x8xf32>
    %convert_element_type3A_156 = arith.fptosi %slice3A_155 : vector<1x8xf32> to vector<1x8xi32>
    %broadcast_in_dim3A_157 = vector.shape_cast %convert_element_type3A_156 : vector<1x8xi32> to vector<1x8xi32>
    %broadcast_in_dim3A_158 = vector.broadcast %broadcast_in_dim3A_157 : vector<1x8xi32> to vector<8x8xi32>
    %swap3A_159 = arith.constant 0 : index
    %swap3A_160 = arith.constant 0 : index
    %swap3A_161 = vector.load %arg6[%swap3A_159, %swap3A_160] : memref<8x8xi32, #tpu.memory_space<vmem>>, vector<8x8xi32>
    tpu.vector_store %arg6[%swap3A_159, %swap3A_160], %broadcast_in_dim3A_158 {strides = array<i32>} : memref<8x8xi32, #tpu.memory_space<vmem>>, vector<8x8xi32>,
    return
  }
}

module attributes {stable_mosaic.version = 14 : i64} {
  func.func @_ffn_body(%arg0: i32, %arg1: memref<8xi32, #tpu.memory_space<smem>>, %arg2: memref<16384x768xf32, #tpu.memory_space<any>>, %arg3: memref<8x768x3072xf32, #tpu.memory_space<any>>, %arg4: memref<8x1x3072xf32, #tpu.memory_space<any>>, %arg5: memref<8x3072x768xf32, #tpu.memory_space<any>>, %arg6: memref<8x1x768xf32, #tpu.memory_space<any>>, %arg7: memref<16384x768xf32, #tpu.memory_space<any>>, %arg8: memref<2x768x3072xf32, #tpu.memory_space<vmem>>, %arg9: memref<2x3072x768xf32, #tpu.memory_space<vmem>>, %arg10: memref<8x1x3072xf32, #tpu.memory_space<vmem>>, %arg11: memref<8x1x768xf32, #tpu.memory_space<vmem>>, %arg12: memref<2x2048x768xf32, #tpu.memory_space<vmem>>, %arg13: memref<2048x768xf32, #tpu.memory_space<vmem>>, %arg14: memref<2x!tpu.dma_semaphore, #tpu.memory_space<semaphore_mem>>, %arg15: memref<2x!tpu.dma_semaphore, #tpu.memory_space<semaphore_mem>>, %arg16: memref<!tpu.dma_semaphore, #tpu.memory_space<semaphore_mem>>, %arg17: memref<!tpu.dma_semaphore, #tpu.memory_space<semaphore_mem>>) attributes {dimension_semantics = [#tpu.dimension_semantics<arbitrary>], iteration_bounds = array<i64: 8>, scalar_prefetch = 1 : i64, scratch_operands = 10 : i64, tpu.core_type = #tpu.core_type<tc>, window_params = [{}, {}, {}, {}, {}, {}]} {
    %rem3A = arith.constant 2 : i32
    %rem3A_0 = arith.remsi %arg0, %rem3A : i32
    %add3A = arith.constant 1 : i32
    %add3A_1 = arith.addi %arg0, %add3A : i32
    %rem3A_2 = arith.constant 2 : i32
    %rem3A_3 = arith.remsi %add3A_1, %rem3A_2 : i32
    %eq3A = arith.constant 0 : i32
    %eq3A_4 = arith.cmpi eq, %arg0, %eq3A : i32
    %convert_element_type3A = arith.extui %eq3A_4 : i1 to i32
    %cond3A = arith.constant 0 : i32
    %cond3A_5 = arith.cmpi ne, %convert_element_type3A, %cond3A : i32
    scf.if %cond3A_5 {
      tpu.enqueue_dma source(%arg4 : memref<8x1x3072xf32, #tpu.memory_space<any>>) target(%arg10 : memref<8x1x3072xf32, #tpu.memory_space<vmem>>) target_semaphore(%arg17 : memref<!tpu.dma_semaphore, #tpu.memory_space<semaphore_mem>>)
      tpu.enqueue_dma source(%arg6 : memref<8x1x768xf32, #tpu.memory_space<any>>) target(%arg11 : memref<8x1x768xf32, #tpu.memory_space<vmem>>) target_semaphore(%arg17 : memref<!tpu.dma_semaphore, #tpu.memory_space<semaphore_mem>>)
      %dma_start3A = arith.constant 0 : i32
      %dma_start3A_167 = arith.constant 0 : i32
      %dma_start3A_168 = arith.constant 0 : i32
      %dma_start3A_169 = tpu.memref_slice %arg14[%dma_start3A_168] : memref<2x!tpu.dma_semaphore, #tpu.memory_space<semaphore_mem>> -> memref<1x!tpu.dma_semaphore, #tpu.memory_space<semaphore_mem>>
      %dma_start3A_170 = tpu.memref_squeeze %dma_start3A_169 : memref<1x!tpu.dma_semaphore, #tpu.memory_space<semaphore_mem>> -> memref<!tpu.dma_semaphore, #tpu.memory_space<semaphore_mem>>
      %dma_start3A_171 = arith.constant 0 : i32
      %dma_start3A_172 = arith.constant 0 : i32
      %dma_start3A_173 = tpu.memref_slice %arg8[%dma_start3A_167, %dma_start3A_171, %dma_start3A_172] : memref<2x768x3072xf32, #tpu.memory_space<vmem>> -> memref<1x384x3072xf32, #tpu.memory_space<vmem>>
      %dma_start3A_174 = tpu.memref_squeeze %dma_start3A_173 : memref<1x384x3072xf32, #tpu.memory_space<vmem>> -> memref<384x3072xf32, #tpu.memory_space<vmem>>
      %dma_start3A_175 = arith.constant 0 : i32
      %dma_start3A_176 = arith.constant 0 : i32
      %dma_start3A_177 = tpu.memref_slice %arg3[%dma_start3A, %dma_start3A_175, %dma_start3A_176] : memref<8x768x3072xf32, #tpu.memory_space<any>> -> memref<1x384x3072xf32, #tpu.memory_space<any>>
      %dma_start3A_178 = tpu.memref_squeeze %dma_start3A_177 : memref<1x384x3072xf32, #tpu.memory_space<any>> -> memref<384x3072xf32, #tpu.memory_space<any>>
      tpu.enqueue_dma source(%dma_start3A_178 : memref<384x3072xf32, #tpu.memory_space<any>>) target(%dma_start3A_174 : memref<384x3072xf32, #tpu.memory_space<vmem>>) target_semaphore(%dma_start3A_170 : memref<!tpu.dma_semaphore, #tpu.memory_space<semaphore_mem>>)
      %dma_start3A_179 = arith.constant 0 : i32
      %dma_start3A_180 = arith.constant 0 : i32
      %dma_start3A_181 = arith.constant 0 : i32
      %dma_start3A_182 = tpu.memref_slice %arg14[%dma_start3A_181] : memref<2x!tpu.dma_semaphore, #tpu.memory_space<semaphore_mem>> -> memref<1x!tpu.dma_semaphore, #tpu.memory_space<semaphore_mem>>
      %dma_start3A_183 = tpu.memref_squeeze %dma_start3A_182 : memref<1x!tpu.dma_semaphore, #tpu.memory_space<semaphore_mem>> -> memref<!tpu.dma_semaphore, #tpu.memory_space<semaphore_mem>>
      %dma_start3A_184 = arith.constant 384 : i32
      %dma_start3A_185 = arith.constant 0 : i32
      %dma_start3A_186 = tpu.memref_slice %arg8[%dma_start3A_180, %dma_start3A_184, %dma_start3A_185] : memref<2x768x3072xf32, #tpu.memory_space<vmem>> -> memref<1x384x3072xf32, #tpu.memory_space<vmem>>
      %dma_start3A_187 = tpu.memref_squeeze %dma_start3A_186 : memref<1x384x3072xf32, #tpu.memory_space<vmem>> -> memref<384x3072xf32, #tpu.memory_space<vmem>>
      %dma_start3A_188 = arith.constant 384 : i32
      %dma_start3A_189 = arith.constant 0 : i32
      %dma_start3A_190 = tpu.memref_slice %arg3[%dma_start3A_179, %dma_start3A_188, %dma_start3A_189] : memref<8x768x3072xf32, #tpu.memory_space<any>> -> memref<1x384x3072xf32, #tpu.memory_space<any>>
      %dma_start3A_191 = tpu.memref_squeeze %dma_start3A_190 : memref<1x384x3072xf32, #tpu.memory_space<any>> -> memref<384x3072xf32, #tpu.memory_space<any>>
      tpu.enqueue_dma source(%dma_start3A_191 : memref<384x3072xf32, #tpu.memory_space<any>>) target(%dma_start3A_187 : memref<384x3072xf32, #tpu.memory_space<vmem>>) target_semaphore(%dma_start3A_183 : memref<!tpu.dma_semaphore, #tpu.memory_space<semaphore_mem>>)
      %dma_start3A_192 = arith.constant 0 : i32
      %dma_start3A_193 = arith.constant 0 : i32
      %dma_start3A_194 = arith.constant 0 : i32
      %dma_start3A_195 = tpu.memref_slice %arg14[%dma_start3A_194] : memref<2x!tpu.dma_semaphore, #tpu.memory_space<semaphore_mem>> -> memref<1x!tpu.dma_semaphore, #tpu.memory_space<semaphore_mem>>
      %dma_start3A_196 = tpu.memref_squeeze %dma_start3A_195 : memref<1x!tpu.dma_semaphore, #tpu.memory_space<semaphore_mem>> -> memref<!tpu.dma_semaphore, #tpu.memory_space<semaphore_mem>>
      %dma_start3A_197 = arith.constant 0 : i32
      %dma_start3A_198 = arith.constant 0 : i32
      %dma_start3A_199 = tpu.memref_slice %arg9[%dma_start3A_193, %dma_start3A_197, %dma_start3A_198] : memref<2x3072x768xf32, #tpu.memory_space<vmem>> -> memref<1x1536x768xf32, #tpu.memory_space<vmem>>
      %dma_start3A_200 = tpu.memref_squeeze %dma_start3A_199 : memref<1x1536x768xf32, #tpu.memory_space<vmem>> -> memref<1536x768xf32, #tpu.memory_space<vmem>>
      %dma_start3A_201 = arith.constant 0 : i32
      %dma_start3A_202 = arith.constant 0 : i32
      %dma_start3A_203 = tpu.memref_slice %arg5[%dma_start3A_192, %dma_start3A_201, %dma_start3A_202] : memref<8x3072x768xf32, #tpu.memory_space<any>> -> memref<1x1536x768xf32, #tpu.memory_space<any>>
      %dma_start3A_204 = tpu.memref_squeeze %dma_start3A_203 : memref<1x1536x768xf32, #tpu.memory_space<any>> -> memref<1536x768xf32, #tpu.memory_space<any>>
      tpu.enqueue_dma source(%dma_start3A_204 : memref<1536x768xf32, #tpu.memory_space<any>>) target(%dma_start3A_200 : memref<1536x768xf32, #tpu.memory_space<vmem>>) target_semaphore(%dma_start3A_196 : memref<!tpu.dma_semaphore, #tpu.memory_space<semaphore_mem>>)
      %dma_start3A_205 = arith.constant 0 : i32
      %dma_start3A_206 = arith.constant 0 : i32
      %dma_start3A_207 = arith.constant 0 : i32
      %dma_start3A_208 = tpu.memref_slice %arg14[%dma_start3A_207] : memref<2x!tpu.dma_semaphore, #tpu.memory_space<semaphore_mem>> -> memref<1x!tpu.dma_semaphore, #tpu.memory_space<semaphore_mem>>
      %dma_start3A_209 = tpu.memref_squeeze %dma_start3A_208 : memref<1x!tpu.dma_semaphore, #tpu.memory_space<semaphore_mem>> -> memref<!tpu.dma_semaphore, #tpu.memory_space<semaphore_mem>>
      %dma_start3A_210 = arith.constant 1536 : i32
      %dma_start3A_211 = arith.constant 0 : i32
      %dma_start3A_212 = tpu.memref_slice %arg9[%dma_start3A_206, %dma_start3A_210, %dma_start3A_211] : memref<2x3072x768xf32, #tpu.memory_space<vmem>> -> memref<1x1536x768xf32, #tpu.memory_space<vmem>>
      %dma_start3A_213 = tpu.memref_squeeze %dma_start3A_212 : memref<1x1536x768xf32, #tpu.memory_space<vmem>> -> memref<1536x768xf32, #tpu.memory_space<vmem>>
      %dma_start3A_214 = arith.constant 1536 : i32
      %dma_start3A_215 = arith.constant 0 : i32
      %dma_start3A_216 = tpu.memref_slice %arg5[%dma_start3A_205, %dma_start3A_214, %dma_start3A_215] : memref<8x3072x768xf32, #tpu.memory_space<any>> -> memref<1x1536x768xf32, #tpu.memory_space<any>>
      %dma_start3A_217 = tpu.memref_squeeze %dma_start3A_216 : memref<1x1536x768xf32, #tpu.memory_space<any>> -> memref<1536x768xf32, #tpu.memory_space<any>>
      tpu.enqueue_dma source(%dma_start3A_217 : memref<1536x768xf32, #tpu.memory_space<any>>) target(%dma_start3A_213 : memref<1536x768xf32, #tpu.memory_space<vmem>>) target_semaphore(%dma_start3A_209 : memref<!tpu.dma_semaphore, #tpu.memory_space<semaphore_mem>>)
      %get3A_218 = arith.constant 0 : index
      %get3A_219 = memref.load %arg1[%get3A_218] : memref<8xi32, #tpu.memory_space<smem>>
      %add3A_220 = arith.constant 256 : i32
      %add3A_221 = arith.addi %get3A_219, %add3A_220 : i32
      %sub3A_222 = arith.constant 1 : i32
      %sub3A_223 = arith.subi %add3A_221, %sub3A_222 : i32
      %jit3A_224 = arith.constant 256 : i32
      %div3A_225 = arith.divsi %sub3A_223, %jit3A_224 : i32
      %sign3A_226 = arith.constant 0 : i32
      %sign3A_227 = arith.cmpi sgt, %sub3A_223, %sign3A_226 : i32
      %sign3A_228 = arith.extui %sign3A_227 : i1 to i32
      %sign3A_229 = arith.constant 0 : i32
      %sign3A_230 = arith.cmpi slt, %sub3A_223, %sign3A_229 : i32
      %sign3A_231 = arith.extui %sign3A_230 : i1 to i32
      %sign3A_232 = arith.subi %sign3A_228, %sign3A_231 : i32
      %sign3A_233 = arith.constant 0 : i32
      %sign3A_234 = arith.cmpi sgt, %jit3A_224, %sign3A_233 : i32
      %sign3A_235 = arith.extui %sign3A_234 : i1 to i32
      %sign3A_236 = arith.constant 0 : i32
      %sign3A_237 = arith.cmpi slt, %jit3A_224, %sign3A_236 : i32
      %sign3A_238 = arith.extui %sign3A_237 : i1 to i32
      %sign3A_239 = arith.subi %sign3A_235, %sign3A_238 : i32
      %ne3A_240 = arith.cmpi ne, %sign3A_232, %sign3A_239 : i32
      %rem3A_241 = arith.remsi %sub3A_223, %jit3A_224 : i32
      %ne3A_242 = arith.constant 0 : i32
      %ne3A_243 = arith.cmpi ne, %rem3A_241, %ne3A_242 : i32
      %and3A_244 = arith.andi %ne3A_240, %ne3A_243 : i1
      %sub3A_245 = arith.constant 1 : i32
      %sub3A_246 = arith.subi %div3A_225, %sub3A_245 : i32
      %select_n3A_247 = arith.select %and3A_244, %sub3A_246, %div3A_225 : i32
      %while3A_248 = arith.constant 0 : i32
      %while3A_249 = arith.constant 0 : i32
      %while3A_250 = arith.subi %select_n3A_247, %while3A_249 : i32
      %while3A_251 = arith.addi %while3A_249, %while3A_250 : i32
      %while3A_252 = arith.constant 1 : i32
      %while3A_253 = arith.divsi %while3A_250, %while3A_252 : i32
      %while3A_254 = arith.muli %while3A_253, %while3A_252 : i32
      %while3A_255 = arith.addi %while3A_249, %while3A_254 : i32
      %while3A_256 = arith.constant 1 : i32
      scf.for %while3A_258 = %while3A_249 to %while3A_255 step %while3A_256  : i32 {
        %add3A_259 = arith.constant 0 : i32
        %add3A_260 = arith.addi %add3A_259, %while3A_258 : i32
        %mul3A = arith.constant 256 : i32
        %mul3A_261 = arith.muli %add3A_260, %mul3A : i32
        %mul3A_262 = arith.constant 256 : i32
        %mul3A_263 = arith.muli %while3A_258, %mul3A_262 : i32
        %dma_start3A_264 = arith.constant 0 : i32
        %dma_start3A_265 = arith.constant 0 : i32
        %dma_start3A_266 = tpu.memref_slice %arg15[%dma_start3A_265] : memref<2x!tpu.dma_semaphore, #tpu.memory_space<semaphore_mem>> -> memref<1x!tpu.dma_semaphore, #tpu.memory_space<semaphore_mem>>
        %dma_start3A_267 = tpu.memref_squeeze %dma_start3A_266 : memref<1x!tpu.dma_semaphore, #tpu.memory_space<semaphore_mem>> -> memref<!tpu.dma_semaphore, #tpu.memory_space<semaphore_mem>>
        %dma_start3A_268 = arith.constant 0 : i32
        %dma_start3A_269 = tpu.memref_slice %arg12[%dma_start3A_264, %mul3A_263, %dma_start3A_268] : memref<2x2048x768xf32, #tpu.memory_space<vmem>> -> memref<1x256x768xf32, #tpu.memory_space<vmem>>
        %dma_start3A_270 = tpu.memref_squeeze %dma_start3A_269 : memref<1x256x768xf32, #tpu.memory_space<vmem>> -> memref<256x768xf32, #tpu.memory_space<vmem>>
        %dma_start3A_271 = arith.constant 0 : i32
        %dma_start3A_272 = tpu.memref_slice %arg2[%mul3A_261, %dma_start3A_271] : memref<16384x768xf32, #tpu.memory_space<any>> -> memref<256x768xf32, #tpu.memory_space<any>>
        tpu.enqueue_dma source(%dma_start3A_272 : memref<256x768xf32, #tpu.memory_space<any>>) target(%dma_start3A_270 : memref<256x768xf32, #tpu.memory_space<vmem>>) target_semaphore(%dma_start3A_267 : memref<!tpu.dma_semaphore, #tpu.memory_space<semaphore_mem>>)
      }
      %while3A_257 = arith.constant 1 : i32
      scf.for %while3A_258 = %while3A_255 to %while3A_251 step %while3A_257  : i32 {
        %add3A_259 = arith.constant 0 : i32
        %add3A_260 = arith.addi %add3A_259, %while3A_258 : i32
        %mul3A = arith.constant 256 : i32
        %mul3A_261 = arith.muli %add3A_260, %mul3A : i32
        %mul3A_262 = arith.constant 256 : i32
        %mul3A_263 = arith.muli %while3A_258, %mul3A_262 : i32
        %dma_start3A_264 = arith.constant 0 : i32
        %dma_start3A_265 = arith.constant 0 : i32
        %dma_start3A_266 = tpu.memref_slice %arg15[%dma_start3A_265] : memref<2x!tpu.dma_semaphore, #tpu.memory_space<semaphore_mem>> -> memref<1x!tpu.dma_semaphore, #tpu.memory_space<semaphore_mem>>
        %dma_start3A_267 = tpu.memref_squeeze %dma_start3A_266 : memref<1x!tpu.dma_semaphore, #tpu.memory_space<semaphore_mem>> -> memref<!tpu.dma_semaphore, #tpu.memory_space<semaphore_mem>>
        %dma_start3A_268 = arith.constant 0 : i32
        %dma_start3A_269 = tpu.memref_slice %arg12[%dma_start3A_264, %mul3A_263, %dma_start3A_268] : memref<2x2048x768xf32, #tpu.memory_space<vmem>> -> memref<1x256x768xf32, #tpu.memory_space<vmem>>
        %dma_start3A_270 = tpu.memref_squeeze %dma_start3A_269 : memref<1x256x768xf32, #tpu.memory_space<vmem>> -> memref<256x768xf32, #tpu.memory_space<vmem>>
        %dma_start3A_271 = arith.constant 0 : i32
        %dma_start3A_272 = tpu.memref_slice %arg2[%mul3A_261, %dma_start3A_271] : memref<16384x768xf32, #tpu.memory_space<any>> -> memref<256x768xf32, #tpu.memory_space<any>>
        tpu.enqueue_dma source(%dma_start3A_272 : memref<256x768xf32, #tpu.memory_space<any>>) target(%dma_start3A_270 : memref<256x768xf32, #tpu.memory_space<vmem>>) target_semaphore(%dma_start3A_267 : memref<!tpu.dma_semaphore, #tpu.memory_space<semaphore_mem>>)
      }
    } else {
    }
    %add3A_6 = arith.constant 1 : i32
    %add3A_7 = arith.addi %arg0, %add3A_6 : i32
    %lt3A = arith.constant 8 : i32
    %lt3A_8 = arith.cmpi slt, %add3A_7, %lt3A : i32
    %convert_element_type3A_9 = arith.extui %lt3A_8 : i1 to i32
    %cond3A_10 = arith.constant 0 : i32
    %cond3A_11 = arith.cmpi ne, %convert_element_type3A_9, %cond3A_10 : i32
    scf.if %cond3A_11 {
      %add3A_167 = arith.constant 1 : i32
      %add3A_168 = arith.addi %arg0, %add3A_167 : i32
      %dma_start3A = tpu.memref_slice %arg14[%rem3A_3] : memref<2x!tpu.dma_semaphore, #tpu.memory_space<semaphore_mem>> -> memref<1x!tpu.dma_semaphore, #tpu.memory_space<semaphore_mem>>
      %dma_start3A_169 = tpu.memref_squeeze %dma_start3A : memref<1x!tpu.dma_semaphore, #tpu.memory_space<semaphore_mem>> -> memref<!tpu.dma_semaphore, #tpu.memory_space<semaphore_mem>>
      %dma_start3A_170 = arith.constant 0 : i32
      %dma_start3A_171 = arith.constant 0 : i32
      %dma_start3A_172 = tpu.memref_slice %arg8[%rem3A_3, %dma_start3A_170, %dma_start3A_171] : memref<2x768x3072xf32, #tpu.memory_space<vmem>> -> memref<1x384x3072xf32, #tpu.memory_space<vmem>>
      %dma_start3A_173 = tpu.memref_squeeze %dma_start3A_172 : memref<1x384x3072xf32, #tpu.memory_space<vmem>> -> memref<384x3072xf32, #tpu.memory_space<vmem>>
      %dma_start3A_174 = arith.constant 0 : i32
      %dma_start3A_175 = arith.constant 0 : i32
      %dma_start3A_176 = tpu.memref_slice %arg3[%add3A_168, %dma_start3A_174, %dma_start3A_175] : memref<8x768x3072xf32, #tpu.memory_space<any>> -> memref<1x384x3072xf32, #tpu.memory_space<any>>
      %dma_start3A_177 = tpu.memref_squeeze %dma_start3A_176 : memref<1x384x3072xf32, #tpu.memory_space<any>> -> memref<384x3072xf32, #tpu.memory_space<any>>
      tpu.enqueue_dma source(%dma_start3A_177 : memref<384x3072xf32, #tpu.memory_space<any>>) target(%dma_start3A_173 : memref<384x3072xf32, #tpu.memory_space<vmem>>) target_semaphore(%dma_start3A_169 : memref<!tpu.dma_semaphore, #tpu.memory_space<semaphore_mem>>)
      %dma_start3A_178 = tpu.memref_slice %arg14[%rem3A_3] : memref<2x!tpu.dma_semaphore, #tpu.memory_space<semaphore_mem>> -> memref<1x!tpu.dma_semaphore, #tpu.memory_space<semaphore_mem>>
      %dma_start3A_179 = tpu.memref_squeeze %dma_start3A_178 : memref<1x!tpu.dma_semaphore, #tpu.memory_space<semaphore_mem>> -> memref<!tpu.dma_semaphore, #tpu.memory_space<semaphore_mem>>
      %dma_start3A_180 = arith.constant 384 : i32
      %dma_start3A_181 = arith.constant 0 : i32
      %dma_start3A_182 = tpu.memref_slice %arg8[%rem3A_3, %dma_start3A_180, %dma_start3A_181] : memref<2x768x3072xf32, #tpu.memory_space<vmem>> -> memref<1x384x3072xf32, #tpu.memory_space<vmem>>
      %dma_start3A_183 = tpu.memref_squeeze %dma_start3A_182 : memref<1x384x3072xf32, #tpu.memory_space<vmem>> -> memref<384x3072xf32, #tpu.memory_space<vmem>>
      %dma_start3A_184 = arith.constant 384 : i32
      %dma_start3A_185 = arith.constant 0 : i32
      %dma_start3A_186 = tpu.memref_slice %arg3[%add3A_168, %dma_start3A_184, %dma_start3A_185] : memref<8x768x3072xf32, #tpu.memory_space<any>> -> memref<1x384x3072xf32, #tpu.memory_space<any>>
      %dma_start3A_187 = tpu.memref_squeeze %dma_start3A_186 : memref<1x384x3072xf32, #tpu.memory_space<any>> -> memref<384x3072xf32, #tpu.memory_space<any>>
      tpu.enqueue_dma source(%dma_start3A_187 : memref<384x3072xf32, #tpu.memory_space<any>>) target(%dma_start3A_183 : memref<384x3072xf32, #tpu.memory_space<vmem>>) target_semaphore(%dma_start3A_179 : memref<!tpu.dma_semaphore, #tpu.memory_space<semaphore_mem>>)
      %dma_start3A_188 = tpu.memref_slice %arg14[%rem3A_3] : memref<2x!tpu.dma_semaphore, #tpu.memory_space<semaphore_mem>> -> memref<1x!tpu.dma_semaphore, #tpu.memory_space<semaphore_mem>>
      %dma_start3A_189 = tpu.memref_squeeze %dma_start3A_188 : memref<1x!tpu.dma_semaphore, #tpu.memory_space<semaphore_mem>> -> memref<!tpu.dma_semaphore, #tpu.memory_space<semaphore_mem>>
      %dma_start3A_190 = arith.constant 0 : i32
      %dma_start3A_191 = arith.constant 0 : i32
      %dma_start3A_192 = tpu.memref_slice %arg9[%rem3A_3, %dma_start3A_190, %dma_start3A_191] : memref<2x3072x768xf32, #tpu.memory_space<vmem>> -> memref<1x1536x768xf32, #tpu.memory_space<vmem>>
      %dma_start3A_193 = tpu.memref_squeeze %dma_start3A_192 : memref<1x1536x768xf32, #tpu.memory_space<vmem>> -> memref<1536x768xf32, #tpu.memory_space<vmem>>
      %dma_start3A_194 = arith.constant 0 : i32
      %dma_start3A_195 = arith.constant 0 : i32
      %dma_start3A_196 = tpu.memref_slice %arg5[%add3A_168, %dma_start3A_194, %dma_start3A_195] : memref<8x3072x768xf32, #tpu.memory_space<any>> -> memref<1x1536x768xf32, #tpu.memory_space<any>>
      %dma_start3A_197 = tpu.memref_squeeze %dma_start3A_196 : memref<1x1536x768xf32, #tpu.memory_space<any>> -> memref<1536x768xf32, #tpu.memory_space<any>>
      tpu.enqueue_dma source(%dma_start3A_197 : memref<1536x768xf32, #tpu.memory_space<any>>) target(%dma_start3A_193 : memref<1536x768xf32, #tpu.memory_space<vmem>>) target_semaphore(%dma_start3A_189 : memref<!tpu.dma_semaphore, #tpu.memory_space<semaphore_mem>>)
      %dma_start3A_198 = tpu.memref_slice %arg14[%rem3A_3] : memref<2x!tpu.dma_semaphore, #tpu.memory_space<semaphore_mem>> -> memref<1x!tpu.dma_semaphore, #tpu.memory_space<semaphore_mem>>
      %dma_start3A_199 = tpu.memref_squeeze %dma_start3A_198 : memref<1x!tpu.dma_semaphore, #tpu.memory_space<semaphore_mem>> -> memref<!tpu.dma_semaphore, #tpu.memory_space<semaphore_mem>>
      %dma_start3A_200 = arith.constant 1536 : i32
      %dma_start3A_201 = arith.constant 0 : i32
      %dma_start3A_202 = tpu.memref_slice %arg9[%rem3A_3, %dma_start3A_200, %dma_start3A_201] : memref<2x3072x768xf32, #tpu.memory_space<vmem>> -> memref<1x1536x768xf32, #tpu.memory_space<vmem>>
      %dma_start3A_203 = tpu.memref_squeeze %dma_start3A_202 : memref<1x1536x768xf32, #tpu.memory_space<vmem>> -> memref<1536x768xf32, #tpu.memory_space<vmem>>
      %dma_start3A_204 = arith.constant 1536 : i32
      %dma_start3A_205 = arith.constant 0 : i32
      %dma_start3A_206 = tpu.memref_slice %arg5[%add3A_168, %dma_start3A_204, %dma_start3A_205] : memref<8x3072x768xf32, #tpu.memory_space<any>> -> memref<1x1536x768xf32, #tpu.memory_space<any>>
      %dma_start3A_207 = tpu.memref_squeeze %dma_start3A_206 : memref<1x1536x768xf32, #tpu.memory_space<any>> -> memref<1536x768xf32, #tpu.memory_space<any>>
      tpu.enqueue_dma source(%dma_start3A_207 : memref<1536x768xf32, #tpu.memory_space<any>>) target(%dma_start3A_203 : memref<1536x768xf32, #tpu.memory_space<vmem>>) target_semaphore(%dma_start3A_199 : memref<!tpu.dma_semaphore, #tpu.memory_space<semaphore_mem>>)
      %get3A_208 = arith.index_cast %add3A_168 : i32 to index
      %get3A_209 = memref.load %arg1[%get3A_208] : memref<8xi32, #tpu.memory_space<smem>>
      %add3A_210 = arith.constant 256 : i32
      %add3A_211 = arith.addi %get3A_209, %add3A_210 : i32
      %sub3A_212 = arith.constant 1 : i32
      %sub3A_213 = arith.subi %add3A_211, %sub3A_212 : i32
      %jit3A_214 = arith.constant 256 : i32
      %div3A_215 = arith.divsi %sub3A_213, %jit3A_214 : i32
      %sign3A_216 = arith.constant 0 : i32
      %sign3A_217 = arith.cmpi sgt, %sub3A_213, %sign3A_216 : i32
      %sign3A_218 = arith.extui %sign3A_217 : i1 to i32
      %sign3A_219 = arith.constant 0 : i32
      %sign3A_220 = arith.cmpi slt, %sub3A_213, %sign3A_219 : i32
      %sign3A_221 = arith.extui %sign3A_220 : i1 to i32
      %sign3A_222 = arith.subi %sign3A_218, %sign3A_221 : i32
      %sign3A_223 = arith.constant 0 : i32
      %sign3A_224 = arith.cmpi sgt, %jit3A_214, %sign3A_223 : i32
      %sign3A_225 = arith.extui %sign3A_224 : i1 to i32
      %sign3A_226 = arith.constant 0 : i32
      %sign3A_227 = arith.cmpi slt, %jit3A_214, %sign3A_226 : i32
      %sign3A_228 = arith.extui %sign3A_227 : i1 to i32
      %sign3A_229 = arith.subi %sign3A_225, %sign3A_228 : i32
      %ne3A_230 = arith.cmpi ne, %sign3A_222, %sign3A_229 : i32
      %rem3A_231 = arith.remsi %sub3A_213, %jit3A_214 : i32
      %ne3A_232 = arith.constant 0 : i32
      %ne3A_233 = arith.cmpi ne, %rem3A_231, %ne3A_232 : i32
      %and3A_234 = arith.andi %ne3A_230, %ne3A_233 : i1
      %sub3A_235 = arith.constant 1 : i32
      %sub3A_236 = arith.subi %div3A_215, %sub3A_235 : i32
      %select_n3A_237 = arith.select %and3A_234, %sub3A_236, %div3A_215 : i32
      %while3A_238 = arith.constant 0 : i32
      %while3A_239 = arith.constant 0 : i32
      %while3A_240 = arith.subi %select_n3A_237, %while3A_239 : i32
      %while3A_241 = arith.addi %while3A_239, %while3A_240 : i32
      %while3A_242 = arith.constant 1 : i32
      %while3A_243 = arith.divsi %while3A_240, %while3A_242 : i32
      %while3A_244 = arith.muli %while3A_243, %while3A_242 : i32
      %while3A_245 = arith.addi %while3A_239, %while3A_244 : i32
      %while3A_246 = arith.constant 1 : i32
      scf.for %while3A_248 = %while3A_239 to %while3A_245 step %while3A_246  : i32 {
        %mul3A = arith.constant 8 : i32
        %mul3A_249 = arith.muli %add3A_168, %mul3A : i32
        %add3A_250 = arith.addi %mul3A_249, %while3A_248 : i32
        %mul3A_251 = arith.constant 256 : i32
        %mul3A_252 = arith.muli %add3A_250, %mul3A_251 : i32
        %mul3A_253 = arith.constant 256 : i32
        %mul3A_254 = arith.muli %while3A_248, %mul3A_253 : i32
        %dma_start3A_255 = tpu.memref_slice %arg15[%rem3A_3] : memref<2x!tpu.dma_semaphore, #tpu.memory_space<semaphore_mem>> -> memref<1x!tpu.dma_semaphore, #tpu.memory_space<semaphore_mem>>
        %dma_start3A_256 = tpu.memref_squeeze %dma_start3A_255 : memref<1x!tpu.dma_semaphore, #tpu.memory_space<semaphore_mem>> -> memref<!tpu.dma_semaphore, #tpu.memory_space<semaphore_mem>>
        %dma_start3A_257 = arith.constant 0 : i32
        %dma_start3A_258 = tpu.memref_slice %arg12[%rem3A_3, %mul3A_254, %dma_start3A_257] : memref<2x2048x768xf32, #tpu.memory_space<vmem>> -> memref<1x256x768xf32, #tpu.memory_space<vmem>>
        %dma_start3A_259 = tpu.memref_squeeze %dma_start3A_258 : memref<1x256x768xf32, #tpu.memory_space<vmem>> -> memref<256x768xf32, #tpu.memory_space<vmem>>
        %dma_start3A_260 = arith.constant 0 : i32
        %dma_start3A_261 = tpu.memref_slice %arg2[%mul3A_252, %dma_start3A_260] : memref<16384x768xf32, #tpu.memory_space<any>> -> memref<256x768xf32, #tpu.memory_space<any>>
        tpu.enqueue_dma source(%dma_start3A_261 : memref<256x768xf32, #tpu.memory_space<any>>) target(%dma_start3A_259 : memref<256x768xf32, #tpu.memory_space<vmem>>) target_semaphore(%dma_start3A_256 : memref<!tpu.dma_semaphore, #tpu.memory_space<semaphore_mem>>)
      }
      %while3A_247 = arith.constant 1 : i32
      scf.for %while3A_248 = %while3A_245 to %while3A_241 step %while3A_247  : i32 {
        %mul3A = arith.constant 8 : i32
        %mul3A_249 = arith.muli %add3A_168, %mul3A : i32
        %add3A_250 = arith.addi %mul3A_249, %while3A_248 : i32
        %mul3A_251 = arith.constant 256 : i32
        %mul3A_252 = arith.muli %add3A_250, %mul3A_251 : i32
        %mul3A_253 = arith.constant 256 : i32
        %mul3A_254 = arith.muli %while3A_248, %mul3A_253 : i32
        %dma_start3A_255 = tpu.memref_slice %arg15[%rem3A_3] : memref<2x!tpu.dma_semaphore, #tpu.memory_space<semaphore_mem>> -> memref<1x!tpu.dma_semaphore, #tpu.memory_space<semaphore_mem>>
        %dma_start3A_256 = tpu.memref_squeeze %dma_start3A_255 : memref<1x!tpu.dma_semaphore, #tpu.memory_space<semaphore_mem>> -> memref<!tpu.dma_semaphore, #tpu.memory_space<semaphore_mem>>
        %dma_start3A_257 = arith.constant 0 : i32
        %dma_start3A_258 = tpu.memref_slice %arg12[%rem3A_3, %mul3A_254, %dma_start3A_257] : memref<2x2048x768xf32, #tpu.memory_space<vmem>> -> memref<1x256x768xf32, #tpu.memory_space<vmem>>
        %dma_start3A_259 = tpu.memref_squeeze %dma_start3A_258 : memref<1x256x768xf32, #tpu.memory_space<vmem>> -> memref<256x768xf32, #tpu.memory_space<vmem>>
        %dma_start3A_260 = arith.constant 0 : i32
        %dma_start3A_261 = tpu.memref_slice %arg2[%mul3A_252, %dma_start3A_260] : memref<16384x768xf32, #tpu.memory_space<any>> -> memref<256x768xf32, #tpu.memory_space<any>>
        tpu.enqueue_dma source(%dma_start3A_261 : memref<256x768xf32, #tpu.memory_space<any>>) target(%dma_start3A_259 : memref<256x768xf32, #tpu.memory_space<vmem>>) target_semaphore(%dma_start3A_256 : memref<!tpu.dma_semaphore, #tpu.memory_space<semaphore_mem>>)
      }
    } else {
    }
    %eq3A_12 = arith.constant 0 : i32
    %eq3A_13 = arith.cmpi eq, %arg0, %eq3A_12 : i32
    %convert_element_type3A_14 = arith.extui %eq3A_13 : i1 to i32
    %cond3A_15 = arith.constant 0 : i32
    %cond3A_16 = arith.cmpi ne, %convert_element_type3A_14, %cond3A_15 : i32
    scf.if %cond3A_16 {
      tpu.wait_dma2 semaphore(%arg17 : memref<!tpu.dma_semaphore, #tpu.memory_space<semaphore_mem>>) src(%arg4 : memref<8x1x3072xf32, #tpu.memory_space<any>>) dst(%arg10 : memref<8x1x3072xf32, #tpu.memory_space<vmem>>)
      tpu.wait_dma2 semaphore(%arg17 : memref<!tpu.dma_semaphore, #tpu.memory_space<semaphore_mem>>) src(%arg6 : memref<8x1x768xf32, #tpu.memory_space<any>>) dst(%arg11 : memref<8x1x768xf32, #tpu.memory_space<vmem>>)
    } else {
    }
    %dma_wait3A = tpu.memref_slice %arg14[%rem3A_0] : memref<2x!tpu.dma_semaphore, #tpu.memory_space<semaphore_mem>> -> memref<1x!tpu.dma_semaphore, #tpu.memory_space<semaphore_mem>>
    %dma_wait3A_17 = tpu.memref_squeeze %dma_wait3A : memref<1x!tpu.dma_semaphore, #tpu.memory_space<semaphore_mem>> -> memref<!tpu.dma_semaphore, #tpu.memory_space<semaphore_mem>>
    %dma_wait3A_18 = arith.constant 0 : i32
    %dma_wait3A_19 = arith.constant 0 : i32
    %dma_wait3A_20 = tpu.memref_slice %arg8[%rem3A_0, %dma_wait3A_18, %dma_wait3A_19] : memref<2x768x3072xf32, #tpu.memory_space<vmem>> -> memref<1x384x3072xf32, #tpu.memory_space<vmem>>
    %dma_wait3A_21 = tpu.memref_squeeze %dma_wait3A_20 : memref<1x384x3072xf32, #tpu.memory_space<vmem>> -> memref<384x3072xf32, #tpu.memory_space<vmem>>
    %dma_wait3A_22 = arith.constant 0 : i32
    %dma_wait3A_23 = arith.constant 0 : i32
    %dma_wait3A_24 = tpu.memref_slice %arg3[%arg0, %dma_wait3A_22, %dma_wait3A_23] : memref<8x768x3072xf32, #tpu.memory_space<any>> -> memref<1x384x3072xf32, #tpu.memory_space<any>>
    %dma_wait3A_25 = tpu.memref_squeeze %dma_wait3A_24 : memref<1x384x3072xf32, #tpu.memory_space<any>> -> memref<384x3072xf32, #tpu.memory_space<any>>
    tpu.wait_dma2 semaphore(%dma_wait3A_17 : memref<!tpu.dma_semaphore, #tpu.memory_space<semaphore_mem>>) src(%dma_wait3A_25 : memref<384x3072xf32, #tpu.memory_space<any>>) dst(%dma_wait3A_21 : memref<384x3072xf32, #tpu.memory_space<vmem>>)
    %dma_wait3A_26 = tpu.memref_slice %arg14[%rem3A_0] : memref<2x!tpu.dma_semaphore, #tpu.memory_space<semaphore_mem>> -> memref<1x!tpu.dma_semaphore, #tpu.memory_space<semaphore_mem>>
    %dma_wait3A_27 = tpu.memref_squeeze %dma_wait3A_26 : memref<1x!tpu.dma_semaphore, #tpu.memory_space<semaphore_mem>> -> memref<!tpu.dma_semaphore, #tpu.memory_space<semaphore_mem>>
    %dma_wait3A_28 = arith.constant 384 : i32
    %dma_wait3A_29 = arith.constant 0 : i32
    %dma_wait3A_30 = tpu.memref_slice %arg8[%rem3A_0, %dma_wait3A_28, %dma_wait3A_29] : memref<2x768x3072xf32, #tpu.memory_space<vmem>> -> memref<1x384x3072xf32, #tpu.memory_space<vmem>>
    %dma_wait3A_31 = tpu.memref_squeeze %dma_wait3A_30 : memref<1x384x3072xf32, #tpu.memory_space<vmem>> -> memref<384x3072xf32, #tpu.memory_space<vmem>>
    %dma_wait3A_32 = arith.constant 384 : i32
    %dma_wait3A_33 = arith.constant 0 : i32
    %dma_wait3A_34 = tpu.memref_slice %arg3[%arg0, %dma_wait3A_32, %dma_wait3A_33] : memref<8x768x3072xf32, #tpu.memory_space<any>> -> memref<1x384x3072xf32, #tpu.memory_space<any>>
    %dma_wait3A_35 = tpu.memref_squeeze %dma_wait3A_34 : memref<1x384x3072xf32, #tpu.memory_space<any>> -> memref<384x3072xf32, #tpu.memory_space<any>>
    tpu.wait_dma2 semaphore(%dma_wait3A_27 : memref<!tpu.dma_semaphore, #tpu.memory_space<semaphore_mem>>) src(%dma_wait3A_35 : memref<384x3072xf32, #tpu.memory_space<any>>) dst(%dma_wait3A_31 : memref<384x3072xf32, #tpu.memory_space<vmem>>)
    %dma_wait3A_36 = tpu.memref_slice %arg14[%rem3A_0] : memref<2x!tpu.dma_semaphore, #tpu.memory_space<semaphore_mem>> -> memref<1x!tpu.dma_semaphore, #tpu.memory_space<semaphore_mem>>
    %dma_wait3A_37 = tpu.memref_squeeze %dma_wait3A_36 : memref<1x!tpu.dma_semaphore, #tpu.memory_space<semaphore_mem>> -> memref<!tpu.dma_semaphore, #tpu.memory_space<semaphore_mem>>
    %dma_wait3A_38 = arith.constant 0 : i32
    %dma_wait3A_39 = arith.constant 0 : i32
    %dma_wait3A_40 = tpu.memref_slice %arg9[%rem3A_0, %dma_wait3A_38, %dma_wait3A_39] : memref<2x3072x768xf32, #tpu.memory_space<vmem>> -> memref<1x1536x768xf32, #tpu.memory_space<vmem>>
    %dma_wait3A_41 = tpu.memref_squeeze %dma_wait3A_40 : memref<1x1536x768xf32, #tpu.memory_space<vmem>> -> memref<1536x768xf32, #tpu.memory_space<vmem>>
    %dma_wait3A_42 = arith.constant 0 : i32
    %dma_wait3A_43 = arith.constant 0 : i32
    %dma_wait3A_44 = tpu.memref_slice %arg5[%arg0, %dma_wait3A_42, %dma_wait3A_43] : memref<8x3072x768xf32, #tpu.memory_space<any>> -> memref<1x1536x768xf32, #tpu.memory_space<any>>
    %dma_wait3A_45 = tpu.memref_squeeze %dma_wait3A_44 : memref<1x1536x768xf32, #tpu.memory_space<any>> -> memref<1536x768xf32, #tpu.memory_space<any>>
    tpu.wait_dma2 semaphore(%dma_wait3A_37 : memref<!tpu.dma_semaphore, #tpu.memory_space<semaphore_mem>>) src(%dma_wait3A_45 : memref<1536x768xf32, #tpu.memory_space<any>>) dst(%dma_wait3A_41 : memref<1536x768xf32, #tpu.memory_space<vmem>>)
    %dma_wait3A_46 = tpu.memref_slice %arg14[%rem3A_0] : memref<2x!tpu.dma_semaphore, #tpu.memory_space<semaphore_mem>> -> memref<1x!tpu.dma_semaphore, #tpu.memory_space<semaphore_mem>>
    %dma_wait3A_47 = tpu.memref_squeeze %dma_wait3A_46 : memref<1x!tpu.dma_semaphore, #tpu.memory_space<semaphore_mem>> -> memref<!tpu.dma_semaphore, #tpu.memory_space<semaphore_mem>>
    %dma_wait3A_48 = arith.constant 1536 : i32
    %dma_wait3A_49 = arith.constant 0 : i32
    %dma_wait3A_50 = tpu.memref_slice %arg9[%rem3A_0, %dma_wait3A_48, %dma_wait3A_49] : memref<2x3072x768xf32, #tpu.memory_space<vmem>> -> memref<1x1536x768xf32, #tpu.memory_space<vmem>>
    %dma_wait3A_51 = tpu.memref_squeeze %dma_wait3A_50 : memref<1x1536x768xf32, #tpu.memory_space<vmem>> -> memref<1536x768xf32, #tpu.memory_space<vmem>>
    %dma_wait3A_52 = arith.constant 1536 : i32
    %dma_wait3A_53 = arith.constant 0 : i32
    %dma_wait3A_54 = tpu.memref_slice %arg5[%arg0, %dma_wait3A_52, %dma_wait3A_53] : memref<8x3072x768xf32, #tpu.memory_space<any>> -> memref<1x1536x768xf32, #tpu.memory_space<any>>
    %dma_wait3A_55 = tpu.memref_squeeze %dma_wait3A_54 : memref<1x1536x768xf32, #tpu.memory_space<any>> -> memref<1536x768xf32, #tpu.memory_space<any>>
    tpu.wait_dma2 semaphore(%dma_wait3A_47 : memref<!tpu.dma_semaphore, #tpu.memory_space<semaphore_mem>>) src(%dma_wait3A_55 : memref<1536x768xf32, #tpu.memory_space<any>>) dst(%dma_wait3A_51 : memref<1536x768xf32, #tpu.memory_space<vmem>>)
    %get3A = arith.index_cast %arg0 : i32 to index
    %get3A_56 = memref.load %arg1[%get3A] : memref<8xi32, #tpu.memory_space<smem>>
    %add3A_57 = arith.constant 256 : i32
    %add3A_58 = arith.addi %get3A_56, %add3A_57 : i32
    %sub3A = arith.constant 1 : i32
    %sub3A_59 = arith.subi %add3A_58, %sub3A : i32
    %jit3A = arith.constant 256 : i32
    %div3A = arith.divsi %sub3A_59, %jit3A : i32
    %sign3A = arith.constant 0 : i32
    %sign3A_60 = arith.cmpi sgt, %sub3A_59, %sign3A : i32
    %sign3A_61 = arith.extui %sign3A_60 : i1 to i32
    %sign3A_62 = arith.constant 0 : i32
    %sign3A_63 = arith.cmpi slt, %sub3A_59, %sign3A_62 : i32
    %sign3A_64 = arith.extui %sign3A_63 : i1 to i32
    %sign3A_65 = arith.subi %sign3A_61, %sign3A_64 : i32
    %sign3A_66 = arith.constant 0 : i32
    %sign3A_67 = arith.cmpi sgt, %jit3A, %sign3A_66 : i32
    %sign3A_68 = arith.extui %sign3A_67 : i1 to i32
    %sign3A_69 = arith.constant 0 : i32
    %sign3A_70 = arith.cmpi slt, %jit3A, %sign3A_69 : i32
    %sign3A_71 = arith.extui %sign3A_70 : i1 to i32
    %sign3A_72 = arith.subi %sign3A_68, %sign3A_71 : i32
    %ne3A = arith.cmpi ne, %sign3A_65, %sign3A_72 : i32
    %rem3A_73 = arith.remsi %sub3A_59, %jit3A : i32
    %ne3A_74 = arith.constant 0 : i32
    %ne3A_75 = arith.cmpi ne, %rem3A_73, %ne3A_74 : i32
    %and3A = arith.andi %ne3A, %ne3A_75 : i1
    %sub3A_76 = arith.constant 1 : i32
    %sub3A_77 = arith.subi %div3A, %sub3A_76 : i32
    %select_n3A = arith.select %and3A, %sub3A_77, %div3A : i32
    %while3A = arith.constant 0 : i32
    %while3A_78 = arith.constant 0 : i32
    %while3A_79 = arith.subi %select_n3A, %while3A_78 : i32
    %while3A_80 = arith.addi %while3A_78, %while3A_79 : i32
    %while3A_81 = arith.constant 1 : i32
    %while3A_82 = arith.divsi %while3A_79, %while3A_81 : i32
    %while3A_83 = arith.muli %while3A_82, %while3A_81 : i32
    %while3A_84 = arith.addi %while3A_78, %while3A_83 : i32
    %while3A_85 = arith.constant 1 : i32
    scf.for %while3A_167 = %while3A_78 to %while3A_84 step %while3A_85  : i32 {
      %mul3A = arith.constant 8 : i32
      %mul3A_168 = arith.muli %arg0, %mul3A : i32
      %add3A_169 = arith.addi %mul3A_168, %while3A_167 : i32
      %mul3A_170 = arith.constant 256 : i32
      %mul3A_171 = arith.muli %add3A_169, %mul3A_170 : i32
      %mul3A_172 = arith.constant 256 : i32
      %mul3A_173 = arith.muli %while3A_167, %mul3A_172 : i32
      %dma_wait3A_174 = tpu.memref_slice %arg15[%rem3A_0] : memref<2x!tpu.dma_semaphore, #tpu.memory_space<semaphore_mem>> -> memref<1x!tpu.dma_semaphore, #tpu.memory_space<semaphore_mem>>
      %dma_wait3A_175 = tpu.memref_squeeze %dma_wait3A_174 : memref<1x!tpu.dma_semaphore, #tpu.memory_space<semaphore_mem>> -> memref<!tpu.dma_semaphore, #tpu.memory_space<semaphore_mem>>
      %dma_wait3A_176 = arith.constant 0 : i32
      %dma_wait3A_177 = tpu.memref_slice %arg12[%rem3A_0, %mul3A_173, %dma_wait3A_176] : memref<2x2048x768xf32, #tpu.memory_space<vmem>> -> memref<1x256x768xf32, #tpu.memory_space<vmem>>
      %dma_wait3A_178 = tpu.memref_squeeze %dma_wait3A_177 : memref<1x256x768xf32, #tpu.memory_space<vmem>> -> memref<256x768xf32, #tpu.memory_space<vmem>>
      %dma_wait3A_179 = arith.constant 0 : i32
      %dma_wait3A_180 = tpu.memref_slice %arg2[%mul3A_171, %dma_wait3A_179] : memref<16384x768xf32, #tpu.memory_space<any>> -> memref<256x768xf32, #tpu.memory_space<any>>
      tpu.wait_dma2 semaphore(%dma_wait3A_175 : memref<!tpu.dma_semaphore, #tpu.memory_space<semaphore_mem>>) src(%dma_wait3A_180 : memref<256x768xf32, #tpu.memory_space<any>>) dst(%dma_wait3A_178 : memref<256x768xf32, #tpu.memory_space<vmem>>)
    }
    %while3A_86 = arith.constant 1 : i32
    scf.for %while3A_167 = %while3A_84 to %while3A_80 step %while3A_86  : i32 {
      %mul3A = arith.constant 8 : i32
      %mul3A_168 = arith.muli %arg0, %mul3A : i32
      %add3A_169 = arith.addi %mul3A_168, %while3A_167 : i32
      %mul3A_170 = arith.constant 256 : i32
      %mul3A_171 = arith.muli %add3A_169, %mul3A_170 : i32
      %mul3A_172 = arith.constant 256 : i32
      %mul3A_173 = arith.muli %while3A_167, %mul3A_172 : i32
      %dma_wait3A_174 = tpu.memref_slice %arg15[%rem3A_0] : memref<2x!tpu.dma_semaphore, #tpu.memory_space<semaphore_mem>> -> memref<1x!tpu.dma_semaphore, #tpu.memory_space<semaphore_mem>>
      %dma_wait3A_175 = tpu.memref_squeeze %dma_wait3A_174 : memref<1x!tpu.dma_semaphore, #tpu.memory_space<semaphore_mem>> -> memref<!tpu.dma_semaphore, #tpu.memory_space<semaphore_mem>>
      %dma_wait3A_176 = arith.constant 0 : i32
      %dma_wait3A_177 = tpu.memref_slice %arg12[%rem3A_0, %mul3A_173, %dma_wait3A_176] : memref<2x2048x768xf32, #tpu.memory_space<vmem>> -> memref<1x256x768xf32, #tpu.memory_space<vmem>>
      %dma_wait3A_178 = tpu.memref_squeeze %dma_wait3A_177 : memref<1x256x768xf32, #tpu.memory_space<vmem>> -> memref<256x768xf32, #tpu.memory_space<vmem>>
      %dma_wait3A_179 = arith.constant 0 : i32
      %dma_wait3A_180 = tpu.memref_slice %arg2[%mul3A_171, %dma_wait3A_179] : memref<16384x768xf32, #tpu.memory_space<any>> -> memref<256x768xf32, #tpu.memory_space<any>>
      tpu.wait_dma2 semaphore(%dma_wait3A_175 : memref<!tpu.dma_semaphore, #tpu.memory_space<semaphore_mem>>) src(%dma_wait3A_180 : memref<256x768xf32, #tpu.memory_space<any>>) dst(%dma_wait3A_178 : memref<256x768xf32, #tpu.memory_space<vmem>>)
    }
    %get3A_87 = arith.index_cast %arg0 : i32 to index
    %get3A_88 = memref.load %arg1[%get3A_87] : memref<8xi32, #tpu.memory_space<smem>>
    %add3A_89 = arith.constant 256 : i32
    %add3A_90 = arith.addi %get3A_88, %add3A_89 : i32
    %sub3A_91 = arith.constant 1 : i32
    %sub3A_92 = arith.subi %add3A_90, %sub3A_91 : i32
    %jit3A_93 = arith.constant 256 : i32
    %div3A_94 = arith.divsi %sub3A_92, %jit3A_93 : i32
    %sign3A_95 = arith.constant 0 : i32
    %sign3A_96 = arith.cmpi sgt, %sub3A_92, %sign3A_95 : i32
    %sign3A_97 = arith.extui %sign3A_96 : i1 to i32
    %sign3A_98 = arith.constant 0 : i32
    %sign3A_99 = arith.cmpi slt, %sub3A_92, %sign3A_98 : i32
    %sign3A_100 = arith.extui %sign3A_99 : i1 to i32
    %sign3A_101 = arith.subi %sign3A_97, %sign3A_100 : i32
    %sign3A_102 = arith.constant 0 : i32
    %sign3A_103 = arith.cmpi sgt, %jit3A_93, %sign3A_102 : i32
    %sign3A_104 = arith.extui %sign3A_103 : i1 to i32
    %sign3A_105 = arith.constant 0 : i32
    %sign3A_106 = arith.cmpi slt, %jit3A_93, %sign3A_105 : i32
    %sign3A_107 = arith.extui %sign3A_106 : i1 to i32
    %sign3A_108 = arith.subi %sign3A_104, %sign3A_107 : i32
    %ne3A_109 = arith.cmpi ne, %sign3A_101, %sign3A_108 : i32
    %rem3A_110 = arith.remsi %sub3A_92, %jit3A_93 : i32
    %ne3A_111 = arith.constant 0 : i32
    %ne3A_112 = arith.cmpi ne, %rem3A_110, %ne3A_111 : i32
    %and3A_113 = arith.andi %ne3A_109, %ne3A_112 : i1
    %sub3A_114 = arith.constant 1 : i32
    %sub3A_115 = arith.subi %div3A_94, %sub3A_114 : i32
    %select_n3A_116 = arith.select %and3A_113, %sub3A_115, %div3A_94 : i32
    %while3A_117 = arith.constant 0 : i32
    %while3A_118 = arith.constant 0 : i32
    %while3A_119 = arith.subi %select_n3A_116, %while3A_118 : i32
    %while3A_120 = arith.addi %while3A_118, %while3A_119 : i32
    %while3A_121 = arith.constant 1 : i32
    %while3A_122 = arith.divsi %while3A_119, %while3A_121 : i32
    %while3A_123 = arith.muli %while3A_122, %while3A_121 : i32
    %while3A_124 = arith.addi %while3A_118, %while3A_123 : i32
    %while3A_125 = arith.constant 1 : i32
    scf.for %while3A_167 = %while3A_118 to %while3A_124 step %while3A_125  : i32 {
      %mul3A = arith.constant 256 : i32
      %mul3A_168 = arith.muli %while3A_167, %mul3A : i32
      %get3A_169 = arith.index_cast %rem3A_0 : i32 to index
      %get3A_170 = arith.index_cast %mul3A_168 : i32 to index
      %get3A_171 = arith.constant 0 : index
      %get3A_172 = vector.load %arg12[%get3A_169, %get3A_170, %get3A_171] : memref<2x2048x768xf32, #tpu.memory_space<vmem>>, vector<1x256x768xf32>
      %get3A_173 = vector.shape_cast %get3A_172 : vector<1x256x768xf32> to vector<256x768xf32>
      %get3A_174 = arith.index_cast %rem3A_0 : i32 to index
      %get3A_175 = arith.constant 0 : index
      %get3A_176 = arith.constant 0 : index
      %get3A_177 = vector.load %arg8[%get3A_174, %get3A_175, %get3A_176] : memref<2x768x3072xf32, #tpu.memory_space<vmem>>, vector<1x768x3072xf32>
      %get3A_178 = vector.shape_cast %get3A_177 : vector<1x768x3072xf32> to vector<768x3072xf32>
      %dot_general3A = arith.constant dense<0.000000e+00> : vector<256x3072xf32>
      %dot_general3A_179 = tpu.matmul %get3A_173, %get3A_178, %dot_general3A {dimension_numbers = #tpu.dot_dimension_numbers<[1], [0], [0], [1], [0, 0, 1, 1], [], []>, transpose_lhs_hint = false} : vector<256x768xf32>, vector<768x3072xf32>, vector<256x3072xf32> -> vector<256x3072xf32>
      %get3A_180 = arith.index_cast %arg0 : i32 to index
      %get3A_181 = arith.constant 0 : index
      %get3A_182 = arith.constant 0 : index
      %get3A_183 = vector.load %arg10[%get3A_180, %get3A_181, %get3A_182] : memref<8x1x3072xf32, #tpu.memory_space<vmem>>, vector<1x1x3072xf32>
      %get3A_184 = vector.shape_cast %get3A_183 : vector<1x1x3072xf32> to vector<1x3072xf32>
      %add3A_185 = vector.broadcast %get3A_184 : vector<1x3072xf32> to vector<256x3072xf32>
      %add3A_186 = arith.addf %dot_general3A_179, %add3A_185 : vector<256x3072xf32>
      %max3A = arith.constant 0.000000e+00 : f32
      %max3A_187 = vector.broadcast %max3A : f32 to vector<256x3072xf32>
      %max3A_188 = arith.maximumf %add3A_186, %max3A_187 : vector<256x3072xf32>
      %get3A_189 = arith.index_cast %rem3A_0 : i32 to index
      %get3A_190 = arith.constant 0 : index
      %get3A_191 = arith.constant 0 : index
      %get3A_192 = vector.load %arg9[%get3A_189, %get3A_190, %get3A_191] : memref<2x3072x768xf32, #tpu.memory_space<vmem>>, vector<1x3072x768xf32>
      %get3A_193 = vector.shape_cast %get3A_192 : vector<1x3072x768xf32> to vector<3072x768xf32>
      %dot_general3A_194 = arith.constant dense<0.000000e+00> : vector<256x768xf32>
      %dot_general3A_195 = tpu.matmul %max3A_188, %get3A_193, %dot_general3A_194 {dimension_numbers = #tpu.dot_dimension_numbers<[1], [0], [0], [1], [0, 0, 1, 1], [], []>, transpose_lhs_hint = false} : vector<256x3072xf32>, vector<3072x768xf32>, vector<256x768xf32> -> vector<256x768xf32>
      %get3A_196 = arith.index_cast %arg0 : i32 to index
      %get3A_197 = arith.constant 0 : index
      %get3A_198 = arith.constant 0 : index
      %get3A_199 = vector.load %arg11[%get3A_196, %get3A_197, %get3A_198] : memref<8x1x768xf32, #tpu.memory_space<vmem>>, vector<1x1x768xf32>
      %get3A_200 = vector.shape_cast %get3A_199 : vector<1x1x768xf32> to vector<1x768xf32>
      %add3A_201 = vector.broadcast %get3A_200 : vector<1x768xf32> to vector<256x768xf32>
      %add3A_202 = arith.addf %dot_general3A_195, %add3A_201 : vector<256x768xf32>
      %mul3A_203 = arith.constant 256 : i32
      %mul3A_204 = arith.muli %while3A_167, %mul3A_203 : i32
      %swap3A = arith.index_cast %mul3A_204 : i32 to index
      %swap3A_205 = arith.constant 0 : index
      %swap3A_206 = vector.load %arg13[%swap3A, %swap3A_205] : memref<2048x768xf32, #tpu.memory_space<vmem>>, vector<256x768xf32>
      tpu.vector_store %arg13[%swap3A, %swap3A_205], %add3A_202 {strides = array<i32>} : memref<2048x768xf32, #tpu.memory_space<vmem>>, vector<256x768xf32>,
      %mul3A_207 = arith.constant 256 : i32
      %mul3A_208 = arith.muli %while3A_167, %mul3A_207 : i32
      %mul3A_209 = arith.constant 8 : i32
      %mul3A_210 = arith.muli %arg0, %mul3A_209 : i32
      %add3A_211 = arith.addi %mul3A_210, %while3A_167 : i32
      %mul3A_212 = arith.constant 256 : i32
      %mul3A_213 = arith.muli %add3A_211, %mul3A_212 : i32
      %dma_start3A = arith.constant 0 : i32
      %dma_start3A_214 = tpu.memref_slice %arg7[%mul3A_213, %dma_start3A] : memref<16384x768xf32, #tpu.memory_space<any>> -> memref<256x768xf32, #tpu.memory_space<any>>
      %dma_start3A_215 = arith.constant 0 : i32
      %dma_start3A_216 = tpu.memref_slice %arg13[%mul3A_208, %dma_start3A_215] : memref<2048x768xf32, #tpu.memory_space<vmem>> -> memref<256x768xf32, #tpu.memory_space<vmem>>
      tpu.enqueue_dma source(%dma_start3A_216 : memref<256x768xf32, #tpu.memory_space<vmem>>) target(%dma_start3A_214 : memref<256x768xf32, #tpu.memory_space<any>>) target_semaphore(%arg16 : memref<!tpu.dma_semaphore, #tpu.memory_space<semaphore_mem>>)
    }
    %while3A_126 = arith.constant 1 : i32
    scf.for %while3A_167 = %while3A_124 to %while3A_120 step %while3A_126  : i32 {
      %mul3A = arith.constant 256 : i32
      %mul3A_168 = arith.muli %while3A_167, %mul3A : i32
      %get3A_169 = arith.index_cast %rem3A_0 : i32 to index
      %get3A_170 = arith.index_cast %mul3A_168 : i32 to index
      %get3A_171 = arith.constant 0 : index
      %get3A_172 = vector.load %arg12[%get3A_169, %get3A_170, %get3A_171] : memref<2x2048x768xf32, #tpu.memory_space<vmem>>, vector<1x256x768xf32>
      %get3A_173 = vector.shape_cast %get3A_172 : vector<1x256x768xf32> to vector<256x768xf32>
      %get3A_174 = arith.index_cast %rem3A_0 : i32 to index
      %get3A_175 = arith.constant 0 : index
      %get3A_176 = arith.constant 0 : index
      %get3A_177 = vector.load %arg8[%get3A_174, %get3A_175, %get3A_176] : memref<2x768x3072xf32, #tpu.memory_space<vmem>>, vector<1x768x3072xf32>
      %get3A_178 = vector.shape_cast %get3A_177 : vector<1x768x3072xf32> to vector<768x3072xf32>
      %dot_general3A = arith.constant dense<0.000000e+00> : vector<256x3072xf32>
      %dot_general3A_179 = tpu.matmul %get3A_173, %get3A_178, %dot_general3A {dimension_numbers = #tpu.dot_dimension_numbers<[1], [0], [0], [1], [0, 0, 1, 1], [], []>, transpose_lhs_hint = false} : vector<256x768xf32>, vector<768x3072xf32>, vector<256x3072xf32> -> vector<256x3072xf32>
      %get3A_180 = arith.index_cast %arg0 : i32 to index
      %get3A_181 = arith.constant 0 : index
      %get3A_182 = arith.constant 0 : index
      %get3A_183 = vector.load %arg10[%get3A_180, %get3A_181, %get3A_182] : memref<8x1x3072xf32, #tpu.memory_space<vmem>>, vector<1x1x3072xf32>
      %get3A_184 = vector.shape_cast %get3A_183 : vector<1x1x3072xf32> to vector<1x3072xf32>
      %add3A_185 = vector.broadcast %get3A_184 : vector<1x3072xf32> to vector<256x3072xf32>
      %add3A_186 = arith.addf %dot_general3A_179, %add3A_185 : vector<256x3072xf32>
      %max3A = arith.constant 0.000000e+00 : f32
      %max3A_187 = vector.broadcast %max3A : f32 to vector<256x3072xf32>
      %max3A_188 = arith.maximumf %add3A_186, %max3A_187 : vector<256x3072xf32>
      %get3A_189 = arith.index_cast %rem3A_0 : i32 to index
      %get3A_190 = arith.constant 0 : index
      %get3A_191 = arith.constant 0 : index
      %get3A_192 = vector.load %arg9[%get3A_189, %get3A_190, %get3A_191] : memref<2x3072x768xf32, #tpu.memory_space<vmem>>, vector<1x3072x768xf32>
      %get3A_193 = vector.shape_cast %get3A_192 : vector<1x3072x768xf32> to vector<3072x768xf32>
      %dot_general3A_194 = arith.constant dense<0.000000e+00> : vector<256x768xf32>
      %dot_general3A_195 = tpu.matmul %max3A_188, %get3A_193, %dot_general3A_194 {dimension_numbers = #tpu.dot_dimension_numbers<[1], [0], [0], [1], [0, 0, 1, 1], [], []>, transpose_lhs_hint = false} : vector<256x3072xf32>, vector<3072x768xf32>, vector<256x768xf32> -> vector<256x768xf32>
      %get3A_196 = arith.index_cast %arg0 : i32 to index
      %get3A_197 = arith.constant 0 : index
      %get3A_198 = arith.constant 0 : index
      %get3A_199 = vector.load %arg11[%get3A_196, %get3A_197, %get3A_198] : memref<8x1x768xf32, #tpu.memory_space<vmem>>, vector<1x1x768xf32>
      %get3A_200 = vector.shape_cast %get3A_199 : vector<1x1x768xf32> to vector<1x768xf32>
      %add3A_201 = vector.broadcast %get3A_200 : vector<1x768xf32> to vector<256x768xf32>
      %add3A_202 = arith.addf %dot_general3A_195, %add3A_201 : vector<256x768xf32>
      %mul3A_203 = arith.constant 256 : i32
      %mul3A_204 = arith.muli %while3A_167, %mul3A_203 : i32
      %swap3A = arith.index_cast %mul3A_204 : i32 to index
      %swap3A_205 = arith.constant 0 : index
      %swap3A_206 = vector.load %arg13[%swap3A, %swap3A_205] : memref<2048x768xf32, #tpu.memory_space<vmem>>, vector<256x768xf32>
      tpu.vector_store %arg13[%swap3A, %swap3A_205], %add3A_202 {strides = array<i32>} : memref<2048x768xf32, #tpu.memory_space<vmem>>, vector<256x768xf32>,
      %mul3A_207 = arith.constant 256 : i32
      %mul3A_208 = arith.muli %while3A_167, %mul3A_207 : i32
      %mul3A_209 = arith.constant 8 : i32
      %mul3A_210 = arith.muli %arg0, %mul3A_209 : i32
      %add3A_211 = arith.addi %mul3A_210, %while3A_167 : i32
      %mul3A_212 = arith.constant 256 : i32
      %mul3A_213 = arith.muli %add3A_211, %mul3A_212 : i32
      %dma_start3A = arith.constant 0 : i32
      %dma_start3A_214 = tpu.memref_slice %arg7[%mul3A_213, %dma_start3A] : memref<16384x768xf32, #tpu.memory_space<any>> -> memref<256x768xf32, #tpu.memory_space<any>>
      %dma_start3A_215 = arith.constant 0 : i32
      %dma_start3A_216 = tpu.memref_slice %arg13[%mul3A_208, %dma_start3A_215] : memref<2048x768xf32, #tpu.memory_space<vmem>> -> memref<256x768xf32, #tpu.memory_space<vmem>>
      tpu.enqueue_dma source(%dma_start3A_216 : memref<256x768xf32, #tpu.memory_space<vmem>>) target(%dma_start3A_214 : memref<256x768xf32, #tpu.memory_space<any>>) target_semaphore(%arg16 : memref<!tpu.dma_semaphore, #tpu.memory_space<semaphore_mem>>)
    }
    %get3A_127 = arith.index_cast %arg0 : i32 to index
    %get3A_128 = memref.load %arg1[%get3A_127] : memref<8xi32, #tpu.memory_space<smem>>
    %add3A_129 = arith.constant 256 : i32
    %add3A_130 = arith.addi %get3A_128, %add3A_129 : i32
    %sub3A_131 = arith.constant 1 : i32
    %sub3A_132 = arith.subi %add3A_130, %sub3A_131 : i32
    %jit3A_133 = arith.constant 256 : i32
    %div3A_134 = arith.divsi %sub3A_132, %jit3A_133 : i32
    %sign3A_135 = arith.constant 0 : i32
    %sign3A_136 = arith.cmpi sgt, %sub3A_132, %sign3A_135 : i32
    %sign3A_137 = arith.extui %sign3A_136 : i1 to i32
    %sign3A_138 = arith.constant 0 : i32
    %sign3A_139 = arith.cmpi slt, %sub3A_132, %sign3A_138 : i32
    %sign3A_140 = arith.extui %sign3A_139 : i1 to i32
    %sign3A_141 = arith.subi %sign3A_137, %sign3A_140 : i32
    %sign3A_142 = arith.constant 0 : i32
    %sign3A_143 = arith.cmpi sgt, %jit3A_133, %sign3A_142 : i32
    %sign3A_144 = arith.extui %sign3A_143 : i1 to i32
    %sign3A_145 = arith.constant 0 : i32
    %sign3A_146 = arith.cmpi slt, %jit3A_133, %sign3A_145 : i32
    %sign3A_147 = arith.extui %sign3A_146 : i1 to i32
    %sign3A_148 = arith.subi %sign3A_144, %sign3A_147 : i32
    %ne3A_149 = arith.cmpi ne, %sign3A_141, %sign3A_148 : i32
    %rem3A_150 = arith.remsi %sub3A_132, %jit3A_133 : i32
    %ne3A_151 = arith.constant 0 : i32
    %ne3A_152 = arith.cmpi ne, %rem3A_150, %ne3A_151 : i32
    %and3A_153 = arith.andi %ne3A_149, %ne3A_152 : i1
    %sub3A_154 = arith.constant 1 : i32
    %sub3A_155 = arith.subi %div3A_134, %sub3A_154 : i32
    %select_n3A_156 = arith.select %and3A_153, %sub3A_155, %div3A_134 : i32
    %while3A_157 = arith.constant 0 : i32
    %while3A_158 = arith.constant 0 : i32
    %while3A_159 = arith.subi %select_n3A_156, %while3A_158 : i32
    %while3A_160 = arith.addi %while3A_158, %while3A_159 : i32
    %while3A_161 = arith.constant 1 : i32
    %while3A_162 = arith.divsi %while3A_159, %while3A_161 : i32
    %while3A_163 = arith.muli %while3A_162, %while3A_161 : i32
    %while3A_164 = arith.addi %while3A_158, %while3A_163 : i32
    %while3A_165 = arith.constant 1 : i32
    scf.for %while3A_167 = %while3A_158 to %while3A_164 step %while3A_165  : i32 {
      %mul3A = arith.constant 256 : i32
      %mul3A_168 = arith.muli %while3A_167, %mul3A : i32
      %mul3A_169 = arith.constant 8 : i32
      %mul3A_170 = arith.muli %arg0, %mul3A_169 : i32
      %add3A_171 = arith.addi %mul3A_170, %while3A_167 : i32
      %mul3A_172 = arith.constant 256 : i32
      %mul3A_173 = arith.muli %add3A_171, %mul3A_172 : i32
      %dma_wait3A_174 = arith.constant 0 : i32
      %dma_wait3A_175 = tpu.memref_slice %arg7[%mul3A_173, %dma_wait3A_174] : memref<16384x768xf32, #tpu.memory_space<any>> -> memref<256x768xf32, #tpu.memory_space<any>>
      %dma_wait3A_176 = arith.constant 0 : i32
      %dma_wait3A_177 = tpu.memref_slice %arg13[%mul3A_168, %dma_wait3A_176] : memref<2048x768xf32, #tpu.memory_space<vmem>> -> memref<256x768xf32, #tpu.memory_space<vmem>>
      tpu.wait_dma2 semaphore(%arg16 : memref<!tpu.dma_semaphore, #tpu.memory_space<semaphore_mem>>) src(%dma_wait3A_177 : memref<256x768xf32, #tpu.memory_space<vmem>>) dst(%dma_wait3A_175 : memref<256x768xf32, #tpu.memory_space<any>>)
    }
    %while3A_166 = arith.constant 1 : i32
    scf.for %while3A_167 = %while3A_164 to %while3A_160 step %while3A_166  : i32 {
      %mul3A = arith.constant 256 : i32
      %mul3A_168 = arith.muli %while3A_167, %mul3A : i32
      %mul3A_169 = arith.constant 8 : i32
      %mul3A_170 = arith.muli %arg0, %mul3A_169 : i32
      %add3A_171 = arith.addi %mul3A_170, %while3A_167 : i32
      %mul3A_172 = arith.constant 256 : i32
      %mul3A_173 = arith.muli %add3A_171, %mul3A_172 : i32
      %dma_wait3A_174 = arith.constant 0 : i32
      %dma_wait3A_175 = tpu.memref_slice %arg7[%mul3A_173, %dma_wait3A_174] : memref<16384x768xf32, #tpu.memory_space<any>> -> memref<256x768xf32, #tpu.memory_space<any>>
      %dma_wait3A_176 = arith.constant 0 : i32
      %dma_wait3A_177 = tpu.memref_slice %arg13[%mul3A_168, %dma_wait3A_176] : memref<2048x768xf32, #tpu.memory_space<vmem>> -> memref<256x768xf32, #tpu.memory_space<vmem>>
      tpu.wait_dma2 semaphore(%arg16 : memref<!tpu.dma_semaphore, #tpu.memory_space<semaphore_mem>>) src(%dma_wait3A_177 : memref<256x768xf32, #tpu.memory_space<vmem>>) dst(%dma_wait3A_175 : memref<256x768xf32, #tpu.memory_space<any>>)
    }
    return
  }
}

</mosaic_0001>

<sc_bundles>
// kernel: kernel.6.cloned.1.call-start
scs
__scs_entry_jumppad:
0x0: {  	(pc) =	sbr.rel $0x88, $3  }
0x1: {  	(tag) =	ssettag $0x0;
	lr =	simm.s32 $0x1  }
0x2: {  	[smem:$0x3F9A] =	sst lr;
	_ =	strace $0xD0000000  }
0x3: {  	_ = 	snop  }
0x4: {  	_ = 	snop  }
0x5: {  	_ = 	snop  }
0x6: {  	_ = 	snop  }
0x7: {  	_ = 	snop  }
__scs_overlays_trampoline_lowered:
0x8: {  	[smem:$0x3FA9] =	sst s0  }
0x9: {  	[smem:$0x3FAA] =	sst s1  }
0xa: {  	[smem:$0x3FAB] =	sst s2  }
0xb: {  	[smem:$0x3FAC] =	sst s3  }
0xc: {  	[smem:$0x3FAD] =	sst s4  }
0xd: {  	[smem:$0x3FAE] =	sst s5  }
0xe: {  	[smem:$0x3FAF] =	sst s6  }
0xf: {  	[smem:$0x3FB0] =	sst s7  }
0x10: {  	[smem:$0x3FB1] =	sst s8  }
0x11: {  	[smem:$0x3FB2] =	sst s9;
	s0 =	simm.s32 @!p0 $0x0  }
0x12: {  	s1 =	sld [smem:$0x3F98];
	s0 =	simm.s32 @p0 $0x1  }
0x13: {  	[smem:$0x3FB3] =	sst s0;
	s0 =	simm.s32 @!p1 $0x0  }
0x14: {  	s2 =	sld [smem:$0x3F97];
	s0 =	simm.s32 @p1 $0x1  }
0x15: {  	[smem:$0x3FB4] =	sst s0;
	s0 =	simm.s32 @!p2 $0x0  }
0x16: {  	s3 =	sld [smem:$0x3FDB];
	s0 =	simm.s32 @p2 $0x1  }
0x17: {  	s4 =	simm.s32 $0x1BF5;
	[smem:$0x3FB6] =	sst s0  }
0x18: {  	s0 =	sld [smem:$0x3F99];
	_ =	swait.ge [sflag:s4], $0x0  }
0x19: {  	s7 =	sld [smem:$0x3F9A]  }
0x1a: {  	s8 =	sadd.s32 $0xFFFFE003, lr  }
0x1b: {  	s9 =	sadd.s32 $0xFFFFFEF7, lr;
	s5 =	simm.s32 $0xFFFFFFFF;
	p2 =	slt.u32 s8, $0xFFFFF086  }
0x1c: {  	p1 =	slt.u32 s9, $0xF7A;
	s5 =	simm.s32 @!p2 $0x0  }
0x1d: {  	s5 =	simm.s32 @p1 $0x1;
	p0 =	seq.s32 s7, s2  }
0x1e: {  	s7 =	smul.u32 @!p0 $0xF7A, s2;
	p2 =	seq.s32 @!p0 s5, $0x0  }
0x1f: {  	s9 =	smul.u32 $0xF7A, s1;
	s8 =	simm.s32 @!p0 $0x1BF5;
	p2 =	por !p2, p0  }
0x20: {  	[sflag:s8] =	ssyncset.s32 @!p0 $0xFFFFF086;
	s6 =	sadd.s32 @!p0 s3, s7;
	s7 =	simm.s32 @!p0 $0x108  }
0x21: {  	s3 =	sadd.s32 s3, s9;
	s6 =	sadd.s32 @!p0 $0x88, s6;
	s7 =	simm.s32 @p2 $0x1082  }
0x22: {  	[simem:s7], [sflag:s8] =	dma.local @!p0 [hbm:s6], $0xF7A  }
0x23: {  	s9 =	sor.u32 $0xD0000000, s2;
	s6 =	simm.s32 $0x108;
	_ =	swait.ge @!p0 [sflag:s8], $0x0  }
0x24: {  	s3 =	sadd.s32 $0x88, s3;
	s6 =	simm.s32 @!p1 $0x1082;
	[sflag:s4] =	ssyncset.s32 $0xFFFFF086  }
0x25: {  	[simem:s6], [sflag:s4] =	dma.local [hbm:s3], $0xF7A  }
0x26: {  	[smem:$0x3F9A] =	sst s1;
	(tag) =	ssettag s2;
	_ =	strace s9  }
0x27: {  	s1 =	sld [smem:$0x3FAA]  }
0x28: {  	s2 =	sld [smem:$0x3FAB]  }
0x29: {  	s4 =	sld [smem:$0x3FAD]  }
0x2a: {  	p0 =	seq.s32 s5, $0x0;
	s5 =	sld [smem:$0x3FAE]  }
0x2b: {  	s6 =	sld [smem:$0x3FAF]  }
0x2c: {  	s7 =	sld [smem:$0x3FB0]  }
0x2d: {  	s3 =	simm.s32 $0x108;
	s8 =	sld [smem:$0x3FB1]  }
0x2e: {  	s3 =	simm.s32 @!p0 $0x1082;
	s9 =	sld [smem:$0x3FB2]  }
0x2f: {  	lr =	sadd.s32 s0, s3;
	s0 =	sld [smem:$0x3FA9]  }
0x30: {  	s3 =	sld [smem:$0x3FAC]  }
0x31: {  	[smem:$0x3FB5] =	sst s10  }
0x32: {  	s10 =	sld [smem:$0x3FB3];
	_ =	sdelay $0x3  }
0x33: {  	p0 =	seq.s32 s10, $0x1;
	s10 =	sld [smem:$0x3FB5];
	_ =	sdelay $0x3  }
0x34: {  	[smem:$0x3FB5] =	sst s10  }
0x35: {  	s10 =	sld [smem:$0x3FB4];
	_ =	sdelay $0x3  }
0x36: {  	p1 =	seq.s32 s10, $0x1;
	s10 =	sld [smem:$0x3FB5];
	_ =	sdelay $0x3  }
0x37: {  	[smem:$0x3FB5] =	sst s10  }
0x38: {  	s10 =	sld [smem:$0x3FB6]  }
0x39: {  	_ = 	snop;
	(pc) =	sbr.ind lr, $3  }
0x3a: {  	_ = 	snop  }
0x3b: {  	_ = 	snop  }
0x3c: {  	p2 =	seq.s32 s10, $0x1;
	s10 =	sld [smem:$0x3FB5]  }
0x3d: {  	_ =	shalt  }
0x3e: {  	_ =	shalt  }
0x3f: {  	_ =	shalt  }
0x40: {  	_ =	shalt  }
0x41: {  	_ =	shalt  }
0x42: {  	_ =	shalt  }
0x43: {  	_ =	shalt  }
0x44: {  	_ =	shalt  }
0x45: {  	_ =	shalt  }
0x46: {  	_ =	shalt  }
0x47: {  	_ =	shalt  }
0x48: {  	_ =	shalt  }
0x49: {  	_ =	shalt  }
0x4a: {  	_ =	shalt  }
0x4b: {  	_ =	shalt  }
0x4c: {  	_ =	shalt  }
0x4d: {  	_ =	shalt  }
0x4e: {  	_ =	shalt  }
0x4f: {  	_ =	shalt  }
0x50: {  	_ =	shalt  }
0x51: {  	_ =	shalt  }
0x52: {  	_ =	shalt  }
0x53: {  	_ =	shalt  }
0x54: {  	_ =	shalt  }
0x55: {  	_ =	shalt  }
0x56: {  	_ =	shalt  }
0x57: {  	_ =	shalt  }
0x58: {  	_ =	shalt  }
0x59: {  	_ =	shalt  }
0x5a: {  	_ =	shalt  }
0x5b: {  	_ =	shalt  }
0x5c: {  	_ =	shalt  }
0x5d: {  	_ =	shalt  }
0x5e: {  	_ =	shalt  }
0x5f: {  	_ =	shalt  }
0x60: {  	_ =	shalt  }
0x61: {  	_ =	shalt  }
0x62: {  	_ =	shalt  }
0x63: {  	_ =	shalt  }
0x64: {  	_ =	shalt  }
0x65: {  	_ =	shalt  }
0x66: {  	_ =	shalt  }
0x67: {  	_ =	shalt  }
0x68: {  	_ =	shalt  }
0x69: {  	_ =	shalt  }
0x6a: {  	_ =	shalt  }
0x6b: {  	_ =	shalt  }
0x6c: {  	_ =	shalt  }
0x6d: {  	_ =	shalt  }
0x6e: {  	_ =	shalt  }
0x6f: {  	_ =	shalt  }
0x70: {  	_ =	shalt  }
0x71: {  	_ =	shalt  }
0x72: {  	_ =	shalt  }
0x73: {  	_ =	shalt  }
0x74: {  	_ =	shalt  }
0x75: {  	_ =	shalt  }
0x76: {  	_ =	shalt  }
0x77: {  	_ =	shalt  }
0x78: {  	_ =	shalt  }
0x79: {  	_ =	shalt  }
0x7a: {  	_ =	shalt  }
0x7b: {  	_ =	shalt  }
0x7c: {  	_ =	shalt  }
0x7d: {  	_ =	shalt  }
0x7e: {  	_ =	shalt  }
0x7f: {  	_ =	shalt  }
0x80: {  	_ =	shalt  }
0x81: {  	_ =	shalt  }
0x82: {  	_ =	shalt  }
0x83: {  	_ =	shalt  }
0x84: {  	_ =	shalt  }
0x85: {  	_ =	shalt  }
0x86: {  	_ =	shalt  }
0x87: {  	_ =	shalt  }
.Lfunc_end0:
.L_simem_size_0:
called_computation_lowered:
.L_overlay_start_0:
0x88: {  	s2 =	sld [smem:$0x3FD9]  }
0x89: {  	s3 =	sld [smem:$0x3FFE];
	_ =	sdelay $0x1  }
0x8a: {  	s1 =	srdreg.scid  }
0x8b: {  	s0 =	sand.u32 $0x1, s1  }
0x8c: {  	s17 =	sshll.u32 s0, $0xA;
	s2 =	sadd.s32 s3, s2  }
0x8d: {  	s2 =	sadd.s32 s2, s17  }
0x8e: {  	[smem:$0x3FC1] =	sst s2  }
0x8f: {  	_ = 	snop  }
0x90: {  	s2 =	sld [smem:$0x3FC9];
	(tm) =	ssettm $0x1  }
0x91: {  	s18 =	sld [smem:$0x3FFB];
	_ =	sdelay $0x3  }
0x92: {  	_ =	strace s18  }
0x93: {  	s3 =	sld [smem:$0x3FFC];
	_ =	sdelay $0x3  }
0x94: {  	_ =	strace s3  }
0x95: {  	s3 =	sld [smem:$0x3FFD];
	_ =	sdelay $0x3  }
0x96: {  	_ =	strace s3  }
0x97: {  	_ =	strace $0x8FFFFFFF  }
0x98: {  	s19 =	sld [smem:$0x3FDB];
	_ =	sdelay $0x1  }
0x99: {  	s4 =	simm.s32 $_scs_section_size  }
0x9a: {  	s5 =	simm.s32 $_size__tile_overlayer_lowered;
	s6 =	simm.s32 $_tile_overlayer_lowered  }
0x9b: {  	s22 =	simm.s32 $0x1BFF;
	s21 =	sshll.u32 s6, $0x1;
	s3 =	sadd.s32 s4, s19  }
0x9c: {  	s7 =	simm.s32 $0x0;
	s20 =	sshll.u32 s5, $0x1;
	s5 =	sadd.s32 s21, s3  }
0x9d: {  	[timem:s7], [sflag:s22] =	dma.local [hbm:s5], s20  }
0x9e: {  	_ =	swait.ge [sflag:s22], s20  }
0x9f: {  	s4 =	ssub.s32 $0x0, s20;
	[sflag:s22] =	ssyncset.done $0x0  }
0xa0: {  	[sflag:s22] =	ssyncadd.s32 s4;
	_ =	sdelay $0x1  }
0xa1: {  	s23 =	simm.s32 $0x1B8B  }
0xa2: {  	_ =	swait.ge [sflag:s23], $0x1  }
0xa3: {  	[sflag:s23] =	ssyncset.done $0x0  }
0xa4: {  	s25 =	simm.s32 $0x1B8E;
	s24 =	sld [smem:$0x3FFE];
	[sflag:s23] =	ssyncadd.s32 $0xFFFFFFFF  }
0xa5: {  	s26 =	simm.s32 $execute0_lowered;
	[smem:$0x3FD2] =	sst s25  }
0xa6: {  	s5 =	sshll.u32 s26, $0x1;
	_ =	strace $0x80000046;
	[dreg:$0x1] =	wrdreg $0xFFFFFFFF  }
0xa7: {  	s28 =	simm.s32 $_size_execute0_lowered;
	s3 =	sadd.s32 s3, s5;
	[dreg:$0x0] =	wrdreg $0x0  }
0xa8: {  	s5 =	sshll.u32 s28, $0x1;
	[dreg:$0x2] =	wrdreg s3  }
0xa9: {  	[dreg:$0x3] =	wrdreg s5  }
0xaa: {  	[dreg:$0x4] =	wrdreg $0xC0  }
0xab: {  	_ =	task [dreg:s7], $0x5FFFF  }
0xac: {  	[dreg:$0x1] =	wrdreg $0xFFFFFFFF  }
0xad: {  	[dreg:$0x0] =	wrdreg $0x60  }
0xae: {  	[dreg:$0x2] =	wrdreg s2  }
0xaf: {  	[dreg:$0x3] =	wrdreg s24  }
0xb0: {  	[dreg:$0x4] =	wrdreg $0x9  }
0xb1: {  	_ =	task.clear_ibuf [dreg:s7], $0x5FFFF;
	_ =	strace $0x90000046  }
0xb2: {  	s29 =	simm.s32 $0x9;
	_ =	strace $0x80000048  }
0xb3: {  	_ =	swait.ge [sflag:s29], $0x1  }
0xb4: {  	[sflag:s29] =	ssyncadd.s32 $0xFFFFFFFF  }
0xb5: {  	_ =	strace $0x90000048  }
0xb6: {  	_ =	sfence  }
0xb7: {  	s30 =	sld [smem:$0x0];
	_ =	sdelay $0x2  }
0xb8: {  	s31 =	sshll.u32 s1, $0xD;
	s1 =	sshrl.u32 s1, $0x2  }
0xb9: {  	s3 =	sand.u32 $0x4000, s31;
	s1 =	sadd.s32 s1, s30  }
0xba: {  	s0 =	sor.u32 s3, s0;
	s1 =	sshll.u32 s1, $0x11  }
0xbb: {  	s0 =	sor.u32 s1, s0  }
0xbc: {  	s0 =	sadd.s32 $0x8F2B, s0  }
0xbd: {  	[sflag:s0] =	ssyncadd.remote.s32 $0x1  }
0xbe: {  	_ =	sfence.sel $0xFFFF  }
0xbf: {  	[dreg:$0x0] =	wrdreg $0xFFFFFFFF;
	(pc) =	sbr.abs _section_cstart, $3  }
0xc0: {  	[dreg:$0x1] =	wrdreg $0xFFFFFFFF  }
0xc1: {  	_ =	task.clear_ibuf [dreg:s7], $0x2FFFF;
	_ =	strace $0x9FFFFFFF  }
0xc2: {  	(tm) =	ssettm $0x7FFFFFFF  }
0xc3: {  	_ =	shalt  }
tec
execute0_lowered:
.L_overlay_start_1:
0x0: {  	(tag) =	ssettag $0x1  }
0x1: {  	s2 =	rddreg [dreg:$0x0]  }
0x2: {  	s0 =	rddreg [dreg:$0x1];
	s1 =	srdreg.scid  }
0x3: {  	s5 =	stileid.u32;
	s3 =	simm.s32 $0x0;
	s25 =	simm.s32 $0x80  }
0x4: {  	s9 =	simm.s32 $0x100;
	s26 =	simm.s32 $0x180;
	s10 =	simm.s32 $0x4  }
0x5: {  	s20 =	simm.s32 $0x1200;
	s21 =	simm.s32 $0x1A00;
	s28 =	simm.s32 $0x4A00  }
0x6: {  	s29 =	simm.s32 $0x5200;
	s30 =	simm.s32 $0x5A00;
	s31 =	simm.s32 $0x6200  }
0x7: {  	s11 =	simm.s32 $0x7A00;
	s12 =	simm.s32 $0x8200;
	s13 =	simm.s32 $0x8A00  }
0x8: {  	s14 =	simm.s32 $0x9200;
	s15 =	simm.s32 $0x9A00;
	s16 =	simm.s32 $0xA200  }
0x9: {  	s17 =	simm.s32 $0xAA00;
	s1 =	sand.u32 $0x1, s1;
	[smem:$0x7FF] =	sst s3  }
0xa: {  	s5 =	sshll.u32 s5, $0x4;
	_ =	strace $0x80000047;
	[dreg:$0x7] =	wrdreg s25  }
0xb: {  	s6 =	sadd.s32 $0xA00, s0;
	s8 =	sadd.s32 $0xC00, s0;
	[dreg:$0x8] =	wrdreg s9  }
0xc: {  	s4 =	sshll.u32 s1, $0x8;
	s1 =	ssub.s32 $0x2, s1;
	[dreg:$0x9] =	wrdreg s26  }
0xd: {  	s25 =	simm.s32 $0x3A00;
	s26 =	simm.s32 $0x4200;
	s4 =	sor.u32 s5, s4  }
0xe: {  	s23 =	sshrl.u32 s1, $0x1;
	s5 =	sadd.s32 s6, s4;
	s7 =	sor.u32 $0x8, s4  }
0xf: {  	s4 =	sadd.s32 s8, s4;
	s1 =	ssub.s32 s1, s23;
	[dreg:$0x3] =	wrdreg s5  }
0x10: {  	s23 =	simm.s32 $0x2A00;
	s22 =	sadd.s32 s6, s7;
	[dreg:$0x5] =	wrdreg s4  }
0x11: {  	s24 =	sadd.s32 s8, s7;
	s4 =	sadd.s32 $0x13800, s0;
	s5 =	sadd.s32 $0x100, s2  }
0x12: {  	v2 =	vlaneseq.u32;
	s6 =	sadd.s32 $0x200, s2;
	s7 =	sadd.s32 $0x13900, s0;
	s8 =	sadd.s32 $0x13A00, s0  }
0x13: {  	vm0 =	vmmov $0xffff;
	v1 =	vshrl.u32 v2, $0x3;
	s9 =	smax.u32 s1, $0x1;
	s1 =	simm.s32 $0x7200;
	[dreg:$0x4] =	wrdreg s22  }
0x14: {  	v0 =	vand.u32 $0x7, v2;
	v2 =	vor.u32 $0x8, v2;
	v1 =	vmul.u32 $0x8, v1;
	[dreg:$0x6] =	wrdreg s24;
	s22 =	simm.s32 $0x2200;
	s24 =	simm.s32 $0x3200  }
.LBB2_1:
0x15: {  	s18 =	rddreg [dreg:$0x3]  }
0x16: {  	[tilespmem:s3], [sflag:$0x4] =	stream.linear.gather [hbm4b:s18+s3], $0x40, $0x38;
	[tilespmem:$0x18200] =	vst v63  }
0x17: {  	_ =	swait.ge [sflag:s10], $0x40  }
0x18: {  	s0 =	rddreg [dreg:$0x4];
	[sflag:s10] =	ssyncset.done $0x0  }
0x19: {  	s19 =	rddreg [dreg:$0x7];
	[sflag:s10] =	ssyncadd.s32 $0xFFFFFFC0  }
0x1a: {  	[tilespmem:s19], [sflag:$0x4] =	stream.linear.gather [hbm4b:s0+s3], $0x40, $0x38;
	[tilespmem:$0x18200] =	vst v63  }
0x1b: {  	_ =	swait.ge [sflag:s10], $0x40  }
0x1c: {  	s19 =	rddreg [dreg:$0x5];
	[sflag:s10] =	ssyncset.done $0x0  }
0x1d: {  	s0 =	rddreg [dreg:$0x8];
	[sflag:s10] =	ssyncadd.s32 $0xFFFFFFC0  }
0x1e: {  	[tilespmem:s0], [sflag:$0x4] =	stream.linear.gather [hbm4b:s19+s3], $0x40, $0x38;
	[tilespmem:$0x18200] =	vst v63  }
0x1f: {  	_ =	swait.ge [sflag:s10], $0x40  }
0x20: {  	s19 =	rddreg [dreg:$0x6];
	[sflag:s10] =	ssyncset.done $0x0  }
0x21: {  	s0 =	rddreg [dreg:$0x9];
	[sflag:s10] =	ssyncadd.s32 $0xFFFFFFC0  }
0x22: {  	[tilespmem:s0], [sflag:$0x4] =	stream.linear.gather [hbm4b:s19+s3], $0x40, $0x38;
	[tilespmem:$0x18200] =	vst v63  }
0x23: {  	_ =	swait.ge [sflag:s10], $0x40  }
0x24: {  	[sflag:s10] =	ssyncset.done $0x0  }
0x25: {  	[sflag:s10] =	ssyncadd.s32 $0xFFFFFFC0  }
0x26: {  	v3 =	vld [tilespmem:$0x0];
	_ =	sdelay $0x4  }
0x27: {  	v4 =	vshrl.u32 v3, $0x3  }
0x28: {  	v4 =	vmul.u32 $0x30, v4  }
0x29: {  	v3 =	vand.u32 $0x7, v3  }
0x2a: {  	v3 =	vor.u32 v3, v4  }
0x2b: {  	v4 =	vperm.xlane v3, v0;
	_ =	sdelay $0x1  }
0x2c: {  	v4 =	vadd.s32 v1, v4;
	_ =	sdelay $0x3  }
0x2d: {  	s18 =	simm.s32 $0x200;
	v3 =	vperm.xlane v3, v2  }
0x2e: {  	[tilespmem:s18], [sflag:$0x1] =	stream.indirect_vreg.gather [hbm4b:s2+s3], $0x80, v4, vm0, $0xb8;
	[tilespmem:$0x18200] =	vst v63  }
0x2f: {  	s19 =	simm.s32 $0xA00;
	v3 =	vadd.s32 v1, v3  }
0x30: {  	[tilespmem:s19], [sflag:$0x1] =	stream.indirect_vreg.gather [hbm4b:s5+s3], $0x80, v4, vm0, $0xb8;
	[tilespmem:$0x18200] =	vst v63  }
0x31: {  	_ = 	snop  }
0x32: {  	[tilespmem:s20], [sflag:$0x1] =	stream.indirect_vreg.gather [hbm4b:s6+s3], $0x80, v4, vm0, $0xb8;
	[tilespmem:$0x18200] =	vst v63  }
0x33: {  	_ = 	snop  }
0x34: {  	[tilespmem:s21], [sflag:$0x1] =	stream.indirect_vreg.gather [hbm4b:s2+s3], $0x80, v3, vm0, $0xb8;
	[tilespmem:$0x18200] =	vst v63  }
0x35: {  	_ = 	snop  }
0x36: {  	[tilespmem:s22], [sflag:$0x1] =	stream.indirect_vreg.gather [hbm4b:s5+s3], $0x80, v3, vm0, $0xb8;
	[tilespmem:$0x18200] =	vst v63  }
0x37: {  	_ = 	snop  }
0x38: {  	[tilespmem:s23], [sflag:$0x1] =	stream.indirect_vreg.gather [hbm4b:s6+s3], $0x80, v3, vm0, $0xb8;
	[tilespmem:$0x18200] =	vst v63  }
0x39: {  	v3 =	vld [tilespmem:$0x10];
	_ =	sdelay $0x4  }
0x3a: {  	v49 =	vshrl.u32 v3, $0x3  }
0x3b: {  	v4 =	vmul.u32 $0x30, v49  }
0x3c: {  	v3 =	vand.u32 $0x7, v3  }
0x3d: {  	v3 =	vor.u32 v3, v4  }
0x3e: {  	v4 =	vperm.xlane v3, v0;
	_ =	sdelay $0x1  }
0x3f: {  	v4 =	vadd.s32 v1, v4;
	_ =	sdelay $0x3  }
0x40: {  	v3 =	vperm.xlane v3, v2  }
0x41: {  	[tilespmem:s24], [sflag:$0x1] =	stream.indirect_vreg.gather [hbm4b:s2+s3], $0x80, v4, vm0, $0xb8;
	[tilespmem:$0x18200] =	vst v63  }
0x42: {  	v3 =	vadd.s32 v1, v3  }
0x43: {  	[tilespmem:s25], [sflag:$0x1] =	stream.indirect_vreg.gather [hbm4b:s5+s3], $0x80, v4, vm0, $0xb8;
	[tilespmem:$0x18200] =	vst v63  }
0x44: {  	_ = 	snop  }
0x45: {  	[tilespmem:s26], [sflag:$0x1] =	stream.indirect_vreg.gather [hbm4b:s6+s3], $0x80, v4, vm0, $0xb8;
	[tilespmem:$0x18200] =	vst v63  }
0x46: {  	_ = 	snop  }
0x47: {  	[tilespmem:s28], [sflag:$0x1] =	stream.indirect_vreg.gather [hbm4b:s2+s3], $0x80, v3, vm0, $0xb8;
	[tilespmem:$0x18200] =	vst v63  }
0x48: {  	_ = 	snop  }
0x49: {  	[tilespmem:s29], [sflag:$0x1] =	stream.indirect_vreg.gather [hbm4b:s5+s3], $0x80, v3, vm0, $0xb8;
	[tilespmem:$0x18200] =	vst v63  }
0x4a: {  	_ = 	snop  }
0x4b: {  	[tilespmem:s30], [sflag:$0x1] =	stream.indirect_vreg.gather [hbm4b:s6+s3], $0x80, v3, vm0, $0xb8;
	[tilespmem:$0x18200] =	vst v63  }
0x4c: {  	v3 =	vld [tilespmem:$0x20];
	_ =	sdelay $0x4  }
0x4d: {  	v50 =	vshrl.u32 v3, $0x3  }
0x4e: {  	v4 =	vmul.u32 $0x30, v50  }
0x4f: {  	v3 =	vand.u32 $0x7, v3  }
0x50: {  	v3 =	vor.u32 v3, v4  }
0x51: {  	v4 =	vperm.xlane v3, v0;
	_ =	sdelay $0x1  }
0x52: {  	v4 =	vadd.s32 v1, v4;
	_ =	sdelay $0x3  }
0x53: {  	v3 =	vperm.xlane v3, v2  }
0x54: {  	[tilespmem:s31], [sflag:$0x1] =	stream.indirect_vreg.gather [hbm4b:s2+s3], $0x80, v4, vm0, $0xb8;
	[tilespmem:$0x18200] =	vst v63  }
0x55: {  	s0 =	simm.s32 $0x6A00;
	v3 =	vadd.s32 v1, v3  }
0x56: {  	[tilespmem:s0], [sflag:$0x1] =	stream.indirect_vreg.gather [hbm4b:s5+s3], $0x80, v4, vm0, $0xb8;
	[tilespmem:$0x18200] =	vst v63  }
0x57: {  	_ = 	snop  }
0x58: {  	[tilespmem:s1], [sflag:$0x1] =	stream.indirect_vreg.gather [hbm4b:s6+s3], $0x80, v4, vm0, $0xb8;
	[tilespmem:$0x18200] =	vst v63  }
0x59: {  	_ = 	snop  }
0x5a: {  	[tilespmem:s11], [sflag:$0x1] =	stream.indirect_vreg.gather [hbm4b:s2+s3], $0x80, v3, vm0, $0xb8;
	[tilespmem:$0x18200] =	vst v63  }
0x5b: {  	_ = 	snop  }
0x5c: {  	[tilespmem:s12], [sflag:$0x1] =	stream.indirect_vreg.gather [hbm4b:s5+s3], $0x80, v3, vm0, $0xb8;
	[tilespmem:$0x18200] =	vst v63  }
0x5d: {  	_ = 	snop  }
0x5e: {  	[tilespmem:s13], [sflag:$0x1] =	stream.indirect_vreg.gather [hbm4b:s6+s3], $0x80, v3, vm0, $0xb8;
	[tilespmem:$0x18200] =	vst v63  }
0x5f: {  	v3 =	vld [tilespmem:$0x30];
	_ =	sdelay $0x4  }
0x60: {  	v51 =	vshrl.u32 v3, $0x3  }
0x61: {  	v4 =	vmul.u32 $0x30, v51  }
0x62: {  	v3 =	vand.u32 $0x7, v3  }
0x63: {  	v3 =	vor.u32 v3, v4  }
0x64: {  	v4 =	vperm.xlane v3, v0;
	_ =	sdelay $0x1  }
0x65: {  	v4 =	vadd.s32 v1, v4;
	_ =	sdelay $0x3  }
0x66: {  	v3 =	vperm.xlane v3, v2  }
0x67: {  	[tilespmem:s14], [sflag:$0x1] =	stream.indirect_vreg.gather [hbm4b:s2+s3], $0x80, v4, vm0, $0xb8;
	[tilespmem:$0x18200] =	vst v63  }
0x68: {  	v3 =	vadd.s32 v1, v3  }
0x69: {  	[tilespmem:s15], [sflag:$0x1] =	stream.indirect_vreg.gather [hbm4b:s5+s3], $0x80, v4, vm0, $0xb8;
	[tilespmem:$0x18200] =	vst v63  }
0x6a: {  	_ = 	snop  }
0x6b: {  	[tilespmem:s16], [sflag:$0x1] =	stream.indirect_vreg.gather [hbm4b:s6+s3], $0x80, v4, vm0, $0xb8;
	[tilespmem:$0x18200] =	vst v63  }
0x6c: {  	_ = 	snop  }
0x6d: {  	[tilespmem:s17], [sflag:$0x1] =	stream.indirect_vreg.gather [hbm4b:s2+s3], $0x80, v3, vm0, $0xb8;
	[tilespmem:$0x18200] =	vst v63  }
0x6e: {  	s0 =	simm.s32 $0xB200  }
0x6f: {  	[tilespmem:s0], [sflag:$0x1] =	stream.indirect_vreg.gather [hbm4b:s5+s3], $0x80, v3, vm0, $0xb8;
	[tilespmem:$0x18200] =	vst v63  }
0x70: {  	s0 =	simm.s32 $0xBA00  }
0x71: {  	[tilespmem:s0], [sflag:$0x1] =	stream.indirect_vreg.gather [hbm4b:s6+s3], $0x80, v3, vm0, $0xb8;
	[tilespmem:$0x18200] =	vst v63  }
0x72: {  	v3 =	vld [tilespmem:$0x80];
	_ =	sdelay $0x4  }
0x73: {  	v52 =	vshrl.u32 v3, $0x3  }
0x74: {  	v4 =	vmul.u32 $0x30, v52  }
0x75: {  	v3 =	vand.u32 $0x7, v3  }
0x76: {  	v3 =	vor.u32 v3, v4  }
0x77: {  	v4 =	vperm.xlane v3, v0;
	_ =	sdelay $0x1  }
0x78: {  	v4 =	vadd.s32 v1, v4;
	_ =	sdelay $0x3  }
0x79: {  	s0 =	simm.s32 $0xC200;
	v3 =	vperm.xlane v3, v2  }
0x7a: {  	[tilespmem:s0], [sflag:$0x2] =	stream.indirect_vreg.gather [hbm4b:s2+s3], $0x80, v4, vm0, $0xb8;
	[tilespmem:$0x18200] =	vst v63  }
0x7b: {  	v3 =	vadd.s32 v1, v3;
	s0 =	simm.s32 $0xCA00  }
0x7c: {  	[tilespmem:s0], [sflag:$0x2] =	stream.indirect_vreg.gather [hbm4b:s5+s3], $0x80, v4, vm0, $0xb8;
	[tilespmem:$0x18200] =	vst v63  }
0x7d: {  	s0 =	simm.s32 $0xD200  }
0x7e: {  	[tilespmem:s0], [sflag:$0x2] =	stream.indirect_vreg.gather [hbm4b:s6+s3], $0x80, v4, vm0, $0xb8;
	[tilespmem:$0x18200] =	vst v63  }
0x7f: {  	s0 =	simm.s32 $0xDA00  }
0x80: {  	[tilespmem:s0], [sflag:$0x2] =	stream.indirect_vreg.gather [hbm4b:s2+s3], $0x80, v3, vm0, $0xb8;
	[tilespmem:$0x18200] =	vst v63  }
0x81: {  	s0 =	simm.s32 $0xE200  }
0x82: {  	[tilespmem:s0], [sflag:$0x2] =	stream.indirect_vreg.gather [hbm4b:s5+s3], $0x80, v3, vm0, $0xb8;
	[tilespmem:$0x18200] =	vst v63  }
0x83: {  	s0 =	simm.s32 $0xEA00  }
0x84: {  	[tilespmem:s0], [sflag:$0x2] =	stream.indirect_vreg.gather [hbm4b:s6+s3], $0x80, v3, vm0, $0xb8;
	[tilespmem:$0x18200] =	vst v63  }
0x85: {  	v3 =	vld [tilespmem:$0x90];
	_ =	sdelay $0x4  }
0x86: {  	v53 =	vshrl.u32 v3, $0x3  }
0x87: {  	v4 =	vmul.u32 $0x30, v53  }
0x88: {  	v3 =	vand.u32 $0x7, v3  }
0x89: {  	v3 =	vor.u32 v3, v4  }
0x8a: {  	v4 =	vperm.xlane v3, v0;
	_ =	sdelay $0x1  }
0x8b: {  	v4 =	vadd.s32 v1, v4;
	_ =	sdelay $0x3  }
0x8c: {  	s0 =	simm.s32 $0xF200;
	v3 =	vperm.xlane v3, v2  }
0x8d: {  	[tilespmem:s0], [sflag:$0x2] =	stream.indirect_vreg.gather [hbm4b:s2+s3], $0x80, v4, vm0, $0xb8;
	[tilespmem:$0x18200] =	vst v63  }
0x8e: {  	v3 =	vadd.s32 v1, v3;
	s0 =	simm.s32 $0xFA00  }
0x8f: {  	[tilespmem:s0], [sflag:$0x2] =	stream.indirect_vreg.gather [hbm4b:s5+s3], $0x80, v4, vm0, $0xb8;
	[tilespmem:$0x18200] =	vst v63  }
0x90: {  	s0 =	simm.s32 $0x10200  }
0x91: {  	[tilespmem:s0], [sflag:$0x2] =	stream.indirect_vreg.gather [hbm4b:s6+s3], $0x80, v4, vm0, $0xb8;
	[tilespmem:$0x18200] =	vst v63  }
0x92: {  	s0 =	simm.s32 $0x10A00  }
0x93: {  	[tilespmem:s0], [sflag:$0x2] =	stream.indirect_vreg.gather [hbm4b:s2+s3], $0x80, v3, vm0, $0xb8;
	[tilespmem:$0x18200] =	vst v63  }
0x94: {  	s0 =	simm.s32 $0x11200  }
0x95: {  	[tilespmem:s0], [sflag:$0x2] =	stream.indirect_vreg.gather [hbm4b:s5+s3], $0x80, v3, vm0, $0xb8;
	[tilespmem:$0x18200] =	vst v63  }
0x96: {  	s0 =	simm.s32 $0x11A00  }
0x97: {  	[tilespmem:s0], [sflag:$0x2] =	stream.indirect_vreg.gather [hbm4b:s6+s3], $0x80, v3, vm0, $0xb8;
	[tilespmem:$0x18200] =	vst v63  }
0x98: {  	v3 =	vld [tilespmem:$0xA0];
	_ =	sdelay $0x4  }
0x99: {  	v54 =	vshrl.u32 v3, $0x3  }
0x9a: {  	v4 =	vmul.u32 $0x30, v54  }
0x9b: {  	v3 =	vand.u32 $0x7, v3  }
0x9c: {  	v3 =	vor.u32 v3, v4  }
0x9d: {  	v4 =	vperm.xlane v3, v0;
	_ =	sdelay $0x1  }
0x9e: {  	v4 =	vadd.s32 v1, v4;
	_ =	sdelay $0x3  }
0x9f: {  	s0 =	simm.s32 $0x12200;
	v3 =	vperm.xlane v3, v2  }
0xa0: {  	[tilespmem:s0], [sflag:$0x2] =	stream.indirect_vreg.gather [hbm4b:s2+s3], $0x80, v4, vm0, $0xb8;
	[tilespmem:$0x18200] =	vst v63  }
0xa1: {  	v3 =	vadd.s32 v1, v3;
	s0 =	simm.s32 $0x12A00  }
0xa2: {  	[tilespmem:s0], [sflag:$0x2] =	stream.indirect_vreg.gather [hbm4b:s5+s3], $0x80, v4, vm0, $0xb8;
	[tilespmem:$0x18200] =	vst v63  }
0xa3: {  	s0 =	simm.s32 $0x13200  }
0xa4: {  	[tilespmem:s0], [sflag:$0x2] =	stream.indirect_vreg.gather [hbm4b:s6+s3], $0x80, v4, vm0, $0xb8;
	[tilespmem:$0x18200] =	vst v63  }
0xa5: {  	s0 =	simm.s32 $0x13A00  }
0xa6: {  	[tilespmem:s0], [sflag:$0x2] =	stream.indirect_vreg.gather [hbm4b:s2+s3], $0x80, v3, vm0, $0xb8;
	[tilespmem:$0x18200] =	vst v63  }
0xa7: {  	s0 =	simm.s32 $0x14200  }
0xa8: {  	[tilespmem:s0], [sflag:$0x2] =	stream.indirect_vreg.gather [hbm4b:s5+s3], $0x80, v3, vm0, $0xb8;
	[tilespmem:$0x18200] =	vst v63  }
0xa9: {  	s0 =	simm.s32 $0x14A00  }
0xaa: {  	[tilespmem:s0], [sflag:$0x2] =	stream.indirect_vreg.gather [hbm4b:s6+s3], $0x80, v3, vm0, $0xb8;
	[tilespmem:$0x18200] =	vst v63  }
0xab: {  	v3 =	vld [tilespmem:$0xB0];
	_ =	sdelay $0x4  }
0xac: {  	v55 =	vshrl.u32 v3, $0x3  }
0xad: {  	v4 =	vmul.u32 $0x30, v55  }
0xae: {  	v3 =	vand.u32 $0x7, v3  }
0xaf: {  	v3 =	vor.u32 v3, v4  }
0xb0: {  	v4 =	vperm.xlane v3, v0;
	_ =	sdelay $0x1  }
0xb1: {  	v4 =	vadd.s32 v1, v4;
	_ =	sdelay $0x3  }
0xb2: {  	s0 =	simm.s32 $0x15200;
	v3 =	vperm.xlane v3, v2  }
0xb3: {  	[tilespmem:s0], [sflag:$0x2] =	stream.indirect_vreg.gather [hbm4b:s2+s3], $0x80, v4, vm0, $0xb8;
	[tilespmem:$0x18200] =	vst v63  }
0xb4: {  	v3 =	vadd.s32 v1, v3;
	s0 =	simm.s32 $0x15A00  }
0xb5: {  	[tilespmem:s0], [sflag:$0x2] =	stream.indirect_vreg.gather [hbm4b:s5+s3], $0x80, v4, vm0, $0xb8;
	[tilespmem:$0x18200] =	vst v63  }
0xb6: {  	s0 =	simm.s32 $0x16200  }
0xb7: {  	[tilespmem:s0], [sflag:$0x2] =	stream.indirect_vreg.gather [hbm4b:s6+s3], $0x80, v4, vm0, $0xb8;
	[tilespmem:$0x18200] =	vst v63  }
0xb8: {  	s0 =	simm.s32 $0x16A00  }
0xb9: {  	[tilespmem:s0], [sflag:$0x2] =	stream.indirect_vreg.gather [hbm4b:s2+s3], $0x80, v3, vm0, $0xb8;
	[tilespmem:$0x18200] =	vst v63  }
0xba: {  	s0 =	simm.s32 $0x17200  }
0xbb: {  	[tilespmem:s0], [sflag:$0x2] =	stream.indirect_vreg.gather [hbm4b:s5+s3], $0x80, v3, vm0, $0xb8;
	[tilespmem:$0x18200] =	vst v63  }
0xbc: {  	s0 =	simm.s32 $0x17A00  }
0xbd: {  	[tilespmem:s0], [sflag:$0x2] =	stream.indirect_vreg.gather [hbm4b:s6+s3], $0x80, v3, vm0, $0xb8;
	[tilespmem:$0x18200] =	vst v63  }
0xbe: {  	s0 =	simm.s32 $0x1  }
0xbf: {  	_ =	swait.ge [sflag:s0], $0xC000  }
0xc0: {  	[sflag:s0] =	ssyncset.done $0x0  }
0xc1: {  	[sflag:s0] =	ssyncadd.s32 $0xFFFF4000  }
0xc2: {  	v3 =	vld [tilespmem:$0x100];
	_ =	sdelay $0x4  }
0xc3: {  	v56 =	vshrl.u32 v3, $0x3  }
0xc4: {  	v4 =	vmul.u32 $0x30, v56  }
0xc5: {  	v3 =	vand.u32 $0x7, v3  }
0xc6: {  	v3 =	vor.u32 v3, v4  }
0xc7: {  	v4 =	vperm.xlane v3, v0;
	_ =	sdelay $0x1  }
0xc8: {  	v4 =	vadd.s32 v1, v4;
	_ =	sdelay $0x3  }
0xc9: {  	v3 =	vperm.xlane v3, v2  }
0xca: {  	[hbm4b:s4+s3] =	stream.indirect_vreg.scatter [tilespmem:s18], [sflag:$0x3], $0x80, v4, vm0, $0xb8;
	[tilespmem:$0x18200] =	vst v63  }
0xcb: {  	v3 =	vadd.s32 v1, v3  }
0xcc: {  	[hbm4b:s7+s3] =	stream.indirect_vreg.scatter [tilespmem:s19], [sflag:$0x3], $0x80, v4, vm0, $0xb8;
	[tilespmem:$0x18200] =	vst v63  }
0xcd: {  	_ = 	snop  }
0xce: {  	[hbm4b:s8+s3] =	stream.indirect_vreg.scatter [tilespmem:s20], [sflag:$0x3], $0x80, v4, vm0, $0xb8;
	[tilespmem:$0x18200] =	vst v63  }
0xcf: {  	_ = 	snop  }
0xd0: {  	[hbm4b:s4+s3] =	stream.indirect_vreg.scatter [tilespmem:s21], [sflag:$0x3], $0x80, v3, vm0, $0xb8;
	[tilespmem:$0x18200] =	vst v63  }
0xd1: {  	_ = 	snop  }
0xd2: {  	[hbm4b:s7+s3] =	stream.indirect_vreg.scatter [tilespmem:s22], [sflag:$0x3], $0x80, v3, vm0, $0xb8;
	[tilespmem:$0x18200] =	vst v63  }
0xd3: {  	_ = 	snop  }
0xd4: {  	[hbm4b:s8+s3] =	stream.indirect_vreg.scatter [tilespmem:s23], [sflag:$0x3], $0x80, v3, vm0, $0xb8;
	[tilespmem:$0x18200] =	vst v63  }
0xd5: {  	v3 =	vld [tilespmem:$0x110];
	_ =	sdelay $0x4  }
0xd6: {  	v57 =	vshrl.u32 v3, $0x3  }
0xd7: {  	v4 =	vmul.u32 $0x30, v57  }
0xd8: {  	v3 =	vand.u32 $0x7, v3  }
0xd9: {  	v3 =	vor.u32 v3, v4  }
0xda: {  	v4 =	vperm.xlane v3, v0;
	_ =	sdelay $0x1  }
0xdb: {  	v4 =	vadd.s32 v1, v4;
	_ =	sdelay $0x3  }
0xdc: {  	v3 =	vperm.xlane v3, v2  }
0xdd: {  	[hbm4b:s4+s3] =	stream.indirect_vreg.scatter [tilespmem:s24], [sflag:$0x3], $0x80, v4, vm0, $0xb8;
	[tilespmem:$0x18200] =	vst v63  }
0xde: {  	v3 =	vadd.s32 v1, v3  }
0xdf: {  	[hbm4b:s7+s3] =	stream.indirect_vreg.scatter [tilespmem:s25], [sflag:$0x3], $0x80, v4, vm0, $0xb8;
	[tilespmem:$0x18200] =	vst v63  }
0xe0: {  	_ = 	snop  }
0xe1: {  	[hbm4b:s8+s3] =	stream.indirect_vreg.scatter [tilespmem:s26], [sflag:$0x3], $0x80, v4, vm0, $0xb8;
	[tilespmem:$0x18200] =	vst v63  }
0xe2: {  	_ = 	snop  }
0xe3: {  	[hbm4b:s4+s3] =	stream.indirect_vreg.scatter [tilespmem:s28], [sflag:$0x3], $0x80, v3, vm0, $0xb8;
	[tilespmem:$0x18200] =	vst v63  }
0xe4: {  	_ = 	snop  }
0xe5: {  	[hbm4b:s7+s3] =	stream.indirect_vreg.scatter [tilespmem:s29], [sflag:$0x3], $0x80, v3, vm0, $0xb8;
	[tilespmem:$0x18200] =	vst v63  }
0xe6: {  	_ = 	snop  }
0xe7: {  	[hbm4b:s8+s3] =	stream.indirect_vreg.scatter [tilespmem:s30], [sflag:$0x3], $0x80, v3, vm0, $0xb8;
	[tilespmem:$0x18200] =	vst v63  }
0xe8: {  	v3 =	vld [tilespmem:$0x120];
	_ =	sdelay $0x4  }
0xe9: {  	v58 =	vshrl.u32 v3, $0x3  }
0xea: {  	v4 =	vmul.u32 $0x30, v58  }
0xeb: {  	v3 =	vand.u32 $0x7, v3  }
0xec: {  	v3 =	vor.u32 v3, v4  }
0xed: {  	v4 =	vperm.xlane v3, v0;
	_ =	sdelay $0x1  }
0xee: {  	v4 =	vadd.s32 v1, v4;
	_ =	sdelay $0x3  }
0xef: {  	v3 =	vperm.xlane v3, v2  }
0xf0: {  	[hbm4b:s4+s3] =	stream.indirect_vreg.scatter [tilespmem:s31], [sflag:$0x3], $0x80, v4, vm0, $0xb8;
	[tilespmem:$0x18200] =	vst v63  }
0xf1: {  	s19 =	simm.s32 $0x6A00;
	v3 =	vadd.s32 v1, v3  }
0xf2: {  	[hbm4b:s7+s3] =	stream.indirect_vreg.scatter [tilespmem:s19], [sflag:$0x3], $0x80, v4, vm0, $0xb8;
	[tilespmem:$0x18200] =	vst v63  }
0xf3: {  	_ = 	snop  }
0xf4: {  	[hbm4b:s8+s3] =	stream.indirect_vreg.scatter [tilespmem:s1], [sflag:$0x3], $0x80, v4, vm0, $0xb8;
	[tilespmem:$0x18200] =	vst v63  }
0xf5: {  	_ = 	snop  }
0xf6: {  	[hbm4b:s4+s3] =	stream.indirect_vreg.scatter [tilespmem:s11], [sflag:$0x3], $0x80, v3, vm0, $0xb8;
	[tilespmem:$0x18200] =	vst v63  }
0xf7: {  	_ = 	snop  }
0xf8: {  	[hbm4b:s7+s3] =	stream.indirect_vreg.scatter [tilespmem:s12], [sflag:$0x3], $0x80, v3, vm0, $0xb8;
	[tilespmem:$0x18200] =	vst v63  }
0xf9: {  	_ = 	snop  }
0xfa: {  	[hbm4b:s8+s3] =	stream.indirect_vreg.scatter [tilespmem:s13], [sflag:$0x3], $0x80, v3, vm0, $0xb8;
	[tilespmem:$0x18200] =	vst v63  }
0xfb: {  	v3 =	vld [tilespmem:$0x130];
	_ =	sdelay $0x4  }
0xfc: {  	v59 =	vshrl.u32 v3, $0x3  }
0xfd: {  	v4 =	vmul.u32 $0x30, v59  }
0xfe: {  	v3 =	vand.u32 $0x7, v3  }
0xff: {  	v3 =	vor.u32 v3, v4  }
0x100: {  	v4 =	vperm.xlane v3, v0;
	_ =	sdelay $0x1  }
0x101: {  	v4 =	vadd.s32 v1, v4;
	_ =	sdelay $0x3  }
0x102: {  	v3 =	vperm.xlane v3, v2  }
0x103: {  	[hbm4b:s4+s3] =	stream.indirect_vreg.scatter [tilespmem:s14], [sflag:$0x3], $0x80, v4, vm0, $0xb8;
	[tilespmem:$0x18200] =	vst v63  }
0x104: {  	v3 =	vadd.s32 v1, v3  }
0x105: {  	[hbm4b:s7+s3] =	stream.indirect_vreg.scatter [tilespmem:s15], [sflag:$0x3], $0x80, v4, vm0, $0xb8;
	[tilespmem:$0x18200] =	vst v63  }
0x106: {  	_ = 	snop  }
0x107: {  	[hbm4b:s8+s3] =	stream.indirect_vreg.scatter [tilespmem:s16], [sflag:$0x3], $0x80, v4, vm0, $0xb8;
	[tilespmem:$0x18200] =	vst v63  }
0x108: {  	_ = 	snop  }
0x109: {  	[hbm4b:s4+s3] =	stream.indirect_vreg.scatter [tilespmem:s17], [sflag:$0x3], $0x80, v3, vm0, $0xb8;
	[tilespmem:$0x18200] =	vst v63  }
0x10a: {  	s18 =	simm.s32 $0xB200  }
0x10b: {  	[hbm4b:s7+s3] =	stream.indirect_vreg.scatter [tilespmem:s18], [sflag:$0x3], $0x80, v3, vm0, $0xb8;
	[tilespmem:$0x18200] =	vst v63  }
0x10c: {  	s19 =	simm.s32 $0xBA00;
	s18 =	simm.s32 $0x2  }
0x10d: {  	[hbm4b:s8+s3] =	stream.indirect_vreg.scatter [tilespmem:s19], [sflag:$0x3], $0x80, v3, vm0, $0xb8;
	[tilespmem:$0x18200] =	vst v63  }
0x10e: {  	_ =	swait.ge [sflag:s18], $0xC000  }
0x10f: {  	[sflag:s18] =	ssyncset.done $0x0  }
0x110: {  	[sflag:s18] =	ssyncadd.s32 $0xFFFF4000  }
0x111: {  	v3 =	vld [tilespmem:$0x180];
	_ =	sdelay $0x4  }
0x112: {  	v60 =	vshrl.u32 v3, $0x3  }
0x113: {  	v4 =	vmul.u32 $0x30, v60  }
0x114: {  	v3 =	vand.u32 $0x7, v3  }
0x115: {  	v3 =	vor.u32 v3, v4  }
0x116: {  	v4 =	vperm.xlane v3, v0;
	_ =	sdelay $0x1  }
0x117: {  	v4 =	vadd.s32 v1, v4;
	_ =	sdelay $0x3  }
0x118: {  	s19 =	simm.s32 $0xC200;
	v3 =	vperm.xlane v3, v2  }
0x119: {  	[hbm4b:s4+s3] =	stream.indirect_vreg.scatter [tilespmem:s19], [sflag:$0x3], $0x80, v4, vm0, $0xb8;
	[tilespmem:$0x18200] =	vst v63  }
0x11a: {  	s18 =	simm.s32 $0xCA00;
	v3 =	vadd.s32 v1, v3  }
0x11b: {  	[hbm4b:s7+s3] =	stream.indirect_vreg.scatter [tilespmem:s18], [sflag:$0x3], $0x80, v4, vm0, $0xb8;
	[tilespmem:$0x18200] =	vst v63  }
0x11c: {  	s19 =	simm.s32 $0xD200  }
0x11d: {  	[hbm4b:s8+s3] =	stream.indirect_vreg.scatter [tilespmem:s19], [sflag:$0x3], $0x80, v4, vm0, $0xb8;
	[tilespmem:$0x18200] =	vst v63  }
0x11e: {  	s18 =	simm.s32 $0xDA00  }
0x11f: {  	[hbm4b:s4+s3] =	stream.indirect_vreg.scatter [tilespmem:s18], [sflag:$0x3], $0x80, v3, vm0, $0xb8;
	[tilespmem:$0x18200] =	vst v63  }
0x120: {  	s19 =	simm.s32 $0xE200  }
0x121: {  	[hbm4b:s7+s3] =	stream.indirect_vreg.scatter [tilespmem:s19], [sflag:$0x3], $0x80, v3, vm0, $0xb8;
	[tilespmem:$0x18200] =	vst v63  }
0x122: {  	s18 =	simm.s32 $0xEA00  }
0x123: {  	[hbm4b:s8+s3] =	stream.indirect_vreg.scatter [tilespmem:s18], [sflag:$0x3], $0x80, v3, vm0, $0xb8;
	[tilespmem:$0x18200] =	vst v63  }
0x124: {  	v3 =	vld [tilespmem:$0x190];
	_ =	sdelay $0x4  }
0x125: {  	v61 =	vshrl.u32 v3, $0x3  }
0x126: {  	v4 =	vmul.u32 $0x30, v61  }
0x127: {  	v3 =	vand.u32 $0x7, v3  }
0x128: {  	v3 =	vor.u32 v3, v4  }
0x129: {  	v4 =	vperm.xlane v3, v0;
	_ =	sdelay $0x1  }
0x12a: {  	v4 =	vadd.s32 v1, v4;
	_ =	sdelay $0x3  }
0x12b: {  	s19 =	simm.s32 $0xF200;
	v3 =	vperm.xlane v3, v2  }
0x12c: {  	[hbm4b:s4+s3] =	stream.indirect_vreg.scatter [tilespmem:s19], [sflag:$0x3], $0x80, v4, vm0, $0xb8;
	[tilespmem:$0x18200] =	vst v63  }
0x12d: {  	s18 =	simm.s32 $0xFA00;
	v3 =	vadd.s32 v1, v3  }
0x12e: {  	[hbm4b:s7+s3] =	stream.indirect_vreg.scatter [tilespmem:s18], [sflag:$0x3], $0x80, v4, vm0, $0xb8;
	[tilespmem:$0x18200] =	vst v63  }
0x12f: {  	s19 =	simm.s32 $0x10200  }
0x130: {  	[hbm4b:s8+s3] =	stream.indirect_vreg.scatter [tilespmem:s19], [sflag:$0x3], $0x80, v4, vm0, $0xb8;
	[tilespmem:$0x18200] =	vst v63  }
0x131: {  	s18 =	simm.s32 $0x10A00  }
0x132: {  	[hbm4b:s4+s3] =	stream.indirect_vreg.scatter [tilespmem:s18], [sflag:$0x3], $0x80, v3, vm0, $0xb8;
	[tilespmem:$0x18200] =	vst v63  }
0x133: {  	s19 =	simm.s32 $0x11200  }
0x134: {  	[hbm4b:s7+s3] =	stream.indirect_vreg.scatter [tilespmem:s19], [sflag:$0x3], $0x80, v3, vm0, $0xb8;
	[tilespmem:$0x18200] =	vst v63  }
0x135: {  	s18 =	simm.s32 $0x11A00  }
0x136: {  	[hbm4b:s8+s3] =	stream.indirect_vreg.scatter [tilespmem:s18], [sflag:$0x3], $0x80, v3, vm0, $0xb8;
	[tilespmem:$0x18200] =	vst v63  }
0x137: {  	v3 =	vld [tilespmem:$0x1A0];
	_ =	sdelay $0x4  }
0x138: {  	v62 =	vshrl.u32 v3, $0x3  }
0x139: {  	v4 =	vmul.u32 $0x30, v62  }
0x13a: {  	v3 =	vand.u32 $0x7, v3  }
0x13b: {  	v3 =	vor.u32 v3, v4  }
0x13c: {  	v4 =	vperm.xlane v3, v0;
	_ =	sdelay $0x1  }
0x13d: {  	v4 =	vadd.s32 v1, v4;
	_ =	sdelay $0x3  }
0x13e: {  	s19 =	simm.s32 $0x12200;
	v3 =	vperm.xlane v3, v2  }
0x13f: {  	[hbm4b:s4+s3] =	stream.indirect_vreg.scatter [tilespmem:s19], [sflag:$0x3], $0x80, v4, vm0, $0xb8;
	[tilespmem:$0x18200] =	vst v63  }
0x140: {  	s18 =	simm.s32 $0x12A00;
	v3 =	vadd.s32 v1, v3  }
0x141: {  	[hbm4b:s7+s3] =	stream.indirect_vreg.scatter [tilespmem:s18], [sflag:$0x3], $0x80, v4, vm0, $0xb8;
	[tilespmem:$0x18200] =	vst v63  }
0x142: {  	s19 =	simm.s32 $0x13200  }
0x143: {  	[hbm4b:s8+s3] =	stream.indirect_vreg.scatter [tilespmem:s19], [sflag:$0x3], $0x80, v4, vm0, $0xb8;
	[tilespmem:$0x18200] =	vst v63  }
0x144: {  	s18 =	simm.s32 $0x13A00  }
0x145: {  	[hbm4b:s4+s3] =	stream.indirect_vreg.scatter [tilespmem:s18], [sflag:$0x3], $0x80, v3, vm0, $0xb8;
	[tilespmem:$0x18200] =	vst v63  }
0x146: {  	s19 =	simm.s32 $0x14200  }
0x147: {  	[hbm4b:s7+s3] =	stream.indirect_vreg.scatter [tilespmem:s19], [sflag:$0x3], $0x80, v3, vm0, $0xb8;
	[tilespmem:$0x18200] =	vst v63  }
0x148: {  	s18 =	simm.s32 $0x14A00  }
0x149: {  	[hbm4b:s8+s3] =	stream.indirect_vreg.scatter [tilespmem:s18], [sflag:$0x3], $0x80, v3, vm0, $0xb8;
	[tilespmem:$0x18200] =	vst v63  }
0x14a: {  	v3 =	vld [tilespmem:$0x1B0];
	_ =	sdelay $0x4  }
0x14b: {  	v63 =	vshrl.u32 v3, $0x3  }
0x14c: {  	v4 =	vmul.u32 $0x30, v63  }
0x14d: {  	v3 =	vand.u32 $0x7, v3  }
0x14e: {  	v3 =	vor.u32 v3, v4  }
0x14f: {  	v4 =	vperm.xlane v3, v0;
	_ =	sdelay $0x1  }
0x150: {  	v4 =	vadd.s32 v1, v4;
	_ =	sdelay $0x3  }
0x151: {  	s19 =	simm.s32 $0x15200;
	v3 =	vperm.xlane v3, v2  }
0x152: {  	[hbm4b:s4+s3] =	stream.indirect_vreg.scatter [tilespmem:s19], [sflag:$0x3], $0x80, v4, vm0, $0xb8;
	[tilespmem:$0x18200] =	vst v63  }
0x153: {  	s18 =	simm.s32 $0x15A00;
	v3 =	vadd.s32 v1, v3  }
0x154: {  	[hbm4b:s7+s3] =	stream.indirect_vreg.scatter [tilespmem:s18], [sflag:$0x3], $0x80, v4, vm0, $0xb8;
	[tilespmem:$0x18200] =	vst v63  }
0x155: {  	s19 =	simm.s32 $0x16200  }
0x156: {  	[hbm4b:s8+s3] =	stream.indirect_vreg.scatter [tilespmem:s19], [sflag:$0x3], $0x80, v4, vm0, $0xb8;
	[tilespmem:$0x18200] =	vst v63  }
0x157: {  	s18 =	simm.s32 $0x16A00  }
0x158: {  	[hbm4b:s4+s3] =	stream.indirect_vreg.scatter [tilespmem:s18], [sflag:$0x3], $0x80, v3, vm0, $0xb8;
	[tilespmem:$0x18200] =	vst v63  }
0x159: {  	s19 =	simm.s32 $0x17200  }
0x15a: {  	[hbm4b:s7+s3] =	stream.indirect_vreg.scatter [tilespmem:s19], [sflag:$0x3], $0x80, v3, vm0, $0xb8;
	[tilespmem:$0x18200] =	vst v63  }
0x15b: {  	s18 =	simm.s32 $0x17A00;
	s19 =	simm.s32 $0x3  }
0x15c: {  	[hbm4b:s8+s3] =	stream.indirect_vreg.scatter [tilespmem:s18], [sflag:$0x3], $0x80, v3, vm0, $0xb8;
	[tilespmem:$0x18200] =	vst v63  }
0x15d: {  	p0 =	sne.s32 s9, $0x1;
	_ =	swait.ge [sflag:s19], $0xC000  }
.Ltmp0:
0x15e: {  	[sflag:s19] =	ssyncset.done $0x0;
	(pc) =	sbr.rel @p0 .LBB2_1-.Ltmp0, $4  }
0x15f: {  	[sflag:s19] =	ssyncadd.s32 $0xFFFF4000  }
0x160: {  	_ =	swait.ge [sflag:s19], $0xC000  }
0x161: {  	[sflag:s19] =	ssyncset.done $0x0  }
0x162: {  	s9 =	sadd.s32 $0xFFFFFFFF, s9;
	[sflag:s19] =	ssyncadd.s32 $0xFFFF4000  }
0x163: {  	_ =	sfence.sel $0x180000  }
0x164: {  	[bflag:$0x0] =	sbarrier.arrive $0xFFFF  }
0x165: {  	_ =	strace $0x90000047  }
0x166: {  	s0 =	stileid.u32;
	[bflag:$0x2] =	sbarrier.arrive $0xFFFF  }
0x167: {  	p0 =	sne.s32 s0, $0x0;
	s0 =	rddreg [dreg:$0x2]  }
0x168: {  	s0 =	sadd.s32 @!p0 $0x100000, s0  }
0x169: {  	[sflag:s0] =	ssyncadd.tile.s32 @!p0 $0x1;
	_ =	shalt  }
.Lfunc_end2:
_tile_overlayer_lowered:
.L_overlay_start_2:
0x16a: {  	(tag) =	ssettag $0x2  }
0x16b: {  	s0 =	rddreg [dreg:$0x0];
	s2 =	stileid.u32  }
0x16c: {  	s1 =	rddreg [dreg:$0x1];
	p0 =	sne.s32 s2, $0x0  }
0x16d: {  	s3 =	rddreg [dreg:$0x2];
	[bflag:$0x3] =	sbarrier.arrive $0xFFFF;
	s2 =	simm.s32 @!p0 $0x1C04  }
0x16e: {  	[timem:s3], [sflag:s2] =	dma.local @!p0 [hbm:s0], s1  }
0x16f: {  	s0 =	simm.s32 @!p0 $0x4  }
0x170: {  	_ =	swait.ge @!p0 [sflag:s0], s1  }
0x171: {  	s1 =	ssub.s32 @!p0 $0x0, s1;
	[sflag:s0] =	ssyncset.done @!p0 $0x0  }
0x172: {  	[sflag:s0] =	ssyncadd.s32 @!p0 s1  }
0x173: {  	[bflag:$0x3] =	sbarrier.arrive $0xFFFF  }
0x174: {  	_ =	shalt  }

// kernel: kernel.9.cloned.1.call-start
scs
__scs_entry_jumppad:
0x0: {  	(pc) =	sbr.rel $0x88, $3  }
0x1: {  	(tag) =	ssettag $0x0;
	lr =	simm.s32 $0x1  }
0x2: {  	[smem:$0x3F9A] =	sst lr;
	_ =	strace $0xD0000000  }
0x3: {  	_ = 	snop  }
0x4: {  	_ = 	snop  }
0x5: {  	_ = 	snop  }
0x6: {  	_ = 	snop  }
0x7: {  	_ = 	snop  }
__scs_overlays_trampoline_lowered:
0x8: {  	[smem:$0x3FA9] =	sst s0  }
0x9: {  	[smem:$0x3FAA] =	sst s1  }
0xa: {  	[smem:$0x3FAB] =	sst s2  }
0xb: {  	[smem:$0x3FAC] =	sst s3  }
0xc: {  	[smem:$0x3FAD] =	sst s4  }
0xd: {  	[smem:$0x3FAE] =	sst s5  }
0xe: {  	[smem:$0x3FAF] =	sst s6  }
0xf: {  	[smem:$0x3FB0] =	sst s7  }
0x10: {  	[smem:$0x3FB1] =	sst s8  }
0x11: {  	[smem:$0x3FB2] =	sst s9;
	s0 =	simm.s32 @!p0 $0x0  }
0x12: {  	s1 =	sld [smem:$0x3F98];
	s0 =	simm.s32 @p0 $0x1  }
0x13: {  	[smem:$0x3FB3] =	sst s0;
	s0 =	simm.s32 @!p1 $0x0  }
0x14: {  	s2 =	sld [smem:$0x3F97];
	s0 =	simm.s32 @p1 $0x1  }
0x15: {  	[smem:$0x3FB4] =	sst s0;
	s0 =	simm.s32 @!p2 $0x0  }
0x16: {  	s3 =	sld [smem:$0x3FDB];
	s0 =	simm.s32 @p2 $0x1  }
0x17: {  	s4 =	simm.s32 $0x1BF5;
	[smem:$0x3FB6] =	sst s0  }
0x18: {  	s0 =	sld [smem:$0x3F99];
	_ =	swait.ge [sflag:s4], $0x0  }
0x19: {  	s7 =	sld [smem:$0x3F9A]  }
0x1a: {  	s8 =	sadd.s32 $0xFFFFE003, lr  }
0x1b: {  	s9 =	sadd.s32 $0xFFFFFEF7, lr;
	s5 =	simm.s32 $0xFFFFFFFF;
	p2 =	slt.u32 s8, $0xFFFFF086  }
0x1c: {  	p1 =	slt.u32 s9, $0xF7A;
	s5 =	simm.s32 @!p2 $0x0  }
0x1d: {  	s5 =	simm.s32 @p1 $0x1;
	p0 =	seq.s32 s7, s2  }
0x1e: {  	s7 =	smul.u32 @!p0 $0xF7A, s2;
	p2 =	seq.s32 @!p0 s5, $0x0  }
0x1f: {  	s9 =	smul.u32 $0xF7A, s1;
	s8 =	simm.s32 @!p0 $0x1BF5;
	p2 =	por !p2, p0  }
0x20: {  	[sflag:s8] =	ssyncset.s32 @!p0 $0xFFFFF086;
	s6 =	sadd.s32 @!p0 s3, s7;
	s7 =	simm.s32 @!p0 $0x108  }
0x21: {  	s3 =	sadd.s32 s3, s9;
	s6 =	sadd.s32 @!p0 $0x88, s6;
	s7 =	simm.s32 @p2 $0x1082  }
0x22: {  	[simem:s7], [sflag:s8] =	dma.local @!p0 [hbm:s6], $0xF7A  }
0x23: {  	s9 =	sor.u32 $0xD0000000, s2;
	s6 =	simm.s32 $0x108;
	_ =	swait.ge @!p0 [sflag:s8], $0x0  }
0x24: {  	s3 =	sadd.s32 $0x88, s3;
	s6 =	simm.s32 @!p1 $0x1082;
	[sflag:s4] =	ssyncset.s32 $0xFFFFF086  }
0x25: {  	[simem:s6], [sflag:s4] =	dma.local [hbm:s3], $0xF7A  }
0x26: {  	[smem:$0x3F9A] =	sst s1;
	(tag) =	ssettag s2;
	_ =	strace s9  }
0x27: {  	s1 =	sld [smem:$0x3FAA]  }
0x28: {  	s2 =	sld [smem:$0x3FAB]  }
0x29: {  	s4 =	sld [smem:$0x3FAD]  }
0x2a: {  	p0 =	seq.s32 s5, $0x0;
	s5 =	sld [smem:$0x3FAE]  }
0x2b: {  	s6 =	sld [smem:$0x3FAF]  }
0x2c: {  	s7 =	sld [smem:$0x3FB0]  }
0x2d: {  	s3 =	simm.s32 $0x108;
	s8 =	sld [smem:$0x3FB1]  }
0x2e: {  	s3 =	simm.s32 @!p0 $0x1082;
	s9 =	sld [smem:$0x3FB2]  }
0x2f: {  	lr =	sadd.s32 s0, s3;
	s0 =	sld [smem:$0x3FA9]  }
0x30: {  	s3 =	sld [smem:$0x3FAC]  }
0x31: {  	[smem:$0x3FB5] =	sst s10  }
0x32: {  	s10 =	sld [smem:$0x3FB3];
	_ =	sdelay $0x3  }
0x33: {  	p0 =	seq.s32 s10, $0x1;
	s10 =	sld [smem:$0x3FB5];
	_ =	sdelay $0x3  }
0x34: {  	[smem:$0x3FB5] =	sst s10  }
0x35: {  	s10 =	sld [smem:$0x3FB4];
	_ =	sdelay $0x3  }
0x36: {  	p1 =	seq.s32 s10, $0x1;
	s10 =	sld [smem:$0x3FB5];
	_ =	sdelay $0x3  }
0x37: {  	[smem:$0x3FB5] =	sst s10  }
0x38: {  	s10 =	sld [smem:$0x3FB6]  }
0x39: {  	_ = 	snop;
	(pc) =	sbr.ind lr, $3  }
0x3a: {  	_ = 	snop  }
0x3b: {  	_ = 	snop  }
0x3c: {  	p2 =	seq.s32 s10, $0x1;
	s10 =	sld [smem:$0x3FB5]  }
0x3d: {  	_ =	shalt  }
0x3e: {  	_ =	shalt  }
0x3f: {  	_ =	shalt  }
0x40: {  	_ =	shalt  }
0x41: {  	_ =	shalt  }
0x42: {  	_ =	shalt  }
0x43: {  	_ =	shalt  }
0x44: {  	_ =	shalt  }
0x45: {  	_ =	shalt  }
0x46: {  	_ =	shalt  }
0x47: {  	_ =	shalt  }
0x48: {  	_ =	shalt  }
0x49: {  	_ =	shalt  }
0x4a: {  	_ =	shalt  }
0x4b: {  	_ =	shalt  }
0x4c: {  	_ =	shalt  }
0x4d: {  	_ =	shalt  }
0x4e: {  	_ =	shalt  }
0x4f: {  	_ =	shalt  }
0x50: {  	_ =	shalt  }
0x51: {  	_ =	shalt  }
0x52: {  	_ =	shalt  }
0x53: {  	_ =	shalt  }
0x54: {  	_ =	shalt  }
0x55: {  	_ =	shalt  }
0x56: {  	_ =	shalt  }
0x57: {  	_ =	shalt  }
0x58: {  	_ =	shalt  }
0x59: {  	_ =	shalt  }
0x5a: {  	_ =	shalt  }
0x5b: {  	_ =	shalt  }
0x5c: {  	_ =	shalt  }
0x5d: {  	_ =	shalt  }
0x5e: {  	_ =	shalt  }
0x5f: {  	_ =	shalt  }
0x60: {  	_ =	shalt  }
0x61: {  	_ =	shalt  }
0x62: {  	_ =	shalt  }
0x63: {  	_ =	shalt  }
0x64: {  	_ =	shalt  }
0x65: {  	_ =	shalt  }
0x66: {  	_ =	shalt  }
0x67: {  	_ =	shalt  }
0x68: {  	_ =	shalt  }
0x69: {  	_ =	shalt  }
0x6a: {  	_ =	shalt  }
0x6b: {  	_ =	shalt  }
0x6c: {  	_ =	shalt  }
0x6d: {  	_ =	shalt  }
0x6e: {  	_ =	shalt  }
0x6f: {  	_ =	shalt  }
0x70: {  	_ =	shalt  }
0x71: {  	_ =	shalt  }
0x72: {  	_ =	shalt  }
0x73: {  	_ =	shalt  }
0x74: {  	_ =	shalt  }
0x75: {  	_ =	shalt  }
0x76: {  	_ =	shalt  }
0x77: {  	_ =	shalt  }
0x78: {  	_ =	shalt  }
0x79: {  	_ =	shalt  }
0x7a: {  	_ =	shalt  }
0x7b: {  	_ =	shalt  }
0x7c: {  	_ =	shalt  }
0x7d: {  	_ =	shalt  }
0x7e: {  	_ =	shalt  }
0x7f: {  	_ =	shalt  }
0x80: {  	_ =	shalt  }
0x81: {  	_ =	shalt  }
0x82: {  	_ =	shalt  }
0x83: {  	_ =	shalt  }
0x84: {  	_ =	shalt  }
0x85: {  	_ =	shalt  }
0x86: {  	_ =	shalt  }
0x87: {  	_ =	shalt  }
.Lfunc_end0:
.L_simem_size_0:
called_computation.1_lowered:
.L_overlay_start_0:
0x88: {  	s2 =	sld [smem:$0x3FD9]  }
0x89: {  	s3 =	sld [smem:$0x3FFE];
	_ =	sdelay $0x1  }
0x8a: {  	s1 =	srdreg.scid  }
0x8b: {  	s0 =	sand.u32 $0x1, s1  }
0x8c: {  	s14 =	sshll.u32 s0, $0xA;
	s2 =	sadd.s32 s3, s2  }
0x8d: {  	s2 =	sadd.s32 s2, s14  }
0x8e: {  	[smem:$0x3FC1] =	sst s2  }
0x8f: {  	_ = 	snop  }
0x90: {  	s2 =	sld [smem:$0x3FD0];
	_ =	sdelay $0x2  }
0x91: {  	s15 =	simm.s32 $0xA;
	s4 =	simm.s32 $0x10  }
0x92: {  	[smem:s4], [sflag:s15] =	dma.local [hbm:s2], $0x1  }
0x93: {  	_ =	swait.eq [sflag:s15], $0x1  }
0x94: {  	[sflag:s15] =	ssyncset.done $0x0  }
0x95: {  	[sflag:s15] =	ssyncadd.s32 $0xFFFFFFFF  }
0x96: {  	s16 =	sld [smem:$0x10];
	(tm) =	ssettm $0x1  }
0x97: {  	s17 =	sld [smem:$0x3FFB];
	_ =	sdelay $0x3  }
0x98: {  	_ =	strace s17  }
0x99: {  	s3 =	sld [smem:$0x3FFC];
	_ =	sdelay $0x3  }
0x9a: {  	_ =	strace s3  }
0x9b: {  	s3 =	sld [smem:$0x3FFD];
	_ =	sdelay $0x3  }
0x9c: {  	_ =	strace s3  }
0x9d: {  	_ =	strace $0x8FFFFFFF  }
0x9e: {  	s18 =	sld [smem:$0x3FDB];
	_ =	sdelay $0x1  }
0x9f: {  	s19 =	simm.s32 $_scs_section_size  }
0xa0: {  	s5 =	simm.s32 $_size__tile_overlayer_lowered;
	s6 =	simm.s32 $_tile_overlayer_lowered  }
0xa1: {  	s22 =	simm.s32 $0x1BFF;
	s21 =	sshll.u32 s6, $0x1;
	s3 =	sadd.s32 s19, s18  }
0xa2: {  	s7 =	simm.s32 $0x0;
	s20 =	sshll.u32 s5, $0x1;
	s5 =	sadd.s32 s21, s3  }
0xa3: {  	[timem:s7], [sflag:s22] =	dma.local [hbm:s5], s20  }
0xa4: {  	_ =	swait.ge [sflag:s22], s20  }
0xa5: {  	s4 =	ssub.s32 $0x0, s20;
	[sflag:s22] =	ssyncset.done $0x0  }
0xa6: {  	[sflag:s22] =	ssyncadd.s32 s4;
	_ =	sdelay $0x1  }
0xa7: {  	s23 =	simm.s32 $0x1B8B  }
0xa8: {  	_ =	swait.ge [sflag:s23], $0x1  }
0xa9: {  	[sflag:s23] =	ssyncset.done $0x0  }
0xaa: {  	s25 =	simm.s32 $0x1B8E;
	s24 =	sld [smem:$0x3FFE];
	[sflag:s23] =	ssyncadd.s32 $0xFFFFFFFF  }
0xab: {  	s26 =	simm.s32 $execute0_lowered;
	[smem:$0x3FD2] =	sst s25  }
0xac: {  	s5 =	sshll.u32 s26, $0x1;
	_ =	strace $0x80000049;
	[dreg:$0x1] =	wrdreg $0xFFFFFFFF  }
0xad: {  	s28 =	simm.s32 $_size_execute0_lowered;
	s3 =	sadd.s32 s3, s5;
	[dreg:$0x0] =	wrdreg $0x0  }
0xae: {  	s5 =	sshll.u32 s28, $0x1;
	[dreg:$0x2] =	wrdreg s3  }
0xaf: {  	[dreg:$0x3] =	wrdreg s5  }
0xb0: {  	[dreg:$0x4] =	wrdreg $0xC0  }
0xb1: {  	_ =	task [dreg:s7], $0x5FFFF  }
0xb2: {  	[dreg:$0x1] =	wrdreg $0xFFFFFFFF  }
0xb3: {  	[dreg:$0x0] =	wrdreg $0x60  }
0xb4: {  	[dreg:$0x2] =	wrdreg s24  }
0xb5: {  	[dreg:$0x3] =	wrdreg s16  }
0xb6: {  	[dreg:$0x4] =	wrdreg $0x9  }
0xb7: {  	_ =	task.clear_ibuf [dreg:s7], $0x5FFFF;
	_ =	strace $0x90000049  }
0xb8: {  	s29 =	simm.s32 $0x9;
	_ =	strace $0x8000004B  }
0xb9: {  	_ =	swait.ge [sflag:s29], $0x1  }
0xba: {  	[sflag:s29] =	ssyncadd.s32 $0xFFFFFFFF  }
0xbb: {  	_ =	strace $0x9000004B  }
0xbc: {  	_ =	sfence  }
0xbd: {  	s30 =	sld [smem:$0x0];
	_ =	sdelay $0x2  }
0xbe: {  	s31 =	sshll.u32 s1, $0xD;
	s1 =	sshrl.u32 s1, $0x2  }
0xbf: {  	s3 =	sand.u32 $0x4000, s31;
	s1 =	sadd.s32 s1, s30  }
0xc0: {  	s0 =	sor.u32 s3, s0;
	s1 =	sshll.u32 s1, $0x11  }
0xc1: {  	s0 =	sor.u32 s1, s0  }
0xc2: {  	s0 =	sadd.s32 $0x8F2B, s0  }
0xc3: {  	[sflag:s0] =	ssyncadd.remote.s32 $0x1  }
0xc4: {  	_ =	sfence.sel $0xFFFF  }
0xc5: {  	[dreg:$0x0] =	wrdreg $0xFFFFFFFF;
	(pc) =	sbr.abs _section_cstart, $3  }
0xc6: {  	[dreg:$0x1] =	wrdreg $0xFFFFFFFF  }
0xc7: {  	_ =	task.clear_ibuf [dreg:s7], $0x2FFFF;
	_ =	strace $0x9FFFFFFF  }
0xc8: {  	(tm) =	ssettm $0x7FFFFFFF  }
0xc9: {  	_ =	shalt  }
tec
execute0_lowered:
.L_overlay_start_1:
0x0: {  	(tag) =	ssettag $0x1  }
0x1: {  	s0 =	rddreg [dreg:$0x0]  }
0x2: {  	s2 =	rddreg [dreg:$0x1];
	s1 =	simm.s32 $0x0  }
0x3: {  	s4 =	srdreg.scid;
	s7 =	stileid.u32;
	s15 =	simm.s32 $0x4  }
0x4: {  	s19 =	simm.s32 $0x200;
	s20 =	simm.s32 $0x280;
	s21 =	simm.s32 $0x300  }
0x5: {  	s24 =	simm.s32 $0x16300;
	s25 =	simm.s32 $0x16B00;
	s28 =	simm.s32 $0x17B00  }
0x6: {  	s29 =	simm.s32 $0x1;
	s30 =	simm.s32 $0x2;
	s31 =	simm.s32 $0x3  }
0x7: {  	[smem:$0x7FF] =	sst s1;
	s3 =	sadd.s32 $0x193800, s0;
	s4 =	sand.u32 $0x1, s4  }
0x8: {  	s5 =	sadd.s32 $0x600, s0;
	s7 =	sshll.u32 s7, $0x3;
	s6 =	sshll.u32 s4, $0x7  }
0x9: {  	s8 =	sadd.s32 $0x800, s0;
	s4 =	ssub.s32 $0x2, s4;
	s9 =	sor.u32 s7, s6  }
0xa: {  	_ =	strace $0x8000004A;
	s26 =	sshrl.u32 s4, $0x1;
	s10 =	sadd.s32 s9, s0  }
0xb: {  	s11 =	sor.u32 $0x4, s9;
	s14 =	ssub.s32 s4, s26;
	s4 =	sadd.s32 s5, s9  }
0xc: {  	s6 =	sadd.s32 s8, s9;
	s12 =	smul.u32 $0x300, s9;
	s26 =	simm.s32 $0x17300  }
0xd: {  	s5 =	sadd.s32 s5, s11;
	s7 =	sadd.s32 s8, s11;
	s8 =	sadd.s32 $0x1000, s10  }
0xe: {  	v2 =	vlaneseq.u32;
	s9 =	sadd.s32 $0xE00, s10;
	s13 =	smul.u32 $0x300, s11;
	s10 =	sadd.s32 $0x193900, s0  }
0xf: {  	vm0 =	vmmov $0xffff;
	v1 =	vshrl.u32 v2, $0x3;
	s11 =	sadd.s32 $0x193A00, s0;
	s14 =	smax.u32 s14, $0x1;
	s0 =	simm.s32 $0xC300  }
0x10: {  	v0 =	vand.u32 $0x7, v2;
	v2 =	vor.u32 $0x8, v2;
	v1 =	vmul.u32 $0x8, v1;
	s12 =	sadd.s32 s2, s12;
	s13 =	sadd.s32 s2, s13;
	s2 =	simm.s32 $0x0  }
.LBB2_1:
0x11: {  	[tilespmem:s1], [sflag:$0x4] =	stream.linear.gather [hbm4b:s4+s1], $0x20, $0x38;
	[tilespmem:$0x18300] =	vst v63  }
0x12: {  	_ =	swait.ge [sflag:s15], $0x20  }
0x13: {  	[sflag:s15] =	ssyncset.done $0x0  }
0x14: {  	s16 =	simm.s32 $0x80;
	[sflag:s15] =	ssyncadd.s32 $0xFFFFFFE0  }
0x15: {  	[tilespmem:s16], [sflag:$0x4] =	stream.linear.gather [hbm4b:s5+s1], $0x20, $0x38;
	[tilespmem:$0x18300] =	vst v63  }
0x16: {  	_ =	swait.ge [sflag:s15], $0x20  }
0x17: {  	[sflag:s15] =	ssyncset.done $0x0  }
0x18: {  	s23 =	simm.s32 $0x100;
	[sflag:s15] =	ssyncadd.s32 $0xFFFFFFE0  }
0x19: {  	[tilespmem:s23], [sflag:$0x4] =	stream.linear.gather [hbm4b:s6+s1], $0x20, $0x38;
	[tilespmem:$0x18300] =	vst v63  }
0x1a: {  	_ =	swait.ge [sflag:s15], $0x20  }
0x1b: {  	[sflag:s15] =	ssyncset.done $0x0  }
0x1c: {  	s17 =	simm.s32 $0x180;
	[sflag:s15] =	ssyncadd.s32 $0xFFFFFFE0  }
0x1d: {  	[tilespmem:s17], [sflag:$0x4] =	stream.linear.gather [hbm4b:s7+s1], $0x20, $0x38;
	[tilespmem:$0x18300] =	vst v63  }
0x1e: {  	_ =	swait.ge [sflag:s15], $0x20  }
0x1f: {  	[sflag:s15] =	ssyncset.done $0x0  }
0x20: {  	[sflag:s15] =	ssyncadd.s32 $0xFFFFFFE0  }
0x21: {  	[tilespmem:s19], [sflag:$0x4] =	stream.linear.gather [hbm4b:s8+s1], $0x40, $0x38;
	[tilespmem:$0x18300] =	vst v63  }
0x22: {  	_ =	swait.ge [sflag:s15], $0x40  }
0x23: {  	[sflag:s15] =	ssyncset.done $0x0  }
0x24: {  	[sflag:s15] =	ssyncadd.s32 $0xFFFFFFC0  }
0x25: {  	[tilespmem:s20], [sflag:$0x4] =	stream.linear.gather [hbm4b:s9+s1], $0x40, $0x38;
	[tilespmem:$0x18300] =	vst v63  }
0x26: {  	_ =	swait.ge [sflag:s15], $0x40  }
0x27: {  	[sflag:s15] =	ssyncset.done $0x0  }
0x28: {  	[sflag:s15] =	ssyncadd.s32 $0xFFFFFFC0  }
0x29: {  	v3 =	vld [tilespmem:$0x0];
	_ =	sdelay $0x4  }
0x2a: {  	v4 =	vshrl.u32 v3, $0x3  }
0x2b: {  	v4 =	vmul.u32 $0x30, v4  }
0x2c: {  	v3 =	vand.u32 $0x7, v3  }
0x2d: {  	v3 =	vor.u32 v3, v4  }
0x2e: {  	v4 =	vperm.xlane v3, v0;
	_ =	sdelay $0x1  }
0x2f: {  	v4 =	vadd.s32 v1, v4;
	_ =	sdelay $0x3  }
0x30: {  	v3 =	vperm.xlane v3, v2  }
0x31: {  	[tilespmem:s21], [sflag:$0x1] =	stream.indirect_vreg.gather [hbm4b:s3+s1], $0x80, v4, vm0, $0xb8;
	[tilespmem:$0x18300] =	vst v63  }
0x32: {  	s18 =	simm.s32 $0xB00;
	v3 =	vadd.s32 v1, v3  }
0x33: {  	[tilespmem:s18], [sflag:$0x1] =	stream.indirect_vreg.gather [hbm4b:s10+s1], $0x80, v4, vm0, $0xb8;
	[tilespmem:$0x18300] =	vst v63  }
0x34: {  	s22 =	simm.s32 $0x1300  }
0x35: {  	[tilespmem:s22], [sflag:$0x1] =	stream.indirect_vreg.gather [hbm4b:s11+s1], $0x80, v4, vm0, $0xb8;
	[tilespmem:$0x18300] =	vst v63  }
0x36: {  	s23 =	simm.s32 $0x1B00  }
0x37: {  	[tilespmem:s23], [sflag:$0x1] =	stream.indirect_vreg.gather [hbm4b:s3+s1], $0x80, v3, vm0, $0xb8;
	[tilespmem:$0x18300] =	vst v63  }
0x38: {  	s17 =	simm.s32 $0x2300  }
0x39: {  	[tilespmem:s17], [sflag:$0x1] =	stream.indirect_vreg.gather [hbm4b:s10+s1], $0x80, v3, vm0, $0xb8;
	[tilespmem:$0x18300] =	vst v63  }
0x3a: {  	s18 =	simm.s32 $0x2B00  }
0x3b: {  	[tilespmem:s18], [sflag:$0x1] =	stream.indirect_vreg.gather [hbm4b:s11+s1], $0x80, v3, vm0, $0xb8;
	[tilespmem:$0x18300] =	vst v63  }
0x3c: {  	v3 =	vld [tilespmem:$0x10];
	_ =	sdelay $0x4  }
0x3d: {  	v4 =	vshrl.u32 v3, $0x3  }
0x3e: {  	v4 =	vmul.u32 $0x30, v4  }
0x3f: {  	v3 =	vand.u32 $0x7, v3  }
0x40: {  	v3 =	vor.u32 v3, v4  }
0x41: {  	v4 =	vperm.xlane v3, v0;
	_ =	sdelay $0x1  }
0x42: {  	v4 =	vadd.s32 v1, v4;
	_ =	sdelay $0x3  }
0x43: {  	s22 =	simm.s32 $0x3300;
	v3 =	vperm.xlane v3, v2  }
0x44: {  	[tilespmem:s22], [sflag:$0x1] =	stream.indirect_vreg.gather [hbm4b:s3+s1], $0x80, v4, vm0, $0xb8;
	[tilespmem:$0x18300] =	vst v63  }
0x45: {  	s23 =	simm.s32 $0x3B00;
	v3 =	vadd.s32 v1, v3  }
0x46: {  	[tilespmem:s23], [sflag:$0x1] =	stream.indirect_vreg.gather [hbm4b:s10+s1], $0x80, v4, vm0, $0xb8;
	[tilespmem:$0x18300] =	vst v63  }
0x47: {  	s17 =	simm.s32 $0x4300  }
0x48: {  	[tilespmem:s17], [sflag:$0x1] =	stream.indirect_vreg.gather [hbm4b:s11+s1], $0x80, v4, vm0, $0xb8;
	[tilespmem:$0x18300] =	vst v63  }
0x49: {  	s18 =	simm.s32 $0x4B00  }
0x4a: {  	[tilespmem:s18], [sflag:$0x1] =	stream.indirect_vreg.gather [hbm4b:s3+s1], $0x80, v3, vm0, $0xb8;
	[tilespmem:$0x18300] =	vst v63  }
0x4b: {  	s22 =	simm.s32 $0x5300  }
0x4c: {  	[tilespmem:s22], [sflag:$0x1] =	stream.indirect_vreg.gather [hbm4b:s10+s1], $0x80, v3, vm0, $0xb8;
	[tilespmem:$0x18300] =	vst v63  }
0x4d: {  	s23 =	simm.s32 $0x5B00  }
0x4e: {  	[tilespmem:s23], [sflag:$0x1] =	stream.indirect_vreg.gather [hbm4b:s11+s1], $0x80, v3, vm0, $0xb8;
	[tilespmem:$0x18300] =	vst v63  }
0x4f: {  	v3 =	vld [tilespmem:$0x100];
	_ =	sdelay $0x4  }
0x50: {  	v4 =	vshrl.u32 v3, $0x3  }
0x51: {  	v4 =	vmul.u32 $0x30, v4  }
0x52: {  	v3 =	vand.u32 $0x7, v3  }
0x53: {  	v3 =	vor.u32 v3, v4  }
0x54: {  	v4 =	vperm.xlane v3, v0;
	_ =	sdelay $0x1  }
0x55: {  	v4 =	vadd.s32 v1, v4;
	_ =	sdelay $0x3  }
0x56: {  	s17 =	simm.s32 $0x6300;
	v3 =	vperm.xlane v3, v2  }
0x57: {  	[tilespmem:s17], [sflag:$0x1] =	stream.indirect_vreg.gather [hbm4b:s3+s1], $0x80, v4, vm0, $0xb8;
	[tilespmem:$0x18300] =	vst v63  }
0x58: {  	s18 =	simm.s32 $0x6B00;
	v3 =	vadd.s32 v1, v3  }
0x59: {  	[tilespmem:s18], [sflag:$0x1] =	stream.indirect_vreg.gather [hbm4b:s10+s1], $0x80, v4, vm0, $0xb8;
	[tilespmem:$0x18300] =	vst v63  }
0x5a: {  	s22 =	simm.s32 $0x7300  }
0x5b: {  	[tilespmem:s22], [sflag:$0x1] =	stream.indirect_vreg.gather [hbm4b:s11+s1], $0x80, v4, vm0, $0xb8;
	[tilespmem:$0x18300] =	vst v63  }
0x5c: {  	s23 =	simm.s32 $0x7B00  }
0x5d: {  	[tilespmem:s23], [sflag:$0x1] =	stream.indirect_vreg.gather [hbm4b:s3+s1], $0x80, v3, vm0, $0xb8;
	[tilespmem:$0x18300] =	vst v63  }
0x5e: {  	s17 =	simm.s32 $0x8300  }
0x5f: {  	[tilespmem:s17], [sflag:$0x1] =	stream.indirect_vreg.gather [hbm4b:s10+s1], $0x80, v3, vm0, $0xb8;
	[tilespmem:$0x18300] =	vst v63  }
0x60: {  	s18 =	simm.s32 $0x8B00  }
0x61: {  	[tilespmem:s18], [sflag:$0x1] =	stream.indirect_vreg.gather [hbm4b:s11+s1], $0x80, v3, vm0, $0xb8;
	[tilespmem:$0x18300] =	vst v63  }
0x62: {  	v3 =	vld [tilespmem:$0x110];
	_ =	sdelay $0x4  }
0x63: {  	v4 =	vshrl.u32 v3, $0x3  }
0x64: {  	v4 =	vmul.u32 $0x30, v4  }
0x65: {  	v3 =	vand.u32 $0x7, v3  }
0x66: {  	v3 =	vor.u32 v3, v4  }
0x67: {  	v4 =	vperm.xlane v3, v0;
	_ =	sdelay $0x1  }
0x68: {  	v4 =	vadd.s32 v1, v4;
	_ =	sdelay $0x3  }
0x69: {  	s22 =	simm.s32 $0x9300;
	v3 =	vperm.xlane v3, v2  }
0x6a: {  	[tilespmem:s22], [sflag:$0x1] =	stream.indirect_vreg.gather [hbm4b:s3+s1], $0x80, v4, vm0, $0xb8;
	[tilespmem:$0x18300] =	vst v63  }
0x6b: {  	s23 =	simm.s32 $0x9B00;
	v3 =	vadd.s32 v1, v3  }
0x6c: {  	[tilespmem:s23], [sflag:$0x1] =	stream.indirect_vreg.gather [hbm4b:s10+s1], $0x80, v4, vm0, $0xb8;
	[tilespmem:$0x18300] =	vst v63  }
0x6d: {  	s17 =	simm.s32 $0xA300  }
0x6e: {  	[tilespmem:s17], [sflag:$0x1] =	stream.indirect_vreg.gather [hbm4b:s11+s1], $0x80, v4, vm0, $0xb8;
	[tilespmem:$0x18300] =	vst v63  }
0x6f: {  	s18 =	simm.s32 $0xAB00  }
0x70: {  	[tilespmem:s18], [sflag:$0x1] =	stream.indirect_vreg.gather [hbm4b:s3+s1], $0x80, v3, vm0, $0xb8;
	[tilespmem:$0x18300] =	vst v63  }
0x71: {  	s22 =	simm.s32 $0xB300  }
0x72: {  	[tilespmem:s22], [sflag:$0x1] =	stream.indirect_vreg.gather [hbm4b:s10+s1], $0x80, v3, vm0, $0xb8;
	[tilespmem:$0x18300] =	vst v63  }
0x73: {  	s23 =	simm.s32 $0xBB00  }
0x74: {  	[tilespmem:s23], [sflag:$0x1] =	stream.indirect_vreg.gather [hbm4b:s11+s1], $0x80, v3, vm0, $0xb8;
	[tilespmem:$0x18300] =	vst v63  }
0x75: {  	v3 =	vld [tilespmem:$0x80];
	_ =	sdelay $0x4  }
0x76: {  	v4 =	vshrl.u32 v3, $0x3  }
0x77: {  	v4 =	vmul.u32 $0x30, v4  }
0x78: {  	v3 =	vand.u32 $0x7, v3  }
0x79: {  	v3 =	vor.u32 v3, v4  }
0x7a: {  	v4 =	vperm.xlane v3, v0;
	_ =	sdelay $0x1  }
0x7b: {  	v4 =	vadd.s32 v1, v4;
	_ =	sdelay $0x3  }
0x7c: {  	v3 =	vperm.xlane v3, v2  }
0x7d: {  	[tilespmem:s0], [sflag:$0x2] =	stream.indirect_vreg.gather [hbm4b:s3+s1], $0x80, v4, vm0, $0xb8;
	[tilespmem:$0x18300] =	vst v63  }
0x7e: {  	s17 =	simm.s32 $0xCB00;
	v3 =	vadd.s32 v1, v3  }
0x7f: {  	[tilespmem:s17], [sflag:$0x2] =	stream.indirect_vreg.gather [hbm4b:s10+s1], $0x80, v4, vm0, $0xb8;
	[tilespmem:$0x18300] =	vst v63  }
0x80: {  	s18 =	simm.s32 $0xD300  }
0x81: {  	[tilespmem:s18], [sflag:$0x2] =	stream.indirect_vreg.gather [hbm4b:s11+s1], $0x80, v4, vm0, $0xb8;
	[tilespmem:$0x18300] =	vst v63  }
0x82: {  	s22 =	simm.s32 $0xDB00  }
0x83: {  	[tilespmem:s22], [sflag:$0x2] =	stream.indirect_vreg.gather [hbm4b:s3+s1], $0x80, v3, vm0, $0xb8;
	[tilespmem:$0x18300] =	vst v63  }
0x84: {  	s23 =	simm.s32 $0xE300  }
0x85: {  	[tilespmem:s23], [sflag:$0x2] =	stream.indirect_vreg.gather [hbm4b:s10+s1], $0x80, v3, vm0, $0xb8;
	[tilespmem:$0x18300] =	vst v63  }
0x86: {  	s17 =	simm.s32 $0xEB00  }
0x87: {  	[tilespmem:s17], [sflag:$0x2] =	stream.indirect_vreg.gather [hbm4b:s11+s1], $0x80, v3, vm0, $0xb8;
	[tilespmem:$0x18300] =	vst v63  }
0x88: {  	v3 =	vld [tilespmem:$0x90];
	_ =	sdelay $0x4  }
0x89: {  	v4 =	vshrl.u32 v3, $0x3  }
0x8a: {  	v4 =	vmul.u32 $0x30, v4  }
0x8b: {  	v3 =	vand.u32 $0x7, v3  }
0x8c: {  	v3 =	vor.u32 v3, v4  }
0x8d: {  	v4 =	vperm.xlane v3, v0;
	_ =	sdelay $0x1  }
0x8e: {  	v4 =	vadd.s32 v1, v4;
	_ =	sdelay $0x3  }
0x8f: {  	s18 =	simm.s32 $0xF300;
	v3 =	vperm.xlane v3, v2  }
0x90: {  	[tilespmem:s18], [sflag:$0x2] =	stream.indirect_vreg.gather [hbm4b:s3+s1], $0x80, v4, vm0, $0xb8;
	[tilespmem:$0x18300] =	vst v63  }
0x91: {  	s22 =	simm.s32 $0xFB00;
	v3 =	vadd.s32 v1, v3  }
0x92: {  	[tilespmem:s22], [sflag:$0x2] =	stream.indirect_vreg.gather [hbm4b:s10+s1], $0x80, v4, vm0, $0xb8;
	[tilespmem:$0x18300] =	vst v63  }
0x93: {  	s23 =	simm.s32 $0x10300  }
0x94: {  	[tilespmem:s23], [sflag:$0x2] =	stream.indirect_vreg.gather [hbm4b:s11+s1], $0x80, v4, vm0, $0xb8;
	[tilespmem:$0x18300] =	vst v63  }
0x95: {  	s17 =	simm.s32 $0x10B00  }
0x96: {  	[tilespmem:s17], [sflag:$0x2] =	stream.indirect_vreg.gather [hbm4b:s3+s1], $0x80, v3, vm0, $0xb8;
	[tilespmem:$0x18300] =	vst v63  }
0x97: {  	s18 =	simm.s32 $0x11300  }
0x98: {  	[tilespmem:s18], [sflag:$0x2] =	stream.indirect_vreg.gather [hbm4b:s10+s1], $0x80, v3, vm0, $0xb8;
	[tilespmem:$0x18300] =	vst v63  }
0x99: {  	s22 =	simm.s32 $0x11B00  }
0x9a: {  	[tilespmem:s22], [sflag:$0x2] =	stream.indirect_vreg.gather [hbm4b:s11+s1], $0x80, v3, vm0, $0xb8;
	[tilespmem:$0x18300] =	vst v63  }
0x9b: {  	v3 =	vld [tilespmem:$0x180];
	_ =	sdelay $0x4  }
0x9c: {  	v4 =	vshrl.u32 v3, $0x3  }
0x9d: {  	v4 =	vmul.u32 $0x30, v4  }
0x9e: {  	v3 =	vand.u32 $0x7, v3  }
0x9f: {  	v3 =	vor.u32 v3, v4  }
0xa0: {  	v4 =	vperm.xlane v3, v0;
	_ =	sdelay $0x1  }
0xa1: {  	v4 =	vadd.s32 v1, v4;
	_ =	sdelay $0x3  }
0xa2: {  	s23 =	simm.s32 $0x12300;
	v3 =	vperm.xlane v3, v2  }
0xa3: {  	[tilespmem:s23], [sflag:$0x2] =	stream.indirect_vreg.gather [hbm4b:s3+s1], $0x80, v4, vm0, $0xb8;
	[tilespmem:$0x18300] =	vst v63  }
0xa4: {  	s17 =	simm.s32 $0x12B00;
	v3 =	vadd.s32 v1, v3  }
0xa5: {  	[tilespmem:s17], [sflag:$0x2] =	stream.indirect_vreg.gather [hbm4b:s10+s1], $0x80, v4, vm0, $0xb8;
	[tilespmem:$0x18300] =	vst v63  }
0xa6: {  	s18 =	simm.s32 $0x13300  }
0xa7: {  	[tilespmem:s18], [sflag:$0x2] =	stream.indirect_vreg.gather [hbm4b:s11+s1], $0x80, v4, vm0, $0xb8;
	[tilespmem:$0x18300] =	vst v63  }
0xa8: {  	s22 =	simm.s32 $0x13B00  }
0xa9: {  	[tilespmem:s22], [sflag:$0x2] =	stream.indirect_vreg.gather [hbm4b:s3+s1], $0x80, v3, vm0, $0xb8;
	[tilespmem:$0x18300] =	vst v63  }
0xaa: {  	s23 =	simm.s32 $0x14300  }
0xab: {  	[tilespmem:s23], [sflag:$0x2] =	stream.indirect_vreg.gather [hbm4b:s10+s1], $0x80, v3, vm0, $0xb8;
	[tilespmem:$0x18300] =	vst v63  }
0xac: {  	s17 =	simm.s32 $0x14B00  }
0xad: {  	[tilespmem:s17], [sflag:$0x2] =	stream.indirect_vreg.gather [hbm4b:s11+s1], $0x80, v3, vm0, $0xb8;
	[tilespmem:$0x18300] =	vst v63  }
0xae: {  	v3 =	vld [tilespmem:$0x190];
	_ =	sdelay $0x4  }
0xaf: {  	v4 =	vshrl.u32 v3, $0x3  }
0xb0: {  	v4 =	vmul.u32 $0x30, v4  }
0xb1: {  	v3 =	vand.u32 $0x7, v3  }
0xb2: {  	v3 =	vor.u32 v3, v4  }
0xb3: {  	v4 =	vperm.xlane v3, v0;
	_ =	sdelay $0x1  }
0xb4: {  	v4 =	vadd.s32 v1, v4;
	_ =	sdelay $0x3  }
0xb5: {  	s18 =	simm.s32 $0x15300;
	v3 =	vperm.xlane v3, v2  }
0xb6: {  	[tilespmem:s18], [sflag:$0x2] =	stream.indirect_vreg.gather [hbm4b:s3+s1], $0x80, v4, vm0, $0xb8;
	[tilespmem:$0x18300] =	vst v63  }
0xb7: {  	s22 =	simm.s32 $0x15B00;
	v3 =	vadd.s32 v1, v3  }
0xb8: {  	[tilespmem:s22], [sflag:$0x2] =	stream.indirect_vreg.gather [hbm4b:s10+s1], $0x80, v4, vm0, $0xb8;
	[tilespmem:$0x18300] =	vst v63  }
0xb9: {  	_ = 	snop  }
0xba: {  	[tilespmem:s24], [sflag:$0x2] =	stream.indirect_vreg.gather [hbm4b:s11+s1], $0x80, v4, vm0, $0xb8;
	[tilespmem:$0x18300] =	vst v63  }
0xbb: {  	_ = 	snop  }
0xbc: {  	[tilespmem:s25], [sflag:$0x2] =	stream.indirect_vreg.gather [hbm4b:s3+s1], $0x80, v3, vm0, $0xb8;
	[tilespmem:$0x18300] =	vst v63  }
0xbd: {  	_ = 	snop  }
0xbe: {  	[tilespmem:s26], [sflag:$0x2] =	stream.indirect_vreg.gather [hbm4b:s10+s1], $0x80, v3, vm0, $0xb8;
	[tilespmem:$0x18300] =	vst v63  }
0xbf: {  	_ = 	snop  }
0xc0: {  	[tilespmem:s28], [sflag:$0x2] =	stream.indirect_vreg.gather [hbm4b:s11+s1], $0x80, v3, vm0, $0xb8;
	[tilespmem:$0x18300] =	vst v63  }
0xc1: {  	_ =	swait.ge [sflag:s29], $0x6000  }
0xc2: {  	[sflag:s29] =	ssyncset.done $0x0  }
0xc3: {  	s23 =	simm.s32 $0x0;
	[sflag:s29] =	ssyncadd.s32 $0xFFFFA000  }
0xc4: {  	s16 =	smul.u32 $0x1800, s23;
	_ =	swait.ge [sflag:s29], $0x6000  }
0xc5: {  	s17 =	sand.u32 $0x380, s1;
	[sflag:s29] =	ssyncset.done $0x0  }
0xc6: {  	s16 =	sor.u32 s17, s16;
	[sflag:s29] =	ssyncadd.s32 $0xFFFFA000  }
0xc7: {  	v4 =	vld [tilespmem:s16+$0x310]  }
0xc8: {  	v3 =	vld [tilespmem:s16+$0x6310]  }
0xc9: {  	v6 =	vld [tilespmem:s16+$0x320]  }
0xca: {  	v5 =	vld [tilespmem:s16+$0x6320]  }
0xcb: {  	v8 =	vld [tilespmem:s16+$0x330]  }
0xcc: {  	v7 =	vld [tilespmem:s16+$0x6330]  }
0xcd: {  	v10 =	vld [tilespmem:s16+$0x340]  }
0xce: {  	v9 =	vld [tilespmem:s16+$0x6340]  }
0xcf: {  	v12 =	vld [tilespmem:s16+$0x350]  }
0xd0: {  	v11 =	vld [tilespmem:s16+$0x6350]  }
0xd1: {  	v13 =	vld [tilespmem:s16+$0x360]  }
0xd2: {  	v14 =	vld [tilespmem:s16+$0x370]  }
0xd3: {  	v15 =	vld [tilespmem:s16+$0x700]  }
0xd4: {  	v16 =	vld [tilespmem:s16+$0x710]  }
0xd5: {  	v17 =	vld [tilespmem:s16+$0x720]  }
0xd6: {  	v18 =	vld [tilespmem:s16+$0x730]  }
0xd7: {  	v19 =	vld [tilespmem:s16+$0x740]  }
0xd8: {  	v20 =	vld [tilespmem:s16+$0x750]  }
0xd9: {  	v21 =	vld [tilespmem:s16+$0x760]  }
0xda: {  	v22 =	vld [tilespmem:s16+$0x770]  }
0xdb: {  	v23 =	vld [tilespmem:s16+$0xB00]  }
0xdc: {  	v24 =	vld [tilespmem:s16+$0xB10]  }
0xdd: {  	v25 =	vld [tilespmem:s16+$0xB20]  }
0xde: {  	v26 =	vld [tilespmem:s16+$0xB30]  }
0xdf: {  	v27 =	vld [tilespmem:s16+$0xB40]  }
0xe0: {  	v28 =	vld [tilespmem:s16+$0xB50]  }
0xe1: {  	v29 =	vld [tilespmem:s16+$0xB60]  }
0xe2: {  	v30 =	vld [tilespmem:s16+$0xB70]  }
0xe3: {  	v32 =	vld [tilespmem:s16+$0xF00]  }
0xe4: {  	v34 =	vld [tilespmem:s16+$0xF10]  }
0xe5: {  	v35 =	vld [tilespmem:s16+$0xF20]  }
0xe6: {  	v36 =	vld [tilespmem:s16+$0xF30]  }
0xe7: {  	v37 =	vld [tilespmem:s16+$0xF40]  }
0xe8: {  	v38 =	vld [tilespmem:s16+$0xF50]  }
0xe9: {  	v39 =	vld [tilespmem:s16+$0xF60]  }
0xea: {  	v40 =	vld [tilespmem:s16+$0xF70]  }
0xeb: {  	v41 =	vld [tilespmem:s16+$0x1300]  }
0xec: {  	v42 =	vld [tilespmem:s16+$0x1310]  }
0xed: {  	v43 =	vld [tilespmem:s16+$0x1320]  }
0xee: {  	v44 =	vld [tilespmem:s16+$0x1330]  }
0xef: {  	v45 =	vld [tilespmem:s16+$0x1340]  }
0xf0: {  	v46 =	vld [tilespmem:s16+$0x1350]  }
0xf1: {  	v47 =	vld [tilespmem:s16+$0x1360]  }
0xf2: {  	v50 =	vmov s1;
	v48 =	vld [tilespmem:s16+$0x1700]  }
0xf3: {  	s17 =	simm.s32 $0x1;
	s18 =	simm.s32 $0x0;
	v49 =	vld [tilespmem:s16+$0x1710]  }
.LBB2_2:
0xf4: {  	p0 =	sne.s32 s17, $0x1F;
	v51 =	vld [tilespmem:s16+$0x7710]  }
0xf5: {  	v52 =	vld [tilespmem:s16+$0x7730]  }
0xf6: {  	v53 =	vld [tilespmem:s16+$0x1720]  }
0xf7: {  	v33 =	vld.idx.msk [tilespmem:v50+s19+$0x0], $0xffff  }
0xf8: {  	v31 =	vld.idx.msk [tilespmem:v50+s20+$0x0], $0xffff  }
0xf9: {  	v50 =	vld [tilespmem:s16+$0x1730]  }
0xfa: {  	v54 =	vld [tilespmem:s16+$0x7720]  }
0xfb: {  	v55 =	vld [tilespmem:s16+$0x7700]  }
0xfc: {  	v56 =	vld [tilespmem:s16+$0x1370]  }
0xfd: {  	v49 =	vmul.f32 v49, v33;
	v53 =	vmul.f32 v53, v33;
	v57 =	vld [tilespmem:s16+$0x7370]  }
0xfe: {  	v52 =	vmul.f32 v52, v31;
	v58 =	vld [tilespmem:s16+$0x7360];
	v50 =	vmul.f32 v50, v33  }
0xff: {  	v51 =	vmul.f32 v51, v31;
	v59 =	vld [tilespmem:s16+$0x7350];
	v54 =	vmul.f32 v54, v31  }
0x100: {  	v48 =	vmul.f32 v48, v33;
	v60 =	vld [tilespmem:s16+$0x7340];
	v55 =	vmul.f32 v55, v31;
	v50 =	vadd.f32 v52, v50  }
0x101: {  	v49 =	vadd.f32 v51, v49;
	v52 =	vld [tilespmem:s16+$0x7330];
	v56 =	vmul.f32 v56, v33;
	v51 =	vadd.f32 v54, v53  }
0x102: {  	v47 =	vmul.f32 v47, v33;
	v53 =	vld [tilespmem:s16+$0x7320];
	v54 =	vmul.f32 v57, v31;
	v48 =	vadd.f32 v55, v48;
	[tilespmem:s16+$0x1730] =	vst v50  }
0x103: {  	v46 =	vmul.f32 v46, v33;
	v50 =	vld [tilespmem:s16+$0x7310];
	v55 =	vmul.f32 v58, v31;
	[tilespmem:s16+$0x1720] =	vst v51  }
0x104: {  	v45 =	vmul.f32 v45, v33;
	v51 =	vld [tilespmem:s16+$0x7300];
	v57 =	vmul.f32 v59, v31;
	v54 =	vadd.f32 v54, v56;
	[tilespmem:s16+$0x1710] =	vst v49  }
0x105: {  	v44 =	vmul.f32 v44, v33;
	v49 =	vld [tilespmem:s16+$0x6F70];
	v56 =	vmul.f32 v60, v31;
	v47 =	vadd.f32 v55, v47;
	[tilespmem:s16+$0x1700] =	vst v48  }
0x106: {  	v43 =	vmul.f32 v43, v33;
	v48 =	vld [tilespmem:s16+$0x6F60];
	v52 =	vmul.f32 v52, v31;
	v46 =	vadd.f32 v57, v46;
	[tilespmem:s16+$0x1370] =	vst v54  }
0x107: {  	v42 =	vmul.f32 v42, v33;
	v54 =	vld [tilespmem:s16+$0x6F50];
	v53 =	vmul.f32 v53, v31;
	v45 =	vadd.f32 v56, v45;
	[tilespmem:s16+$0x1360] =	vst v47  }
0x108: {  	v41 =	vmul.f32 v41, v33;
	v47 =	vld [tilespmem:s16+$0x6F40];
	v50 =	vmul.f32 v50, v31;
	v44 =	vadd.f32 v52, v44;
	[tilespmem:s16+$0x1350] =	vst v46  }
0x109: {  	v40 =	vmul.f32 v40, v33;
	v46 =	vld [tilespmem:s16+$0x6F30];
	v51 =	vmul.f32 v51, v31;
	v43 =	vadd.f32 v53, v43;
	[tilespmem:s16+$0x1340] =	vst v45  }
0x10a: {  	v39 =	vmul.f32 v39, v33;
	v45 =	vld [tilespmem:s16+$0x6F20];
	v49 =	vmul.f32 v49, v31;
	v42 =	vadd.f32 v50, v42;
	[tilespmem:s16+$0x1330] =	vst v44  }
0x10b: {  	v38 =	vmul.f32 v38, v33;
	v44 =	vld [tilespmem:s16+$0x6F10];
	v48 =	vmul.f32 v48, v31;
	v41 =	vadd.f32 v51, v41;
	[tilespmem:s16+$0x1320] =	vst v43  }
0x10c: {  	v37 =	vmul.f32 v37, v33;
	v43 =	vld [tilespmem:s16+$0x6F00];
	v50 =	vmul.f32 v54, v31;
	v40 =	vadd.f32 v49, v40;
	[tilespmem:s16+$0x1310] =	vst v42  }
0x10d: {  	v36 =	vmul.f32 v36, v33;
	v42 =	vld [tilespmem:s16+$0x6B70];
	v47 =	vmul.f32 v47, v31;
	v39 =	vadd.f32 v48, v39;
	[tilespmem:s16+$0x1300] =	vst v41  }
0x10e: {  	v35 =	vmul.f32 v35, v33;
	v41 =	vld [tilespmem:s16+$0x6B60];
	v46 =	vmul.f32 v46, v31;
	v38 =	vadd.f32 v50, v38;
	[tilespmem:s16+$0xF70] =	vst v40  }
0x10f: {  	v34 =	vmul.f32 v34, v33;
	v40 =	vld [tilespmem:s16+$0x6B50];
	v45 =	vmul.f32 v45, v31;
	v37 =	vadd.f32 v47, v37;
	[tilespmem:s16+$0xF60] =	vst v39  }
0x110: {  	v32 =	vmul.f32 v32, v33;
	v39 =	vld [tilespmem:s16+$0x6B40];
	v44 =	vmul.f32 v44, v31;
	v36 =	vadd.f32 v46, v36;
	[tilespmem:s16+$0xF50] =	vst v38  }
0x111: {  	v30 =	vmul.f32 v30, v33;
	v38 =	vld [tilespmem:s16+$0x6B30];
	v43 =	vmul.f32 v43, v31;
	v35 =	vadd.f32 v45, v35;
	[tilespmem:s16+$0xF40] =	vst v37  }
0x112: {  	v29 =	vmul.f32 v29, v33;
	v37 =	vld [tilespmem:s16+$0x6B20];
	v42 =	vmul.f32 v42, v31;
	v34 =	vadd.f32 v44, v34;
	[tilespmem:s16+$0xF30] =	vst v36  }
0x113: {  	v28 =	vmul.f32 v28, v33;
	v36 =	vld [tilespmem:s16+$0x6B10];
	v41 =	vmul.f32 v41, v31;
	v32 =	vadd.f32 v43, v32;
	[tilespmem:s16+$0xF20] =	vst v35  }
0x114: {  	v27 =	vmul.f32 v27, v33;
	v35 =	vld [tilespmem:s16+$0x6B00];
	v40 =	vmul.f32 v40, v31;
	v30 =	vadd.f32 v42, v30;
	[tilespmem:s16+$0xF10] =	vst v34  }
0x115: {  	v26 =	vmul.f32 v26, v33;
	v34 =	vld [tilespmem:s16+$0x6770];
	v39 =	vmul.f32 v39, v31;
	v29 =	vadd.f32 v41, v29;
	[tilespmem:s16+$0xF00] =	vst v32  }
0x116: {  	v25 =	vmul.f32 v25, v33;
	v32 =	vld [tilespmem:s16+$0x6760];
	v38 =	vmul.f32 v38, v31;
	v28 =	vadd.f32 v40, v28;
	[tilespmem:s16+$0xB70] =	vst v30  }
0x117: {  	v24 =	vmul.f32 v24, v33;
	v30 =	vld [tilespmem:s16+$0x6750];
	v37 =	vmul.f32 v37, v31;
	v27 =	vadd.f32 v39, v27;
	[tilespmem:s16+$0xB60] =	vst v29  }
0x118: {  	v23 =	vmul.f32 v23, v33;
	v29 =	vld [tilespmem:s16+$0x6740];
	v36 =	vmul.f32 v36, v31;
	v26 =	vadd.f32 v38, v26;
	[tilespmem:s16+$0xB50] =	vst v28  }
0x119: {  	v22 =	vmul.f32 v22, v33;
	v28 =	vld [tilespmem:s16+$0x6730];
	v35 =	vmul.f32 v35, v31;
	v25 =	vadd.f32 v37, v25;
	[tilespmem:s16+$0xB40] =	vst v27  }
0x11a: {  	v21 =	vmul.f32 v21, v33;
	v27 =	vld [tilespmem:s16+$0x6720];
	v34 =	vmul.f32 v34, v31;
	v24 =	vadd.f32 v36, v24;
	[tilespmem:s16+$0xB30] =	vst v26  }
0x11b: {  	v20 =	vmul.f32 v20, v33;
	v26 =	vld [tilespmem:s16+$0x6710];
	v32 =	vmul.f32 v32, v31;
	v23 =	vadd.f32 v35, v23;
	[tilespmem:s16+$0xB20] =	vst v25  }
0x11c: {  	v19 =	vmul.f32 v19, v33;
	v25 =	vld [tilespmem:s16+$0x6700];
	v30 =	vmul.f32 v30, v31;
	v22 =	vadd.f32 v34, v22;
	[tilespmem:s16+$0xB10] =	vst v24  }
0x11d: {  	v18 =	vmul.f32 v18, v33;
	v24 =	vld [tilespmem:s16+$0x6370];
	v29 =	vmul.f32 v29, v31;
	v21 =	vadd.f32 v32, v21;
	[tilespmem:s16+$0xB00] =	vst v23  }
0x11e: {  	v17 =	vmul.f32 v17, v33;
	v23 =	vld [tilespmem:s16+$0x6360];
	v28 =	vmul.f32 v28, v31;
	v20 =	vadd.f32 v30, v20;
	[tilespmem:s16+$0x770] =	vst v22  }
0x11f: {  	v16 =	vmul.f32 v16, v33;
	v22 =	vmul.f32 v27, v31;
	v19 =	vadd.f32 v29, v19;
	[tilespmem:s16+$0x760] =	vst v21;
	v21 =	vld [tilespmem:s16+$0x7740]  }
0x120: {  	v15 =	vmul.f32 v15, v33;
	v26 =	vmul.f32 v26, v31;
	v18 =	vadd.f32 v28, v18;
	[tilespmem:s16+$0x750] =	vst v20;
	v20 =	vld [tilespmem:s16+$0x7750]  }
0x121: {  	v14 =	vmul.f32 v14, v33;
	v25 =	vmul.f32 v25, v31;
	v17 =	vadd.f32 v22, v17;
	[tilespmem:s16+$0x740] =	vst v19;
	v19 =	vld [tilespmem:s16+$0x7760]  }
0x122: {  	v13 =	vmul.f32 v13, v33;
	v22 =	vmul.f32 v24, v31;
	v16 =	vadd.f32 v26, v16;
	[tilespmem:s16+$0x730] =	vst v18;
	v18 =	vld [tilespmem:s16+$0x7770]  }
0x123: {  	v12 =	vmul.f32 v12, v33;
	v23 =	vmul.f32 v23, v31;
	v15 =	vadd.f32 v25, v15;
	[tilespmem:s16+$0x720] =	vst v17;
	v17 =	vld [tilespmem:s16+$0x1740]  }
0x124: {  	v10 =	vmul.f32 v10, v33;
	v11 =	vmul.f32 v11, v31;
	v14 =	vadd.f32 v22, v14;
	[tilespmem:s16+$0x710] =	vst v16;
	v16 =	vld [tilespmem:s16+$0x1750]  }
0x125: {  	v8 =	vmul.f32 v8, v33;
	v9 =	vmul.f32 v9, v31;
	v13 =	vadd.f32 v23, v13;
	[tilespmem:s16+$0x700] =	vst v15;
	v15 =	vld [tilespmem:s16+$0x1760]  }
0x126: {  	v6 =	vmul.f32 v6, v33;
	v7 =	vmul.f32 v7, v31;
	v11 =	vadd.f32 v11, v12;
	[tilespmem:s16+$0x370] =	vst v14;
	v12 =	vld [tilespmem:s16+$0x1770]  }
0x127: {  	v4 =	vmul.f32 v4, v33;
	v5 =	vmul.f32 v5, v31;
	v9 =	vadd.f32 v9, v10;
	v14 =	vld [tilespmem:s16+$0x300];
	[tilespmem:s16+$0x360] =	vst v13  }
0x128: {  	v3 =	vmul.f32 v3, v31;
	v7 =	vadd.f32 v7, v8;
	v10 =	vld [tilespmem:s16+$0x6300];
	[tilespmem:s16+$0x350] =	vst v11;
	v8 =	vmul.f32 v17, v33  }
0x129: {  	s22 =	sshrl.u32 s17, $0x3;
	v5 =	vadd.f32 v5, v6;
	v6 =	vmul.f32 v21, v31;
	[tilespmem:s16+$0x340] =	vst v9;
	v9 =	vmul.f32 v16, v33  }
0x12a: {  	s18 =	sadd.s32 $0x80, s18;
	s22 =	smul.u32 $0x1800, s22;
	v3 =	vadd.f32 v3, v4;
	v4 =	vmul.f32 v20, v31;
	[tilespmem:s16+$0x330] =	vst v7;
	v7 =	vmul.f32 v15, v33  }
0x12b: {  	s23 =	sand.u32 $0x380, s18;
	[tilespmem:s16+$0x320] =	vst v5;
	v5 =	vadd.f32 v6, v8;
	v6 =	vmul.f32 v19, v31;
	v8 =	vmul.f32 v12, v33  }
0x12c: {  	s22 =	sor.u32 s23, s22;
	v9 =	vadd.f32 v4, v9;
	v12 =	vmul.f32 v18, v31;
	v11 =	vmul.f32 v14, v33;
	[tilespmem:s16+$0x310] =	vst v3  }
0x12d: {  	v4 =	vld [tilespmem:s22+$0x310];
	v10 =	vmul.f32 v10, v31;
	[tilespmem:s16+$0x1740] =	vst v5;
	v5 =	vadd.f32 v6, v7  }
0x12e: {  	v7 =	vadd.f32 v12, v8;
	v3 =	vld [tilespmem:s22+$0x6310];
	[tilespmem:s16+$0x1750] =	vst v9  }
0x12f: {  	v6 =	vld [tilespmem:s22+$0x320];
	v9 =	vadd.f32 v10, v11;
	[tilespmem:s16+$0x1760] =	vst v5  }
0x130: {  	v5 =	vld [tilespmem:s22+$0x6320];
	[tilespmem:s16+$0x1770] =	vst v7  }
0x131: {  	v8 =	vld [tilespmem:s22+$0x330];
	[tilespmem:s16+$0x300] =	vst v9;
	s16 =	smov.u32 s22  }
0x132: {  	v7 =	vld [tilespmem:s16+$0x6330]  }
0x133: {  	v10 =	vld [tilespmem:s16+$0x340]  }
0x134: {  	v9 =	vld [tilespmem:s16+$0x6340]  }
0x135: {  	v12 =	vld [tilespmem:s16+$0x350]  }
0x136: {  	v11 =	vld [tilespmem:s16+$0x6350]  }
0x137: {  	v13 =	vld [tilespmem:s16+$0x360]  }
0x138: {  	v14 =	vld [tilespmem:s16+$0x370]  }
0x139: {  	v15 =	vld [tilespmem:s16+$0x700]  }
0x13a: {  	v16 =	vld [tilespmem:s16+$0x710]  }
0x13b: {  	v17 =	vld [tilespmem:s16+$0x720]  }
0x13c: {  	v18 =	vld [tilespmem:s16+$0x730]  }
0x13d: {  	v19 =	vld [tilespmem:s16+$0x740]  }
0x13e: {  	v20 =	vld [tilespmem:s16+$0x750]  }
0x13f: {  	v21 =	vld [tilespmem:s16+$0x760]  }
0x140: {  	v22 =	vld [tilespmem:s16+$0x770]  }
0x141: {  	v23 =	vld [tilespmem:s16+$0xB00]  }
0x142: {  	v24 =	vld [tilespmem:s16+$0xB10]  }
0x143: {  	v25 =	vld [tilespmem:s16+$0xB20]  }
0x144: {  	v26 =	vld [tilespmem:s16+$0xB30]  }
0x145: {  	v27 =	vld [tilespmem:s16+$0xB40]  }
0x146: {  	v28 =	vld [tilespmem:s16+$0xB50]  }
0x147: {  	v29 =	vld [tilespmem:s16+$0xB60]  }
0x148: {  	v30 =	vld [tilespmem:s16+$0xB70]  }
0x149: {  	v32 =	vld [tilespmem:s16+$0xF00]  }
0x14a: {  	v34 =	vld [tilespmem:s16+$0xF10]  }
0x14b: {  	v35 =	vld [tilespmem:s16+$0xF20]  }
0x14c: {  	v36 =	vld [tilespmem:s16+$0xF30]  }
0x14d: {  	v37 =	vld [tilespmem:s16+$0xF40]  }
0x14e: {  	v38 =	vld [tilespmem:s16+$0xF50]  }
0x14f: {  	v39 =	vld [tilespmem:s16+$0xF60]  }
0x150: {  	v40 =	vld [tilespmem:s16+$0xF70]  }
0x151: {  	v41 =	vld [tilespmem:s16+$0x1300]  }
0x152: {  	v42 =	vld [tilespmem:s16+$0x1310]  }
0x153: {  	v43 =	vld [tilespmem:s16+$0x1320]  }
0x154: {  	v44 =	vld [tilespmem:s16+$0x1330]  }
.Ltmp0:
0x155: {  	v45 =	vld [tilespmem:s16+$0x1340];
	(pc) =	sbr.rel @p0 .LBB2_2-.Ltmp0, $4  }
0x156: {  	v46 =	vld [tilespmem:s16+$0x1350]  }
0x157: {  	v47 =	vld [tilespmem:s16+$0x1360]  }
0x158: {  	v50 =	vmov s17;
	v48 =	vld [tilespmem:s16+$0x1700]  }
0x159: {  	s17 =	sadd.s32 $0x1, s17;
	v49 =	vld [tilespmem:s16+$0x1710]  }
0x15a: {  	_ = 	snop  }
0x15b: {  	v51 =	vld [tilespmem:s16+$0x7710]  }
0x15c: {  	v52 =	vld [tilespmem:s16+$0x7730]  }
0x15d: {  	v53 =	vld [tilespmem:s16+$0x1720]  }
0x15e: {  	v31 =	vld.idx.msk [tilespmem:v50+s19+$0x0], $0xffff  }
0x15f: {  	v61 =	vld [tilespmem:s16+$0x1730]  }
0x160: {  	v33 =	vld.idx.msk [tilespmem:v50+s20+$0x0], $0xffff  }
0x161: {  	v54 =	vld [tilespmem:s16+$0x7720]  }
0x162: {  	v55 =	vld [tilespmem:s16+$0x7700]  }
0x163: {  	v56 =	vld [tilespmem:s16+$0x1370]  }
0x164: {  	v57 =	vld [tilespmem:s16+$0x7370];
	v50 =	vmul.f32 v61, v31  }
0x165: {  	v58 =	vld [tilespmem:s16+$0x7360];
	v52 =	vmul.f32 v52, v33;
	v53 =	vmul.f32 v53, v31  }
0x166: {  	v54 =	vmul.f32 v54, v33;
	v49 =	vmul.f32 v49, v31  }
0x167: {  	v51 =	vmul.f32 v51, v33;
	v48 =	vmul.f32 v48, v31  }
0x168: {  	v59 =	vld [tilespmem:s16+$0x7350];
	v62 =	vmul.f32 v55, v33;
	v63 =	vmul.f32 v56, v31  }
0x169: {  	v60 =	vld [tilespmem:s16+$0x7340];
	v57 =	vmul.f32 v57, v33;
	v47 =	vmul.f32 v47, v31;
	v50 =	vadd.f32 v52, v50  }
0x16a: {  	v61 =	vld [tilespmem:s16+$0x7320];
	v58 =	vmul.f32 v58, v33;
	v46 =	vmul.f32 v46, v31;
	v53 =	vadd.f32 v54, v53  }
0x16b: {  	v45 =	vmul.f32 v45, v31;
	v44 =	vmul.f32 v44, v31;
	v52 =	vld [tilespmem:s16+$0x7330];
	v49 =	vadd.f32 v51, v49;
	[tilespmem:s16+$0x1730] =	vst v50  }
0x16c: {  	v12 =	vmul.f32 v12, v31;
	v11 =	vmul.f32 v11, v33;
	v51 =	vld [tilespmem:s16+$0x7300];
	v48 =	vadd.f32 v62, v48;
	[tilespmem:s16+$0x1720] =	vst v53  }
0x16d: {  	v43 =	vmul.f32 v43, v31;
	v42 =	vmul.f32 v42, v31;
	v47 =	vadd.f32 v58, v47;
	v58 =	vld [tilespmem:s16+$0x6F30];
	[tilespmem:s16+$0x1710] =	vst v49  }
0x16e: {  	v41 =	vmul.f32 v41, v31;
	v62 =	vmul.f32 v59, v33;
	v11 =	vadd.f32 v11, v12;
	v50 =	vld [tilespmem:s16+$0x7310];
	[tilespmem:s16+$0x1700] =	vst v48  }
0x16f: {  	v40 =	vmul.f32 v40, v31;
	v49 =	vld [tilespmem:s16+$0x6F70];
	v53 =	vadd.f32 v57, v63;
	v63 =	vmul.f32 v60, v33;
	[tilespmem:s16+$0x1360] =	vst v47  }
0x170: {  	v39 =	vmul.f32 v39, v31;
	v48 =	vld [tilespmem:s16+$0x6F60];
	v46 =	vadd.f32 v62, v46;
	[tilespmem:s16+$0x350] =	vst v11;
	v52 =	vmul.f32 v52, v33  }
0x171: {  	v38 =	vmul.f32 v38, v31;
	v57 =	vld [tilespmem:s16+$0x6F40];
	[tilespmem:s16+$0x1370] =	vst v53;
	v45 =	vadd.f32 v63, v45;
	v51 =	vmul.f32 v51, v33  }
0x172: {  	v36 =	vmul.f32 v36, v31;
	v60 =	vld [tilespmem:s16+$0x6F20];
	[tilespmem:s16+$0x1350] =	vst v46;
	v46 =	vmul.f32 v58, v33;
	v44 =	vadd.f32 v52, v44  }
0x173: {  	v37 =	vmul.f32 v37, v31;
	v53 =	vld [tilespmem:s16+$0x6F50];
	[tilespmem:s16+$0x1340] =	vst v45;
	v50 =	vmul.f32 v50, v33;
	v41 =	vadd.f32 v51, v41  }
0x174: {  	v59 =	vmul.f32 v61, v33;
	v61 =	vld [tilespmem:s16+$0x6F10];
	v49 =	vmul.f32 v49, v33;
	v36 =	vadd.f32 v46, v36;
	[tilespmem:s16+$0x1330] =	vst v44  }
0x175: {  	v35 =	vmul.f32 v35, v31;
	v58 =	vld [tilespmem:s16+$0x6B10];
	v48 =	vmul.f32 v48, v33;
	v42 =	vadd.f32 v50, v42;
	[tilespmem:s16+$0x1300] =	vst v41  }
0x176: {  	v34 =	vmul.f32 v34, v31;
	v63 =	vld [tilespmem:s16+$0x6B70];
	v47 =	vmul.f32 v57, v33;
	v40 =	vadd.f32 v49, v40;
	[tilespmem:s16+$0xF30] =	vst v36  }
0x177: {  	v30 =	vmul.f32 v30, v31;
	v54 =	vld [tilespmem:s16+$0x6B50];
	v45 =	vmul.f32 v60, v33;
	v39 =	vadd.f32 v48, v39;
	[tilespmem:s16+$0x1310] =	vst v42  }
0x178: {  	v29 =	vmul.f32 v29, v31;
	v52 =	vld [tilespmem:s16+$0x6B60];
	v53 =	vmul.f32 v53, v33;
	v37 =	vadd.f32 v47, v37;
	[tilespmem:s16+$0xF70] =	vst v40  }
0x179: {  	v55 =	vld [tilespmem:s16+$0x6B40];
	v24 =	vmul.f32 v24, v31;
	v44 =	vmul.f32 v61, v33;
	v35 =	vadd.f32 v45, v35;
	[tilespmem:s16+$0xF60] =	vst v39  }
0x17a: {  	v43 =	vadd.f32 v59, v43;
	v59 =	vld [tilespmem:s16+$0x6B00];
	v36 =	vmul.f32 v58, v33;
	v38 =	vadd.f32 v53, v38;
	[tilespmem:s16+$0xF40] =	vst v37  }
0x17b: {  	v28 =	vmul.f32 v28, v31;
	v57 =	vld [tilespmem:s16+$0x6B20];
	v34 =	vadd.f32 v44, v34;
	[tilespmem:s16+$0xF20] =	vst v35;
	v42 =	vmul.f32 v63, v33  }
0x17c: {  	v56 =	vld [tilespmem:s16+$0x6B30];
	v27 =	vmul.f32 v27, v31;
	v40 =	vmul.f32 v54, v33;
	v24 =	vadd.f32 v36, v24;
	[tilespmem:s16+$0xF50] =	vst v38  }
0x17d: {  	v26 =	vmul.f32 v26, v31;
	v60 =	vld [tilespmem:s16+$0x6770];
	v41 =	vmul.f32 v52, v33;
	[tilespmem:s16+$0xF10] =	vst v34;
	v30 =	vadd.f32 v42, v30  }
0x17e: {  	v25 =	vmul.f32 v25, v31;
	v62 =	vld [tilespmem:s16+$0x6F00];
	v39 =	vmul.f32 v55, v33;
	v28 =	vadd.f32 v40, v28;
	[tilespmem:s16+$0xB10] =	vst v24  }
0x17f: {  	v23 =	vmul.f32 v23, v31;
	v61 =	vld [tilespmem:s16+$0x6760];
	v35 =	vmul.f32 v59, v33;
	v29 =	vadd.f32 v41, v29;
	[tilespmem:s16+$0xB70] =	vst v30  }
0x180: {  	v22 =	vmul.f32 v22, v31;
	v37 =	vmul.f32 v57, v33;
	v27 =	vadd.f32 v39, v27;
	v30 =	vld [tilespmem:s16+$0x6750];
	[tilespmem:s16+$0xB50] =	vst v28  }
0x181: {  	v10 =	vmul.f32 v10, v31;
	v38 =	vmul.f32 v56, v33;
	v23 =	vadd.f32 v35, v23;
	[tilespmem:s16+$0xB60] =	vst v29;
	v29 =	vld [tilespmem:s16+$0x6740]  }
0x182: {  	v9 =	vmul.f32 v9, v33;
	v34 =	vmul.f32 v60, v33;
	v25 =	vadd.f32 v37, v25;
	v28 =	vld [tilespmem:s16+$0x6730];
	[tilespmem:s16+$0xB40] =	vst v27  }
0x183: {  	v21 =	vmul.f32 v21, v31;
	v20 =	vmul.f32 v20, v31;
	v26 =	vadd.f32 v38, v26;
	v27 =	vld [tilespmem:s16+$0x6720];
	[tilespmem:s16+$0xB00] =	vst v23  }
0x184: {  	v9 =	vadd.f32 v9, v10;
	v10 =	vld [tilespmem:s16+$0x6300];
	v24 =	vmul.f32 v61, v33;
	v22 =	vadd.f32 v34, v22;
	[tilespmem:s16+$0xB20] =	vst v25  }
0x185: {  	v19 =	vmul.f32 v19, v31;
	[tilespmem:s16+$0xB30] =	vst v26;
	v26 =	vld [tilespmem:s16+$0x6710];
	v23 =	vmul.f32 v30, v33  }
0x186: {  	v18 =	vmul.f32 v18, v31;
	v25 =	vld [tilespmem:s16+$0x6700];
	v21 =	vadd.f32 v24, v21;
	[tilespmem:s16+$0x770] =	vst v22;
	v22 =	vmul.f32 v29, v33  }
0x187: {  	[tilespmem:s16+$0x1320] =	vst v43;
	v43 =	vmul.f32 v62, v33;
	v62 =	vld [tilespmem:s16+$0x6370];
	v20 =	vadd.f32 v23, v20;
	v23 =	vmul.f32 v28, v33  }
0x188: {  	v17 =	vmul.f32 v17, v31;
	v24 =	vld [tilespmem:s16+$0x6360];
	[tilespmem:s16+$0x760] =	vst v21;
	v19 =	vadd.f32 v22, v19;
	v22 =	vmul.f32 v27, v33  }
0x189: {  	v21 =	vld [tilespmem:s16+$0x7740];
	[tilespmem:s16+$0x750] =	vst v20;
	v18 =	vadd.f32 v23, v18  }
0x18a: {  	v16 =	vmul.f32 v16, v31;
	v20 =	vld [tilespmem:s16+$0x7750];
	v23 =	vmul.f32 v26, v33;
	[tilespmem:s16+$0x740] =	vst v19;
	v17 =	vadd.f32 v22, v17  }
0x18b: {  	v15 =	vmul.f32 v15, v31;
	v19 =	vld [tilespmem:s16+$0x7760];
	[tilespmem:s16+$0x730] =	vst v18;
	v18 =	vmul.f32 v25, v33  }
0x18c: {  	v14 =	vmul.f32 v14, v31;
	v22 =	vld [tilespmem:s16+$0x7770];
	v16 =	vadd.f32 v23, v16;
	[tilespmem:s16+$0x720] =	vst v17;
	v17 =	vmul.f32 v62, v33  }
0x18d: {  	v8 =	vmul.f32 v8, v31;
	v7 =	vmul.f32 v7, v33;
	[tilespmem:s16+$0x340] =	vst v9;
	v15 =	vadd.f32 v18, v15;
	v18 =	vld [tilespmem:s16+$0x1740]  }
0x18e: {  	v6 =	vmul.f32 v6, v31;
	v5 =	vmul.f32 v5, v33;
	[tilespmem:s16+$0x710] =	vst v16;
	v16 =	vld [tilespmem:s16+$0x1750];
	v14 =	vadd.f32 v17, v14  }
0x18f: {  	v4 =	vmul.f32 v4, v31;
	v3 =	vmul.f32 v3, v33;
	v7 =	vadd.f32 v7, v8;
	[tilespmem:s16+$0x700] =	vst v15;
	v15 =	vld [tilespmem:s16+$0x1760]  }
0x190: {  	v32 =	vmul.f32 v32, v31;
	v5 =	vadd.f32 v5, v6;
	[tilespmem:s16+$0x370] =	vst v14;
	v14 =	vld [tilespmem:s16+$0x1770]  }
0x191: {  	v13 =	vmul.f32 v13, v31;
	v12 =	vld [tilespmem:s16+$0x300];
	v3 =	vadd.f32 v3, v4;
	[tilespmem:s16+$0x330] =	vst v7;
	v23 =	vmul.f32 v24, v33  }
0x192: {  	[tilespmem:s16+$0x320] =	vst v5;
	v32 =	vadd.f32 v43, v32;
	v6 =	vmul.f32 v21, v33;
	v8 =	vmul.f32 v18, v31  }
0x193: {  	[tilespmem:s16+$0x310] =	vst v3;
	v13 =	vadd.f32 v23, v13;
	v4 =	vmul.f32 v20, v33;
	v9 =	vmul.f32 v16, v31  }
0x194: {  	[tilespmem:s16+$0xF00] =	vst v32;
	v7 =	vmul.f32 v15, v31;
	v5 =	vadd.f32 v6, v8;
	v6 =	vmul.f32 v19, v33  }
0x195: {  	[tilespmem:s16+$0x360] =	vst v13;
	v3 =	vadd.f32 v4, v9;
	v4 =	vmul.f32 v22, v33;
	v8 =	vmul.f32 v14, v31  }
0x196: {  	v10 =	vmul.f32 v10, v33;
	v9 =	vmul.f32 v12, v31;
	[tilespmem:s16+$0x1740] =	vst v5;
	v5 =	vadd.f32 v6, v7  }
0x197: {  	[tilespmem:s16+$0x1750] =	vst v3;
	v3 =	vadd.f32 v4, v8  }
0x198: {  	v4 =	vadd.f32 v10, v9;
	[tilespmem:s16+$0x1760] =	vst v5  }
0x199: {  	[tilespmem:s16+$0x1770] =	vst v3  }
0x19a: {  	s17 =	simm.s32 $0x0;
	[tilespmem:s16+$0x300] =	vst v4  }
0x19b: {  	[hbm4b:s12+s17] =	stream.linear.scatter [tilespmem:s21], [sflag:$0x3], $0x6000, $0x38;
	[tilespmem:$0x18300] =	vst v63  }
0x19c: {  	_ =	swait.ge [sflag:s30], $0x6000  }
0x19d: {  	[sflag:s30] =	ssyncset.done $0x0  }
0x19e: {  	s23 =	simm.s32 $0x0;
	[sflag:s30] =	ssyncadd.s32 $0xFFFFA000  }
0x19f: {  	s16 =	smul.u32 $0x1800, s23;
	_ =	swait.ge [sflag:s30], $0x6000  }
0x1a0: {  	s18 =	sand.u32 $0x380, s17;
	[sflag:s30] =	ssyncset.done $0x0  }
0x1a1: {  	s16 =	sor.u32 s18, s16;
	[sflag:s30] =	ssyncadd.s32 $0xFFFFA000  }
0x1a2: {  	v4 =	vld [tilespmem:s16+$0xC310]  }
0x1a3: {  	v3 =	vld [tilespmem:s16+$0x12310]  }
0x1a4: {  	v6 =	vld [tilespmem:s16+$0xC320]  }
0x1a5: {  	v5 =	vld [tilespmem:s16+$0x12320]  }
0x1a6: {  	v8 =	vld [tilespmem:s16+$0xC330]  }
0x1a7: {  	v7 =	vld [tilespmem:s16+$0x12330]  }
0x1a8: {  	v10 =	vld [tilespmem:s16+$0xC340]  }
0x1a9: {  	v9 =	vld [tilespmem:s16+$0x12340]  }
0x1aa: {  	v12 =	vld [tilespmem:s16+$0xC350]  }
0x1ab: {  	v11 =	vld [tilespmem:s16+$0x12350]  }
0x1ac: {  	v13 =	vld [tilespmem:s16+$0xC360]  }
0x1ad: {  	v14 =	vld [tilespmem:s16+$0xC370]  }
0x1ae: {  	v15 =	vld [tilespmem:s16+$0xC700]  }
0x1af: {  	v16 =	vld [tilespmem:s16+$0xC710]  }
0x1b0: {  	v17 =	vld [tilespmem:s16+$0xC720]  }
0x1b1: {  	v18 =	vld [tilespmem:s16+$0xC730]  }
0x1b2: {  	v19 =	vld [tilespmem:s16+$0xC740]  }
0x1b3: {  	v20 =	vld [tilespmem:s16+$0xC750]  }
0x1b4: {  	v21 =	vld [tilespmem:s16+$0xC760]  }
0x1b5: {  	v22 =	vld [tilespmem:s16+$0xC770]  }
0x1b6: {  	v23 =	vld [tilespmem:s16+$0xCB00]  }
0x1b7: {  	v24 =	vld [tilespmem:s16+$0xCB10]  }
0x1b8: {  	v25 =	vld [tilespmem:s16+$0xCB20]  }
0x1b9: {  	v26 =	vld [tilespmem:s16+$0xCB30]  }
0x1ba: {  	v27 =	vld [tilespmem:s16+$0xCB40]  }
0x1bb: {  	v28 =	vld [tilespmem:s16+$0xCB50]  }
0x1bc: {  	v29 =	vld [tilespmem:s16+$0xCB60]  }
0x1bd: {  	v30 =	vld [tilespmem:s16+$0xCB70]  }
0x1be: {  	v31 =	vld [tilespmem:s16+$0xCF00]  }
0x1bf: {  	v34 =	vld [tilespmem:s16+$0xCF10]  }
0x1c0: {  	v35 =	vld [tilespmem:s16+$0xCF20]  }
0x1c1: {  	v36 =	vld [tilespmem:s16+$0xCF30]  }
0x1c2: {  	v37 =	vld [tilespmem:s16+$0xCF40]  }
0x1c3: {  	v38 =	vld [tilespmem:s16+$0xCF50]  }
0x1c4: {  	v39 =	vld [tilespmem:s16+$0xCF60]  }
0x1c5: {  	v40 =	vld [tilespmem:s16+$0xCF70]  }
0x1c6: {  	v41 =	vld [tilespmem:s16+$0xD300]  }
0x1c7: {  	v42 =	vld [tilespmem:s16+$0xD310]  }
0x1c8: {  	v43 =	vld [tilespmem:s16+$0xD320]  }
0x1c9: {  	v44 =	vld [tilespmem:s16+$0xD330]  }
0x1ca: {  	v63 =	vmov s17;
	v45 =	vld [tilespmem:s16+$0xD340]  }
0x1cb: {  	v32 =	vadd.s32 $0x20, v63;
	s18 =	simm.s32 $0x1;
	v46 =	vld [tilespmem:s16+$0xD350]  }
.LBB2_4:
0x1cc: {  	p0 =	sne.s32 s18, $0x1F;
	v32 =	vbroadcast v32, $0x0;
	v47 =	vld [tilespmem:s16+$0xD360]  }
0x1cd: {  	v48 =	vld [tilespmem:s16+$0xD700]  }
0x1ce: {  	v49 =	vld [tilespmem:s16+$0xD710]  }
0x1cf: {  	v50 =	vld [tilespmem:s16+$0x13710]  }
0x1d0: {  	v51 =	vld [tilespmem:s16+$0x13730]  }
0x1d1: {  	v52 =	vld [tilespmem:s16+$0xD720]  }
0x1d2: {  	v33 =	vld.idx.msk [tilespmem:v32+s19+$0x0], $0xffff  }
0x1d3: {  	v32 =	vld.idx.msk [tilespmem:v32+s20+$0x0], $0xffff  }
0x1d4: {  	v53 =	vld [tilespmem:s16+$0xD730]  }
0x1d5: {  	v54 =	vld [tilespmem:s16+$0x13720]  }
0x1d6: {  	v55 =	vld [tilespmem:s16+$0x13700]  }
0x1d7: {  	v56 =	vld [tilespmem:s16+$0xD370]  }
0x1d8: {  	v49 =	vmul.f32 v49, v33;
	v52 =	vmul.f32 v52, v33;
	v57 =	vld [tilespmem:s16+$0x13370]  }
0x1d9: {  	v51 =	vmul.f32 v51, v32;
	v58 =	vld [tilespmem:s16+$0x13360];
	v53 =	vmul.f32 v53, v33  }
0x1da: {  	v50 =	vmul.f32 v50, v32;
	v59 =	vld [tilespmem:s16+$0x13350];
	v54 =	vmul.f32 v54, v32  }
0x1db: {  	v48 =	vmul.f32 v48, v33;
	v60 =	vld [tilespmem:s16+$0x13340];
	v55 =	vmul.f32 v55, v32;
	v51 =	vadd.f32 v51, v53  }
0x1dc: {  	v49 =	vadd.f32 v50, v49;
	v53 =	vld [tilespmem:s16+$0x13330];
	v56 =	vmul.f32 v56, v33;
	v50 =	vadd.f32 v54, v52  }
0x1dd: {  	v47 =	vmul.f32 v47, v33;
	v52 =	vld [tilespmem:s16+$0x13320];
	v54 =	vmul.f32 v57, v32;
	v48 =	vadd.f32 v55, v48;
	[tilespmem:s16+$0xD730] =	vst v51  }
0x1de: {  	v46 =	vmul.f32 v46, v33;
	v51 =	vld [tilespmem:s16+$0x13310];
	v55 =	vmul.f32 v58, v32;
	[tilespmem:s16+$0xD720] =	vst v50  }
0x1df: {  	v45 =	vmul.f32 v45, v33;
	v50 =	vld [tilespmem:s16+$0x13300];
	v57 =	vmul.f32 v59, v32;
	v54 =	vadd.f32 v54, v56;
	[tilespmem:s16+$0xD710] =	vst v49  }
0x1e0: {  	v44 =	vmul.f32 v44, v33;
	v49 =	vld [tilespmem:s16+$0x12F70];
	v56 =	vmul.f32 v60, v32;
	v47 =	vadd.f32 v55, v47;
	[tilespmem:s16+$0xD700] =	vst v48  }
0x1e1: {  	v43 =	vmul.f32 v43, v33;
	v48 =	vld [tilespmem:s16+$0x12F60];
	v53 =	vmul.f32 v53, v32;
	v46 =	vadd.f32 v57, v46;
	[tilespmem:s16+$0xD370] =	vst v54  }
0x1e2: {  	v42 =	vmul.f32 v42, v33;
	v54 =	vld [tilespmem:s16+$0x12F50];
	v52 =	vmul.f32 v52, v32;
	v45 =	vadd.f32 v56, v45;
	[tilespmem:s16+$0xD360] =	vst v47  }
0x1e3: {  	v41 =	vmul.f32 v41, v33;
	v47 =	vld [tilespmem:s16+$0x12F40];
	v51 =	vmul.f32 v51, v32;
	v44 =	vadd.f32 v53, v44;
	[tilespmem:s16+$0xD350] =	vst v46  }
0x1e4: {  	v40 =	vmul.f32 v40, v33;
	v46 =	vld [tilespmem:s16+$0x12F30];
	v50 =	vmul.f32 v50, v32;
	v43 =	vadd.f32 v52, v43;
	[tilespmem:s16+$0xD340] =	vst v45  }
0x1e5: {  	v39 =	vmul.f32 v39, v33;
	v45 =	vld [tilespmem:s16+$0x12F20];
	v49 =	vmul.f32 v49, v32;
	v42 =	vadd.f32 v51, v42;
	[tilespmem:s16+$0xD330] =	vst v44  }
0x1e6: {  	v38 =	vmul.f32 v38, v33;
	v44 =	vld [tilespmem:s16+$0x12F10];
	v48 =	vmul.f32 v48, v32;
	v41 =	vadd.f32 v50, v41;
	[tilespmem:s16+$0xD320] =	vst v43  }
0x1e7: {  	v37 =	vmul.f32 v37, v33;
	v43 =	vld [tilespmem:s16+$0x12F00];
	v50 =	vmul.f32 v54, v32;
	v40 =	vadd.f32 v49, v40;
	[tilespmem:s16+$0xD310] =	vst v42  }
0x1e8: {  	v36 =	vmul.f32 v36, v33;
	v42 =	vld [tilespmem:s16+$0x12B70];
	v47 =	vmul.f32 v47, v32;
	v39 =	vadd.f32 v48, v39;
	[tilespmem:s16+$0xD300] =	vst v41  }
0x1e9: {  	v35 =	vmul.f32 v35, v33;
	v41 =	vld [tilespmem:s16+$0x12B60];
	v46 =	vmul.f32 v46, v32;
	v38 =	vadd.f32 v50, v38;
	[tilespmem:s16+$0xCF70] =	vst v40  }
0x1ea: {  	v34 =	vmul.f32 v34, v33;
	v40 =	vld [tilespmem:s16+$0x12B50];
	v45 =	vmul.f32 v45, v32;
	v37 =	vadd.f32 v47, v37;
	[tilespmem:s16+$0xCF60] =	vst v39  }
0x1eb: {  	v31 =	vmul.f32 v31, v33;
	v39 =	vld [tilespmem:s16+$0x12B40];
	v44 =	vmul.f32 v44, v32;
	v36 =	vadd.f32 v46, v36;
	[tilespmem:s16+$0xCF50] =	vst v38  }
0x1ec: {  	v30 =	vmul.f32 v30, v33;
	v38 =	vld [tilespmem:s16+$0x12B30];
	v43 =	vmul.f32 v43, v32;
	v35 =	vadd.f32 v45, v35;
	[tilespmem:s16+$0xCF40] =	vst v37  }
0x1ed: {  	v29 =	vmul.f32 v29, v33;
	v37 =	vld [tilespmem:s16+$0x12B20];
	v42 =	vmul.f32 v42, v32;
	v34 =	vadd.f32 v44, v34;
	[tilespmem:s16+$0xCF30] =	vst v36  }
0x1ee: {  	v28 =	vmul.f32 v28, v33;
	v36 =	vld [tilespmem:s16+$0x12B10];
	v41 =	vmul.f32 v41, v32;
	v31 =	vadd.f32 v43, v31;
	[tilespmem:s16+$0xCF20] =	vst v35  }
0x1ef: {  	v27 =	vmul.f32 v27, v33;
	v35 =	vld [tilespmem:s16+$0x12B00];
	v40 =	vmul.f32 v40, v32;
	v30 =	vadd.f32 v42, v30;
	[tilespmem:s16+$0xCF10] =	vst v34  }
0x1f0: {  	v26 =	vmul.f32 v26, v33;
	v34 =	vld [tilespmem:s16+$0x12770];
	v39 =	vmul.f32 v39, v32;
	v29 =	vadd.f32 v41, v29;
	[tilespmem:s16+$0xCF00] =	vst v31  }
0x1f1: {  	v25 =	vmul.f32 v25, v33;
	v31 =	vld [tilespmem:s16+$0x12760];
	v38 =	vmul.f32 v38, v32;
	v28 =	vadd.f32 v40, v28;
	[tilespmem:s16+$0xCB70] =	vst v30  }
0x1f2: {  	v24 =	vmul.f32 v24, v33;
	v30 =	vld [tilespmem:s16+$0x12750];
	v37 =	vmul.f32 v37, v32;
	v27 =	vadd.f32 v39, v27;
	[tilespmem:s16+$0xCB60] =	vst v29  }
0x1f3: {  	v23 =	vmul.f32 v23, v33;
	v29 =	vld [tilespmem:s16+$0x12740];
	v36 =	vmul.f32 v36, v32;
	v26 =	vadd.f32 v38, v26;
	[tilespmem:s16+$0xCB50] =	vst v28  }
0x1f4: {  	v22 =	vmul.f32 v22, v33;
	v28 =	vld [tilespmem:s16+$0x12730];
	v35 =	vmul.f32 v35, v32;
	v25 =	vadd.f32 v37, v25;
	[tilespmem:s16+$0xCB40] =	vst v27  }
0x1f5: {  	v21 =	vmul.f32 v21, v33;
	v27 =	vld [tilespmem:s16+$0x12720];
	v34 =	vmul.f32 v34, v32;
	v24 =	vadd.f32 v36, v24;
	[tilespmem:s16+$0xCB30] =	vst v26  }
0x1f6: {  	v20 =	vmul.f32 v20, v33;
	v26 =	vld [tilespmem:s16+$0x12710];
	v31 =	vmul.f32 v31, v32;
	v23 =	vadd.f32 v35, v23;
	[tilespmem:s16+$0xCB20] =	vst v25  }
0x1f7: {  	v19 =	vmul.f32 v19, v33;
	v25 =	vld [tilespmem:s16+$0x12700];
	v30 =	vmul.f32 v30, v32;
	v22 =	vadd.f32 v34, v22;
	[tilespmem:s16+$0xCB10] =	vst v24  }
0x1f8: {  	v18 =	vmul.f32 v18, v33;
	v24 =	vld [tilespmem:s16+$0x12370];
	v29 =	vmul.f32 v29, v32;
	v21 =	vadd.f32 v31, v21;
	[tilespmem:s16+$0xCB00] =	vst v23  }
0x1f9: {  	v17 =	vmul.f32 v17, v33;
	v23 =	vld [tilespmem:s16+$0x12360];
	v28 =	vmul.f32 v28, v32;
	v20 =	vadd.f32 v30, v20;
	[tilespmem:s16+$0xC770] =	vst v22  }
0x1fa: {  	v16 =	vmul.f32 v16, v33;
	v22 =	vmul.f32 v27, v32;
	v19 =	vadd.f32 v29, v19;
	[tilespmem:s16+$0xC760] =	vst v21;
	v21 =	vld [tilespmem:s16+$0x13740]  }
0x1fb: {  	v15 =	vmul.f32 v15, v33;
	v26 =	vmul.f32 v26, v32;
	v18 =	vadd.f32 v28, v18;
	[tilespmem:s16+$0xC750] =	vst v20;
	v20 =	vld [tilespmem:s16+$0x13750]  }
0x1fc: {  	v14 =	vmul.f32 v14, v33;
	v25 =	vmul.f32 v25, v32;
	v17 =	vadd.f32 v22, v17;
	[tilespmem:s16+$0xC740] =	vst v19;
	v19 =	vld [tilespmem:s16+$0x13760]  }
0x1fd: {  	v13 =	vmul.f32 v13, v33;
	v22 =	vmul.f32 v24, v32;
	v16 =	vadd.f32 v26, v16;
	[tilespmem:s16+$0xC730] =	vst v18;
	v18 =	vld [tilespmem:s16+$0x13770]  }
0x1fe: {  	v12 =	vmul.f32 v12, v33;
	v23 =	vmul.f32 v23, v32;
	v15 =	vadd.f32 v25, v15;
	[tilespmem:s16+$0xC720] =	vst v17;
	v17 =	vld [tilespmem:s16+$0xD740]  }
0x1ff: {  	v10 =	vmul.f32 v10, v33;
	v11 =	vmul.f32 v11, v32;
	v14 =	vadd.f32 v22, v14;
	[tilespmem:s16+$0xC710] =	vst v16;
	v16 =	vld [tilespmem:s16+$0xD750]  }
0x200: {  	v8 =	vmul.f32 v8, v33;
	v9 =	vmul.f32 v9, v32;
	v13 =	vadd.f32 v23, v13;
	[tilespmem:s16+$0xC700] =	vst v15;
	v15 =	vld [tilespmem:s16+$0xD760]  }
0x201: {  	v6 =	vmul.f32 v6, v33;
	v7 =	vmul.f32 v7, v32;
	v11 =	vadd.f32 v11, v12;
	[tilespmem:s16+$0xC370] =	vst v14;
	v12 =	vld [tilespmem:s16+$0xD770]  }
0x202: {  	v4 =	vmul.f32 v4, v33;
	v5 =	vmul.f32 v5, v32;
	v9 =	vadd.f32 v9, v10;
	v14 =	vld [tilespmem:s16+$0xC300];
	[tilespmem:s16+$0xC360] =	vst v13  }
0x203: {  	v3 =	vmul.f32 v3, v32;
	v7 =	vadd.f32 v7, v8;
	v10 =	vld [tilespmem:s16+$0x12300];
	[tilespmem:s16+$0xC350] =	vst v11;
	v8 =	vmul.f32 v17, v33  }
0x204: {  	s22 =	sshrl.u32 s18, $0x3;
	v5 =	vadd.f32 v5, v6;
	v6 =	vmul.f32 v21, v32;
	[tilespmem:s16+$0xC340] =	vst v9;
	v9 =	vmul.f32 v16, v33  }
0x205: {  	s17 =	sadd.s32 $0x80, s17;
	s22 =	smul.u32 $0x1800, s22;
	v3 =	vadd.f32 v3, v4;
	v4 =	vmul.f32 v20, v32;
	[tilespmem:s16+$0xC330] =	vst v7;
	v7 =	vmul.f32 v15, v33  }
0x206: {  	s23 =	sand.u32 $0x380, s17;
	[tilespmem:s16+$0xC320] =	vst v5;
	v5 =	vadd.f32 v6, v8;
	v6 =	vmul.f32 v19, v32;
	v8 =	vmul.f32 v12, v33  }
0x207: {  	s22 =	sor.u32 s23, s22;
	v9 =	vadd.f32 v4, v9;
	v12 =	vmul.f32 v18, v32;
	v11 =	vmul.f32 v14, v33;
	[tilespmem:s16+$0xC310] =	vst v3  }
0x208: {  	v4 =	vld [tilespmem:s22+$0xC310];
	v10 =	vmul.f32 v10, v32;
	[tilespmem:s16+$0xD740] =	vst v5;
	v5 =	vadd.f32 v6, v7  }
0x209: {  	v7 =	vadd.f32 v12, v8;
	v3 =	vld [tilespmem:s22+$0x12310];
	[tilespmem:s16+$0xD750] =	vst v9  }
0x20a: {  	v6 =	vld [tilespmem:s22+$0xC320];
	v9 =	vadd.f32 v10, v11;
	[tilespmem:s16+$0xD760] =	vst v5  }
0x20b: {  	v5 =	vld [tilespmem:s22+$0x12320];
	[tilespmem:s16+$0xD770] =	vst v7  }
0x20c: {  	v8 =	vld [tilespmem:s22+$0xC330];
	[tilespmem:s16+$0xC300] =	vst v9;
	s16 =	smov.u32 s22  }
0x20d: {  	v7 =	vld [tilespmem:s16+$0x12330]  }
0x20e: {  	v10 =	vld [tilespmem:s16+$0xC340]  }
0x20f: {  	v9 =	vld [tilespmem:s16+$0x12340]  }
0x210: {  	v12 =	vld [tilespmem:s16+$0xC350]  }
0x211: {  	v11 =	vld [tilespmem:s16+$0x12350]  }
0x212: {  	v13 =	vld [tilespmem:s16+$0xC360]  }
0x213: {  	v14 =	vld [tilespmem:s16+$0xC370]  }
0x214: {  	v15 =	vld [tilespmem:s16+$0xC700]  }
0x215: {  	v16 =	vld [tilespmem:s16+$0xC710]  }
0x216: {  	v17 =	vld [tilespmem:s16+$0xC720]  }
0x217: {  	v18 =	vld [tilespmem:s16+$0xC730]  }
0x218: {  	v19 =	vld [tilespmem:s16+$0xC740]  }
0x219: {  	v20 =	vld [tilespmem:s16+$0xC750]  }
0x21a: {  	v21 =	vld [tilespmem:s16+$0xC760]  }
0x21b: {  	v22 =	vld [tilespmem:s16+$0xC770]  }
0x21c: {  	v23 =	vld [tilespmem:s16+$0xCB00]  }
0x21d: {  	v24 =	vld [tilespmem:s16+$0xCB10]  }
0x21e: {  	v25 =	vld [tilespmem:s16+$0xCB20]  }
0x21f: {  	v26 =	vld [tilespmem:s16+$0xCB30]  }
0x220: {  	v27 =	vld [tilespmem:s16+$0xCB40]  }
0x221: {  	v28 =	vld [tilespmem:s16+$0xCB50]  }
0x222: {  	v29 =	vld [tilespmem:s16+$0xCB60]  }
0x223: {  	v30 =	vld [tilespmem:s16+$0xCB70]  }
0x224: {  	v31 =	vld [tilespmem:s16+$0xCF00]  }
0x225: {  	v34 =	vld [tilespmem:s16+$0xCF10]  }
0x226: {  	v35 =	vld [tilespmem:s16+$0xCF20]  }
0x227: {  	v36 =	vld [tilespmem:s16+$0xCF30]  }
0x228: {  	v37 =	vld [tilespmem:s16+$0xCF40]  }
0x229: {  	v38 =	vld [tilespmem:s16+$0xCF50]  }
0x22a: {  	v39 =	vld [tilespmem:s16+$0xCF60]  }
0x22b: {  	v40 =	vld [tilespmem:s16+$0xCF70]  }
0x22c: {  	v41 =	vld [tilespmem:s16+$0xD300]  }
.Ltmp1:
0x22d: {  	v42 =	vld [tilespmem:s16+$0xD310];
	(pc) =	sbr.rel @p0 .LBB2_4-.Ltmp1, $4  }
0x22e: {  	v43 =	vld [tilespmem:s16+$0xD320]  }
0x22f: {  	v44 =	vld [tilespmem:s16+$0xD330]  }
0x230: {  	v32 =	vmov s18;
	v45 =	vld [tilespmem:s16+$0xD340]  }
0x231: {  	s18 =	sadd.s32 $0x1, s18;
	v32 =	vadd.s32 $0x20, v32;
	v46 =	vld [tilespmem:s16+$0xD350]  }
0x232: {  	v33 =	vbroadcast v32, $0x0;
	v47 =	vld [tilespmem:s16+$0xD360]  }
0x233: {  	v48 =	vld [tilespmem:s16+$0xD700]  }
0x234: {  	v49 =	vld [tilespmem:s16+$0xD710]  }
0x235: {  	v51 =	vld [tilespmem:s16+$0x13730]  }
0x236: {  	v52 =	vld [tilespmem:s16+$0xD720]  }
0x237: {  	v53 =	vld [tilespmem:s16+$0xD730]  }
0x238: {  	v32 =	vld.idx.msk [tilespmem:v33+s19+$0x0], $0xffff  }
0x239: {  	v33 =	vld.idx.msk [tilespmem:v33+s20+$0x0], $0xffff  }
0x23a: {  	v54 =	vld [tilespmem:s16+$0x13720]  }
0x23b: {  	v50 =	vld [tilespmem:s16+$0x13710]  }
0x23c: {  	v55 =	vld [tilespmem:s16+$0x13700]  }
0x23d: {  	v56 =	vld [tilespmem:s16+$0xD370]  }
0x23e: {  	v58 =	vld [tilespmem:s16+$0x13360];
	v53 =	vmul.f32 v53, v32;
	v51 =	vmul.f32 v51, v33  }
0x23f: {  	v57 =	vld [tilespmem:s16+$0x13370];
	v52 =	vmul.f32 v52, v32;
	v54 =	vmul.f32 v54, v33  }
0x240: {  	v59 =	vld [tilespmem:s16+$0x13350];
	v49 =	vmul.f32 v49, v32;
	v50 =	vmul.f32 v50, v33  }
0x241: {  	v60 =	vld [tilespmem:s16+$0x13340];
	v48 =	vmul.f32 v48, v32;
	v62 =	vmul.f32 v55, v33;
	v51 =	vadd.f32 v51, v53  }
0x242: {  	v61 =	vld [tilespmem:s16+$0x13320];
	v63 =	vmul.f32 v56, v32;
	v47 =	vmul.f32 v47, v32;
	v52 =	vadd.f32 v54, v52  }
0x243: {  	v58 =	vmul.f32 v58, v33;
	v55 =	vld [tilespmem:s16+$0x12760];
	v12 =	vmul.f32 v12, v32;
	v49 =	vadd.f32 v50, v49;
	[tilespmem:s16+$0xD730] =	vst v51  }
0x244: {  	v56 =	vld [tilespmem:s16+$0x12750];
	v11 =	vmul.f32 v11, v33;
	v10 =	vmul.f32 v10, v32;
	v48 =	vadd.f32 v62, v48;
	[tilespmem:s16+$0xD720] =	vst v52  }
0x245: {  	v9 =	vmul.f32 v9, v33;
	v8 =	vmul.f32 v8, v32;
	v53 =	vld [tilespmem:s16+$0x13330];
	v47 =	vadd.f32 v58, v47;
	[tilespmem:s16+$0xD710] =	vst v49  }
0x246: {  	v7 =	vmul.f32 v7, v33;
	v6 =	vmul.f32 v6, v32;
	v50 =	vld [tilespmem:s16+$0x13300];
	v11 =	vadd.f32 v11, v12;
	[tilespmem:s16+$0xD700] =	vst v48  }
0x247: {  	v5 =	vmul.f32 v5, v33;
	v4 =	vmul.f32 v4, v32;
	v58 =	vld [tilespmem:s16+$0x12F20];
	v9 =	vadd.f32 v9, v10;
	[tilespmem:s16+$0xD360] =	vst v47  }
0x248: {  	v3 =	vmul.f32 v3, v33;
	v62 =	vmul.f32 v59, v33;
	v59 =	vld [tilespmem:s16+$0x12F10];
	v7 =	vadd.f32 v7, v8;
	[tilespmem:s16+$0xC350] =	vst v11  }
0x249: {  	v57 =	vmul.f32 v57, v33;
	v54 =	vld [tilespmem:s16+$0x12770];
	v5 =	vadd.f32 v5, v6;
	[tilespmem:s16+$0xC340] =	vst v9  }
0x24a: {  	v46 =	vmul.f32 v46, v32;
	v3 =	vadd.f32 v3, v4;
	v51 =	vld [tilespmem:s16+$0x13310];
	[tilespmem:s16+$0xC330] =	vst v7  }
0x24b: {  	v45 =	vmul.f32 v45, v32;
	v49 =	vld [tilespmem:s16+$0x12F70];
	v52 =	vadd.f32 v57, v63;
	v63 =	vmul.f32 v60, v33;
	[tilespmem:s16+$0xC320] =	vst v5  }
0x24c: {  	v43 =	vmul.f32 v43, v32;
	v48 =	vld [tilespmem:s16+$0x12F60];
	v46 =	vadd.f32 v62, v46;
	v57 =	vmul.f32 v61, v33;
	[tilespmem:s16+$0xC310] =	vst v3  }
0x24d: {  	v44 =	vmul.f32 v44, v32;
	v47 =	vld [tilespmem:s16+$0x12F40];
	[tilespmem:s16+$0xD370] =	vst v52;
	v45 =	vadd.f32 v63, v45;
	v53 =	vmul.f32 v53, v33  }
0x24e: {  	v41 =	vmul.f32 v41, v32;
	v60 =	vld [tilespmem:s16+$0x12F00];
	[tilespmem:s16+$0xD350] =	vst v46;
	v43 =	vadd.f32 v57, v43;
	v50 =	vmul.f32 v50, v33  }
0x24f: {  	v35 =	vmul.f32 v35, v32;
	v61 =	vld [tilespmem:s16+$0x12B70];
	[tilespmem:s16+$0xD340] =	vst v45;
	v45 =	vmul.f32 v58, v33;
	v44 =	vadd.f32 v53, v44  }
0x250: {  	v42 =	vmul.f32 v42, v32;
	v52 =	vld [tilespmem:s16+$0x12F50];
	[tilespmem:s16+$0xD320] =	vst v43;
	v51 =	vmul.f32 v51, v33;
	v41 =	vadd.f32 v50, v41  }
0x251: {  	v40 =	vmul.f32 v40, v32;
	v46 =	vld [tilespmem:s16+$0x12F30];
	v49 =	vmul.f32 v49, v33;
	v35 =	vadd.f32 v45, v35;
	[tilespmem:s16+$0xD330] =	vst v44  }
0x252: {  	v39 =	vmul.f32 v39, v32;
	v62 =	vld [tilespmem:s16+$0x12B60];
	v48 =	vmul.f32 v48, v33;
	v42 =	vadd.f32 v51, v42;
	[tilespmem:s16+$0xD300] =	vst v41  }
0x253: {  	v37 =	vmul.f32 v37, v32;
	v57 =	vld [tilespmem:s16+$0x12740];
	v47 =	vmul.f32 v47, v33;
	v40 =	vadd.f32 v49, v40;
	[tilespmem:s16+$0xCF20] =	vst v35  }
0x254: {  	v31 =	vmul.f32 v31, v32;
	v58 =	vld [tilespmem:s16+$0x12730];
	v43 =	vmul.f32 v60, v33;
	v39 =	vadd.f32 v48, v39;
	[tilespmem:s16+$0xD310] =	vst v42  }
0x255: {  	v38 =	vmul.f32 v38, v32;
	v50 =	vld [tilespmem:s16+$0x12B30];
	v63 =	vmul.f32 v52, v33;
	v37 =	vadd.f32 v47, v37;
	[tilespmem:s16+$0xCF70] =	vst v40  }
0x256: {  	v36 =	vmul.f32 v36, v32;
	v53 =	vld [tilespmem:s16+$0x12B00];
	v46 =	vmul.f32 v46, v33;
	v31 =	vadd.f32 v43, v31;
	[tilespmem:s16+$0xCF60] =	vst v39  }
0x257: {  	v34 =	vmul.f32 v34, v32;
	v60 =	vld [tilespmem:s16+$0x12710];
	v44 =	vmul.f32 v59, v33;
	v38 =	vadd.f32 v63, v38;
	[tilespmem:s16+$0xCF40] =	vst v37  }
0x258: {  	v29 =	vmul.f32 v29, v32;
	v45 =	vld [tilespmem:s16+$0xD740];
	v41 =	vmul.f32 v62, v33;
	v36 =	vadd.f32 v46, v36;
	[tilespmem:s16+$0xCF00] =	vst v31  }
0x259: {  	v21 =	vmul.f32 v21, v32;
	v48 =	vld [tilespmem:s16+$0x12B50];
	v62 =	vmul.f32 v55, v33;
	v34 =	vadd.f32 v44, v34;
	[tilespmem:s16+$0xCF50] =	vst v38  }
0x25a: {  	v30 =	vmul.f32 v30, v32;
	v49 =	vld [tilespmem:s16+$0x12B40];
	v42 =	vmul.f32 v61, v33;
	v29 =	vadd.f32 v41, v29;
	[tilespmem:s16+$0xCF30] =	vst v36  }
0x25b: {  	v23 =	vmul.f32 v23, v32;
	v51 =	vld [tilespmem:s16+$0x12B20];
	v21 =	vadd.f32 v62, v21;
	v35 =	vmul.f32 v53, v33;
	[tilespmem:s16+$0xCF10] =	vst v34  }
0x25c: {  	v16 =	vmul.f32 v16, v32;
	v52 =	vld [tilespmem:s16+$0x12B10];
	v41 =	vmul.f32 v60, v33;
	v30 =	vadd.f32 v42, v30;
	[tilespmem:s16+$0xCB60] =	vst v29  }
0x25d: {  	v26 =	vmul.f32 v26, v32;
	v59 =	vld [tilespmem:s16+$0x12720];
	v38 =	vmul.f32 v50, v33;
	[tilespmem:s16+$0xC760] =	vst v21;
	v23 =	vadd.f32 v35, v23  }
0x25e: {  	v22 =	vmul.f32 v22, v32;
	v43 =	vld [tilespmem:s16+$0x13770];
	v34 =	vmul.f32 v54, v33;
	v16 =	vadd.f32 v41, v16;
	[tilespmem:s16+$0xCB70] =	vst v30  }
0x25f: {  	v28 =	vmul.f32 v28, v32;
	v61 =	vld [tilespmem:s16+$0x12700];
	v40 =	vmul.f32 v48, v33;
	v26 =	vadd.f32 v38, v26;
	[tilespmem:s16+$0xCB00] =	vst v23  }
0x260: {  	v27 =	vmul.f32 v27, v32;
	v63 =	vld [tilespmem:s16+$0x12370];
	v39 =	vmul.f32 v49, v33;
	v22 =	vadd.f32 v34, v22;
	[tilespmem:s16+$0xC710] =	vst v16  }
0x261: {  	v25 =	vmul.f32 v25, v32;
	v46 =	vld [tilespmem:s16+$0xD750];
	v37 =	vmul.f32 v51, v33;
	v28 =	vadd.f32 v40, v28;
	[tilespmem:s16+$0xCB30] =	vst v26  }
0x262: {  	v24 =	vmul.f32 v24, v32;
	v50 =	vld [tilespmem:s16+$0x12300];
	v36 =	vmul.f32 v52, v33;
	v27 =	vadd.f32 v39, v27;
	[tilespmem:s16+$0xC770] =	vst v22  }
0x263: {  	v19 =	vmul.f32 v19, v32;
	v35 =	vmul.f32 v57, v33;
	v48 =	vld [tilespmem:s16+$0xD760];
	v25 =	vadd.f32 v37, v25;
	[tilespmem:s16+$0xCB50] =	vst v28  }
0x264: {  	v20 =	vmul.f32 v20, v32;
	v51 =	vld [tilespmem:s16+$0xC300];
	v30 =	vmul.f32 v56, v33;
	v24 =	vadd.f32 v36, v24;
	[tilespmem:s16+$0xCB40] =	vst v27  }
0x265: {  	v18 =	vmul.f32 v18, v32;
	v34 =	vld [tilespmem:s16+$0x12360];
	v37 =	vmul.f32 v58, v33;
	v19 =	vadd.f32 v35, v19;
	[tilespmem:s16+$0xCB20] =	vst v25  }
0x266: {  	v17 =	vmul.f32 v17, v32;
	v38 =	vld [tilespmem:s16+$0x13750];
	v39 =	vmul.f32 v59, v33;
	v20 =	vadd.f32 v30, v20;
	[tilespmem:s16+$0xCB10] =	vst v24  }
0x267: {  	v15 =	vmul.f32 v15, v32;
	v36 =	vld [tilespmem:s16+$0x13740];
	v42 =	vmul.f32 v61, v33;
	v18 =	vadd.f32 v37, v18;
	[tilespmem:s16+$0xC740] =	vst v19  }
0x268: {  	v14 =	vmul.f32 v14, v32;
	v40 =	vld [tilespmem:s16+$0x13760];
	v44 =	vmul.f32 v63, v33;
	v17 =	vadd.f32 v39, v17;
	[tilespmem:s16+$0xC750] =	vst v20  }
0x269: {  	v49 =	vld [tilespmem:s16+$0xD770];
	v15 =	vadd.f32 v42, v15;
	v10 =	vmul.f32 v50, v33;
	v61 =	vmul.f32 v51, v32;
	[tilespmem:s16+$0xC730] =	vst v18  }
0x26a: {  	v13 =	vmul.f32 v13, v32;
	v14 =	vadd.f32 v44, v14;
	[tilespmem:s16+$0xC720] =	vst v17;
	v47 =	vmul.f32 v34, v33  }
0x26b: {  	v54 =	vmul.f32 v46, v32;
	[tilespmem:s16+$0xC700] =	vst v15;
	v55 =	vmul.f32 v38, v33;
	v63 =	vadd.f32 v10, v61  }
0x26c: {  	v52 =	vmul.f32 v45, v32;
	[tilespmem:s16+$0xC370] =	vst v14;
	v53 =	vmul.f32 v36, v33;
	v13 =	vadd.f32 v47, v13  }
0x26d: {  	v56 =	vmul.f32 v48, v32;
	v58 =	vmul.f32 v40, v33;
	v3 =	vadd.f32 v55, v54;
	[tilespmem:s16+$0xC300] =	vst v63  }
0x26e: {  	v60 =	vmul.f32 v43, v33;
	v59 =	vmul.f32 v49, v32;
	v57 =	vadd.f32 v53, v52;
	[tilespmem:s16+$0xC360] =	vst v13  }
0x26f: {  	v62 =	vadd.f32 v58, v56;
	[tilespmem:s16+$0xD750] =	vst v3  }
0x270: {  	v3 =	vadd.f32 v60, v59;
	[tilespmem:s16+$0xD740] =	vst v57  }
0x271: {  	[tilespmem:s16+$0xD760] =	vst v62  }
0x272: {  	s2 =	sadd.s32 $0x1, s2;
	[tilespmem:s16+$0xD770] =	vst v3  }
0x273: {  	[hbm4b:s13+s1] =	stream.linear.scatter [tilespmem:s0], [sflag:$0x3], $0x6000, $0x38;
	[tilespmem:$0x18300] =	vst v63  }
0x274: {  	p0 =	sne.s32 s2, s14;
	_ =	swait.ge [sflag:s31], $0x6000  }
.Ltmp2:
0x275: {  	[sflag:s31] =	ssyncset.done $0x0;
	(pc) =	sbr.rel @p0 .LBB2_1-.Ltmp2, $4  }
0x276: {  	[sflag:s31] =	ssyncadd.s32 $0xFFFFA000  }
0x277: {  	_ =	swait.ge [sflag:s31], $0x6000  }
0x278: {  	[sflag:s31] =	ssyncset.done $0x0  }
0x279: {  	[sflag:s31] =	ssyncadd.s32 $0xFFFFA000  }
0x27a: {  	_ =	sfence.sel $0x180000  }
0x27b: {  	[bflag:$0x0] =	sbarrier.arrive $0xFFFF  }
0x27c: {  	_ =	strace $0x9000004A  }
0x27d: {  	s0 =	stileid.u32;
	[bflag:$0x2] =	sbarrier.arrive $0xFFFF  }
0x27e: {  	p0 =	sne.s32 s0, $0x0;
	s0 =	rddreg [dreg:$0x2]  }
0x27f: {  	s0 =	sadd.s32 @!p0 $0x100000, s0  }
0x280: {  	[sflag:s0] =	ssyncadd.tile.s32 @!p0 $0x1;
	_ =	shalt  }
.Lfunc_end2:
_tile_overlayer_lowered:
.L_overlay_start_2:
0x281: {  	(tag) =	ssettag $0x2  }
0x282: {  	s0 =	rddreg [dreg:$0x0];
	s2 =	stileid.u32  }
0x283: {  	s1 =	rddreg [dreg:$0x1];
	p0 =	sne.s32 s2, $0x0  }
0x284: {  	s3 =	rddreg [dreg:$0x2];
	[bflag:$0x3] =	sbarrier.arrive $0xFFFF;
	s2 =	simm.s32 @!p0 $0x1C04  }
0x285: {  	[timem:s3], [sflag:s2] =	dma.local @!p0 [hbm:s0], s1  }
0x286: {  	s0 =	simm.s32 @!p0 $0x4  }
0x287: {  	_ =	swait.ge @!p0 [sflag:s0], s1  }
0x288: {  	s1 =	ssub.s32 @!p0 $0x0, s1;
	[sflag:s0] =	ssyncset.done @!p0 $0x0  }
0x289: {  	[sflag:s0] =	ssyncadd.s32 @!p0 s1  }
0x28a: {  	[bflag:$0x3] =	sbarrier.arrive $0xFFFF  }
0x28b: {  	_ =	shalt  }

</sc_bundles>
